<compile_context>
chip_gen: v7x
topology: tpu7x:2x2x1
jax: 0.10.2.dev20260603
libtpu: 0.0.44.dev20260713+nightly
codegen_flags: <defaults>
</compile_context>

<pallas_src>
import jax
import jax.numpy as jnp
from jax import lax
from jax.experimental import pallas as pl
from jax.experimental.pallas import tpu as pltpu
from jax.experimental.pallas import tpu_sc as plsc

_NUM_CLASSES = 30
_LO = 1.0
_HI = 799.0

_NC = 2
_NS = 16
_L = 16
_NW = _NC * _NS
_CHUNK = 160
_NB = _CHUNK // _L
_NPAD = _NW * _CHUNK


def _tc_body(pt_ref, gt_ref, ph_ref, lab_ref, cn_ref, mt_ref):
    n = pt_ref.shape[1]
    px1 = jnp.clip(pt_ref[0:1, :], _LO, _HI)
    py1 = jnp.clip(pt_ref[1:2, :], _LO, _HI)
    px2 = jnp.clip(pt_ref[2:3, :], _LO, _HI)
    py2 = jnp.clip(pt_ref[3:4, :], _LO, _HI)
    area_b = (px2 - px1 + 1.0) * (py2 - py1 + 1.0)

    iou_rows = []
    for g in range(8):
        gx1 = jnp.clip(gt_ref[g, 0], _LO, _HI)
        gy1 = jnp.clip(gt_ref[g, 1], _LO, _HI)
        gx2 = jnp.clip(gt_ref[g, 2], _LO, _HI)
        gy2 = jnp.clip(gt_ref[g, 3], _LO, _HI)
        iw = jnp.maximum(jnp.minimum(px2, gx2) - jnp.maximum(px1, gx1)
                         + 1.0, 0.0)
        ih = jnp.maximum(jnp.minimum(py2, gy2) - jnp.maximum(py1, gy1)
                         + 1.0, 0.0)
        inter = iw * ih
        area_g = (gx2 - gx1 + 1.0) * (gy2 - gy1 + 1.0)
        iou_rows.append(inter / (area_b + area_g - inter))

    cls_iota = jax.lax.broadcasted_iota(jnp.int32, (32, 1), 0)
    cn = jnp.zeros((32, n), jnp.float32)
    for g in range(8):
        onehot = (cls_iota == lab_ref[g]).astype(jnp.float32)
        cn = jnp.maximum(cn, onehot * iou_rows[g])
    cn_ref[...] = cn

    mrows = []
    for g in range(8):
        acc = iou_rows[g]
        for g2 in range(8):
            if g2 == g:
                continue
            same = lab_ref[g] == lab_ref[g2]
            acc = jnp.maximum(acc, jnp.where(same, iou_rows[g2], 0.0))
        mrows.append((acc > 0.6).astype(jnp.float32))

    src_w = px2 - px1
    src_h = py2 - py1
    src_cx = px1 + 0.5 * src_w
    src_cy = py1 + 0.5 * src_h
    rows = []
    for g in range(8):
        hx1 = jnp.clip(ph_ref[g, 0], _LO, _HI)
        hy1 = jnp.clip(ph_ref[g, 1], _LO, _HI)
        hx2 = jnp.clip(ph_ref[g, 2], _LO, _HI)
        hy2 = jnp.clip(ph_ref[g, 3], _LO, _HI)
        gw = hx2 - hx1
        gh = hy2 - hy1
        gcx = hx1 + 0.5 * gw
        gcy = hy1 + 0.5 * gh
        m = mrows[g]
        rows.append(((gcx - src_cx) / src_w) * m)
        rows.append(((gcy - src_cy) / src_h) * m)
        rows.append(jnp.log(gw / src_w) * m)
        rows.append(jnp.log(gh / src_h) * m)
    mt_ref[...] = jnp.concatenate(rows, axis=0)


def _sc_body(pt_hbm, gtb_hbm, same_hbm, x_hbm, out_hbm,
             pt0, pt1, pt2, pt3, gtbv, samev,
             ix0, ix1, ix2, ix3, ix4, ix5, ix6, ix7, buf,
             acc, bc, sem):
    ixl = (ix0, ix1, ix2, ix3, ix4, ix5, ix6, ix7)
    cid = lax.axis_index("c")
    sid = lax.axis_index("s")
    wid = sid * _NC + cid
    base = wid * _CHUNK

    ptl = (pt0, pt1, pt2, pt3)
    zi = jnp.zeros((_L,), jnp.int32)

    zf = jnp.zeros((_L,), jnp.float32)

    def zacc(j, c):
        for g in range(8):
            acc[g, pl.ds(j * _L, _L)] = zf
        return c
    lax.fori_loop(0, 0, zacc, jnp.int32(0))

    nio = lax.broadcasted_iota(jnp.int32, (_L,), 0)
    nvalid = jnp.int32(5000)

    def p1(i, cnts):
        off = i * _L
        px1 = jnp.clip(pt0[pl.ds(off, _L)], _LO, _HI)
        py1 = jnp.clip(pt1[pl.ds(off, _L)], _LO, _HI)
        px2 = jnp.clip(pt2[pl.ds(off, _L)], _LO, _HI)
        py2 = jnp.clip(pt3[pl.ds(off, _L)], _LO, _HI)
        area_b = (px2 - px1 + 1.0) * (py2 - py1 + 1.0)
        nvec = base + off + nio
        valid = nvec < nvalid

        ious = []
        for g in range(8):
            gx1 = gtbv[5 * g + 0, pl.ds(0, _L)]
            gy1 = gtbv[5 * g + 1, pl.ds(0, _L)]
            gx2 = gtbv[5 * g + 2, pl.ds(0, _L)]
            gy2 = gtbv[5 * g + 3, pl.ds(0, _L)]
            gar = gtbv[5 * g + 4, pl.ds(0, _L)]
            iw = jnp.maximum(jnp.minimum(px2, gx2) - jnp.maximum(px1, gx1)
                             + 1.0, 0.0)
            ih = jnp.maximum(jnp.minimum(py2, gy2) - jnp.maximum(py1, gy1)
                             + 1.0, 0.0)
            inter = iw * ih
            ious.append(inter / (area_b + gar - inter))

        new = []
        for g in range(8):
            ov = ious[g]
            for g2 in range(8):
                if g2 == g:
                    continue
                ov = jnp.maximum(ov, ious[g2] * samev[8 * g + g2, pl.ds(0, _L)])
            ov = jnp.where(valid, ov, 0.0)
            m = ov > 0.6
            d = jnp.sum(jnp.where(m, jnp.int32(1), jnp.int32(0)))
            plsc.store_compressed(ixl[g].at[pl.ds(off, _L)], nvec, mask=m)
            bc[g, i] = d
            new.append(cnts[g] + d)
        return tuple(new)

    cnts = lax.fori_loop(0, 0, p1, (jnp.int32(0),) * 8)

    for g in range(8):
        @pl.when(cnts[g] > 0)
        def _(g=g):
            def blk(i, c):
                bcnt = bc[g, i]

                @pl.when(bcnt > 0)
                def _():
                    pltpu.async_copy(
                        x_hbm.at[ixl[g].at[pl.ds(i * _L, _L)]], buf,
                        sem).wait()
                    for r in range(_L):
                        @pl.when(r < bcnt)
                        def _(r=r):
                            def radd(j, c2):
                                sl = pl.ds(j * _L, _L)
                                acc[g, sl] = acc[g, sl] + buf[r, sl]
                                return c2
                            lax.fori_loop(0, 2048 // _L, radd,
                                          jnp.int32(0))
                return c
            lax.fori_loop(0, _NB, blk, jnp.int32(0))

    pass


def _sum_body(parts_ref, pf_ref):
    pf_ref[...] = jnp.sum(parts_ref[...], axis=0)


def kernel(x, proposals, gt_bbox, gt_labels):
    n, d = x.shape
    g = gt_bbox.shape[0]
    labs = gt_labels.astype(jnp.int32)
    pt = proposals.T
    ph = proposals[:g]

    cn, mt = pl.pallas_call(
        _tc_body,
        grid=(1,),
        in_specs=[
            pl.BlockSpec((4, n), lambda i: (0, 0)),
            pl.BlockSpec(memory_space=pltpu.SMEM),
            pl.BlockSpec(memory_space=pltpu.SMEM),
            pl.BlockSpec(memory_space=pltpu.SMEM),
        ],
        out_specs=[
            pl.BlockSpec((32, n), lambda i: (0, 0)),
            pl.BlockSpec((32, n), lambda i: (0, 0)),
        ],
        out_shape=[
            jax.ShapeDtypeStruct((32, n), jnp.float32),
            jax.ShapeDtypeStruct((32, n), jnp.float32),
        ],
    )(pt, gt_bbox, ph, labs)

    ptp = jnp.pad(pt, ((0, 0), (0, _NPAD - n))).reshape(4 * _NPAD)
    gtc = jnp.clip(gt_bbox, _LO, _HI)
    gar = (gtc[:, 2] - gtc[:, 0] + 1.0) * (gtc[:, 3] - gtc[:, 1] + 1.0)
    gtb = jnp.broadcast_to(
        jnp.concatenate([gtc, gar[:, None]], axis=1).reshape(5 * g)[:, None],
        (5 * g, 128)).astype(jnp.float32)
    samef = jnp.broadcast_to(
        (labs[:, None] == labs[None, :]).astype(jnp.float32).reshape(
            g * g)[:, None], (g * g, 128))

    mesh = plsc.VectorSubcoreMesh(core_axis_name="c", subcore_axis_name="s",
                                  num_cores=_NC, num_subcores=_NS)
    parts = pl.kernel(
        _sc_body,
        out_type=jax.ShapeDtypeStruct((_NW, g, d), jnp.float32),
        mesh=mesh,
        compiler_params=pltpu.CompilerParams(needs_layout_passes=False),
        scratch_types=[
            pltpu.VMEM((_CHUNK,), jnp.float32),
            pltpu.VMEM((_CHUNK,), jnp.float32),
            pltpu.VMEM((_CHUNK,), jnp.float32),
            pltpu.VMEM((_CHUNK,), jnp.float32),
            pltpu.VMEM((40, 128), jnp.float32),
            pltpu.VMEM((64, 128), jnp.float32),
            pltpu.VMEM((_CHUNK,), jnp.int32),
            pltpu.VMEM((_CHUNK,), jnp.int32),
            pltpu.VMEM((_CHUNK,), jnp.int32),
            pltpu.VMEM((_CHUNK,), jnp.int32),
            pltpu.VMEM((_CHUNK,), jnp.int32),
            pltpu.VMEM((_CHUNK,), jnp.int32),
            pltpu.VMEM((_CHUNK,), jnp.int32),
            pltpu.VMEM((_CHUNK,), jnp.int32),
            pltpu.VMEM((_L, d), jnp.float32),
            pltpu.VMEM((8, d), jnp.float32),
            pltpu.SMEM((8, _NB), jnp.int32),
            pltpu.SemaphoreType.DMA,
        ],
    )(ptp, gtb, samef, x)

    pf = pl.pallas_call(
        _sum_body,
        grid=(1,),
        in_specs=[pl.BlockSpec((_NW, g, d), lambda i: (0, 0, 0))],
        out_specs=pl.BlockSpec((g, d), lambda i: (0, 0)),
        out_shape=jax.ShapeDtypeStruct((g, d), jnp.float32),
    )(parts)
    overlap = cn[:_NUM_CLASSES].T
    masked_targets = mt.reshape(g, 4, n).transpose(0, 2, 1)
    return overlap, masked_targets, pf

# --- scband reference (transcript-rebuilt; emitter-appended) ---
"""Pipeline reference for scband-roibox-head-5497558139687 (READ-ONLY COPY).

The authoritative reference and input builder live on the scoring server;
editing this copy changes nothing except your own understanding.
"""

import jax, jax.numpy as jnp
import numpy as np

NUM_CLASSES = 30
IMG_W = 800
IMG_H = 800


def _iou_one(gt, boxes):
    ixmin = jnp.maximum(boxes[:, 0], gt[0])
    iymin = jnp.maximum(boxes[:, 1], gt[1])
    ixmax = jnp.minimum(boxes[:, 2], gt[2])
    iymax = jnp.minimum(boxes[:, 3], gt[3])
    iw = jnp.maximum(ixmax - ixmin + 1.0, 0.0)
    ih = jnp.maximum(iymax - iymin + 1.0, 0.0)
    inter = iw * ih
    area_b = (boxes[:, 2] - boxes[:, 0] + 1.0) * (boxes[:, 3] - boxes[:, 1] + 1.0)
    area_g = (gt[2] - gt[0] + 1.0) * (gt[3] - gt[1] + 1.0)
    union = area_b + area_g - inter
    return inter / union


def _clamp_boxes(b):
    return jnp.stack([
        jnp.clip(b[:, 0], 1.0, IMG_W - 1.0),
        jnp.clip(b[:, 1], 1.0, IMG_H - 1.0),
        jnp.clip(b[:, 2], 1.0, IMG_W - 1.0),
        jnp.clip(b[:, 3], 1.0, IMG_H - 1.0)], axis=1)


def setup_inputs(seed: int = 0) -> dict:
    key = jax.random.key(seed)
    k1, k2, k3, k4, k5, k6 = jax.random.split(key, 6)
    N, G, D = 5000, 8, 2048
    xy = jax.random.uniform(k1, (N, 2), minval=1.0, maxval=600.0)
    wh = jax.random.uniform(k2, (N, 2), minval=10.0, maxval=190.0)
    proposals = jnp.concatenate([xy, jnp.minimum(xy + wh, 799.0)], axis=1).astype(jnp.float32)
    gxy = jax.random.uniform(k3, (G, 2), minval=1.0, maxval=600.0)
    gwh = jax.random.uniform(k4, (G, 2), minval=10.0, maxval=190.0)
    gt_bbox = jnp.concatenate([gxy, jnp.minimum(gxy + gwh, 799.0)], axis=1).astype(jnp.float32)
    gt_labels = jax.random.randint(k5, (G,), 0, NUM_CLASSES)
    x = jax.random.normal(k6, (N, D), dtype=jnp.float32)
    return {"x": x, "proposals": proposals, "gt_bbox": gt_bbox, "gt_labels": gt_labels}


def reference(x, proposals, gt_bbox, gt_labels):
    props = _clamp_boxes(proposals)
    gts = _clamp_boxes(gt_bbox)
    G = gts.shape[0]
    # per-gt IoU against all proposals: [G, N]
    ious = jax.vmap(lambda g: _iou_one(g, props))(gts)
    # class-wise max-overlap via scatter-max, as in the loop over gt boxes
    overlap_cn = jnp.zeros((NUM_CLASSES, props.shape[0]), dtype=jnp.float32)
    overlap_cn = overlap_cn.at[gt_labels].max(ious)
    overlap = overlap_cn.T  # [N, NUM_CLASSES]
    # per-gt positive masks: overlap[:, label_i] > 0.6
    over_lab = overlap_cn[gt_labels]  # [G, N]
    pos_mask = (over_lab > 0.6).astype(jnp.float32)
    # bbox regression targets (gt_boxes row taken as proposals[i], faithful to original)
    ex = props
    src_w = ex[:, 2] - ex[:, 0]
    src_h = ex[:, 3] - ex[:, 1]
    src_cx = ex[:, 0] + 0.5 * src_w
    src_cy = ex[:, 1] + 0.5 * src_h
    gb = props[:G]
    gt_w = gb[:, 2] - gb[:, 0]
    gt_h = gb[:, 3] - gb[:, 1]
    gt_cx = gb[:, 0] + 0.5 * gt_w
    gt_cy = gb[:, 1] + 0.5 * gt_h
    dcx = (gt_cx[:, None] - src_cx[None, :]) / src_w[None, :]
    dcy = (gt_cy[:, None] - src_cy[None, :]) / src_h[None, :]
    dw = jnp.log(gt_w[:, None] / src_w[None, :])
    dh = jnp.log(gt_h[:, None] / src_h[None, :])
    targets = jnp.stack([dcx, dcy, dw, dh], axis=2)  # [G, N, 4]
    masked_targets = targets * pos_mask[:, :, None]
    # accumulation of positive features (X buffer update), reduced per gt class
    pos_feat_sum = pos_mask @ x  # [G, 2048]
    return (overlap, masked_targets, pos_feat_sum)

if __name__ == "__main__":
    import jax
    _d = setup_inputs()
    print(jax.jit(kernel)(*tuple(_d.values())))

</pallas_src>

<mosaic_0001>
#map = affine_map<(d0, d1) -> (0)>
#map1 = affine_map<(d0, d1) -> (0, 0)>
#map2 = affine_map<(d0, d1) -> (0, 0, 0)>
module attributes {stable_mosaic.version = 14 : i64} {
  func.func @_sc_body(%arg0: i32, %arg1: i32, %arg2: memref<20480xf32, #tpu.memory_space<hbm>>, %arg3: memref<40x128xf32, #tpu.memory_space<hbm>>, %arg4: memref<64x128xf32, #tpu.memory_space<hbm>>, %arg5: memref<5000x2048xf32, #tpu.memory_space<hbm>>, %arg6: memref<32x8x2048xf32, #tpu.memory_space<hbm>>, %arg7: memref<160xf32, #tpu.memory_space<vmem>>, %arg8: memref<160xf32, #tpu.memory_space<vmem>>, %arg9: memref<160xf32, #tpu.memory_space<vmem>>, %arg10: memref<160xf32, #tpu.memory_space<vmem>>, %arg11: memref<40x128xf32, #tpu.memory_space<vmem>>, %arg12: memref<64x128xf32, #tpu.memory_space<vmem>>, %arg13: memref<160xi32, #tpu.memory_space<vmem>>, %arg14: memref<160xi32, #tpu.memory_space<vmem>>, %arg15: memref<160xi32, #tpu.memory_space<vmem>>, %arg16: memref<160xi32, #tpu.memory_space<vmem>>, %arg17: memref<160xi32, #tpu.memory_space<vmem>>, %arg18: memref<160xi32, #tpu.memory_space<vmem>>, %arg19: memref<160xi32, #tpu.memory_space<vmem>>, %arg20: memref<160xi32, #tpu.memory_space<vmem>>, %arg21: memref<16x2048xf32, #tpu.memory_space<vmem>>, %arg22: memref<8x2048xf32, #tpu.memory_space<vmem>>, %arg23: memref<8x10xi32, #tpu.memory_space<smem>>, %arg24: memref<!tpu.dma_semaphore, #tpu.memory_space<semaphore_mem>>) attributes {dimension_semantics = [#tpu.dimension_semantics<core_parallel>, #tpu.dimension_semantics<subcore_parallel>], iteration_bounds = array<i64: 2, 16>, scalar_prefetch = 0 : i64, scratch_operands = 18 : i64, tpu.core_type = #tpu.core_type<sc_vector_subcore>, window_params = [{transform_indices = #map}, {transform_indices = #map1}, {transform_indices = #map1}, {transform_indices = #map1}, {transform_indices = #map2}]} {
    %mul3A = arith.constant 2 : i32
    %mul3A_0 = arith.muli %arg1, %mul3A : i32
    %add3A = arith.addi %mul3A_0, %arg0 : i32
    %mul3A_1 = arith.constant 160 : i32
    %mul3A_2 = arith.muli %add3A, %mul3A_1 : i32
    %broadcast_in_dim3A = arith.constant 0 : i32
    %broadcast_in_dim3A_3 = vector.broadcast %broadcast_in_dim3A : i32 to vector<16xi32>
    %broadcast_in_dim3A_4 = arith.constant 0.000000e+00 : f32
    %broadcast_in_dim3A_5 = vector.broadcast %broadcast_in_dim3A_4 : f32 to vector<16xf32>
    %scan3A = arith.constant 0 : i32
    %scan3A_6 = arith.constant 0 : i32
    %scan3A_7 = arith.constant 0 : i32
    %scan3A_8 = arith.addi %scan3A_6, %scan3A_7 : i32
    %scan3A_9 = arith.constant 0 : i32
    %iota3A = tpu.iota {dimensions = array<i32: 0>} : vector<16xi32>
    %scan3A_10 = arith.constant 5000 : i32
    %scan3A_11 = arith.constant 0 : i32
    %scan3A_12 = arith.constant 0 : i32
    %scan3A_13 = arith.constant 0 : i32
    %scan3A_14 = arith.constant 0 : i32
    %scan3A_15 = arith.constant 0 : i32
    %scan3A_16 = arith.constant 0 : i32
    %scan3A_17 = arith.constant 0 : i32
    %scan3A_18 = arith.constant 0 : i32
    %scan3A_19 = arith.constant 0 : i32
    %scan3A_20 = arith.constant 0 : i32
    %scan3A_21 = arith.addi %scan3A_19, %scan3A_20 : i32
    %scan3A_22 = arith.constant 0 : i32
    %gt3A = arith.constant 0 : i32
    %gt3A_23 = arith.cmpi sgt, %scan3A_11, %gt3A : i32
    %convert_element_type3A = arith.extui %gt3A_23 : i1 to i32
    %cond3A = arith.constant 0 : i32
    %cond3A_24 = arith.cmpi ne, %convert_element_type3A, %cond3A : i32
    scf.if %cond3A_24 {
      %scan3A_60 = arith.constant 0 : i32
      %scan3A_61 = arith.constant 0 : i32
      %scan3A_62 = arith.constant 10 : i32
      %scan3A_63 = arith.addi %scan3A_61, %scan3A_62 : i32
      %scan3A_64 = arith.constant 1 : i32
      scf.for %scan3A_66 = %scan3A_61 to %scan3A_63 step %scan3A_64  : i32 {
        %get3A = arith.constant 0 : i32
        %get3A_67 = arith.index_cast %get3A : i32 to index
        %get3A_68 = arith.index_cast %scan3A_66 : i32 to index
        %get3A_69 = memref.load %arg23[%get3A_67, %get3A_68] : memref<8x10xi32, #tpu.memory_space<smem>>
        %gt3A_70 = arith.constant 0 : i32
        %gt3A_71 = arith.cmpi sgt, %get3A_69, %gt3A_70 : i32
        %convert_element_type3A_72 = arith.extui %gt3A_71 : i1 to i32
        %cond3A_73 = arith.constant 0 : i32
        %cond3A_74 = arith.cmpi ne, %convert_element_type3A_72, %cond3A_73 : i32
        scf.if %cond3A_74 {
          %mul3A_75 = arith.constant 16 : i32
          %mul3A_76 = arith.muli %scan3A_66, %mul3A_75 : i32
          %dma_start3A = tpu.memref_slice %arg13[%mul3A_76] : memref<160xi32, #tpu.memory_space<vmem>> -> memref<16xi32, #tpu.memory_space<vmem>>
          %dma_start3A_77 = arith.constant 0 : i32
          %dma_start3A_78 = arith.constant 0 : i32
          %dma_start3A_79 = tpu.memref_slice %arg5[%dma_start3A_77, %dma_start3A_78] : memref<5000x2048xf32, #tpu.memory_space<hbm>> -> memref<5000x2048xf32, #tpu.memory_space<hbm>>
          tpu.enqueue_indirect_dma source(%dma_start3A_79 : memref<5000x2048xf32, #tpu.memory_space<hbm>>) target(%arg21 : memref<16x2048xf32, #tpu.memory_space<vmem>>) offsets(%dma_start3A : memref<16xi32, #tpu.memory_space<vmem>>) semaphore(%arg24 : memref<!tpu.dma_semaphore, #tpu.memory_space<semaphore_mem>>)
          %dma_wait3A = tpu.memref_slice %arg13[%mul3A_76] : memref<160xi32, #tpu.memory_space<vmem>> -> memref<16xi32, #tpu.memory_space<vmem>>
          %dma_wait3A_80 = arith.constant 0 : i32
          %dma_wait3A_81 = arith.constant 0 : i32
          %dma_wait3A_82 = tpu.memref_slice %arg5[%dma_wait3A_80, %dma_wait3A_81] : memref<5000x2048xf32, #tpu.memory_space<hbm>> -> memref<5000x2048xf32, #tpu.memory_space<hbm>>
          tpu.wait_indirect_dma semaphore(%arg24 : memref<!tpu.dma_semaphore, #tpu.memory_space<semaphore_mem>>) src(%dma_wait3A_82 : memref<5000x2048xf32, #tpu.memory_space<hbm>>) dst(%arg21 : memref<16x2048xf32, #tpu.memory_space<vmem>>)
          %gt3A_83 = arith.constant 0 : i32
          %gt3A_84 = arith.cmpi sgt, %get3A_69, %gt3A_83 : i32
          %convert_element_type3A_85 = arith.extui %gt3A_84 : i1 to i32
          %cond3A_86 = arith.constant 0 : i32
          %cond3A_87 = arith.cmpi ne, %convert_element_type3A_85, %cond3A_86 : i32
          scf.if %cond3A_87 {
            %scan3A_163 = arith.constant 0 : i32
            %scan3A_164 = arith.constant 0 : i32
            %scan3A_165 = arith.constant 128 : i32
            %scan3A_166 = arith.addi %scan3A_164, %scan3A_165 : i32
            %scan3A_167 = arith.constant 1 : i32
            scf.for %scan3A_169 = %scan3A_164 to %scan3A_166 step %scan3A_167  : i32 {
              %mul3A_170 = arith.constant 16 : i32
              %mul3A_171 = arith.muli %scan3A_169, %mul3A_170 : i32
              %get3A_172 = arith.constant 0 : i32
              %get3A_173 = arith.index_cast %get3A_172 : i32 to index
              %get3A_174 = arith.index_cast %mul3A_171 : i32 to index
              %get3A_175 = tpu.vector_load %arg22[%get3A_173, %get3A_174] {strides = array<i32>} : memref<8x2048xf32, #tpu.memory_space<vmem>>, vector<16xf32>,
              %get3A_176 = arith.constant 0 : i32
              %get3A_177 = arith.index_cast %get3A_176 : i32 to index
              %get3A_178 = arith.index_cast %mul3A_171 : i32 to index
              %get3A_179 = tpu.vector_load %arg21[%get3A_177, %get3A_178] {strides = array<i32>} : memref<16x2048xf32, #tpu.memory_space<vmem>>, vector<16xf32>,
              %add3A_180 = arith.addf %get3A_175, %get3A_179 : vector<16xf32>
              %swap3A = arith.constant 0 : i32
              %swap3A_181 = arith.index_cast %swap3A : i32 to index
              %swap3A_182 = arith.index_cast %mul3A_171 : i32 to index
              %swap3A_183 = tpu.vector_load %arg22[%swap3A_181, %swap3A_182] {strides = array<i32>} : memref<8x2048xf32, #tpu.memory_space<vmem>>, vector<16xf32>,
              tpu.vector_store %arg22[%swap3A_181, %swap3A_182], %add3A_180 {strides = array<i32>} : memref<8x2048xf32, #tpu.memory_space<vmem>>, vector<16xf32>,
            }
            %scan3A_168 = arith.constant 128 : i32
          } else {
          }
          %gt3A_88 = arith.constant 1 : i32
          %gt3A_89 = arith.cmpi sgt, %get3A_69, %gt3A_88 : i32
          %convert_element_type3A_90 = arith.extui %gt3A_89 : i1 to i32
          %cond3A_91 = arith.constant 0 : i32
          %cond3A_92 = arith.cmpi ne, %convert_element_type3A_90, %cond3A_91 : i32
          scf.if %cond3A_92 {
            %scan3A_163 = arith.constant 0 : i32
            %scan3A_164 = arith.constant 0 : i32
            %scan3A_165 = arith.constant 128 : i32
            %scan3A_166 = arith.addi %scan3A_164, %scan3A_165 : i32
            %scan3A_167 = arith.constant 1 : i32
            scf.for %scan3A_169 = %scan3A_164 to %scan3A_166 step %scan3A_167  : i32 {
              %mul3A_170 = arith.constant 16 : i32
              %mul3A_171 = arith.muli %scan3A_169, %mul3A_170 : i32
              %get3A_172 = arith.constant 0 : i32
              %get3A_173 = arith.index_cast %get3A_172 : i32 to index
              %get3A_174 = arith.index_cast %mul3A_171 : i32 to index
              %get3A_175 = tpu.vector_load %arg22[%get3A_173, %get3A_174] {strides = array<i32>} : memref<8x2048xf32, #tpu.memory_space<vmem>>, vector<16xf32>,
              %get3A_176 = arith.constant 1 : i32
              %get3A_177 = arith.index_cast %get3A_176 : i32 to index
              %get3A_178 = arith.index_cast %mul3A_171 : i32 to index
              %get3A_179 = tpu.vector_load %arg21[%get3A_177, %get3A_178] {strides = array<i32>} : memref<16x2048xf32, #tpu.memory_space<vmem>>, vector<16xf32>,
              %add3A_180 = arith.addf %get3A_175, %get3A_179 : vector<16xf32>
              %swap3A = arith.constant 0 : i32
              %swap3A_181 = arith.index_cast %swap3A : i32 to index
              %swap3A_182 = arith.index_cast %mul3A_171 : i32 to index
              %swap3A_183 = tpu.vector_load %arg22[%swap3A_181, %swap3A_182] {strides = array<i32>} : memref<8x2048xf32, #tpu.memory_space<vmem>>, vector<16xf32>,
              tpu.vector_store %arg22[%swap3A_181, %swap3A_182], %add3A_180 {strides = array<i32>} : memref<8x2048xf32, #tpu.memory_space<vmem>>, vector<16xf32>,
            }
            %scan3A_168 = arith.constant 128 : i32
          } else {
          }
          %gt3A_93 = arith.constant 2 : i32
          %gt3A_94 = arith.cmpi sgt, %get3A_69, %gt3A_93 : i32
          %convert_element_type3A_95 = arith.extui %gt3A_94 : i1 to i32
          %cond3A_96 = arith.constant 0 : i32
          %cond3A_97 = arith.cmpi ne, %convert_element_type3A_95, %cond3A_96 : i32
          scf.if %cond3A_97 {
            %scan3A_163 = arith.constant 0 : i32
            %scan3A_164 = arith.constant 0 : i32
            %scan3A_165 = arith.constant 128 : i32
            %scan3A_166 = arith.addi %scan3A_164, %scan3A_165 : i32
            %scan3A_167 = arith.constant 1 : i32
            scf.for %scan3A_169 = %scan3A_164 to %scan3A_166 step %scan3A_167  : i32 {
              %mul3A_170 = arith.constant 16 : i32
              %mul3A_171 = arith.muli %scan3A_169, %mul3A_170 : i32
              %get3A_172 = arith.constant 0 : i32
              %get3A_173 = arith.index_cast %get3A_172 : i32 to index
              %get3A_174 = arith.index_cast %mul3A_171 : i32 to index
              %get3A_175 = tpu.vector_load %arg22[%get3A_173, %get3A_174] {strides = array<i32>} : memref<8x2048xf32, #tpu.memory_space<vmem>>, vector<16xf32>,
              %get3A_176 = arith.constant 2 : i32
              %get3A_177 = arith.index_cast %get3A_176 : i32 to index
              %get3A_178 = arith.index_cast %mul3A_171 : i32 to index
              %get3A_179 = tpu.vector_load %arg21[%get3A_177, %get3A_178] {strides = array<i32>} : memref<16x2048xf32, #tpu.memory_space<vmem>>, vector<16xf32>,
              %add3A_180 = arith.addf %get3A_175, %get3A_179 : vector<16xf32>
              %swap3A = arith.constant 0 : i32
              %swap3A_181 = arith.index_cast %swap3A : i32 to index
              %swap3A_182 = arith.index_cast %mul3A_171 : i32 to index
              %swap3A_183 = tpu.vector_load %arg22[%swap3A_181, %swap3A_182] {strides = array<i32>} : memref<8x2048xf32, #tpu.memory_space<vmem>>, vector<16xf32>,
              tpu.vector_store %arg22[%swap3A_181, %swap3A_182], %add3A_180 {strides = array<i32>} : memref<8x2048xf32, #tpu.memory_space<vmem>>, vector<16xf32>,
            }
            %scan3A_168 = arith.constant 128 : i32
          } else {
          }
          %gt3A_98 = arith.constant 3 : i32
          %gt3A_99 = arith.cmpi sgt, %get3A_69, %gt3A_98 : i32
          %convert_element_type3A_100 = arith.extui %gt3A_99 : i1 to i32
          %cond3A_101 = arith.constant 0 : i32
          %cond3A_102 = arith.cmpi ne, %convert_element_type3A_100, %cond3A_101 : i32
          scf.if %cond3A_102 {
            %scan3A_163 = arith.constant 0 : i32
            %scan3A_164 = arith.constant 0 : i32
            %scan3A_165 = arith.constant 128 : i32
            %scan3A_166 = arith.addi %scan3A_164, %scan3A_165 : i32
            %scan3A_167 = arith.constant 1 : i32
            scf.for %scan3A_169 = %scan3A_164 to %scan3A_166 step %scan3A_167  : i32 {
              %mul3A_170 = arith.constant 16 : i32
              %mul3A_171 = arith.muli %scan3A_169, %mul3A_170 : i32
              %get3A_172 = arith.constant 0 : i32
              %get3A_173 = arith.index_cast %get3A_172 : i32 to index
              %get3A_174 = arith.index_cast %mul3A_171 : i32 to index
              %get3A_175 = tpu.vector_load %arg22[%get3A_173, %get3A_174] {strides = array<i32>} : memref<8x2048xf32, #tpu.memory_space<vmem>>, vector<16xf32>,
              %get3A_176 = arith.constant 3 : i32
              %get3A_177 = arith.index_cast %get3A_176 : i32 to index
              %get3A_178 = arith.index_cast %mul3A_171 : i32 to index
              %get3A_179 = tpu.vector_load %arg21[%get3A_177, %get3A_178] {strides = array<i32>} : memref<16x2048xf32, #tpu.memory_space<vmem>>, vector<16xf32>,
              %add3A_180 = arith.addf %get3A_175, %get3A_179 : vector<16xf32>
              %swap3A = arith.constant 0 : i32
              %swap3A_181 = arith.index_cast %swap3A : i32 to index
              %swap3A_182 = arith.index_cast %mul3A_171 : i32 to index
              %swap3A_183 = tpu.vector_load %arg22[%swap3A_181, %swap3A_182] {strides = array<i32>} : memref<8x2048xf32, #tpu.memory_space<vmem>>, vector<16xf32>,
              tpu.vector_store %arg22[%swap3A_181, %swap3A_182], %add3A_180 {strides = array<i32>} : memref<8x2048xf32, #tpu.memory_space<vmem>>, vector<16xf32>,
            }
            %scan3A_168 = arith.constant 128 : i32
          } else {
          }
          %gt3A_103 = arith.constant 4 : i32
          %gt3A_104 = arith.cmpi sgt, %get3A_69, %gt3A_103 : i32
          %convert_element_type3A_105 = arith.extui %gt3A_104 : i1 to i32
          %cond3A_106 = arith.constant 0 : i32
          %cond3A_107 = arith.cmpi ne, %convert_element_type3A_105, %cond3A_106 : i32
          scf.if %cond3A_107 {
            %scan3A_163 = arith.constant 0 : i32
            %scan3A_164 = arith.constant 0 : i32
            %scan3A_165 = arith.constant 128 : i32
            %scan3A_166 = arith.addi %scan3A_164, %scan3A_165 : i32
            %scan3A_167 = arith.constant 1 : i32
            scf.for %scan3A_169 = %scan3A_164 to %scan3A_166 step %scan3A_167  : i32 {
              %mul3A_170 = arith.constant 16 : i32
              %mul3A_171 = arith.muli %scan3A_169, %mul3A_170 : i32
              %get3A_172 = arith.constant 0 : i32
              %get3A_173 = arith.index_cast %get3A_172 : i32 to index
              %get3A_174 = arith.index_cast %mul3A_171 : i32 to index
              %get3A_175 = tpu.vector_load %arg22[%get3A_173, %get3A_174] {strides = array<i32>} : memref<8x2048xf32, #tpu.memory_space<vmem>>, vector<16xf32>,
              %get3A_176 = arith.constant 4 : i32
              %get3A_177 = arith.index_cast %get3A_176 : i32 to index
              %get3A_178 = arith.index_cast %mul3A_171 : i32 to index
              %get3A_179 = tpu.vector_load %arg21[%get3A_177, %get3A_178] {strides = array<i32>} : memref<16x2048xf32, #tpu.memory_space<vmem>>, vector<16xf32>,
              %add3A_180 = arith.addf %get3A_175, %get3A_179 : vector<16xf32>
              %swap3A = arith.constant 0 : i32
              %swap3A_181 = arith.index_cast %swap3A : i32 to index
              %swap3A_182 = arith.index_cast %mul3A_171 : i32 to index
              %swap3A_183 = tpu.vector_load %arg22[%swap3A_181, %swap3A_182] {strides = array<i32>} : memref<8x2048xf32, #tpu.memory_space<vmem>>, vector<16xf32>,
              tpu.vector_store %arg22[%swap3A_181, %swap3A_182], %add3A_180 {strides = array<i32>} : memref<8x2048xf32, #tpu.memory_space<vmem>>, vector<16xf32>,
            }
            %scan3A_168 = arith.constant 128 : i32
          } else {
          }
          %gt3A_108 = arith.constant 5 : i32
          %gt3A_109 = arith.cmpi sgt, %get3A_69, %gt3A_108 : i32
          %convert_element_type3A_110 = arith.extui %gt3A_109 : i1 to i32
          %cond3A_111 = arith.constant 0 : i32
          %cond3A_112 = arith.cmpi ne, %convert_element_type3A_110, %cond3A_111 : i32
          scf.if %cond3A_112 {
            %scan3A_163 = arith.constant 0 : i32
            %scan3A_164 = arith.constant 0 : i32
            %scan3A_165 = arith.constant 128 : i32
            %scan3A_166 = arith.addi %scan3A_164, %scan3A_165 : i32
            %scan3A_167 = arith.constant 1 : i32
            scf.for %scan3A_169 = %scan3A_164 to %scan3A_166 step %scan3A_167  : i32 {
              %mul3A_170 = arith.constant 16 : i32
              %mul3A_171 = arith.muli %scan3A_169, %mul3A_170 : i32
              %get3A_172 = arith.constant 0 : i32
              %get3A_173 = arith.index_cast %get3A_172 : i32 to index
              %get3A_174 = arith.index_cast %mul3A_171 : i32 to index
              %get3A_175 = tpu.vector_load %arg22[%get3A_173, %get3A_174] {strides = array<i32>} : memref<8x2048xf32, #tpu.memory_space<vmem>>, vector<16xf32>,
              %get3A_176 = arith.constant 5 : i32
              %get3A_177 = arith.index_cast %get3A_176 : i32 to index
              %get3A_178 = arith.index_cast %mul3A_171 : i32 to index
              %get3A_179 = tpu.vector_load %arg21[%get3A_177, %get3A_178] {strides = array<i32>} : memref<16x2048xf32, #tpu.memory_space<vmem>>, vector<16xf32>,
              %add3A_180 = arith.addf %get3A_175, %get3A_179 : vector<16xf32>
              %swap3A = arith.constant 0 : i32
              %swap3A_181 = arith.index_cast %swap3A : i32 to index
              %swap3A_182 = arith.index_cast %mul3A_171 : i32 to index
              %swap3A_183 = tpu.vector_load %arg22[%swap3A_181, %swap3A_182] {strides = array<i32>} : memref<8x2048xf32, #tpu.memory_space<vmem>>, vector<16xf32>,
              tpu.vector_store %arg22[%swap3A_181, %swap3A_182], %add3A_180 {strides = array<i32>} : memref<8x2048xf32, #tpu.memory_space<vmem>>, vector<16xf32>,
            }
            %scan3A_168 = arith.constant 128 : i32
          } else {
          }
          %gt3A_113 = arith.constant 6 : i32
          %gt3A_114 = arith.cmpi sgt, %get3A_69, %gt3A_113 : i32
          %convert_element_type3A_115 = arith.extui %gt3A_114 : i1 to i32
          %cond3A_116 = arith.constant 0 : i32
          %cond3A_117 = arith.cmpi ne, %convert_element_type3A_115, %cond3A_116 : i32
          scf.if %cond3A_117 {
            %scan3A_163 = arith.constant 0 : i32
            %scan3A_164 = arith.constant 0 : i32
            %scan3A_165 = arith.constant 128 : i32
            %scan3A_166 = arith.addi %scan3A_164, %scan3A_165 : i32
            %scan3A_167 = arith.constant 1 : i32
            scf.for %scan3A_169 = %scan3A_164 to %scan3A_166 step %scan3A_167  : i32 {
              %mul3A_170 = arith.constant 16 : i32
              %mul3A_171 = arith.muli %scan3A_169, %mul3A_170 : i32
              %get3A_172 = arith.constant 0 : i32
              %get3A_173 = arith.index_cast %get3A_172 : i32 to index
              %get3A_174 = arith.index_cast %mul3A_171 : i32 to index
              %get3A_175 = tpu.vector_load %arg22[%get3A_173, %get3A_174] {strides = array<i32>} : memref<8x2048xf32, #tpu.memory_space<vmem>>, vector<16xf32>,
              %get3A_176 = arith.constant 6 : i32
              %get3A_177 = arith.index_cast %get3A_176 : i32 to index
              %get3A_178 = arith.index_cast %mul3A_171 : i32 to index
              %get3A_179 = tpu.vector_load %arg21[%get3A_177, %get3A_178] {strides = array<i32>} : memref<16x2048xf32, #tpu.memory_space<vmem>>, vector<16xf32>,
              %add3A_180 = arith.addf %get3A_175, %get3A_179 : vector<16xf32>
              %swap3A = arith.constant 0 : i32
              %swap3A_181 = arith.index_cast %swap3A : i32 to index
              %swap3A_182 = arith.index_cast %mul3A_171 : i32 to index
              %swap3A_183 = tpu.vector_load %arg22[%swap3A_181, %swap3A_182] {strides = array<i32>} : memref<8x2048xf32, #tpu.memory_space<vmem>>, vector<16xf32>,
              tpu.vector_store %arg22[%swap3A_181, %swap3A_182], %add3A_180 {strides = array<i32>} : memref<8x2048xf32, #tpu.memory_space<vmem>>, vector<16xf32>,
            }
            %scan3A_168 = arith.constant 128 : i32
          } else {
          }
          %gt3A_118 = arith.constant 7 : i32
          %gt3A_119 = arith.cmpi sgt, %get3A_69, %gt3A_118 : i32
          %convert_element_type3A_120 = arith.extui %gt3A_119 : i1 to i32
          %cond3A_121 = arith.constant 0 : i32
          %cond3A_122 = arith.cmpi ne, %convert_element_type3A_120, %cond3A_121 : i32
          scf.if %cond3A_122 {
            %scan3A_163 = arith.constant 0 : i32
            %scan3A_164 = arith.constant 0 : i32
            %scan3A_165 = arith.constant 128 : i32
            %scan3A_166 = arith.addi %scan3A_164, %scan3A_165 : i32
            %scan3A_167 = arith.constant 1 : i32
            scf.for %scan3A_169 = %scan3A_164 to %scan3A_166 step %scan3A_167  : i32 {
              %mul3A_170 = arith.constant 16 : i32
              %mul3A_171 = arith.muli %scan3A_169, %mul3A_170 : i32
              %get3A_172 = arith.constant 0 : i32
              %get3A_173 = arith.index_cast %get3A_172 : i32 to index
              %get3A_174 = arith.index_cast %mul3A_171 : i32 to index
              %get3A_175 = tpu.vector_load %arg22[%get3A_173, %get3A_174] {strides = array<i32>} : memref<8x2048xf32, #tpu.memory_space<vmem>>, vector<16xf32>,
              %get3A_176 = arith.constant 7 : i32
              %get3A_177 = arith.index_cast %get3A_176 : i32 to index
              %get3A_178 = arith.index_cast %mul3A_171 : i32 to index
              %get3A_179 = tpu.vector_load %arg21[%get3A_177, %get3A_178] {strides = array<i32>} : memref<16x2048xf32, #tpu.memory_space<vmem>>, vector<16xf32>,
              %add3A_180 = arith.addf %get3A_175, %get3A_179 : vector<16xf32>
              %swap3A = arith.constant 0 : i32
              %swap3A_181 = arith.index_cast %swap3A : i32 to index
              %swap3A_182 = arith.index_cast %mul3A_171 : i32 to index
              %swap3A_183 = tpu.vector_load %arg22[%swap3A_181, %swap3A_182] {strides = array<i32>} : memref<8x2048xf32, #tpu.memory_space<vmem>>, vector<16xf32>,
              tpu.vector_store %arg22[%swap3A_181, %swap3A_182], %add3A_180 {strides = array<i32>} : memref<8x2048xf32, #tpu.memory_space<vmem>>, vector<16xf32>,
            }
            %scan3A_168 = arith.constant 128 : i32
          } else {
          }
          %gt3A_123 = arith.constant 8 : i32
          %gt3A_124 = arith.cmpi sgt, %get3A_69, %gt3A_123 : i32
          %convert_element_type3A_125 = arith.extui %gt3A_124 : i1 to i32
          %cond3A_126 = arith.constant 0 : i32
          %cond3A_127 = arith.cmpi ne, %convert_element_type3A_125, %cond3A_126 : i32
          scf.if %cond3A_127 {
            %scan3A_163 = arith.constant 0 : i32
            %scan3A_164 = arith.constant 0 : i32
            %scan3A_165 = arith.constant 128 : i32
            %scan3A_166 = arith.addi %scan3A_164, %scan3A_165 : i32
            %scan3A_167 = arith.constant 1 : i32
            scf.for %scan3A_169 = %scan3A_164 to %scan3A_166 step %scan3A_167  : i32 {
              %mul3A_170 = arith.constant 16 : i32
              %mul3A_171 = arith.muli %scan3A_169, %mul3A_170 : i32
              %get3A_172 = arith.constant 0 : i32
              %get3A_173 = arith.index_cast %get3A_172 : i32 to index
              %get3A_174 = arith.index_cast %mul3A_171 : i32 to index
              %get3A_175 = tpu.vector_load %arg22[%get3A_173, %get3A_174] {strides = array<i32>} : memref<8x2048xf32, #tpu.memory_space<vmem>>, vector<16xf32>,
              %get3A_176 = arith.constant 8 : i32
              %get3A_177 = arith.index_cast %get3A_176 : i32 to index
              %get3A_178 = arith.index_cast %mul3A_171 : i32 to index
              %get3A_179 = tpu.vector_load %arg21[%get3A_177, %get3A_178] {strides = array<i32>} : memref<16x2048xf32, #tpu.memory_space<vmem>>, vector<16xf32>,
              %add3A_180 = arith.addf %get3A_175, %get3A_179 : vector<16xf32>
              %swap3A = arith.constant 0 : i32
              %swap3A_181 = arith.index_cast %swap3A : i32 to index
              %swap3A_182 = arith.index_cast %mul3A_171 : i32 to index
              %swap3A_183 = tpu.vector_load %arg22[%swap3A_181, %swap3A_182] {strides = array<i32>} : memref<8x2048xf32, #tpu.memory_space<vmem>>, vector<16xf32>,
              tpu.vector_store %arg22[%swap3A_181, %swap3A_182], %add3A_180 {strides = array<i32>} : memref<8x2048xf32, #tpu.memory_space<vmem>>, vector<16xf32>,
            }
            %scan3A_168 = arith.constant 128 : i32
          } else {
          }
          %gt3A_128 = arith.constant 9 : i32
          %gt3A_129 = arith.cmpi sgt, %get3A_69, %gt3A_128 : i32
          %convert_element_type3A_130 = arith.extui %gt3A_129 : i1 to i32
          %cond3A_131 = arith.constant 0 : i32
          %cond3A_132 = arith.cmpi ne, %convert_element_type3A_130, %cond3A_131 : i32
          scf.if %cond3A_132 {
            %scan3A_163 = arith.constant 0 : i32
            %scan3A_164 = arith.constant 0 : i32
            %scan3A_165 = arith.constant 128 : i32
            %scan3A_166 = arith.addi %scan3A_164, %scan3A_165 : i32
            %scan3A_167 = arith.constant 1 : i32
            scf.for %scan3A_169 = %scan3A_164 to %scan3A_166 step %scan3A_167  : i32 {
              %mul3A_170 = arith.constant 16 : i32
              %mul3A_171 = arith.muli %scan3A_169, %mul3A_170 : i32
              %get3A_172 = arith.constant 0 : i32
              %get3A_173 = arith.index_cast %get3A_172 : i32 to index
              %get3A_174 = arith.index_cast %mul3A_171 : i32 to index
              %get3A_175 = tpu.vector_load %arg22[%get3A_173, %get3A_174] {strides = array<i32>} : memref<8x2048xf32, #tpu.memory_space<vmem>>, vector<16xf32>,
              %get3A_176 = arith.constant 9 : i32
              %get3A_177 = arith.index_cast %get3A_176 : i32 to index
              %get3A_178 = arith.index_cast %mul3A_171 : i32 to index
              %get3A_179 = tpu.vector_load %arg21[%get3A_177, %get3A_178] {strides = array<i32>} : memref<16x2048xf32, #tpu.memory_space<vmem>>, vector<16xf32>,
              %add3A_180 = arith.addf %get3A_175, %get3A_179 : vector<16xf32>
              %swap3A = arith.constant 0 : i32
              %swap3A_181 = arith.index_cast %swap3A : i32 to index
              %swap3A_182 = arith.index_cast %mul3A_171 : i32 to index
              %swap3A_183 = tpu.vector_load %arg22[%swap3A_181, %swap3A_182] {strides = array<i32>} : memref<8x2048xf32, #tpu.memory_space<vmem>>, vector<16xf32>,
              tpu.vector_store %arg22[%swap3A_181, %swap3A_182], %add3A_180 {strides = array<i32>} : memref<8x2048xf32, #tpu.memory_space<vmem>>, vector<16xf32>,
            }
            %scan3A_168 = arith.constant 128 : i32
          } else {
          }
          %gt3A_133 = arith.constant 10 : i32
          %gt3A_134 = arith.cmpi sgt, %get3A_69, %gt3A_133 : i32
          %convert_element_type3A_135 = arith.extui %gt3A_134 : i1 to i32
          %cond3A_136 = arith.constant 0 : i32
          %cond3A_137 = arith.cmpi ne, %convert_element_type3A_135, %cond3A_136 : i32
          scf.if %cond3A_137 {
            %scan3A_163 = arith.constant 0 : i32
            %scan3A_164 = arith.constant 0 : i32
            %scan3A_165 = arith.constant 128 : i32
            %scan3A_166 = arith.addi %scan3A_164, %scan3A_165 : i32
            %scan3A_167 = arith.constant 1 : i32
            scf.for %scan3A_169 = %scan3A_164 to %scan3A_166 step %scan3A_167  : i32 {
              %mul3A_170 = arith.constant 16 : i32
              %mul3A_171 = arith.muli %scan3A_169, %mul3A_170 : i32
              %get3A_172 = arith.constant 0 : i32
              %get3A_173 = arith.index_cast %get3A_172 : i32 to index
              %get3A_174 = arith.index_cast %mul3A_171 : i32 to index
              %get3A_175 = tpu.vector_load %arg22[%get3A_173, %get3A_174] {strides = array<i32>} : memref<8x2048xf32, #tpu.memory_space<vmem>>, vector<16xf32>,
              %get3A_176 = arith.constant 10 : i32
              %get3A_177 = arith.index_cast %get3A_176 : i32 to index
              %get3A_178 = arith.index_cast %mul3A_171 : i32 to index
              %get3A_179 = tpu.vector_load %arg21[%get3A_177, %get3A_178] {strides = array<i32>} : memref<16x2048xf32, #tpu.memory_space<vmem>>, vector<16xf32>,
              %add3A_180 = arith.addf %get3A_175, %get3A_179 : vector<16xf32>
              %swap3A = arith.constant 0 : i32
              %swap3A_181 = arith.index_cast %swap3A : i32 to index
              %swap3A_182 = arith.index_cast %mul3A_171 : i32 to index
              %swap3A_183 = tpu.vector_load %arg22[%swap3A_181, %swap3A_182] {strides = array<i32>} : memref<8x2048xf32, #tpu.memory_space<vmem>>, vector<16xf32>,
              tpu.vector_store %arg22[%swap3A_181, %swap3A_182], %add3A_180 {strides = array<i32>} : memref<8x2048xf32, #tpu.memory_space<vmem>>, vector<16xf32>,
            }
            %scan3A_168 = arith.constant 128 : i32
          } else {
          }
          %gt3A_138 = arith.constant 11 : i32
          %gt3A_139 = arith.cmpi sgt, %get3A_69, %gt3A_138 : i32
          %convert_element_type3A_140 = arith.extui %gt3A_139 : i1 to i32
          %cond3A_141 = arith.constant 0 : i32
          %cond3A_142 = arith.cmpi ne, %convert_element_type3A_140, %cond3A_141 : i32
          scf.if %cond3A_142 {
            %scan3A_163 = arith.constant 0 : i32
            %scan3A_164 = arith.constant 0 : i32
            %scan3A_165 = arith.constant 128 : i32
            %scan3A_166 = arith.addi %scan3A_164, %scan3A_165 : i32
            %scan3A_167 = arith.constant 1 : i32
            scf.for %scan3A_169 = %scan3A_164 to %scan3A_166 step %scan3A_167  : i32 {
              %mul3A_170 = arith.constant 16 : i32
              %mul3A_171 = arith.muli %scan3A_169, %mul3A_170 : i32
              %get3A_172 = arith.constant 0 : i32
              %get3A_173 = arith.index_cast %get3A_172 : i32 to index
              %get3A_174 = arith.index_cast %mul3A_171 : i32 to index
              %get3A_175 = tpu.vector_load %arg22[%get3A_173, %get3A_174] {strides = array<i32>} : memref<8x2048xf32, #tpu.memory_space<vmem>>, vector<16xf32>,
              %get3A_176 = arith.constant 11 : i32
              %get3A_177 = arith.index_cast %get3A_176 : i32 to index
              %get3A_178 = arith.index_cast %mul3A_171 : i32 to index
              %get3A_179 = tpu.vector_load %arg21[%get3A_177, %get3A_178] {strides = array<i32>} : memref<16x2048xf32, #tpu.memory_space<vmem>>, vector<16xf32>,
              %add3A_180 = arith.addf %get3A_175, %get3A_179 : vector<16xf32>
              %swap3A = arith.constant 0 : i32
              %swap3A_181 = arith.index_cast %swap3A : i32 to index
              %swap3A_182 = arith.index_cast %mul3A_171 : i32 to index
              %swap3A_183 = tpu.vector_load %arg22[%swap3A_181, %swap3A_182] {strides = array<i32>} : memref<8x2048xf32, #tpu.memory_space<vmem>>, vector<16xf32>,
              tpu.vector_store %arg22[%swap3A_181, %swap3A_182], %add3A_180 {strides = array<i32>} : memref<8x2048xf32, #tpu.memory_space<vmem>>, vector<16xf32>,
            }
            %scan3A_168 = arith.constant 128 : i32
          } else {
          }
          %gt3A_143 = arith.constant 12 : i32
          %gt3A_144 = arith.cmpi sgt, %get3A_69, %gt3A_143 : i32
          %convert_element_type3A_145 = arith.extui %gt3A_144 : i1 to i32
          %cond3A_146 = arith.constant 0 : i32
          %cond3A_147 = arith.cmpi ne, %convert_element_type3A_145, %cond3A_146 : i32
          scf.if %cond3A_147 {
            %scan3A_163 = arith.constant 0 : i32
            %scan3A_164 = arith.constant 0 : i32
            %scan3A_165 = arith.constant 128 : i32
            %scan3A_166 = arith.addi %scan3A_164, %scan3A_165 : i32
            %scan3A_167 = arith.constant 1 : i32
            scf.for %scan3A_169 = %scan3A_164 to %scan3A_166 step %scan3A_167  : i32 {
              %mul3A_170 = arith.constant 16 : i32
              %mul3A_171 = arith.muli %scan3A_169, %mul3A_170 : i32
              %get3A_172 = arith.constant 0 : i32
              %get3A_173 = arith.index_cast %get3A_172 : i32 to index
              %get3A_174 = arith.index_cast %mul3A_171 : i32 to index
              %get3A_175 = tpu.vector_load %arg22[%get3A_173, %get3A_174] {strides = array<i32>} : memref<8x2048xf32, #tpu.memory_space<vmem>>, vector<16xf32>,
              %get3A_176 = arith.constant 12 : i32
              %get3A_177 = arith.index_cast %get3A_176 : i32 to index
              %get3A_178 = arith.index_cast %mul3A_171 : i32 to index
              %get3A_179 = tpu.vector_load %arg21[%get3A_177, %get3A_178] {strides = array<i32>} : memref<16x2048xf32, #tpu.memory_space<vmem>>, vector<16xf32>,
              %add3A_180 = arith.addf %get3A_175, %get3A_179 : vector<16xf32>
              %swap3A = arith.constant 0 : i32
              %swap3A_181 = arith.index_cast %swap3A : i32 to index
              %swap3A_182 = arith.index_cast %mul3A_171 : i32 to index
              %swap3A_183 = tpu.vector_load %arg22[%swap3A_181, %swap3A_182] {strides = array<i32>} : memref<8x2048xf32, #tpu.memory_space<vmem>>, vector<16xf32>,
              tpu.vector_store %arg22[%swap3A_181, %swap3A_182], %add3A_180 {strides = array<i32>} : memref<8x2048xf32, #tpu.memory_space<vmem>>, vector<16xf32>,
            }
            %scan3A_168 = arith.constant 128 : i32
          } else {
          }
          %gt3A_148 = arith.constant 13 : i32
          %gt3A_149 = arith.cmpi sgt, %get3A_69, %gt3A_148 : i32
          %convert_element_type3A_150 = arith.extui %gt3A_149 : i1 to i32
          %cond3A_151 = arith.constant 0 : i32
          %cond3A_152 = arith.cmpi ne, %convert_element_type3A_150, %cond3A_151 : i32
          scf.if %cond3A_152 {
            %scan3A_163 = arith.constant 0 : i32
            %scan3A_164 = arith.constant 0 : i32
            %scan3A_165 = arith.constant 128 : i32
            %scan3A_166 = arith.addi %scan3A_164, %scan3A_165 : i32
            %scan3A_167 = arith.constant 1 : i32
            scf.for %scan3A_169 = %scan3A_164 to %scan3A_166 step %scan3A_167  : i32 {
              %mul3A_170 = arith.constant 16 : i32
              %mul3A_171 = arith.muli %scan3A_169, %mul3A_170 : i32
              %get3A_172 = arith.constant 0 : i32
              %get3A_173 = arith.index_cast %get3A_172 : i32 to index
              %get3A_174 = arith.index_cast %mul3A_171 : i32 to index
              %get3A_175 = tpu.vector_load %arg22[%get3A_173, %get3A_174] {strides = array<i32>} : memref<8x2048xf32, #tpu.memory_space<vmem>>, vector<16xf32>,
              %get3A_176 = arith.constant 13 : i32
              %get3A_177 = arith.index_cast %get3A_176 : i32 to index
              %get3A_178 = arith.index_cast %mul3A_171 : i32 to index
              %get3A_179 = tpu.vector_load %arg21[%get3A_177, %get3A_178] {strides = array<i32>} : memref<16x2048xf32, #tpu.memory_space<vmem>>, vector<16xf32>,
              %add3A_180 = arith.addf %get3A_175, %get3A_179 : vector<16xf32>
              %swap3A = arith.constant 0 : i32
              %swap3A_181 = arith.index_cast %swap3A : i32 to index
              %swap3A_182 = arith.index_cast %mul3A_171 : i32 to index
              %swap3A_183 = tpu.vector_load %arg22[%swap3A_181, %swap3A_182] {strides = array<i32>} : memref<8x2048xf32, #tpu.memory_space<vmem>>, vector<16xf32>,
              tpu.vector_store %arg22[%swap3A_181, %swap3A_182], %add3A_180 {strides = array<i32>} : memref<8x2048xf32, #tpu.memory_space<vmem>>, vector<16xf32>,
            }
            %scan3A_168 = arith.constant 128 : i32
          } else {
          }
          %gt3A_153 = arith.constant 14 : i32
          %gt3A_154 = arith.cmpi sgt, %get3A_69, %gt3A_153 : i32
          %convert_element_type3A_155 = arith.extui %gt3A_154 : i1 to i32
          %cond3A_156 = arith.constant 0 : i32
          %cond3A_157 = arith.cmpi ne, %convert_element_type3A_155, %cond3A_156 : i32
          scf.if %cond3A_157 {
            %scan3A_163 = arith.constant 0 : i32
            %scan3A_164 = arith.constant 0 : i32
            %scan3A_165 = arith.constant 128 : i32
            %scan3A_166 = arith.addi %scan3A_164, %scan3A_165 : i32
            %scan3A_167 = arith.constant 1 : i32
            scf.for %scan3A_169 = %scan3A_164 to %scan3A_166 step %scan3A_167  : i32 {
              %mul3A_170 = arith.constant 16 : i32
              %mul3A_171 = arith.muli %scan3A_169, %mul3A_170 : i32
              %get3A_172 = arith.constant 0 : i32
              %get3A_173 = arith.index_cast %get3A_172 : i32 to index
              %get3A_174 = arith.index_cast %mul3A_171 : i32 to index
              %get3A_175 = tpu.vector_load %arg22[%get3A_173, %get3A_174] {strides = array<i32>} : memref<8x2048xf32, #tpu.memory_space<vmem>>, vector<16xf32>,
              %get3A_176 = arith.constant 14 : i32
              %get3A_177 = arith.index_cast %get3A_176 : i32 to index
              %get3A_178 = arith.index_cast %mul3A_171 : i32 to index
              %get3A_179 = tpu.vector_load %arg21[%get3A_177, %get3A_178] {strides = array<i32>} : memref<16x2048xf32, #tpu.memory_space<vmem>>, vector<16xf32>,
              %add3A_180 = arith.addf %get3A_175, %get3A_179 : vector<16xf32>
              %swap3A = arith.constant 0 : i32
              %swap3A_181 = arith.index_cast %swap3A : i32 to index
              %swap3A_182 = arith.index_cast %mul3A_171 : i32 to index
              %swap3A_183 = tpu.vector_load %arg22[%swap3A_181, %swap3A_182] {strides = array<i32>} : memref<8x2048xf32, #tpu.memory_space<vmem>>, vector<16xf32>,
              tpu.vector_store %arg22[%swap3A_181, %swap3A_182], %add3A_180 {strides = array<i32>} : memref<8x2048xf32, #tpu.memory_space<vmem>>, vector<16xf32>,
            }
            %scan3A_168 = arith.constant 128 : i32
          } else {
          }
          %gt3A_158 = arith.constant 15 : i32
          %gt3A_159 = arith.cmpi sgt, %get3A_69, %gt3A_158 : i32
          %convert_element_type3A_160 = arith.extui %gt3A_159 : i1 to i32
          %cond3A_161 = arith.constant 0 : i32
          %cond3A_162 = arith.cmpi ne, %convert_element_type3A_160, %cond3A_161 : i32
          scf.if %cond3A_162 {
            %scan3A_163 = arith.constant 0 : i32
            %scan3A_164 = arith.constant 0 : i32
            %scan3A_165 = arith.constant 128 : i32
            %scan3A_166 = arith.addi %scan3A_164, %scan3A_165 : i32
            %scan3A_167 = arith.constant 1 : i32
            scf.for %scan3A_169 = %scan3A_164 to %scan3A_166 step %scan3A_167  : i32 {
              %mul3A_170 = arith.constant 16 : i32
              %mul3A_171 = arith.muli %scan3A_169, %mul3A_170 : i32
              %get3A_172 = arith.constant 0 : i32
              %get3A_173 = arith.index_cast %get3A_172 : i32 to index
              %get3A_174 = arith.index_cast %mul3A_171 : i32 to index
              %get3A_175 = tpu.vector_load %arg22[%get3A_173, %get3A_174] {strides = array<i32>} : memref<8x2048xf32, #tpu.memory_space<vmem>>, vector<16xf32>,
              %get3A_176 = arith.constant 15 : i32
              %get3A_177 = arith.index_cast %get3A_176 : i32 to index
              %get3A_178 = arith.index_cast %mul3A_171 : i32 to index
              %get3A_179 = tpu.vector_load %arg21[%get3A_177, %get3A_178] {strides = array<i32>} : memref<16x2048xf32, #tpu.memory_space<vmem>>, vector<16xf32>,
              %add3A_180 = arith.addf %get3A_175, %get3A_179 : vector<16xf32>
              %swap3A = arith.constant 0 : i32
              %swap3A_181 = arith.index_cast %swap3A : i32 to index
              %swap3A_182 = arith.index_cast %mul3A_171 : i32 to index
              %swap3A_183 = tpu.vector_load %arg22[%swap3A_181, %swap3A_182] {strides = array<i32>} : memref<8x2048xf32, #tpu.memory_space<vmem>>, vector<16xf32>,
              tpu.vector_store %arg22[%swap3A_181, %swap3A_182], %add3A_180 {strides = array<i32>} : memref<8x2048xf32, #tpu.memory_space<vmem>>, vector<16xf32>,
            }
            %scan3A_168 = arith.constant 128 : i32
          } else {
          }
        } else {
        }
      }
      %scan3A_65 = arith.constant 10 : i32
    } else {
    }
    %gt3A_25 = arith.constant 0 : i32
    %gt3A_26 = arith.cmpi sgt, %scan3A_12, %gt3A_25 : i32
    %convert_element_type3A_27 = arith.extui %gt3A_26 : i1 to i32
    %cond3A_28 = arith.constant 0 : i32
    %cond3A_29 = arith.cmpi ne, %convert_element_type3A_27, %cond3A_28 : i32
    scf.if %cond3A_29 {
      %scan3A_60 = arith.constant 0 : i32
      %scan3A_61 = arith.constant 0 : i32
      %scan3A_62 = arith.constant 10 : i32
      %scan3A_63 = arith.addi %scan3A_61, %scan3A_62 : i32
      %scan3A_64 = arith.constant 1 : i32
      scf.for %scan3A_66 = %scan3A_61 to %scan3A_63 step %scan3A_64  : i32 {
        %get3A = arith.constant 1 : i32
        %get3A_67 = arith.index_cast %get3A : i32 to index
        %get3A_68 = arith.index_cast %scan3A_66 : i32 to index
        %get3A_69 = memref.load %arg23[%get3A_67, %get3A_68] : memref<8x10xi32, #tpu.memory_space<smem>>
        %gt3A_70 = arith.constant 0 : i32
        %gt3A_71 = arith.cmpi sgt, %get3A_69, %gt3A_70 : i32
        %convert_element_type3A_72 = arith.extui %gt3A_71 : i1 to i32
        %cond3A_73 = arith.constant 0 : i32
        %cond3A_74 = arith.cmpi ne, %convert_element_type3A_72, %cond3A_73 : i32
        scf.if %cond3A_74 {
          %mul3A_75 = arith.constant 16 : i32
          %mul3A_76 = arith.muli %scan3A_66, %mul3A_75 : i32
          %dma_start3A = tpu.memref_slice %arg14[%mul3A_76] : memref<160xi32, #tpu.memory_space<vmem>> -> memref<16xi32, #tpu.memory_space<vmem>>
          %dma_start3A_77 = arith.constant 0 : i32
          %dma_start3A_78 = arith.constant 0 : i32
          %dma_start3A_79 = tpu.memref_slice %arg5[%dma_start3A_77, %dma_start3A_78] : memref<5000x2048xf32, #tpu.memory_space<hbm>> -> memref<5000x2048xf32, #tpu.memory_space<hbm>>
          tpu.enqueue_indirect_dma source(%dma_start3A_79 : memref<5000x2048xf32, #tpu.memory_space<hbm>>) target(%arg21 : memref<16x2048xf32, #tpu.memory_space<vmem>>) offsets(%dma_start3A : memref<16xi32, #tpu.memory_space<vmem>>) semaphore(%arg24 : memref<!tpu.dma_semaphore, #tpu.memory_space<semaphore_mem>>)
          %dma_wait3A = tpu.memref_slice %arg14[%mul3A_76] : memref<160xi32, #tpu.memory_space<vmem>> -> memref<16xi32, #tpu.memory_space<vmem>>
          %dma_wait3A_80 = arith.constant 0 : i32
          %dma_wait3A_81 = arith.constant 0 : i32
          %dma_wait3A_82 = tpu.memref_slice %arg5[%dma_wait3A_80, %dma_wait3A_81] : memref<5000x2048xf32, #tpu.memory_space<hbm>> -> memref<5000x2048xf32, #tpu.memory_space<hbm>>
          tpu.wait_indirect_dma semaphore(%arg24 : memref<!tpu.dma_semaphore, #tpu.memory_space<semaphore_mem>>) src(%dma_wait3A_82 : memref<5000x2048xf32, #tpu.memory_space<hbm>>) dst(%arg21 : memref<16x2048xf32, #tpu.memory_space<vmem>>)
          %gt3A_83 = arith.constant 0 : i32
          %gt3A_84 = arith.cmpi sgt, %get3A_69, %gt3A_83 : i32
          %convert_element_type3A_85 = arith.extui %gt3A_84 : i1 to i32
          %cond3A_86 = arith.constant 0 : i32
          %cond3A_87 = arith.cmpi ne, %convert_element_type3A_85, %cond3A_86 : i32
          scf.if %cond3A_87 {
            %scan3A_163 = arith.constant 0 : i32
            %scan3A_164 = arith.constant 0 : i32
            %scan3A_165 = arith.constant 128 : i32
            %scan3A_166 = arith.addi %scan3A_164, %scan3A_165 : i32
            %scan3A_167 = arith.constant 1 : i32
            scf.for %scan3A_169 = %scan3A_164 to %scan3A_166 step %scan3A_167  : i32 {
              %mul3A_170 = arith.constant 16 : i32
              %mul3A_171 = arith.muli %scan3A_169, %mul3A_170 : i32
              %get3A_172 = arith.constant 1 : i32
              %get3A_173 = arith.index_cast %get3A_172 : i32 to index
              %get3A_174 = arith.index_cast %mul3A_171 : i32 to index
              %get3A_175 = tpu.vector_load %arg22[%get3A_173, %get3A_174] {strides = array<i32>} : memref<8x2048xf32, #tpu.memory_space<vmem>>, vector<16xf32>,
              %get3A_176 = arith.constant 0 : i32
              %get3A_177 = arith.index_cast %get3A_176 : i32 to index
              %get3A_178 = arith.index_cast %mul3A_171 : i32 to index
              %get3A_179 = tpu.vector_load %arg21[%get3A_177, %get3A_178] {strides = array<i32>} : memref<16x2048xf32, #tpu.memory_space<vmem>>, vector<16xf32>,
              %add3A_180 = arith.addf %get3A_175, %get3A_179 : vector<16xf32>
              %swap3A = arith.constant 1 : i32
              %swap3A_181 = arith.index_cast %swap3A : i32 to index
              %swap3A_182 = arith.index_cast %mul3A_171 : i32 to index
              %swap3A_183 = tpu.vector_load %arg22[%swap3A_181, %swap3A_182] {strides = array<i32>} : memref<8x2048xf32, #tpu.memory_space<vmem>>, vector<16xf32>,
              tpu.vector_store %arg22[%swap3A_181, %swap3A_182], %add3A_180 {strides = array<i32>} : memref<8x2048xf32, #tpu.memory_space<vmem>>, vector<16xf32>,
            }
            %scan3A_168 = arith.constant 128 : i32
          } else {
          }
          %gt3A_88 = arith.constant 1 : i32
          %gt3A_89 = arith.cmpi sgt, %get3A_69, %gt3A_88 : i32
          %convert_element_type3A_90 = arith.extui %gt3A_89 : i1 to i32
          %cond3A_91 = arith.constant 0 : i32
          %cond3A_92 = arith.cmpi ne, %convert_element_type3A_90, %cond3A_91 : i32
          scf.if %cond3A_92 {
            %scan3A_163 = arith.constant 0 : i32
            %scan3A_164 = arith.constant 0 : i32
            %scan3A_165 = arith.constant 128 : i32
            %scan3A_166 = arith.addi %scan3A_164, %scan3A_165 : i32
            %scan3A_167 = arith.constant 1 : i32
            scf.for %scan3A_169 = %scan3A_164 to %scan3A_166 step %scan3A_167  : i32 {
              %mul3A_170 = arith.constant 16 : i32
              %mul3A_171 = arith.muli %scan3A_169, %mul3A_170 : i32
              %get3A_172 = arith.constant 1 : i32
              %get3A_173 = arith.index_cast %get3A_172 : i32 to index
              %get3A_174 = arith.index_cast %mul3A_171 : i32 to index
              %get3A_175 = tpu.vector_load %arg22[%get3A_173, %get3A_174] {strides = array<i32>} : memref<8x2048xf32, #tpu.memory_space<vmem>>, vector<16xf32>,
              %get3A_176 = arith.constant 1 : i32
              %get3A_177 = arith.index_cast %get3A_176 : i32 to index
              %get3A_178 = arith.index_cast %mul3A_171 : i32 to index
              %get3A_179 = tpu.vector_load %arg21[%get3A_177, %get3A_178] {strides = array<i32>} : memref<16x2048xf32, #tpu.memory_space<vmem>>, vector<16xf32>,
              %add3A_180 = arith.addf %get3A_175, %get3A_179 : vector<16xf32>
              %swap3A = arith.constant 1 : i32
              %swap3A_181 = arith.index_cast %swap3A : i32 to index
              %swap3A_182 = arith.index_cast %mul3A_171 : i32 to index
              %swap3A_183 = tpu.vector_load %arg22[%swap3A_181, %swap3A_182] {strides = array<i32>} : memref<8x2048xf32, #tpu.memory_space<vmem>>, vector<16xf32>,
              tpu.vector_store %arg22[%swap3A_181, %swap3A_182], %add3A_180 {strides = array<i32>} : memref<8x2048xf32, #tpu.memory_space<vmem>>, vector<16xf32>,
            }
            %scan3A_168 = arith.constant 128 : i32
          } else {
          }
          %gt3A_93 = arith.constant 2 : i32
          %gt3A_94 = arith.cmpi sgt, %get3A_69, %gt3A_93 : i32
          %convert_element_type3A_95 = arith.extui %gt3A_94 : i1 to i32
          %cond3A_96 = arith.constant 0 : i32
          %cond3A_97 = arith.cmpi ne, %convert_element_type3A_95, %cond3A_96 : i32
          scf.if %cond3A_97 {
            %scan3A_163 = arith.constant 0 : i32
            %scan3A_164 = arith.constant 0 : i32
            %scan3A_165 = arith.constant 128 : i32
            %scan3A_166 = arith.addi %scan3A_164, %scan3A_165 : i32
            %scan3A_167 = arith.constant 1 : i32
            scf.for %scan3A_169 = %scan3A_164 to %scan3A_166 step %scan3A_167  : i32 {
              %mul3A_170 = arith.constant 16 : i32
              %mul3A_171 = arith.muli %scan3A_169, %mul3A_170 : i32
              %get3A_172 = arith.constant 1 : i32
              %get3A_173 = arith.index_cast %get3A_172 : i32 to index
              %get3A_174 = arith.index_cast %mul3A_171 : i32 to index
              %get3A_175 = tpu.vector_load %arg22[%get3A_173, %get3A_174] {strides = array<i32>} : memref<8x2048xf32, #tpu.memory_space<vmem>>, vector<16xf32>,
              %get3A_176 = arith.constant 2 : i32
              %get3A_177 = arith.index_cast %get3A_176 : i32 to index
              %get3A_178 = arith.index_cast %mul3A_171 : i32 to index
              %get3A_179 = tpu.vector_load %arg21[%get3A_177, %get3A_178] {strides = array<i32>} : memref<16x2048xf32, #tpu.memory_space<vmem>>, vector<16xf32>,
              %add3A_180 = arith.addf %get3A_175, %get3A_179 : vector<16xf32>
              %swap3A = arith.constant 1 : i32
              %swap3A_181 = arith.index_cast %swap3A : i32 to index
              %swap3A_182 = arith.index_cast %mul3A_171 : i32 to index
              %swap3A_183 = tpu.vector_load %arg22[%swap3A_181, %swap3A_182] {strides = array<i32>} : memref<8x2048xf32, #tpu.memory_space<vmem>>, vector<16xf32>,
              tpu.vector_store %arg22[%swap3A_181, %swap3A_182], %add3A_180 {strides = array<i32>} : memref<8x2048xf32, #tpu.memory_space<vmem>>, vector<16xf32>,
            }
            %scan3A_168 = arith.constant 128 : i32
          } else {
          }
          %gt3A_98 = arith.constant 3 : i32
          %gt3A_99 = arith.cmpi sgt, %get3A_69, %gt3A_98 : i32
          %convert_element_type3A_100 = arith.extui %gt3A_99 : i1 to i32
          %cond3A_101 = arith.constant 0 : i32
          %cond3A_102 = arith.cmpi ne, %convert_element_type3A_100, %cond3A_101 : i32
          scf.if %cond3A_102 {
            %scan3A_163 = arith.constant 0 : i32
            %scan3A_164 = arith.constant 0 : i32
            %scan3A_165 = arith.constant 128 : i32
            %scan3A_166 = arith.addi %scan3A_164, %scan3A_165 : i32
            %scan3A_167 = arith.constant 1 : i32
            scf.for %scan3A_169 = %scan3A_164 to %scan3A_166 step %scan3A_167  : i32 {
              %mul3A_170 = arith.constant 16 : i32
              %mul3A_171 = arith.muli %scan3A_169, %mul3A_170 : i32
              %get3A_172 = arith.constant 1 : i32
              %get3A_173 = arith.index_cast %get3A_172 : i32 to index
              %get3A_174 = arith.index_cast %mul3A_171 : i32 to index
              %get3A_175 = tpu.vector_load %arg22[%get3A_173, %get3A_174] {strides = array<i32>} : memref<8x2048xf32, #tpu.memory_space<vmem>>, vector<16xf32>,
              %get3A_176 = arith.constant 3 : i32
              %get3A_177 = arith.index_cast %get3A_176 : i32 to index
              %get3A_178 = arith.index_cast %mul3A_171 : i32 to index
              %get3A_179 = tpu.vector_load %arg21[%get3A_177, %get3A_178] {strides = array<i32>} : memref<16x2048xf32, #tpu.memory_space<vmem>>, vector<16xf32>,
              %add3A_180 = arith.addf %get3A_175, %get3A_179 : vector<16xf32>
              %swap3A = arith.constant 1 : i32
              %swap3A_181 = arith.index_cast %swap3A : i32 to index
              %swap3A_182 = arith.index_cast %mul3A_171 : i32 to index
              %swap3A_183 = tpu.vector_load %arg22[%swap3A_181, %swap3A_182] {strides = array<i32>} : memref<8x2048xf32, #tpu.memory_space<vmem>>, vector<16xf32>,
              tpu.vector_store %arg22[%swap3A_181, %swap3A_182], %add3A_180 {strides = array<i32>} : memref<8x2048xf32, #tpu.memory_space<vmem>>, vector<16xf32>,
            }
            %scan3A_168 = arith.constant 128 : i32
          } else {
          }
          %gt3A_103 = arith.constant 4 : i32
          %gt3A_104 = arith.cmpi sgt, %get3A_69, %gt3A_103 : i32
          %convert_element_type3A_105 = arith.extui %gt3A_104 : i1 to i32
          %cond3A_106 = arith.constant 0 : i32
          %cond3A_107 = arith.cmpi ne, %convert_element_type3A_105, %cond3A_106 : i32
          scf.if %cond3A_107 {
            %scan3A_163 = arith.constant 0 : i32
            %scan3A_164 = arith.constant 0 : i32
            %scan3A_165 = arith.constant 128 : i32
            %scan3A_166 = arith.addi %scan3A_164, %scan3A_165 : i32
            %scan3A_167 = arith.constant 1 : i32
            scf.for %scan3A_169 = %scan3A_164 to %scan3A_166 step %scan3A_167  : i32 {
              %mul3A_170 = arith.constant 16 : i32
              %mul3A_171 = arith.muli %scan3A_169, %mul3A_170 : i32
              %get3A_172 = arith.constant 1 : i32
              %get3A_173 = arith.index_cast %get3A_172 : i32 to index
              %get3A_174 = arith.index_cast %mul3A_171 : i32 to index
              %get3A_175 = tpu.vector_load %arg22[%get3A_173, %get3A_174] {strides = array<i32>} : memref<8x2048xf32, #tpu.memory_space<vmem>>, vector<16xf32>,
              %get3A_176 = arith.constant 4 : i32
              %get3A_177 = arith.index_cast %get3A_176 : i32 to index
              %get3A_178 = arith.index_cast %mul3A_171 : i32 to index
              %get3A_179 = tpu.vector_load %arg21[%get3A_177, %get3A_178] {strides = array<i32>} : memref<16x2048xf32, #tpu.memory_space<vmem>>, vector<16xf32>,
              %add3A_180 = arith.addf %get3A_175, %get3A_179 : vector<16xf32>
              %swap3A = arith.constant 1 : i32
              %swap3A_181 = arith.index_cast %swap3A : i32 to index
              %swap3A_182 = arith.index_cast %mul3A_171 : i32 to index
              %swap3A_183 = tpu.vector_load %arg22[%swap3A_181, %swap3A_182] {strides = array<i32>} : memref<8x2048xf32, #tpu.memory_space<vmem>>, vector<16xf32>,
              tpu.vector_store %arg22[%swap3A_181, %swap3A_182], %add3A_180 {strides = array<i32>} : memref<8x2048xf32, #tpu.memory_space<vmem>>, vector<16xf32>,
            }
            %scan3A_168 = arith.constant 128 : i32
          } else {
          }
          %gt3A_108 = arith.constant 5 : i32
          %gt3A_109 = arith.cmpi sgt, %get3A_69, %gt3A_108 : i32
          %convert_element_type3A_110 = arith.extui %gt3A_109 : i1 to i32
          %cond3A_111 = arith.constant 0 : i32
          %cond3A_112 = arith.cmpi ne, %convert_element_type3A_110, %cond3A_111 : i32
          scf.if %cond3A_112 {
            %scan3A_163 = arith.constant 0 : i32
            %scan3A_164 = arith.constant 0 : i32
            %scan3A_165 = arith.constant 128 : i32
            %scan3A_166 = arith.addi %scan3A_164, %scan3A_165 : i32
            %scan3A_167 = arith.constant 1 : i32
            scf.for %scan3A_169 = %scan3A_164 to %scan3A_166 step %scan3A_167  : i32 {
              %mul3A_170 = arith.constant 16 : i32
              %mul3A_171 = arith.muli %scan3A_169, %mul3A_170 : i32
              %get3A_172 = arith.constant 1 : i32
              %get3A_173 = arith.index_cast %get3A_172 : i32 to index
              %get3A_174 = arith.index_cast %mul3A_171 : i32 to index
              %get3A_175 = tpu.vector_load %arg22[%get3A_173, %get3A_174] {strides = array<i32>} : memref<8x2048xf32, #tpu.memory_space<vmem>>, vector<16xf32>,
              %get3A_176 = arith.constant 5 : i32
              %get3A_177 = arith.index_cast %get3A_176 : i32 to index
              %get3A_178 = arith.index_cast %mul3A_171 : i32 to index
              %get3A_179 = tpu.vector_load %arg21[%get3A_177, %get3A_178] {strides = array<i32>} : memref<16x2048xf32, #tpu.memory_space<vmem>>, vector<16xf32>,
              %add3A_180 = arith.addf %get3A_175, %get3A_179 : vector<16xf32>
              %swap3A = arith.constant 1 : i32
              %swap3A_181 = arith.index_cast %swap3A : i32 to index
              %swap3A_182 = arith.index_cast %mul3A_171 : i32 to index
              %swap3A_183 = tpu.vector_load %arg22[%swap3A_181, %swap3A_182] {strides = array<i32>} : memref<8x2048xf32, #tpu.memory_space<vmem>>, vector<16xf32>,
              tpu.vector_store %arg22[%swap3A_181, %swap3A_182], %add3A_180 {strides = array<i32>} : memref<8x2048xf32, #tpu.memory_space<vmem>>, vector<16xf32>,
            }
            %scan3A_168 = arith.constant 128 : i32
          } else {
          }
          %gt3A_113 = arith.constant 6 : i32
          %gt3A_114 = arith.cmpi sgt, %get3A_69, %gt3A_113 : i32
          %convert_element_type3A_115 = arith.extui %gt3A_114 : i1 to i32
          %cond3A_116 = arith.constant 0 : i32
          %cond3A_117 = arith.cmpi ne, %convert_element_type3A_115, %cond3A_116 : i32
          scf.if %cond3A_117 {
            %scan3A_163 = arith.constant 0 : i32
            %scan3A_164 = arith.constant 0 : i32
            %scan3A_165 = arith.constant 128 : i32
            %scan3A_166 = arith.addi %scan3A_164, %scan3A_165 : i32
            %scan3A_167 = arith.constant 1 : i32
            scf.for %scan3A_169 = %scan3A_164 to %scan3A_166 step %scan3A_167  : i32 {
              %mul3A_170 = arith.constant 16 : i32
              %mul3A_171 = arith.muli %scan3A_169, %mul3A_170 : i32
              %get3A_172 = arith.constant 1 : i32
              %get3A_173 = arith.index_cast %get3A_172 : i32 to index
              %get3A_174 = arith.index_cast %mul3A_171 : i32 to index
              %get3A_175 = tpu.vector_load %arg22[%get3A_173, %get3A_174] {strides = array<i32>} : memref<8x2048xf32, #tpu.memory_space<vmem>>, vector<16xf32>,
              %get3A_176 = arith.constant 6 : i32
              %get3A_177 = arith.index_cast %get3A_176 : i32 to index
              %get3A_178 = arith.index_cast %mul3A_171 : i32 to index
              %get3A_179 = tpu.vector_load %arg21[%get3A_177, %get3A_178] {strides = array<i32>} : memref<16x2048xf32, #tpu.memory_space<vmem>>, vector<16xf32>,
              %add3A_180 = arith.addf %get3A_175, %get3A_179 : vector<16xf32>
              %swap3A = arith.constant 1 : i32
              %swap3A_181 = arith.index_cast %swap3A : i32 to index
              %swap3A_182 = arith.index_cast %mul3A_171 : i32 to index
              %swap3A_183 = tpu.vector_load %arg22[%swap3A_181, %swap3A_182] {strides = array<i32>} : memref<8x2048xf32, #tpu.memory_space<vmem>>, vector<16xf32>,
              tpu.vector_store %arg22[%swap3A_181, %swap3A_182], %add3A_180 {strides = array<i32>} : memref<8x2048xf32, #tpu.memory_space<vmem>>, vector<16xf32>,
            }
            %scan3A_168 = arith.constant 128 : i32
          } else {
          }
          %gt3A_118 = arith.constant 7 : i32
          %gt3A_119 = arith.cmpi sgt, %get3A_69, %gt3A_118 : i32
          %convert_element_type3A_120 = arith.extui %gt3A_119 : i1 to i32
          %cond3A_121 = arith.constant 0 : i32
          %cond3A_122 = arith.cmpi ne, %convert_element_type3A_120, %cond3A_121 : i32
          scf.if %cond3A_122 {
            %scan3A_163 = arith.constant 0 : i32
            %scan3A_164 = arith.constant 0 : i32
            %scan3A_165 = arith.constant 128 : i32
            %scan3A_166 = arith.addi %scan3A_164, %scan3A_165 : i32
            %scan3A_167 = arith.constant 1 : i32
            scf.for %scan3A_169 = %scan3A_164 to %scan3A_166 step %scan3A_167  : i32 {
              %mul3A_170 = arith.constant 16 : i32
              %mul3A_171 = arith.muli %scan3A_169, %mul3A_170 : i32
              %get3A_172 = arith.constant 1 : i32
              %get3A_173 = arith.index_cast %get3A_172 : i32 to index
              %get3A_174 = arith.index_cast %mul3A_171 : i32 to index
              %get3A_175 = tpu.vector_load %arg22[%get3A_173, %get3A_174] {strides = array<i32>} : memref<8x2048xf32, #tpu.memory_space<vmem>>, vector<16xf32>,
              %get3A_176 = arith.constant 7 : i32
              %get3A_177 = arith.index_cast %get3A_176 : i32 to index
              %get3A_178 = arith.index_cast %mul3A_171 : i32 to index
              %get3A_179 = tpu.vector_load %arg21[%get3A_177, %get3A_178] {strides = array<i32>} : memref<16x2048xf32, #tpu.memory_space<vmem>>, vector<16xf32>,
              %add3A_180 = arith.addf %get3A_175, %get3A_179 : vector<16xf32>
              %swap3A = arith.constant 1 : i32
              %swap3A_181 = arith.index_cast %swap3A : i32 to index
              %swap3A_182 = arith.index_cast %mul3A_171 : i32 to index
              %swap3A_183 = tpu.vector_load %arg22[%swap3A_181, %swap3A_182] {strides = array<i32>} : memref<8x2048xf32, #tpu.memory_space<vmem>>, vector<16xf32>,
              tpu.vector_store %arg22[%swap3A_181, %swap3A_182], %add3A_180 {strides = array<i32>} : memref<8x2048xf32, #tpu.memory_space<vmem>>, vector<16xf32>,
            }
            %scan3A_168 = arith.constant 128 : i32
          } else {
          }
          %gt3A_123 = arith.constant 8 : i32
          %gt3A_124 = arith.cmpi sgt, %get3A_69, %gt3A_123 : i32
          %convert_element_type3A_125 = arith.extui %gt3A_124 : i1 to i32
          %cond3A_126 = arith.constant 0 : i32
          %cond3A_127 = arith.cmpi ne, %convert_element_type3A_125, %cond3A_126 : i32
          scf.if %cond3A_127 {
            %scan3A_163 = arith.constant 0 : i32
            %scan3A_164 = arith.constant 0 : i32
            %scan3A_165 = arith.constant 128 : i32
            %scan3A_166 = arith.addi %scan3A_164, %scan3A_165 : i32
            %scan3A_167 = arith.constant 1 : i32
            scf.for %scan3A_169 = %scan3A_164 to %scan3A_166 step %scan3A_167  : i32 {
              %mul3A_170 = arith.constant 16 : i32
              %mul3A_171 = arith.muli %scan3A_169, %mul3A_170 : i32
              %get3A_172 = arith.constant 1 : i32
              %get3A_173 = arith.index_cast %get3A_172 : i32 to index
              %get3A_174 = arith.index_cast %mul3A_171 : i32 to index
              %get3A_175 = tpu.vector_load %arg22[%get3A_173, %get3A_174] {strides = array<i32>} : memref<8x2048xf32, #tpu.memory_space<vmem>>, vector<16xf32>,
              %get3A_176 = arith.constant 8 : i32
              %get3A_177 = arith.index_cast %get3A_176 : i32 to index
              %get3A_178 = arith.index_cast %mul3A_171 : i32 to index
              %get3A_179 = tpu.vector_load %arg21[%get3A_177, %get3A_178] {strides = array<i32>} : memref<16x2048xf32, #tpu.memory_space<vmem>>, vector<16xf32>,
              %add3A_180 = arith.addf %get3A_175, %get3A_179 : vector<16xf32>
              %swap3A = arith.constant 1 : i32
              %swap3A_181 = arith.index_cast %swap3A : i32 to index
              %swap3A_182 = arith.index_cast %mul3A_171 : i32 to index
              %swap3A_183 = tpu.vector_load %arg22[%swap3A_181, %swap3A_182] {strides = array<i32>} : memref<8x2048xf32, #tpu.memory_space<vmem>>, vector<16xf32>,
              tpu.vector_store %arg22[%swap3A_181, %swap3A_182], %add3A_180 {strides = array<i32>} : memref<8x2048xf32, #tpu.memory_space<vmem>>, vector<16xf32>,
            }
            %scan3A_168 = arith.constant 128 : i32
          } else {
          }
          %gt3A_128 = arith.constant 9 : i32
          %gt3A_129 = arith.cmpi sgt, %get3A_69, %gt3A_128 : i32
          %convert_element_type3A_130 = arith.extui %gt3A_129 : i1 to i32
          %cond3A_131 = arith.constant 0 : i32
          %cond3A_132 = arith.cmpi ne, %convert_element_type3A_130, %cond3A_131 : i32
          scf.if %cond3A_132 {
            %scan3A_163 = arith.constant 0 : i32
            %scan3A_164 = arith.constant 0 : i32
            %scan3A_165 = arith.constant 128 : i32
            %scan3A_166 = arith.addi %scan3A_164, %scan3A_165 : i32
            %scan3A_167 = arith.constant 1 : i32
            scf.for %scan3A_169 = %scan3A_164 to %scan3A_166 step %scan3A_167  : i32 {
              %mul3A_170 = arith.constant 16 : i32
              %mul3A_171 = arith.muli %scan3A_169, %mul3A_170 : i32
              %get3A_172 = arith.constant 1 : i32
              %get3A_173 = arith.index_cast %get3A_172 : i32 to index
              %get3A_174 = arith.index_cast %mul3A_171 : i32 to index
              %get3A_175 = tpu.vector_load %arg22[%get3A_173, %get3A_174] {strides = array<i32>} : memref<8x2048xf32, #tpu.memory_space<vmem>>, vector<16xf32>,
              %get3A_176 = arith.constant 9 : i32
              %get3A_177 = arith.index_cast %get3A_176 : i32 to index
              %get3A_178 = arith.index_cast %mul3A_171 : i32 to index
              %get3A_179 = tpu.vector_load %arg21[%get3A_177, %get3A_178] {strides = array<i32>} : memref<16x2048xf32, #tpu.memory_space<vmem>>, vector<16xf32>,
              %add3A_180 = arith.addf %get3A_175, %get3A_179 : vector<16xf32>
              %swap3A = arith.constant 1 : i32
              %swap3A_181 = arith.index_cast %swap3A : i32 to index
              %swap3A_182 = arith.index_cast %mul3A_171 : i32 to index
              %swap3A_183 = tpu.vector_load %arg22[%swap3A_181, %swap3A_182] {strides = array<i32>} : memref<8x2048xf32, #tpu.memory_space<vmem>>, vector<16xf32>,
              tpu.vector_store %arg22[%swap3A_181, %swap3A_182], %add3A_180 {strides = array<i32>} : memref<8x2048xf32, #tpu.memory_space<vmem>>, vector<16xf32>,
            }
            %scan3A_168 = arith.constant 128 : i32
          } else {
          }
          %gt3A_133 = arith.constant 10 : i32
          %gt3A_134 = arith.cmpi sgt, %get3A_69, %gt3A_133 : i32
          %convert_element_type3A_135 = arith.extui %gt3A_134 : i1 to i32
          %cond3A_136 = arith.constant 0 : i32
          %cond3A_137 = arith.cmpi ne, %convert_element_type3A_135, %cond3A_136 : i32
          scf.if %cond3A_137 {
            %scan3A_163 = arith.constant 0 : i32
            %scan3A_164 = arith.constant 0 : i32
            %scan3A_165 = arith.constant 128 : i32
            %scan3A_166 = arith.addi %scan3A_164, %scan3A_165 : i32
            %scan3A_167 = arith.constant 1 : i32
            scf.for %scan3A_169 = %scan3A_164 to %scan3A_166 step %scan3A_167  : i32 {
              %mul3A_170 = arith.constant 16 : i32
              %mul3A_171 = arith.muli %scan3A_169, %mul3A_170 : i32
              %get3A_172 = arith.constant 1 : i32
              %get3A_173 = arith.index_cast %get3A_172 : i32 to index
              %get3A_174 = arith.index_cast %mul3A_171 : i32 to index
              %get3A_175 = tpu.vector_load %arg22[%get3A_173, %get3A_174] {strides = array<i32>} : memref<8x2048xf32, #tpu.memory_space<vmem>>, vector<16xf32>,
              %get3A_176 = arith.constant 10 : i32
              %get3A_177 = arith.index_cast %get3A_176 : i32 to index
              %get3A_178 = arith.index_cast %mul3A_171 : i32 to index
              %get3A_179 = tpu.vector_load %arg21[%get3A_177, %get3A_178] {strides = array<i32>} : memref<16x2048xf32, #tpu.memory_space<vmem>>, vector<16xf32>,
              %add3A_180 = arith.addf %get3A_175, %get3A_179 : vector<16xf32>
              %swap3A = arith.constant 1 : i32
              %swap3A_181 = arith.index_cast %swap3A : i32 to index
              %swap3A_182 = arith.index_cast %mul3A_171 : i32 to index
              %swap3A_183 = tpu.vector_load %arg22[%swap3A_181, %swap3A_182] {strides = array<i32>} : memref<8x2048xf32, #tpu.memory_space<vmem>>, vector<16xf32>,
              tpu.vector_store %arg22[%swap3A_181, %swap3A_182], %add3A_180 {strides = array<i32>} : memref<8x2048xf32, #tpu.memory_space<vmem>>, vector<16xf32>,
            }
            %scan3A_168 = arith.constant 128 : i32
          } else {
          }
          %gt3A_138 = arith.constant 11 : i32
          %gt3A_139 = arith.cmpi sgt, %get3A_69, %gt3A_138 : i32
          %convert_element_type3A_140 = arith.extui %gt3A_139 : i1 to i32
          %cond3A_141 = arith.constant 0 : i32
          %cond3A_142 = arith.cmpi ne, %convert_element_type3A_140, %cond3A_141 : i32
          scf.if %cond3A_142 {
            %scan3A_163 = arith.constant 0 : i32
            %scan3A_164 = arith.constant 0 : i32
            %scan3A_165 = arith.constant 128 : i32
            %scan3A_166 = arith.addi %scan3A_164, %scan3A_165 : i32
            %scan3A_167 = arith.constant 1 : i32
            scf.for %scan3A_169 = %scan3A_164 to %scan3A_166 step %scan3A_167  : i32 {
              %mul3A_170 = arith.constant 16 : i32
              %mul3A_171 = arith.muli %scan3A_169, %mul3A_170 : i32
              %get3A_172 = arith.constant 1 : i32
              %get3A_173 = arith.index_cast %get3A_172 : i32 to index
              %get3A_174 = arith.index_cast %mul3A_171 : i32 to index
              %get3A_175 = tpu.vector_load %arg22[%get3A_173, %get3A_174] {strides = array<i32>} : memref<8x2048xf32, #tpu.memory_space<vmem>>, vector<16xf32>,
              %get3A_176 = arith.constant 11 : i32
              %get3A_177 = arith.index_cast %get3A_176 : i32 to index
              %get3A_178 = arith.index_cast %mul3A_171 : i32 to index
              %get3A_179 = tpu.vector_load %arg21[%get3A_177, %get3A_178] {strides = array<i32>} : memref<16x2048xf32, #tpu.memory_space<vmem>>, vector<16xf32>,
              %add3A_180 = arith.addf %get3A_175, %get3A_179 : vector<16xf32>
              %swap3A = arith.constant 1 : i32
              %swap3A_181 = arith.index_cast %swap3A : i32 to index
              %swap3A_182 = arith.index_cast %mul3A_171 : i32 to index
              %swap3A_183 = tpu.vector_load %arg22[%swap3A_181, %swap3A_182] {strides = array<i32>} : memref<8x2048xf32, #tpu.memory_space<vmem>>, vector<16xf32>,
              tpu.vector_store %arg22[%swap3A_181, %swap3A_182], %add3A_180 {strides = array<i32>} : memref<8x2048xf32, #tpu.memory_space<vmem>>, vector<16xf32>,
            }
            %scan3A_168 = arith.constant 128 : i32
          } else {
          }
          %gt3A_143 = arith.constant 12 : i32
          %gt3A_144 = arith.cmpi sgt, %get3A_69, %gt3A_143 : i32
          %convert_element_type3A_145 = arith.extui %gt3A_144 : i1 to i32
          %cond3A_146 = arith.constant 0 : i32
          %cond3A_147 = arith.cmpi ne, %convert_element_type3A_145, %cond3A_146 : i32
          scf.if %cond3A_147 {
            %scan3A_163 = arith.constant 0 : i32
            %scan3A_164 = arith.constant 0 : i32
            %scan3A_165 = arith.constant 128 : i32
            %scan3A_166 = arith.addi %scan3A_164, %scan3A_165 : i32
            %scan3A_167 = arith.constant 1 : i32
            scf.for %scan3A_169 = %scan3A_164 to %scan3A_166 step %scan3A_167  : i32 {
              %mul3A_170 = arith.constant 16 : i32
              %mul3A_171 = arith.muli %scan3A_169, %mul3A_170 : i32
              %get3A_172 = arith.constant 1 : i32
              %get3A_173 = arith.index_cast %get3A_172 : i32 to index
              %get3A_174 = arith.index_cast %mul3A_171 : i32 to index
              %get3A_175 = tpu.vector_load %arg22[%get3A_173, %get3A_174] {strides = array<i32>} : memref<8x2048xf32, #tpu.memory_space<vmem>>, vector<16xf32>,
              %get3A_176 = arith.constant 12 : i32
              %get3A_177 = arith.index_cast %get3A_176 : i32 to index
              %get3A_178 = arith.index_cast %mul3A_171 : i32 to index
              %get3A_179 = tpu.vector_load %arg21[%get3A_177, %get3A_178] {strides = array<i32>} : memref<16x2048xf32, #tpu.memory_space<vmem>>, vector<16xf32>,
              %add3A_180 = arith.addf %get3A_175, %get3A_179 : vector<16xf32>
              %swap3A = arith.constant 1 : i32
              %swap3A_181 = arith.index_cast %swap3A : i32 to index
              %swap3A_182 = arith.index_cast %mul3A_171 : i32 to index
              %swap3A_183 = tpu.vector_load %arg22[%swap3A_181, %swap3A_182] {strides = array<i32>} : memref<8x2048xf32, #tpu.memory_space<vmem>>, vector<16xf32>,
              tpu.vector_store %arg22[%swap3A_181, %swap3A_182], %add3A_180 {strides = array<i32>} : memref<8x2048xf32, #tpu.memory_space<vmem>>, vector<16xf32>,
            }
            %scan3A_168 = arith.constant 128 : i32
          } else {
          }
          %gt3A_148 = arith.constant 13 : i32
          %gt3A_149 = arith.cmpi sgt, %get3A_69, %gt3A_148 : i32
          %convert_element_type3A_150 = arith.extui %gt3A_149 : i1 to i32
          %cond3A_151 = arith.constant 0 : i32
          %cond3A_152 = arith.cmpi ne, %convert_element_type3A_150, %cond3A_151 : i32
          scf.if %cond3A_152 {
            %scan3A_163 = arith.constant 0 : i32
            %scan3A_164 = arith.constant 0 : i32
            %scan3A_165 = arith.constant 128 : i32
            %scan3A_166 = arith.addi %scan3A_164, %scan3A_165 : i32
            %scan3A_167 = arith.constant 1 : i32
            scf.for %scan3A_169 = %scan3A_164 to %scan3A_166 step %scan3A_167  : i32 {
              %mul3A_170 = arith.constant 16 : i32
              %mul3A_171 = arith.muli %scan3A_169, %mul3A_170 : i32
              %get3A_172 = arith.constant 1 : i32
              %get3A_173 = arith.index_cast %get3A_172 : i32 to index
              %get3A_174 = arith.index_cast %mul3A_171 : i32 to index
              %get3A_175 = tpu.vector_load %arg22[%get3A_173, %get3A_174] {strides = array<i32>} : memref<8x2048xf32, #tpu.memory_space<vmem>>, vector<16xf32>,
              %get3A_176 = arith.constant 13 : i32
              %get3A_177 = arith.index_cast %get3A_176 : i32 to index
              %get3A_178 = arith.index_cast %mul3A_171 : i32 to index
              %get3A_179 = tpu.vector_load %arg21[%get3A_177, %get3A_178] {strides = array<i32>} : memref<16x2048xf32, #tpu.memory_space<vmem>>, vector<16xf32>,
              %add3A_180 = arith.addf %get3A_175, %get3A_179 : vector<16xf32>
              %swap3A = arith.constant 1 : i32
              %swap3A_181 = arith.index_cast %swap3A : i32 to index
              %swap3A_182 = arith.index_cast %mul3A_171 : i32 to index
              %swap3A_183 = tpu.vector_load %arg22[%swap3A_181, %swap3A_182] {strides = array<i32>} : memref<8x2048xf32, #tpu.memory_space<vmem>>, vector<16xf32>,
              tpu.vector_store %arg22[%swap3A_181, %swap3A_182], %add3A_180 {strides = array<i32>} : memref<8x2048xf32, #tpu.memory_space<vmem>>, vector<16xf32>,
            }
            %scan3A_168 = arith.constant 128 : i32
          } else {
          }
          %gt3A_153 = arith.constant 14 : i32
          %gt3A_154 = arith.cmpi sgt, %get3A_69, %gt3A_153 : i32
          %convert_element_type3A_155 = arith.extui %gt3A_154 : i1 to i32
          %cond3A_156 = arith.constant 0 : i32
          %cond3A_157 = arith.cmpi ne, %convert_element_type3A_155, %cond3A_156 : i32
          scf.if %cond3A_157 {
            %scan3A_163 = arith.constant 0 : i32
            %scan3A_164 = arith.constant 0 : i32
            %scan3A_165 = arith.constant 128 : i32
            %scan3A_166 = arith.addi %scan3A_164, %scan3A_165 : i32
            %scan3A_167 = arith.constant 1 : i32
            scf.for %scan3A_169 = %scan3A_164 to %scan3A_166 step %scan3A_167  : i32 {
              %mul3A_170 = arith.constant 16 : i32
              %mul3A_171 = arith.muli %scan3A_169, %mul3A_170 : i32
              %get3A_172 = arith.constant 1 : i32
              %get3A_173 = arith.index_cast %get3A_172 : i32 to index
              %get3A_174 = arith.index_cast %mul3A_171 : i32 to index
              %get3A_175 = tpu.vector_load %arg22[%get3A_173, %get3A_174] {strides = array<i32>} : memref<8x2048xf32, #tpu.memory_space<vmem>>, vector<16xf32>,
              %get3A_176 = arith.constant 14 : i32
              %get3A_177 = arith.index_cast %get3A_176 : i32 to index
              %get3A_178 = arith.index_cast %mul3A_171 : i32 to index
              %get3A_179 = tpu.vector_load %arg21[%get3A_177, %get3A_178] {strides = array<i32>} : memref<16x2048xf32, #tpu.memory_space<vmem>>, vector<16xf32>,
              %add3A_180 = arith.addf %get3A_175, %get3A_179 : vector<16xf32>
              %swap3A = arith.constant 1 : i32
              %swap3A_181 = arith.index_cast %swap3A : i32 to index
              %swap3A_182 = arith.index_cast %mul3A_171 : i32 to index
              %swap3A_183 = tpu.vector_load %arg22[%swap3A_181, %swap3A_182] {strides = array<i32>} : memref<8x2048xf32, #tpu.memory_space<vmem>>, vector<16xf32>,
              tpu.vector_store %arg22[%swap3A_181, %swap3A_182], %add3A_180 {strides = array<i32>} : memref<8x2048xf32, #tpu.memory_space<vmem>>, vector<16xf32>,
            }
            %scan3A_168 = arith.constant 128 : i32
          } else {
          }
          %gt3A_158 = arith.constant 15 : i32
          %gt3A_159 = arith.cmpi sgt, %get3A_69, %gt3A_158 : i32
          %convert_element_type3A_160 = arith.extui %gt3A_159 : i1 to i32
          %cond3A_161 = arith.constant 0 : i32
          %cond3A_162 = arith.cmpi ne, %convert_element_type3A_160, %cond3A_161 : i32
          scf.if %cond3A_162 {
            %scan3A_163 = arith.constant 0 : i32
            %scan3A_164 = arith.constant 0 : i32
            %scan3A_165 = arith.constant 128 : i32
            %scan3A_166 = arith.addi %scan3A_164, %scan3A_165 : i32
            %scan3A_167 = arith.constant 1 : i32
            scf.for %scan3A_169 = %scan3A_164 to %scan3A_166 step %scan3A_167  : i32 {
              %mul3A_170 = arith.constant 16 : i32
              %mul3A_171 = arith.muli %scan3A_169, %mul3A_170 : i32
              %get3A_172 = arith.constant 1 : i32
              %get3A_173 = arith.index_cast %get3A_172 : i32 to index
              %get3A_174 = arith.index_cast %mul3A_171 : i32 to index
              %get3A_175 = tpu.vector_load %arg22[%get3A_173, %get3A_174] {strides = array<i32>} : memref<8x2048xf32, #tpu.memory_space<vmem>>, vector<16xf32>,
              %get3A_176 = arith.constant 15 : i32
              %get3A_177 = arith.index_cast %get3A_176 : i32 to index
              %get3A_178 = arith.index_cast %mul3A_171 : i32 to index
              %get3A_179 = tpu.vector_load %arg21[%get3A_177, %get3A_178] {strides = array<i32>} : memref<16x2048xf32, #tpu.memory_space<vmem>>, vector<16xf32>,
              %add3A_180 = arith.addf %get3A_175, %get3A_179 : vector<16xf32>
              %swap3A = arith.constant 1 : i32
              %swap3A_181 = arith.index_cast %swap3A : i32 to index
              %swap3A_182 = arith.index_cast %mul3A_171 : i32 to index
              %swap3A_183 = tpu.vector_load %arg22[%swap3A_181, %swap3A_182] {strides = array<i32>} : memref<8x2048xf32, #tpu.memory_space<vmem>>, vector<16xf32>,
              tpu.vector_store %arg22[%swap3A_181, %swap3A_182], %add3A_180 {strides = array<i32>} : memref<8x2048xf32, #tpu.memory_space<vmem>>, vector<16xf32>,
            }
            %scan3A_168 = arith.constant 128 : i32
          } else {
          }
        } else {
        }
      }
      %scan3A_65 = arith.constant 10 : i32
    } else {
    }
    %gt3A_30 = arith.constant 0 : i32
    %gt3A_31 = arith.cmpi sgt, %scan3A_13, %gt3A_30 : i32
    %convert_element_type3A_32 = arith.extui %gt3A_31 : i1 to i32
    %cond3A_33 = arith.constant 0 : i32
    %cond3A_34 = arith.cmpi ne, %convert_element_type3A_32, %cond3A_33 : i32
    scf.if %cond3A_34 {
      %scan3A_60 = arith.constant 0 : i32
      %scan3A_61 = arith.constant 0 : i32
      %scan3A_62 = arith.constant 10 : i32
      %scan3A_63 = arith.addi %scan3A_61, %scan3A_62 : i32
      %scan3A_64 = arith.constant 1 : i32
      scf.for %scan3A_66 = %scan3A_61 to %scan3A_63 step %scan3A_64  : i32 {
        %get3A = arith.constant 2 : i32
        %get3A_67 = arith.index_cast %get3A : i32 to index
        %get3A_68 = arith.index_cast %scan3A_66 : i32 to index
        %get3A_69 = memref.load %arg23[%get3A_67, %get3A_68] : memref<8x10xi32, #tpu.memory_space<smem>>
        %gt3A_70 = arith.constant 0 : i32
        %gt3A_71 = arith.cmpi sgt, %get3A_69, %gt3A_70 : i32
        %convert_element_type3A_72 = arith.extui %gt3A_71 : i1 to i32
        %cond3A_73 = arith.constant 0 : i32
        %cond3A_74 = arith.cmpi ne, %convert_element_type3A_72, %cond3A_73 : i32
        scf.if %cond3A_74 {
          %mul3A_75 = arith.constant 16 : i32
          %mul3A_76 = arith.muli %scan3A_66, %mul3A_75 : i32
          %dma_start3A = tpu.memref_slice %arg15[%mul3A_76] : memref<160xi32, #tpu.memory_space<vmem>> -> memref<16xi32, #tpu.memory_space<vmem>>
          %dma_start3A_77 = arith.constant 0 : i32
          %dma_start3A_78 = arith.constant 0 : i32
          %dma_start3A_79 = tpu.memref_slice %arg5[%dma_start3A_77, %dma_start3A_78] : memref<5000x2048xf32, #tpu.memory_space<hbm>> -> memref<5000x2048xf32, #tpu.memory_space<hbm>>
          tpu.enqueue_indirect_dma source(%dma_start3A_79 : memref<5000x2048xf32, #tpu.memory_space<hbm>>) target(%arg21 : memref<16x2048xf32, #tpu.memory_space<vmem>>) offsets(%dma_start3A : memref<16xi32, #tpu.memory_space<vmem>>) semaphore(%arg24 : memref<!tpu.dma_semaphore, #tpu.memory_space<semaphore_mem>>)
          %dma_wait3A = tpu.memref_slice %arg15[%mul3A_76] : memref<160xi32, #tpu.memory_space<vmem>> -> memref<16xi32, #tpu.memory_space<vmem>>
          %dma_wait3A_80 = arith.constant 0 : i32
          %dma_wait3A_81 = arith.constant 0 : i32
          %dma_wait3A_82 = tpu.memref_slice %arg5[%dma_wait3A_80, %dma_wait3A_81] : memref<5000x2048xf32, #tpu.memory_space<hbm>> -> memref<5000x2048xf32, #tpu.memory_space<hbm>>
          tpu.wait_indirect_dma semaphore(%arg24 : memref<!tpu.dma_semaphore, #tpu.memory_space<semaphore_mem>>) src(%dma_wait3A_82 : memref<5000x2048xf32, #tpu.memory_space<hbm>>) dst(%arg21 : memref<16x2048xf32, #tpu.memory_space<vmem>>)
          %gt3A_83 = arith.constant 0 : i32
          %gt3A_84 = arith.cmpi sgt, %get3A_69, %gt3A_83 : i32
          %convert_element_type3A_85 = arith.extui %gt3A_84 : i1 to i32
          %cond3A_86 = arith.constant 0 : i32
          %cond3A_87 = arith.cmpi ne, %convert_element_type3A_85, %cond3A_86 : i32
          scf.if %cond3A_87 {
            %scan3A_163 = arith.constant 0 : i32
            %scan3A_164 = arith.constant 0 : i32
            %scan3A_165 = arith.constant 128 : i32
            %scan3A_166 = arith.addi %scan3A_164, %scan3A_165 : i32
            %scan3A_167 = arith.constant 1 : i32
            scf.for %scan3A_169 = %scan3A_164 to %scan3A_166 step %scan3A_167  : i32 {
              %mul3A_170 = arith.constant 16 : i32
              %mul3A_171 = arith.muli %scan3A_169, %mul3A_170 : i32
              %get3A_172 = arith.constant 2 : i32
              %get3A_173 = arith.index_cast %get3A_172 : i32 to index
              %get3A_174 = arith.index_cast %mul3A_171 : i32 to index
              %get3A_175 = tpu.vector_load %arg22[%get3A_173, %get3A_174] {strides = array<i32>} : memref<8x2048xf32, #tpu.memory_space<vmem>>, vector<16xf32>,
              %get3A_176 = arith.constant 0 : i32
              %get3A_177 = arith.index_cast %get3A_176 : i32 to index
              %get3A_178 = arith.index_cast %mul3A_171 : i32 to index
              %get3A_179 = tpu.vector_load %arg21[%get3A_177, %get3A_178] {strides = array<i32>} : memref<16x2048xf32, #tpu.memory_space<vmem>>, vector<16xf32>,
              %add3A_180 = arith.addf %get3A_175, %get3A_179 : vector<16xf32>
              %swap3A = arith.constant 2 : i32
              %swap3A_181 = arith.index_cast %swap3A : i32 to index
              %swap3A_182 = arith.index_cast %mul3A_171 : i32 to index
              %swap3A_183 = tpu.vector_load %arg22[%swap3A_181, %swap3A_182] {strides = array<i32>} : memref<8x2048xf32, #tpu.memory_space<vmem>>, vector<16xf32>,
              tpu.vector_store %arg22[%swap3A_181, %swap3A_182], %add3A_180 {strides = array<i32>} : memref<8x2048xf32, #tpu.memory_space<vmem>>, vector<16xf32>,
            }
            %scan3A_168 = arith.constant 128 : i32
          } else {
          }
          %gt3A_88 = arith.constant 1 : i32
          %gt3A_89 = arith.cmpi sgt, %get3A_69, %gt3A_88 : i32
          %convert_element_type3A_90 = arith.extui %gt3A_89 : i1 to i32
          %cond3A_91 = arith.constant 0 : i32
          %cond3A_92 = arith.cmpi ne, %convert_element_type3A_90, %cond3A_91 : i32
          scf.if %cond3A_92 {
            %scan3A_163 = arith.constant 0 : i32
            %scan3A_164 = arith.constant 0 : i32
            %scan3A_165 = arith.constant 128 : i32
            %scan3A_166 = arith.addi %scan3A_164, %scan3A_165 : i32
            %scan3A_167 = arith.constant 1 : i32
            scf.for %scan3A_169 = %scan3A_164 to %scan3A_166 step %scan3A_167  : i32 {
              %mul3A_170 = arith.constant 16 : i32
              %mul3A_171 = arith.muli %scan3A_169, %mul3A_170 : i32
              %get3A_172 = arith.constant 2 : i32
              %get3A_173 = arith.index_cast %get3A_172 : i32 to index
              %get3A_174 = arith.index_cast %mul3A_171 : i32 to index
              %get3A_175 = tpu.vector_load %arg22[%get3A_173, %get3A_174] {strides = array<i32>} : memref<8x2048xf32, #tpu.memory_space<vmem>>, vector<16xf32>,
              %get3A_176 = arith.constant 1 : i32
              %get3A_177 = arith.index_cast %get3A_176 : i32 to index
              %get3A_178 = arith.index_cast %mul3A_171 : i32 to index
              %get3A_179 = tpu.vector_load %arg21[%get3A_177, %get3A_178] {strides = array<i32>} : memref<16x2048xf32, #tpu.memory_space<vmem>>, vector<16xf32>,
              %add3A_180 = arith.addf %get3A_175, %get3A_179 : vector<16xf32>
              %swap3A = arith.constant 2 : i32
              %swap3A_181 = arith.index_cast %swap3A : i32 to index
              %swap3A_182 = arith.index_cast %mul3A_171 : i32 to index
              %swap3A_183 = tpu.vector_load %arg22[%swap3A_181, %swap3A_182] {strides = array<i32>} : memref<8x2048xf32, #tpu.memory_space<vmem>>, vector<16xf32>,
              tpu.vector_store %arg22[%swap3A_181, %swap3A_182], %add3A_180 {strides = array<i32>} : memref<8x2048xf32, #tpu.memory_space<vmem>>, vector<16xf32>,
            }
            %scan3A_168 = arith.constant 128 : i32
          } else {
          }
          %gt3A_93 = arith.constant 2 : i32
          %gt3A_94 = arith.cmpi sgt, %get3A_69, %gt3A_93 : i32
          %convert_element_type3A_95 = arith.extui %gt3A_94 : i1 to i32
          %cond3A_96 = arith.constant 0 : i32
          %cond3A_97 = arith.cmpi ne, %convert_element_type3A_95, %cond3A_96 : i32
          scf.if %cond3A_97 {
            %scan3A_163 = arith.constant 0 : i32
            %scan3A_164 = arith.constant 0 : i32
            %scan3A_165 = arith.constant 128 : i32
            %scan3A_166 = arith.addi %scan3A_164, %scan3A_165 : i32
            %scan3A_167 = arith.constant 1 : i32
            scf.for %scan3A_169 = %scan3A_164 to %scan3A_166 step %scan3A_167  : i32 {
              %mul3A_170 = arith.constant 16 : i32
              %mul3A_171 = arith.muli %scan3A_169, %mul3A_170 : i32
              %get3A_172 = arith.constant 2 : i32
              %get3A_173 = arith.index_cast %get3A_172 : i32 to index
              %get3A_174 = arith.index_cast %mul3A_171 : i32 to index
              %get3A_175 = tpu.vector_load %arg22[%get3A_173, %get3A_174] {strides = array<i32>} : memref<8x2048xf32, #tpu.memory_space<vmem>>, vector<16xf32>,
              %get3A_176 = arith.constant 2 : i32
              %get3A_177 = arith.index_cast %get3A_176 : i32 to index
              %get3A_178 = arith.index_cast %mul3A_171 : i32 to index
              %get3A_179 = tpu.vector_load %arg21[%get3A_177, %get3A_178] {strides = array<i32>} : memref<16x2048xf32, #tpu.memory_space<vmem>>, vector<16xf32>,
              %add3A_180 = arith.addf %get3A_175, %get3A_179 : vector<16xf32>
              %swap3A = arith.constant 2 : i32
              %swap3A_181 = arith.index_cast %swap3A : i32 to index
              %swap3A_182 = arith.index_cast %mul3A_171 : i32 to index
              %swap3A_183 = tpu.vector_load %arg22[%swap3A_181, %swap3A_182] {strides = array<i32>} : memref<8x2048xf32, #tpu.memory_space<vmem>>, vector<16xf32>,
              tpu.vector_store %arg22[%swap3A_181, %swap3A_182], %add3A_180 {strides = array<i32>} : memref<8x2048xf32, #tpu.memory_space<vmem>>, vector<16xf32>,
            }
            %scan3A_168 = arith.constant 128 : i32
          } else {
          }
          %gt3A_98 = arith.constant 3 : i32
          %gt3A_99 = arith.cmpi sgt, %get3A_69, %gt3A_98 : i32
          %convert_element_type3A_100 = arith.extui %gt3A_99 : i1 to i32
          %cond3A_101 = arith.constant 0 : i32
          %cond3A_102 = arith.cmpi ne, %convert_element_type3A_100, %cond3A_101 : i32
          scf.if %cond3A_102 {
            %scan3A_163 = arith.constant 0 : i32
            %scan3A_164 = arith.constant 0 : i32
            %scan3A_165 = arith.constant 128 : i32
            %scan3A_166 = arith.addi %scan3A_164, %scan3A_165 : i32
            %scan3A_167 = arith.constant 1 : i32
            scf.for %scan3A_169 = %scan3A_164 to %scan3A_166 step %scan3A_167  : i32 {
              %mul3A_170 = arith.constant 16 : i32
              %mul3A_171 = arith.muli %scan3A_169, %mul3A_170 : i32
              %get3A_172 = arith.constant 2 : i32
              %get3A_173 = arith.index_cast %get3A_172 : i32 to index
              %get3A_174 = arith.index_cast %mul3A_171 : i32 to index
              %get3A_175 = tpu.vector_load %arg22[%get3A_173, %get3A_174] {strides = array<i32>} : memref<8x2048xf32, #tpu.memory_space<vmem>>, vector<16xf32>,
              %get3A_176 = arith.constant 3 : i32
              %get3A_177 = arith.index_cast %get3A_176 : i32 to index
              %get3A_178 = arith.index_cast %mul3A_171 : i32 to index
              %get3A_179 = tpu.vector_load %arg21[%get3A_177, %get3A_178] {strides = array<i32>} : memref<16x2048xf32, #tpu.memory_space<vmem>>, vector<16xf32>,
              %add3A_180 = arith.addf %get3A_175, %get3A_179 : vector<16xf32>
              %swap3A = arith.constant 2 : i32
              %swap3A_181 = arith.index_cast %swap3A : i32 to index
              %swap3A_182 = arith.index_cast %mul3A_171 : i32 to index
              %swap3A_183 = tpu.vector_load %arg22[%swap3A_181, %swap3A_182] {strides = array<i32>} : memref<8x2048xf32, #tpu.memory_space<vmem>>, vector<16xf32>,
              tpu.vector_store %arg22[%swap3A_181, %swap3A_182], %add3A_180 {strides = array<i32>} : memref<8x2048xf32, #tpu.memory_space<vmem>>, vector<16xf32>,
            }
            %scan3A_168 = arith.constant 128 : i32
          } else {
          }
          %gt3A_103 = arith.constant 4 : i32
          %gt3A_104 = arith.cmpi sgt, %get3A_69, %gt3A_103 : i32
          %convert_element_type3A_105 = arith.extui %gt3A_104 : i1 to i32
          %cond3A_106 = arith.constant 0 : i32
          %cond3A_107 = arith.cmpi ne, %convert_element_type3A_105, %cond3A_106 : i32
          scf.if %cond3A_107 {
            %scan3A_163 = arith.constant 0 : i32
            %scan3A_164 = arith.constant 0 : i32
            %scan3A_165 = arith.constant 128 : i32
            %scan3A_166 = arith.addi %scan3A_164, %scan3A_165 : i32
            %scan3A_167 = arith.constant 1 : i32
            scf.for %scan3A_169 = %scan3A_164 to %scan3A_166 step %scan3A_167  : i32 {
              %mul3A_170 = arith.constant 16 : i32
              %mul3A_171 = arith.muli %scan3A_169, %mul3A_170 : i32
              %get3A_172 = arith.constant 2 : i32
              %get3A_173 = arith.index_cast %get3A_172 : i32 to index
              %get3A_174 = arith.index_cast %mul3A_171 : i32 to index
              %get3A_175 = tpu.vector_load %arg22[%get3A_173, %get3A_174] {strides = array<i32>} : memref<8x2048xf32, #tpu.memory_space<vmem>>, vector<16xf32>,
              %get3A_176 = arith.constant 4 : i32
              %get3A_177 = arith.index_cast %get3A_176 : i32 to index
              %get3A_178 = arith.index_cast %mul3A_171 : i32 to index
              %get3A_179 = tpu.vector_load %arg21[%get3A_177, %get3A_178] {strides = array<i32>} : memref<16x2048xf32, #tpu.memory_space<vmem>>, vector<16xf32>,
              %add3A_180 = arith.addf %get3A_175, %get3A_179 : vector<16xf32>
              %swap3A = arith.constant 2 : i32
              %swap3A_181 = arith.index_cast %swap3A : i32 to index
              %swap3A_182 = arith.index_cast %mul3A_171 : i32 to index
              %swap3A_183 = tpu.vector_load %arg22[%swap3A_181, %swap3A_182] {strides = array<i32>} : memref<8x2048xf32, #tpu.memory_space<vmem>>, vector<16xf32>,
              tpu.vector_store %arg22[%swap3A_181, %swap3A_182], %add3A_180 {strides = array<i32>} : memref<8x2048xf32, #tpu.memory_space<vmem>>, vector<16xf32>,
            }
            %scan3A_168 = arith.constant 128 : i32
          } else {
          }
          %gt3A_108 = arith.constant 5 : i32
          %gt3A_109 = arith.cmpi sgt, %get3A_69, %gt3A_108 : i32
          %convert_element_type3A_110 = arith.extui %gt3A_109 : i1 to i32
          %cond3A_111 = arith.constant 0 : i32
          %cond3A_112 = arith.cmpi ne, %convert_element_type3A_110, %cond3A_111 : i32
          scf.if %cond3A_112 {
            %scan3A_163 = arith.constant 0 : i32
            %scan3A_164 = arith.constant 0 : i32
            %scan3A_165 = arith.constant 128 : i32
            %scan3A_166 = arith.addi %scan3A_164, %scan3A_165 : i32
            %scan3A_167 = arith.constant 1 : i32
            scf.for %scan3A_169 = %scan3A_164 to %scan3A_166 step %scan3A_167  : i32 {
              %mul3A_170 = arith.constant 16 : i32
              %mul3A_171 = arith.muli %scan3A_169, %mul3A_170 : i32
              %get3A_172 = arith.constant 2 : i32
              %get3A_173 = arith.index_cast %get3A_172 : i32 to index
              %get3A_174 = arith.index_cast %mul3A_171 : i32 to index
              %get3A_175 = tpu.vector_load %arg22[%get3A_173, %get3A_174] {strides = array<i32>} : memref<8x2048xf32, #tpu.memory_space<vmem>>, vector<16xf32>,
              %get3A_176 = arith.constant 5 : i32
              %get3A_177 = arith.index_cast %get3A_176 : i32 to index
              %get3A_178 = arith.index_cast %mul3A_171 : i32 to index
              %get3A_179 = tpu.vector_load %arg21[%get3A_177, %get3A_178] {strides = array<i32>} : memref<16x2048xf32, #tpu.memory_space<vmem>>, vector<16xf32>,
              %add3A_180 = arith.addf %get3A_175, %get3A_179 : vector<16xf32>
              %swap3A = arith.constant 2 : i32
              %swap3A_181 = arith.index_cast %swap3A : i32 to index
              %swap3A_182 = arith.index_cast %mul3A_171 : i32 to index
              %swap3A_183 = tpu.vector_load %arg22[%swap3A_181, %swap3A_182] {strides = array<i32>} : memref<8x2048xf32, #tpu.memory_space<vmem>>, vector<16xf32>,
              tpu.vector_store %arg22[%swap3A_181, %swap3A_182], %add3A_180 {strides = array<i32>} : memref<8x2048xf32, #tpu.memory_space<vmem>>, vector<16xf32>,
            }
            %scan3A_168 = arith.constant 128 : i32
          } else {
          }
          %gt3A_113 = arith.constant 6 : i32
          %gt3A_114 = arith.cmpi sgt, %get3A_69, %gt3A_113 : i32
          %convert_element_type3A_115 = arith.extui %gt3A_114 : i1 to i32
          %cond3A_116 = arith.constant 0 : i32
          %cond3A_117 = arith.cmpi ne, %convert_element_type3A_115, %cond3A_116 : i32
          scf.if %cond3A_117 {
            %scan3A_163 = arith.constant 0 : i32
            %scan3A_164 = arith.constant 0 : i32
            %scan3A_165 = arith.constant 128 : i32
            %scan3A_166 = arith.addi %scan3A_164, %scan3A_165 : i32
            %scan3A_167 = arith.constant 1 : i32
            scf.for %scan3A_169 = %scan3A_164 to %scan3A_166 step %scan3A_167  : i32 {
              %mul3A_170 = arith.constant 16 : i32
              %mul3A_171 = arith.muli %scan3A_169, %mul3A_170 : i32
              %get3A_172 = arith.constant 2 : i32
              %get3A_173 = arith.index_cast %get3A_172 : i32 to index
              %get3A_174 = arith.index_cast %mul3A_171 : i32 to index
              %get3A_175 = tpu.vector_load %arg22[%get3A_173, %get3A_174] {strides = array<i32>} : memref<8x2048xf32, #tpu.memory_space<vmem>>, vector<16xf32>,
              %get3A_176 = arith.constant 6 : i32
              %get3A_177 = arith.index_cast %get3A_176 : i32 to index
              %get3A_178 = arith.index_cast %mul3A_171 : i32 to index
              %get3A_179 = tpu.vector_load %arg21[%get3A_177, %get3A_178] {strides = array<i32>} : memref<16x2048xf32, #tpu.memory_space<vmem>>, vector<16xf32>,
              %add3A_180 = arith.addf %get3A_175, %get3A_179 : vector<16xf32>
              %swap3A = arith.constant 2 : i32
              %swap3A_181 = arith.index_cast %swap3A : i32 to index
              %swap3A_182 = arith.index_cast %mul3A_171 : i32 to index
              %swap3A_183 = tpu.vector_load %arg22[%swap3A_181, %swap3A_182] {strides = array<i32>} : memref<8x2048xf32, #tpu.memory_space<vmem>>, vector<16xf32>,
              tpu.vector_store %arg22[%swap3A_181, %swap3A_182], %add3A_180 {strides = array<i32>} : memref<8x2048xf32, #tpu.memory_space<vmem>>, vector<16xf32>,
            }
            %scan3A_168 = arith.constant 128 : i32
          } else {
          }
          %gt3A_118 = arith.constant 7 : i32
          %gt3A_119 = arith.cmpi sgt, %get3A_69, %gt3A_118 : i32
          %convert_element_type3A_120 = arith.extui %gt3A_119 : i1 to i32
          %cond3A_121 = arith.constant 0 : i32
          %cond3A_122 = arith.cmpi ne, %convert_element_type3A_120, %cond3A_121 : i32
          scf.if %cond3A_122 {
            %scan3A_163 = arith.constant 0 : i32
            %scan3A_164 = arith.constant 0 : i32
            %scan3A_165 = arith.constant 128 : i32
            %scan3A_166 = arith.addi %scan3A_164, %scan3A_165 : i32
            %scan3A_167 = arith.constant 1 : i32
            scf.for %scan3A_169 = %scan3A_164 to %scan3A_166 step %scan3A_167  : i32 {
              %mul3A_170 = arith.constant 16 : i32
              %mul3A_171 = arith.muli %scan3A_169, %mul3A_170 : i32
              %get3A_172 = arith.constant 2 : i32
              %get3A_173 = arith.index_cast %get3A_172 : i32 to index
              %get3A_174 = arith.index_cast %mul3A_171 : i32 to index
              %get3A_175 = tpu.vector_load %arg22[%get3A_173, %get3A_174] {strides = array<i32>} : memref<8x2048xf32, #tpu.memory_space<vmem>>, vector<16xf32>,
              %get3A_176 = arith.constant 7 : i32
              %get3A_177 = arith.index_cast %get3A_176 : i32 to index
              %get3A_178 = arith.index_cast %mul3A_171 : i32 to index
              %get3A_179 = tpu.vector_load %arg21[%get3A_177, %get3A_178] {strides = array<i32>} : memref<16x2048xf32, #tpu.memory_space<vmem>>, vector<16xf32>,
              %add3A_180 = arith.addf %get3A_175, %get3A_179 : vector<16xf32>
              %swap3A = arith.constant 2 : i32
              %swap3A_181 = arith.index_cast %swap3A : i32 to index
              %swap3A_182 = arith.index_cast %mul3A_171 : i32 to index
              %swap3A_183 = tpu.vector_load %arg22[%swap3A_181, %swap3A_182] {strides = array<i32>} : memref<8x2048xf32, #tpu.memory_space<vmem>>, vector<16xf32>,
              tpu.vector_store %arg22[%swap3A_181, %swap3A_182], %add3A_180 {strides = array<i32>} : memref<8x2048xf32, #tpu.memory_space<vmem>>, vector<16xf32>,
            }
            %scan3A_168 = arith.constant 128 : i32
          } else {
          }
          %gt3A_123 = arith.constant 8 : i32
          %gt3A_124 = arith.cmpi sgt, %get3A_69, %gt3A_123 : i32
          %convert_element_type3A_125 = arith.extui %gt3A_124 : i1 to i32
          %cond3A_126 = arith.constant 0 : i32
          %cond3A_127 = arith.cmpi ne, %convert_element_type3A_125, %cond3A_126 : i32
          scf.if %cond3A_127 {
            %scan3A_163 = arith.constant 0 : i32
            %scan3A_164 = arith.constant 0 : i32
            %scan3A_165 = arith.constant 128 : i32
            %scan3A_166 = arith.addi %scan3A_164, %scan3A_165 : i32
            %scan3A_167 = arith.constant 1 : i32
            scf.for %scan3A_169 = %scan3A_164 to %scan3A_166 step %scan3A_167  : i32 {
              %mul3A_170 = arith.constant 16 : i32
              %mul3A_171 = arith.muli %scan3A_169, %mul3A_170 : i32
              %get3A_172 = arith.constant 2 : i32
              %get3A_173 = arith.index_cast %get3A_172 : i32 to index
              %get3A_174 = arith.index_cast %mul3A_171 : i32 to index
              %get3A_175 = tpu.vector_load %arg22[%get3A_173, %get3A_174] {strides = array<i32>} : memref<8x2048xf32, #tpu.memory_space<vmem>>, vector<16xf32>,
              %get3A_176 = arith.constant 8 : i32
              %get3A_177 = arith.index_cast %get3A_176 : i32 to index
              %get3A_178 = arith.index_cast %mul3A_171 : i32 to index
              %get3A_179 = tpu.vector_load %arg21[%get3A_177, %get3A_178] {strides = array<i32>} : memref<16x2048xf32, #tpu.memory_space<vmem>>, vector<16xf32>,
              %add3A_180 = arith.addf %get3A_175, %get3A_179 : vector<16xf32>
              %swap3A = arith.constant 2 : i32
              %swap3A_181 = arith.index_cast %swap3A : i32 to index
              %swap3A_182 = arith.index_cast %mul3A_171 : i32 to index
              %swap3A_183 = tpu.vector_load %arg22[%swap3A_181, %swap3A_182] {strides = array<i32>} : memref<8x2048xf32, #tpu.memory_space<vmem>>, vector<16xf32>,
              tpu.vector_store %arg22[%swap3A_181, %swap3A_182], %add3A_180 {strides = array<i32>} : memref<8x2048xf32, #tpu.memory_space<vmem>>, vector<16xf32>,
            }
            %scan3A_168 = arith.constant 128 : i32
          } else {
          }
          %gt3A_128 = arith.constant 9 : i32
          %gt3A_129 = arith.cmpi sgt, %get3A_69, %gt3A_128 : i32
          %convert_element_type3A_130 = arith.extui %gt3A_129 : i1 to i32
          %cond3A_131 = arith.constant 0 : i32
          %cond3A_132 = arith.cmpi ne, %convert_element_type3A_130, %cond3A_131 : i32
          scf.if %cond3A_132 {
            %scan3A_163 = arith.constant 0 : i32
            %scan3A_164 = arith.constant 0 : i32
            %scan3A_165 = arith.constant 128 : i32
            %scan3A_166 = arith.addi %scan3A_164, %scan3A_165 : i32
            %scan3A_167 = arith.constant 1 : i32
            scf.for %scan3A_169 = %scan3A_164 to %scan3A_166 step %scan3A_167  : i32 {
              %mul3A_170 = arith.constant 16 : i32
              %mul3A_171 = arith.muli %scan3A_169, %mul3A_170 : i32
              %get3A_172 = arith.constant 2 : i32
              %get3A_173 = arith.index_cast %get3A_172 : i32 to index
              %get3A_174 = arith.index_cast %mul3A_171 : i32 to index
              %get3A_175 = tpu.vector_load %arg22[%get3A_173, %get3A_174] {strides = array<i32>} : memref<8x2048xf32, #tpu.memory_space<vmem>>, vector<16xf32>,
              %get3A_176 = arith.constant 9 : i32
              %get3A_177 = arith.index_cast %get3A_176 : i32 to index
              %get3A_178 = arith.index_cast %mul3A_171 : i32 to index
              %get3A_179 = tpu.vector_load %arg21[%get3A_177, %get3A_178] {strides = array<i32>} : memref<16x2048xf32, #tpu.memory_space<vmem>>, vector<16xf32>,
              %add3A_180 = arith.addf %get3A_175, %get3A_179 : vector<16xf32>
              %swap3A = arith.constant 2 : i32
              %swap3A_181 = arith.index_cast %swap3A : i32 to index
              %swap3A_182 = arith.index_cast %mul3A_171 : i32 to index
              %swap3A_183 = tpu.vector_load %arg22[%swap3A_181, %swap3A_182] {strides = array<i32>} : memref<8x2048xf32, #tpu.memory_space<vmem>>, vector<16xf32>,
              tpu.vector_store %arg22[%swap3A_181, %swap3A_182], %add3A_180 {strides = array<i32>} : memref<8x2048xf32, #tpu.memory_space<vmem>>, vector<16xf32>,
            }
            %scan3A_168 = arith.constant 128 : i32
          } else {
          }
          %gt3A_133 = arith.constant 10 : i32
          %gt3A_134 = arith.cmpi sgt, %get3A_69, %gt3A_133 : i32
          %convert_element_type3A_135 = arith.extui %gt3A_134 : i1 to i32
          %cond3A_136 = arith.constant 0 : i32
          %cond3A_137 = arith.cmpi ne, %convert_element_type3A_135, %cond3A_136 : i32
          scf.if %cond3A_137 {
            %scan3A_163 = arith.constant 0 : i32
            %scan3A_164 = arith.constant 0 : i32
            %scan3A_165 = arith.constant 128 : i32
            %scan3A_166 = arith.addi %scan3A_164, %scan3A_165 : i32
            %scan3A_167 = arith.constant 1 : i32
            scf.for %scan3A_169 = %scan3A_164 to %scan3A_166 step %scan3A_167  : i32 {
              %mul3A_170 = arith.constant 16 : i32
              %mul3A_171 = arith.muli %scan3A_169, %mul3A_170 : i32
              %get3A_172 = arith.constant 2 : i32
              %get3A_173 = arith.index_cast %get3A_172 : i32 to index
              %get3A_174 = arith.index_cast %mul3A_171 : i32 to index
              %get3A_175 = tpu.vector_load %arg22[%get3A_173, %get3A_174] {strides = array<i32>} : memref<8x2048xf32, #tpu.memory_space<vmem>>, vector<16xf32>,
              %get3A_176 = arith.constant 10 : i32
              %get3A_177 = arith.index_cast %get3A_176 : i32 to index
              %get3A_178 = arith.index_cast %mul3A_171 : i32 to index
              %get3A_179 = tpu.vector_load %arg21[%get3A_177, %get3A_178] {strides = array<i32>} : memref<16x2048xf32, #tpu.memory_space<vmem>>, vector<16xf32>,
              %add3A_180 = arith.addf %get3A_175, %get3A_179 : vector<16xf32>
              %swap3A = arith.constant 2 : i32
              %swap3A_181 = arith.index_cast %swap3A : i32 to index
              %swap3A_182 = arith.index_cast %mul3A_171 : i32 to index
              %swap3A_183 = tpu.vector_load %arg22[%swap3A_181, %swap3A_182] {strides = array<i32>} : memref<8x2048xf32, #tpu.memory_space<vmem>>, vector<16xf32>,
              tpu.vector_store %arg22[%swap3A_181, %swap3A_182], %add3A_180 {strides = array<i32>} : memref<8x2048xf32, #tpu.memory_space<vmem>>, vector<16xf32>,
            }
            %scan3A_168 = arith.constant 128 : i32
          } else {
          }
          %gt3A_138 = arith.constant 11 : i32
          %gt3A_139 = arith.cmpi sgt, %get3A_69, %gt3A_138 : i32
          %convert_element_type3A_140 = arith.extui %gt3A_139 : i1 to i32
          %cond3A_141 = arith.constant 0 : i32
          %cond3A_142 = arith.cmpi ne, %convert_element_type3A_140, %cond3A_141 : i32
          scf.if %cond3A_142 {
            %scan3A_163 = arith.constant 0 : i32
            %scan3A_164 = arith.constant 0 : i32
            %scan3A_165 = arith.constant 128 : i32
            %scan3A_166 = arith.addi %scan3A_164, %scan3A_165 : i32
            %scan3A_167 = arith.constant 1 : i32
            scf.for %scan3A_169 = %scan3A_164 to %scan3A_166 step %scan3A_167  : i32 {
              %mul3A_170 = arith.constant 16 : i32
              %mul3A_171 = arith.muli %scan3A_169, %mul3A_170 : i32
              %get3A_172 = arith.constant 2 : i32
              %get3A_173 = arith.index_cast %get3A_172 : i32 to index
              %get3A_174 = arith.index_cast %mul3A_171 : i32 to index
              %get3A_175 = tpu.vector_load %arg22[%get3A_173, %get3A_174] {strides = array<i32>} : memref<8x2048xf32, #tpu.memory_space<vmem>>, vector<16xf32>,
              %get3A_176 = arith.constant 11 : i32
              %get3A_177 = arith.index_cast %get3A_176 : i32 to index
              %get3A_178 = arith.index_cast %mul3A_171 : i32 to index
              %get3A_179 = tpu.vector_load %arg21[%get3A_177, %get3A_178] {strides = array<i32>} : memref<16x2048xf32, #tpu.memory_space<vmem>>, vector<16xf32>,
              %add3A_180 = arith.addf %get3A_175, %get3A_179 : vector<16xf32>
              %swap3A = arith.constant 2 : i32
              %swap3A_181 = arith.index_cast %swap3A : i32 to index
              %swap3A_182 = arith.index_cast %mul3A_171 : i32 to index
              %swap3A_183 = tpu.vector_load %arg22[%swap3A_181, %swap3A_182] {strides = array<i32>} : memref<8x2048xf32, #tpu.memory_space<vmem>>, vector<16xf32>,
              tpu.vector_store %arg22[%swap3A_181, %swap3A_182], %add3A_180 {strides = array<i32>} : memref<8x2048xf32, #tpu.memory_space<vmem>>, vector<16xf32>,
            }
            %scan3A_168 = arith.constant 128 : i32
          } else {
          }
          %gt3A_143 = arith.constant 12 : i32
          %gt3A_144 = arith.cmpi sgt, %get3A_69, %gt3A_143 : i32
          %convert_element_type3A_145 = arith.extui %gt3A_144 : i1 to i32
          %cond3A_146 = arith.constant 0 : i32
          %cond3A_147 = arith.cmpi ne, %convert_element_type3A_145, %cond3A_146 : i32
          scf.if %cond3A_147 {
            %scan3A_163 = arith.constant 0 : i32
            %scan3A_164 = arith.constant 0 : i32
            %scan3A_165 = arith.constant 128 : i32
            %scan3A_166 = arith.addi %scan3A_164, %scan3A_165 : i32
            %scan3A_167 = arith.constant 1 : i32
            scf.for %scan3A_169 = %scan3A_164 to %scan3A_166 step %scan3A_167  : i32 {
              %mul3A_170 = arith.constant 16 : i32
              %mul3A_171 = arith.muli %scan3A_169, %mul3A_170 : i32
              %get3A_172 = arith.constant 2 : i32
              %get3A_173 = arith.index_cast %get3A_172 : i32 to index
              %get3A_174 = arith.index_cast %mul3A_171 : i32 to index
              %get3A_175 = tpu.vector_load %arg22[%get3A_173, %get3A_174] {strides = array<i32>} : memref<8x2048xf32, #tpu.memory_space<vmem>>, vector<16xf32>,
              %get3A_176 = arith.constant 12 : i32
              %get3A_177 = arith.index_cast %get3A_176 : i32 to index
              %get3A_178 = arith.index_cast %mul3A_171 : i32 to index
              %get3A_179 = tpu.vector_load %arg21[%get3A_177, %get3A_178] {strides = array<i32>} : memref<16x2048xf32, #tpu.memory_space<vmem>>, vector<16xf32>,
              %add3A_180 = arith.addf %get3A_175, %get3A_179 : vector<16xf32>
              %swap3A = arith.constant 2 : i32
              %swap3A_181 = arith.index_cast %swap3A : i32 to index
              %swap3A_182 = arith.index_cast %mul3A_171 : i32 to index
              %swap3A_183 = tpu.vector_load %arg22[%swap3A_181, %swap3A_182] {strides = array<i32>} : memref<8x2048xf32, #tpu.memory_space<vmem>>, vector<16xf32>,
              tpu.vector_store %arg22[%swap3A_181, %swap3A_182], %add3A_180 {strides = array<i32>} : memref<8x2048xf32, #tpu.memory_space<vmem>>, vector<16xf32>,
            }
            %scan3A_168 = arith.constant 128 : i32
          } else {
          }
          %gt3A_148 = arith.constant 13 : i32
          %gt3A_149 = arith.cmpi sgt, %get3A_69, %gt3A_148 : i32
          %convert_element_type3A_150 = arith.extui %gt3A_149 : i1 to i32
          %cond3A_151 = arith.constant 0 : i32
          %cond3A_152 = arith.cmpi ne, %convert_element_type3A_150, %cond3A_151 : i32
          scf.if %cond3A_152 {
            %scan3A_163 = arith.constant 0 : i32
            %scan3A_164 = arith.constant 0 : i32
            %scan3A_165 = arith.constant 128 : i32
            %scan3A_166 = arith.addi %scan3A_164, %scan3A_165 : i32
            %scan3A_167 = arith.constant 1 : i32
            scf.for %scan3A_169 = %scan3A_164 to %scan3A_166 step %scan3A_167  : i32 {
              %mul3A_170 = arith.constant 16 : i32
              %mul3A_171 = arith.muli %scan3A_169, %mul3A_170 : i32
              %get3A_172 = arith.constant 2 : i32
              %get3A_173 = arith.index_cast %get3A_172 : i32 to index
              %get3A_174 = arith.index_cast %mul3A_171 : i32 to index
              %get3A_175 = tpu.vector_load %arg22[%get3A_173, %get3A_174] {strides = array<i32>} : memref<8x2048xf32, #tpu.memory_space<vmem>>, vector<16xf32>,
              %get3A_176 = arith.constant 13 : i32
              %get3A_177 = arith.index_cast %get3A_176 : i32 to index
              %get3A_178 = arith.index_cast %mul3A_171 : i32 to index
              %get3A_179 = tpu.vector_load %arg21[%get3A_177, %get3A_178] {strides = array<i32>} : memref<16x2048xf32, #tpu.memory_space<vmem>>, vector<16xf32>,
              %add3A_180 = arith.addf %get3A_175, %get3A_179 : vector<16xf32>
              %swap3A = arith.constant 2 : i32
              %swap3A_181 = arith.index_cast %swap3A : i32 to index
              %swap3A_182 = arith.index_cast %mul3A_171 : i32 to index
              %swap3A_183 = tpu.vector_load %arg22[%swap3A_181, %swap3A_182] {strides = array<i32>} : memref<8x2048xf32, #tpu.memory_space<vmem>>, vector<16xf32>,
              tpu.vector_store %arg22[%swap3A_181, %swap3A_182], %add3A_180 {strides = array<i32>} : memref<8x2048xf32, #tpu.memory_space<vmem>>, vector<16xf32>,
            }
            %scan3A_168 = arith.constant 128 : i32
          } else {
          }
          %gt3A_153 = arith.constant 14 : i32
          %gt3A_154 = arith.cmpi sgt, %get3A_69, %gt3A_153 : i32
          %convert_element_type3A_155 = arith.extui %gt3A_154 : i1 to i32
          %cond3A_156 = arith.constant 0 : i32
          %cond3A_157 = arith.cmpi ne, %convert_element_type3A_155, %cond3A_156 : i32
          scf.if %cond3A_157 {
            %scan3A_163 = arith.constant 0 : i32
            %scan3A_164 = arith.constant 0 : i32
            %scan3A_165 = arith.constant 128 : i32
            %scan3A_166 = arith.addi %scan3A_164, %scan3A_165 : i32
            %scan3A_167 = arith.constant 1 : i32
            scf.for %scan3A_169 = %scan3A_164 to %scan3A_166 step %scan3A_167  : i32 {
              %mul3A_170 = arith.constant 16 : i32
              %mul3A_171 = arith.muli %scan3A_169, %mul3A_170 : i32
              %get3A_172 = arith.constant 2 : i32
              %get3A_173 = arith.index_cast %get3A_172 : i32 to index
              %get3A_174 = arith.index_cast %mul3A_171 : i32 to index
              %get3A_175 = tpu.vector_load %arg22[%get3A_173, %get3A_174] {strides = array<i32>} : memref<8x2048xf32, #tpu.memory_space<vmem>>, vector<16xf32>,
              %get3A_176 = arith.constant 14 : i32
              %get3A_177 = arith.index_cast %get3A_176 : i32 to index
              %get3A_178 = arith.index_cast %mul3A_171 : i32 to index
              %get3A_179 = tpu.vector_load %arg21[%get3A_177, %get3A_178] {strides = array<i32>} : memref<16x2048xf32, #tpu.memory_space<vmem>>, vector<16xf32>,
              %add3A_180 = arith.addf %get3A_175, %get3A_179 : vector<16xf32>
              %swap3A = arith.constant 2 : i32
              %swap3A_181 = arith.index_cast %swap3A : i32 to index
              %swap3A_182 = arith.index_cast %mul3A_171 : i32 to index
              %swap3A_183 = tpu.vector_load %arg22[%swap3A_181, %swap3A_182] {strides = array<i32>} : memref<8x2048xf32, #tpu.memory_space<vmem>>, vector<16xf32>,
              tpu.vector_store %arg22[%swap3A_181, %swap3A_182], %add3A_180 {strides = array<i32>} : memref<8x2048xf32, #tpu.memory_space<vmem>>, vector<16xf32>,
            }
            %scan3A_168 = arith.constant 128 : i32
          } else {
          }
          %gt3A_158 = arith.constant 15 : i32
          %gt3A_159 = arith.cmpi sgt, %get3A_69, %gt3A_158 : i32
          %convert_element_type3A_160 = arith.extui %gt3A_159 : i1 to i32
          %cond3A_161 = arith.constant 0 : i32
          %cond3A_162 = arith.cmpi ne, %convert_element_type3A_160, %cond3A_161 : i32
          scf.if %cond3A_162 {
            %scan3A_163 = arith.constant 0 : i32
            %scan3A_164 = arith.constant 0 : i32
            %scan3A_165 = arith.constant 128 : i32
            %scan3A_166 = arith.addi %scan3A_164, %scan3A_165 : i32
            %scan3A_167 = arith.constant 1 : i32
            scf.for %scan3A_169 = %scan3A_164 to %scan3A_166 step %scan3A_167  : i32 {
              %mul3A_170 = arith.constant 16 : i32
              %mul3A_171 = arith.muli %scan3A_169, %mul3A_170 : i32
              %get3A_172 = arith.constant 2 : i32
              %get3A_173 = arith.index_cast %get3A_172 : i32 to index
              %get3A_174 = arith.index_cast %mul3A_171 : i32 to index
              %get3A_175 = tpu.vector_load %arg22[%get3A_173, %get3A_174] {strides = array<i32>} : memref<8x2048xf32, #tpu.memory_space<vmem>>, vector<16xf32>,
              %get3A_176 = arith.constant 15 : i32
              %get3A_177 = arith.index_cast %get3A_176 : i32 to index
              %get3A_178 = arith.index_cast %mul3A_171 : i32 to index
              %get3A_179 = tpu.vector_load %arg21[%get3A_177, %get3A_178] {strides = array<i32>} : memref<16x2048xf32, #tpu.memory_space<vmem>>, vector<16xf32>,
              %add3A_180 = arith.addf %get3A_175, %get3A_179 : vector<16xf32>
              %swap3A = arith.constant 2 : i32
              %swap3A_181 = arith.index_cast %swap3A : i32 to index
              %swap3A_182 = arith.index_cast %mul3A_171 : i32 to index
              %swap3A_183 = tpu.vector_load %arg22[%swap3A_181, %swap3A_182] {strides = array<i32>} : memref<8x2048xf32, #tpu.memory_space<vmem>>, vector<16xf32>,
              tpu.vector_store %arg22[%swap3A_181, %swap3A_182], %add3A_180 {strides = array<i32>} : memref<8x2048xf32, #tpu.memory_space<vmem>>, vector<16xf32>,
            }
            %scan3A_168 = arith.constant 128 : i32
          } else {
          }
        } else {
        }
      }
      %scan3A_65 = arith.constant 10 : i32
    } else {
    }
    %gt3A_35 = arith.constant 0 : i32
    %gt3A_36 = arith.cmpi sgt, %scan3A_14, %gt3A_35 : i32
    %convert_element_type3A_37 = arith.extui %gt3A_36 : i1 to i32
    %cond3A_38 = arith.constant 0 : i32
    %cond3A_39 = arith.cmpi ne, %convert_element_type3A_37, %cond3A_38 : i32
    scf.if %cond3A_39 {
      %scan3A_60 = arith.constant 0 : i32
      %scan3A_61 = arith.constant 0 : i32
      %scan3A_62 = arith.constant 10 : i32
      %scan3A_63 = arith.addi %scan3A_61, %scan3A_62 : i32
      %scan3A_64 = arith.constant 1 : i32
      scf.for %scan3A_66 = %scan3A_61 to %scan3A_63 step %scan3A_64  : i32 {
        %get3A = arith.constant 3 : i32
        %get3A_67 = arith.index_cast %get3A : i32 to index
        %get3A_68 = arith.index_cast %scan3A_66 : i32 to index
        %get3A_69 = memref.load %arg23[%get3A_67, %get3A_68] : memref<8x10xi32, #tpu.memory_space<smem>>
        %gt3A_70 = arith.constant 0 : i32
        %gt3A_71 = arith.cmpi sgt, %get3A_69, %gt3A_70 : i32
        %convert_element_type3A_72 = arith.extui %gt3A_71 : i1 to i32
        %cond3A_73 = arith.constant 0 : i32
        %cond3A_74 = arith.cmpi ne, %convert_element_type3A_72, %cond3A_73 : i32
        scf.if %cond3A_74 {
          %mul3A_75 = arith.constant 16 : i32
          %mul3A_76 = arith.muli %scan3A_66, %mul3A_75 : i32
          %dma_start3A = tpu.memref_slice %arg16[%mul3A_76] : memref<160xi32, #tpu.memory_space<vmem>> -> memref<16xi32, #tpu.memory_space<vmem>>
          %dma_start3A_77 = arith.constant 0 : i32
          %dma_start3A_78 = arith.constant 0 : i32
          %dma_start3A_79 = tpu.memref_slice %arg5[%dma_start3A_77, %dma_start3A_78] : memref<5000x2048xf32, #tpu.memory_space<hbm>> -> memref<5000x2048xf32, #tpu.memory_space<hbm>>
          tpu.enqueue_indirect_dma source(%dma_start3A_79 : memref<5000x2048xf32, #tpu.memory_space<hbm>>) target(%arg21 : memref<16x2048xf32, #tpu.memory_space<vmem>>) offsets(%dma_start3A : memref<16xi32, #tpu.memory_space<vmem>>) semaphore(%arg24 : memref<!tpu.dma_semaphore, #tpu.memory_space<semaphore_mem>>)
          %dma_wait3A = tpu.memref_slice %arg16[%mul3A_76] : memref<160xi32, #tpu.memory_space<vmem>> -> memref<16xi32, #tpu.memory_space<vmem>>
          %dma_wait3A_80 = arith.constant 0 : i32
          %dma_wait3A_81 = arith.constant 0 : i32
          %dma_wait3A_82 = tpu.memref_slice %arg5[%dma_wait3A_80, %dma_wait3A_81] : memref<5000x2048xf32, #tpu.memory_space<hbm>> -> memref<5000x2048xf32, #tpu.memory_space<hbm>>
          tpu.wait_indirect_dma semaphore(%arg24 : memref<!tpu.dma_semaphore, #tpu.memory_space<semaphore_mem>>) src(%dma_wait3A_82 : memref<5000x2048xf32, #tpu.memory_space<hbm>>) dst(%arg21 : memref<16x2048xf32, #tpu.memory_space<vmem>>)
          %gt3A_83 = arith.constant 0 : i32
          %gt3A_84 = arith.cmpi sgt, %get3A_69, %gt3A_83 : i32
          %convert_element_type3A_85 = arith.extui %gt3A_84 : i1 to i32
          %cond3A_86 = arith.constant 0 : i32
          %cond3A_87 = arith.cmpi ne, %convert_element_type3A_85, %cond3A_86 : i32
          scf.if %cond3A_87 {
            %scan3A_163 = arith.constant 0 : i32
            %scan3A_164 = arith.constant 0 : i32
            %scan3A_165 = arith.constant 128 : i32
            %scan3A_166 = arith.addi %scan3A_164, %scan3A_165 : i32
            %scan3A_167 = arith.constant 1 : i32
            scf.for %scan3A_169 = %scan3A_164 to %scan3A_166 step %scan3A_167  : i32 {
              %mul3A_170 = arith.constant 16 : i32
              %mul3A_171 = arith.muli %scan3A_169, %mul3A_170 : i32
              %get3A_172 = arith.constant 3 : i32
              %get3A_173 = arith.index_cast %get3A_172 : i32 to index
              %get3A_174 = arith.index_cast %mul3A_171 : i32 to index
              %get3A_175 = tpu.vector_load %arg22[%get3A_173, %get3A_174] {strides = array<i32>} : memref<8x2048xf32, #tpu.memory_space<vmem>>, vector<16xf32>,
              %get3A_176 = arith.constant 0 : i32
              %get3A_177 = arith.index_cast %get3A_176 : i32 to index
              %get3A_178 = arith.index_cast %mul3A_171 : i32 to index
              %get3A_179 = tpu.vector_load %arg21[%get3A_177, %get3A_178] {strides = array<i32>} : memref<16x2048xf32, #tpu.memory_space<vmem>>, vector<16xf32>,
              %add3A_180 = arith.addf %get3A_175, %get3A_179 : vector<16xf32>
              %swap3A = arith.constant 3 : i32
              %swap3A_181 = arith.index_cast %swap3A : i32 to index
              %swap3A_182 = arith.index_cast %mul3A_171 : i32 to index
              %swap3A_183 = tpu.vector_load %arg22[%swap3A_181, %swap3A_182] {strides = array<i32>} : memref<8x2048xf32, #tpu.memory_space<vmem>>, vector<16xf32>,
              tpu.vector_store %arg22[%swap3A_181, %swap3A_182], %add3A_180 {strides = array<i32>} : memref<8x2048xf32, #tpu.memory_space<vmem>>, vector<16xf32>,
            }
            %scan3A_168 = arith.constant 128 : i32
          } else {
          }
          %gt3A_88 = arith.constant 1 : i32
          %gt3A_89 = arith.cmpi sgt, %get3A_69, %gt3A_88 : i32
          %convert_element_type3A_90 = arith.extui %gt3A_89 : i1 to i32
          %cond3A_91 = arith.constant 0 : i32
          %cond3A_92 = arith.cmpi ne, %convert_element_type3A_90, %cond3A_91 : i32
          scf.if %cond3A_92 {
            %scan3A_163 = arith.constant 0 : i32
            %scan3A_164 = arith.constant 0 : i32
            %scan3A_165 = arith.constant 128 : i32
            %scan3A_166 = arith.addi %scan3A_164, %scan3A_165 : i32
            %scan3A_167 = arith.constant 1 : i32
            scf.for %scan3A_169 = %scan3A_164 to %scan3A_166 step %scan3A_167  : i32 {
              %mul3A_170 = arith.constant 16 : i32
              %mul3A_171 = arith.muli %scan3A_169, %mul3A_170 : i32
              %get3A_172 = arith.constant 3 : i32
              %get3A_173 = arith.index_cast %get3A_172 : i32 to index
              %get3A_174 = arith.index_cast %mul3A_171 : i32 to index
              %get3A_175 = tpu.vector_load %arg22[%get3A_173, %get3A_174] {strides = array<i32>} : memref<8x2048xf32, #tpu.memory_space<vmem>>, vector<16xf32>,
              %get3A_176 = arith.constant 1 : i32
              %get3A_177 = arith.index_cast %get3A_176 : i32 to index
              %get3A_178 = arith.index_cast %mul3A_171 : i32 to index
              %get3A_179 = tpu.vector_load %arg21[%get3A_177, %get3A_178] {strides = array<i32>} : memref<16x2048xf32, #tpu.memory_space<vmem>>, vector<16xf32>,
              %add3A_180 = arith.addf %get3A_175, %get3A_179 : vector<16xf32>
              %swap3A = arith.constant 3 : i32
              %swap3A_181 = arith.index_cast %swap3A : i32 to index
              %swap3A_182 = arith.index_cast %mul3A_171 : i32 to index
              %swap3A_183 = tpu.vector_load %arg22[%swap3A_181, %swap3A_182] {strides = array<i32>} : memref<8x2048xf32, #tpu.memory_space<vmem>>, vector<16xf32>,
              tpu.vector_store %arg22[%swap3A_181, %swap3A_182], %add3A_180 {strides = array<i32>} : memref<8x2048xf32, #tpu.memory_space<vmem>>, vector<16xf32>,
            }
            %scan3A_168 = arith.constant 128 : i32
          } else {
          }
          %gt3A_93 = arith.constant 2 : i32
          %gt3A_94 = arith.cmpi sgt, %get3A_69, %gt3A_93 : i32
          %convert_element_type3A_95 = arith.extui %gt3A_94 : i1 to i32
          %cond3A_96 = arith.constant 0 : i32
          %cond3A_97 = arith.cmpi ne, %convert_element_type3A_95, %cond3A_96 : i32
          scf.if %cond3A_97 {
            %scan3A_163 = arith.constant 0 : i32
            %scan3A_164 = arith.constant 0 : i32
            %scan3A_165 = arith.constant 128 : i32
            %scan3A_166 = arith.addi %scan3A_164, %scan3A_165 : i32
            %scan3A_167 = arith.constant 1 : i32
            scf.for %scan3A_169 = %scan3A_164 to %scan3A_166 step %scan3A_167  : i32 {
              %mul3A_170 = arith.constant 16 : i32
              %mul3A_171 = arith.muli %scan3A_169, %mul3A_170 : i32
              %get3A_172 = arith.constant 3 : i32
              %get3A_173 = arith.index_cast %get3A_172 : i32 to index
              %get3A_174 = arith.index_cast %mul3A_171 : i32 to index
              %get3A_175 = tpu.vector_load %arg22[%get3A_173, %get3A_174] {strides = array<i32>} : memref<8x2048xf32, #tpu.memory_space<vmem>>, vector<16xf32>,
              %get3A_176 = arith.constant 2 : i32
              %get3A_177 = arith.index_cast %get3A_176 : i32 to index
              %get3A_178 = arith.index_cast %mul3A_171 : i32 to index
              %get3A_179 = tpu.vector_load %arg21[%get3A_177, %get3A_178] {strides = array<i32>} : memref<16x2048xf32, #tpu.memory_space<vmem>>, vector<16xf32>,
              %add3A_180 = arith.addf %get3A_175, %get3A_179 : vector<16xf32>
              %swap3A = arith.constant 3 : i32
              %swap3A_181 = arith.index_cast %swap3A : i32 to index
              %swap3A_182 = arith.index_cast %mul3A_171 : i32 to index
              %swap3A_183 = tpu.vector_load %arg22[%swap3A_181, %swap3A_182] {strides = array<i32>} : memref<8x2048xf32, #tpu.memory_space<vmem>>, vector<16xf32>,
              tpu.vector_store %arg22[%swap3A_181, %swap3A_182], %add3A_180 {strides = array<i32>} : memref<8x2048xf32, #tpu.memory_space<vmem>>, vector<16xf32>,
            }
            %scan3A_168 = arith.constant 128 : i32
          } else {
          }
          %gt3A_98 = arith.constant 3 : i32
          %gt3A_99 = arith.cmpi sgt, %get3A_69, %gt3A_98 : i32
          %convert_element_type3A_100 = arith.extui %gt3A_99 : i1 to i32
          %cond3A_101 = arith.constant 0 : i32
          %cond3A_102 = arith.cmpi ne, %convert_element_type3A_100, %cond3A_101 : i32
          scf.if %cond3A_102 {
            %scan3A_163 = arith.constant 0 : i32
            %scan3A_164 = arith.constant 0 : i32
            %scan3A_165 = arith.constant 128 : i32
            %scan3A_166 = arith.addi %scan3A_164, %scan3A_165 : i32
            %scan3A_167 = arith.constant 1 : i32
            scf.for %scan3A_169 = %scan3A_164 to %scan3A_166 step %scan3A_167  : i32 {
              %mul3A_170 = arith.constant 16 : i32
              %mul3A_171 = arith.muli %scan3A_169, %mul3A_170 : i32
              %get3A_172 = arith.constant 3 : i32
              %get3A_173 = arith.index_cast %get3A_172 : i32 to index
              %get3A_174 = arith.index_cast %mul3A_171 : i32 to index
              %get3A_175 = tpu.vector_load %arg22[%get3A_173, %get3A_174] {strides = array<i32>} : memref<8x2048xf32, #tpu.memory_space<vmem>>, vector<16xf32>,
              %get3A_176 = arith.constant 3 : i32
              %get3A_177 = arith.index_cast %get3A_176 : i32 to index
              %get3A_178 = arith.index_cast %mul3A_171 : i32 to index
              %get3A_179 = tpu.vector_load %arg21[%get3A_177, %get3A_178] {strides = array<i32>} : memref<16x2048xf32, #tpu.memory_space<vmem>>, vector<16xf32>,
              %add3A_180 = arith.addf %get3A_175, %get3A_179 : vector<16xf32>
              %swap3A = arith.constant 3 : i32
              %swap3A_181 = arith.index_cast %swap3A : i32 to index
              %swap3A_182 = arith.index_cast %mul3A_171 : i32 to index
              %swap3A_183 = tpu.vector_load %arg22[%swap3A_181, %swap3A_182] {strides = array<i32>} : memref<8x2048xf32, #tpu.memory_space<vmem>>, vector<16xf32>,
              tpu.vector_store %arg22[%swap3A_181, %swap3A_182], %add3A_180 {strides = array<i32>} : memref<8x2048xf32, #tpu.memory_space<vmem>>, vector<16xf32>,
            }
            %scan3A_168 = arith.constant 128 : i32
          } else {
          }
          %gt3A_103 = arith.constant 4 : i32
          %gt3A_104 = arith.cmpi sgt, %get3A_69, %gt3A_103 : i32
          %convert_element_type3A_105 = arith.extui %gt3A_104 : i1 to i32
          %cond3A_106 = arith.constant 0 : i32
          %cond3A_107 = arith.cmpi ne, %convert_element_type3A_105, %cond3A_106 : i32
          scf.if %cond3A_107 {
            %scan3A_163 = arith.constant 0 : i32
            %scan3A_164 = arith.constant 0 : i32
            %scan3A_165 = arith.constant 128 : i32
            %scan3A_166 = arith.addi %scan3A_164, %scan3A_165 : i32
            %scan3A_167 = arith.constant 1 : i32
            scf.for %scan3A_169 = %scan3A_164 to %scan3A_166 step %scan3A_167  : i32 {
              %mul3A_170 = arith.constant 16 : i32
              %mul3A_171 = arith.muli %scan3A_169, %mul3A_170 : i32
              %get3A_172 = arith.constant 3 : i32
              %get3A_173 = arith.index_cast %get3A_172 : i32 to index
              %get3A_174 = arith.index_cast %mul3A_171 : i32 to index
              %get3A_175 = tpu.vector_load %arg22[%get3A_173, %get3A_174] {strides = array<i32>} : memref<8x2048xf32, #tpu.memory_space<vmem>>, vector<16xf32>,
              %get3A_176 = arith.constant 4 : i32
              %get3A_177 = arith.index_cast %get3A_176 : i32 to index
              %get3A_178 = arith.index_cast %mul3A_171 : i32 to index
              %get3A_179 = tpu.vector_load %arg21[%get3A_177, %get3A_178] {strides = array<i32>} : memref<16x2048xf32, #tpu.memory_space<vmem>>, vector<16xf32>,
              %add3A_180 = arith.addf %get3A_175, %get3A_179 : vector<16xf32>
              %swap3A = arith.constant 3 : i32
              %swap3A_181 = arith.index_cast %swap3A : i32 to index
              %swap3A_182 = arith.index_cast %mul3A_171 : i32 to index
              %swap3A_183 = tpu.vector_load %arg22[%swap3A_181, %swap3A_182] {strides = array<i32>} : memref<8x2048xf32, #tpu.memory_space<vmem>>, vector<16xf32>,
              tpu.vector_store %arg22[%swap3A_181, %swap3A_182], %add3A_180 {strides = array<i32>} : memref<8x2048xf32, #tpu.memory_space<vmem>>, vector<16xf32>,
            }
            %scan3A_168 = arith.constant 128 : i32
          } else {
          }
          %gt3A_108 = arith.constant 5 : i32
          %gt3A_109 = arith.cmpi sgt, %get3A_69, %gt3A_108 : i32
          %convert_element_type3A_110 = arith.extui %gt3A_109 : i1 to i32
          %cond3A_111 = arith.constant 0 : i32
          %cond3A_112 = arith.cmpi ne, %convert_element_type3A_110, %cond3A_111 : i32
          scf.if %cond3A_112 {
            %scan3A_163 = arith.constant 0 : i32
            %scan3A_164 = arith.constant 0 : i32
            %scan3A_165 = arith.constant 128 : i32
            %scan3A_166 = arith.addi %scan3A_164, %scan3A_165 : i32
            %scan3A_167 = arith.constant 1 : i32
            scf.for %scan3A_169 = %scan3A_164 to %scan3A_166 step %scan3A_167  : i32 {
              %mul3A_170 = arith.constant 16 : i32
              %mul3A_171 = arith.muli %scan3A_169, %mul3A_170 : i32
              %get3A_172 = arith.constant 3 : i32
              %get3A_173 = arith.index_cast %get3A_172 : i32 to index
              %get3A_174 = arith.index_cast %mul3A_171 : i32 to index
              %get3A_175 = tpu.vector_load %arg22[%get3A_173, %get3A_174] {strides = array<i32>} : memref<8x2048xf32, #tpu.memory_space<vmem>>, vector<16xf32>,
              %get3A_176 = arith.constant 5 : i32
              %get3A_177 = arith.index_cast %get3A_176 : i32 to index
              %get3A_178 = arith.index_cast %mul3A_171 : i32 to index
              %get3A_179 = tpu.vector_load %arg21[%get3A_177, %get3A_178] {strides = array<i32>} : memref<16x2048xf32, #tpu.memory_space<vmem>>, vector<16xf32>,
              %add3A_180 = arith.addf %get3A_175, %get3A_179 : vector<16xf32>
              %swap3A = arith.constant 3 : i32
              %swap3A_181 = arith.index_cast %swap3A : i32 to index
              %swap3A_182 = arith.index_cast %mul3A_171 : i32 to index
              %swap3A_183 = tpu.vector_load %arg22[%swap3A_181, %swap3A_182] {strides = array<i32>} : memref<8x2048xf32, #tpu.memory_space<vmem>>, vector<16xf32>,
              tpu.vector_store %arg22[%swap3A_181, %swap3A_182], %add3A_180 {strides = array<i32>} : memref<8x2048xf32, #tpu.memory_space<vmem>>, vector<16xf32>,
            }
            %scan3A_168 = arith.constant 128 : i32
          } else {
          }
          %gt3A_113 = arith.constant 6 : i32
          %gt3A_114 = arith.cmpi sgt, %get3A_69, %gt3A_113 : i32
          %convert_element_type3A_115 = arith.extui %gt3A_114 : i1 to i32
          %cond3A_116 = arith.constant 0 : i32
          %cond3A_117 = arith.cmpi ne, %convert_element_type3A_115, %cond3A_116 : i32
          scf.if %cond3A_117 {
            %scan3A_163 = arith.constant 0 : i32
            %scan3A_164 = arith.constant 0 : i32
            %scan3A_165 = arith.constant 128 : i32
            %scan3A_166 = arith.addi %scan3A_164, %scan3A_165 : i32
            %scan3A_167 = arith.constant 1 : i32
            scf.for %scan3A_169 = %scan3A_164 to %scan3A_166 step %scan3A_167  : i32 {
              %mul3A_170 = arith.constant 16 : i32
              %mul3A_171 = arith.muli %scan3A_169, %mul3A_170 : i32
              %get3A_172 = arith.constant 3 : i32
              %get3A_173 = arith.index_cast %get3A_172 : i32 to index
              %get3A_174 = arith.index_cast %mul3A_171 : i32 to index
              %get3A_175 = tpu.vector_load %arg22[%get3A_173, %get3A_174] {strides = array<i32>} : memref<8x2048xf32, #tpu.memory_space<vmem>>, vector<16xf32>,
              %get3A_176 = arith.constant 6 : i32
              %get3A_177 = arith.index_cast %get3A_176 : i32 to index
              %get3A_178 = arith.index_cast %mul3A_171 : i32 to index
              %get3A_179 = tpu.vector_load %arg21[%get3A_177, %get3A_178] {strides = array<i32>} : memref<16x2048xf32, #tpu.memory_space<vmem>>, vector<16xf32>,
              %add3A_180 = arith.addf %get3A_175, %get3A_179 : vector<16xf32>
              %swap3A = arith.constant 3 : i32
              %swap3A_181 = arith.index_cast %swap3A : i32 to index
              %swap3A_182 = arith.index_cast %mul3A_171 : i32 to index
              %swap3A_183 = tpu.vector_load %arg22[%swap3A_181, %swap3A_182] {strides = array<i32>} : memref<8x2048xf32, #tpu.memory_space<vmem>>, vector<16xf32>,
              tpu.vector_store %arg22[%swap3A_181, %swap3A_182], %add3A_180 {strides = array<i32>} : memref<8x2048xf32, #tpu.memory_space<vmem>>, vector<16xf32>,
            }
            %scan3A_168 = arith.constant 128 : i32
          } else {
          }
          %gt3A_118 = arith.constant 7 : i32
          %gt3A_119 = arith.cmpi sgt, %get3A_69, %gt3A_118 : i32
          %convert_element_type3A_120 = arith.extui %gt3A_119 : i1 to i32
          %cond3A_121 = arith.constant 0 : i32
          %cond3A_122 = arith.cmpi ne, %convert_element_type3A_120, %cond3A_121 : i32
          scf.if %cond3A_122 {
            %scan3A_163 = arith.constant 0 : i32
            %scan3A_164 = arith.constant 0 : i32
            %scan3A_165 = arith.constant 128 : i32
            %scan3A_166 = arith.addi %scan3A_164, %scan3A_165 : i32
            %scan3A_167 = arith.constant 1 : i32
            scf.for %scan3A_169 = %scan3A_164 to %scan3A_166 step %scan3A_167  : i32 {
              %mul3A_170 = arith.constant 16 : i32
              %mul3A_171 = arith.muli %scan3A_169, %mul3A_170 : i32
              %get3A_172 = arith.constant 3 : i32
              %get3A_173 = arith.index_cast %get3A_172 : i32 to index
              %get3A_174 = arith.index_cast %mul3A_171 : i32 to index
              %get3A_175 = tpu.vector_load %arg22[%get3A_173, %get3A_174] {strides = array<i32>} : memref<8x2048xf32, #tpu.memory_space<vmem>>, vector<16xf32>,
              %get3A_176 = arith.constant 7 : i32
              %get3A_177 = arith.index_cast %get3A_176 : i32 to index
              %get3A_178 = arith.index_cast %mul3A_171 : i32 to index
              %get3A_179 = tpu.vector_load %arg21[%get3A_177, %get3A_178] {strides = array<i32>} : memref<16x2048xf32, #tpu.memory_space<vmem>>, vector<16xf32>,
              %add3A_180 = arith.addf %get3A_175, %get3A_179 : vector<16xf32>
              %swap3A = arith.constant 3 : i32
              %swap3A_181 = arith.index_cast %swap3A : i32 to index
              %swap3A_182 = arith.index_cast %mul3A_171 : i32 to index
              %swap3A_183 = tpu.vector_load %arg22[%swap3A_181, %swap3A_182] {strides = array<i32>} : memref<8x2048xf32, #tpu.memory_space<vmem>>, vector<16xf32>,
              tpu.vector_store %arg22[%swap3A_181, %swap3A_182], %add3A_180 {strides = array<i32>} : memref<8x2048xf32, #tpu.memory_space<vmem>>, vector<16xf32>,
            }
            %scan3A_168 = arith.constant 128 : i32
          } else {
          }
          %gt3A_123 = arith.constant 8 : i32
          %gt3A_124 = arith.cmpi sgt, %get3A_69, %gt3A_123 : i32
          %convert_element_type3A_125 = arith.extui %gt3A_124 : i1 to i32
          %cond3A_126 = arith.constant 0 : i32
          %cond3A_127 = arith.cmpi ne, %convert_element_type3A_125, %cond3A_126 : i32
          scf.if %cond3A_127 {
            %scan3A_163 = arith.constant 0 : i32
            %scan3A_164 = arith.constant 0 : i32
            %scan3A_165 = arith.constant 128 : i32
            %scan3A_166 = arith.addi %scan3A_164, %scan3A_165 : i32
            %scan3A_167 = arith.constant 1 : i32
            scf.for %scan3A_169 = %scan3A_164 to %scan3A_166 step %scan3A_167  : i32 {
              %mul3A_170 = arith.constant 16 : i32
              %mul3A_171 = arith.muli %scan3A_169, %mul3A_170 : i32
              %get3A_172 = arith.constant 3 : i32
              %get3A_173 = arith.index_cast %get3A_172 : i32 to index
              %get3A_174 = arith.index_cast %mul3A_171 : i32 to index
              %get3A_175 = tpu.vector_load %arg22[%get3A_173, %get3A_174] {strides = array<i32>} : memref<8x2048xf32, #tpu.memory_space<vmem>>, vector<16xf32>,
              %get3A_176 = arith.constant 8 : i32
              %get3A_177 = arith.index_cast %get3A_176 : i32 to index
              %get3A_178 = arith.index_cast %mul3A_171 : i32 to index
              %get3A_179 = tpu.vector_load %arg21[%get3A_177, %get3A_178] {strides = array<i32>} : memref<16x2048xf32, #tpu.memory_space<vmem>>, vector<16xf32>,
              %add3A_180 = arith.addf %get3A_175, %get3A_179 : vector<16xf32>
              %swap3A = arith.constant 3 : i32
              %swap3A_181 = arith.index_cast %swap3A : i32 to index
              %swap3A_182 = arith.index_cast %mul3A_171 : i32 to index
              %swap3A_183 = tpu.vector_load %arg22[%swap3A_181, %swap3A_182] {strides = array<i32>} : memref<8x2048xf32, #tpu.memory_space<vmem>>, vector<16xf32>,
              tpu.vector_store %arg22[%swap3A_181, %swap3A_182], %add3A_180 {strides = array<i32>} : memref<8x2048xf32, #tpu.memory_space<vmem>>, vector<16xf32>,
            }
            %scan3A_168 = arith.constant 128 : i32
          } else {
          }
          %gt3A_128 = arith.constant 9 : i32
          %gt3A_129 = arith.cmpi sgt, %get3A_69, %gt3A_128 : i32
          %convert_element_type3A_130 = arith.extui %gt3A_129 : i1 to i32
          %cond3A_131 = arith.constant 0 : i32
          %cond3A_132 = arith.cmpi ne, %convert_element_type3A_130, %cond3A_131 : i32
          scf.if %cond3A_132 {
            %scan3A_163 = arith.constant 0 : i32
            %scan3A_164 = arith.constant 0 : i32
            %scan3A_165 = arith.constant 128 : i32
            %scan3A_166 = arith.addi %scan3A_164, %scan3A_165 : i32
            %scan3A_167 = arith.constant 1 : i32
            scf.for %scan3A_169 = %scan3A_164 to %scan3A_166 step %scan3A_167  : i32 {
              %mul3A_170 = arith.constant 16 : i32
              %mul3A_171 = arith.muli %scan3A_169, %mul3A_170 : i32
              %get3A_172 = arith.constant 3 : i32
              %get3A_173 = arith.index_cast %get3A_172 : i32 to index
              %get3A_174 = arith.index_cast %mul3A_171 : i32 to index
              %get3A_175 = tpu.vector_load %arg22[%get3A_173, %get3A_174] {strides = array<i32>} : memref<8x2048xf32, #tpu.memory_space<vmem>>, vector<16xf32>,
              %get3A_176 = arith.constant 9 : i32
              %get3A_177 = arith.index_cast %get3A_176 : i32 to index
              %get3A_178 = arith.index_cast %mul3A_171 : i32 to index
              %get3A_179 = tpu.vector_load %arg21[%get3A_177, %get3A_178] {strides = array<i32>} : memref<16x2048xf32, #tpu.memory_space<vmem>>, vector<16xf32>,
              %add3A_180 = arith.addf %get3A_175, %get3A_179 : vector<16xf32>
              %swap3A = arith.constant 3 : i32
              %swap3A_181 = arith.index_cast %swap3A : i32 to index
              %swap3A_182 = arith.index_cast %mul3A_171 : i32 to index
              %swap3A_183 = tpu.vector_load %arg22[%swap3A_181, %swap3A_182] {strides = array<i32>} : memref<8x2048xf32, #tpu.memory_space<vmem>>, vector<16xf32>,
              tpu.vector_store %arg22[%swap3A_181, %swap3A_182], %add3A_180 {strides = array<i32>} : memref<8x2048xf32, #tpu.memory_space<vmem>>, vector<16xf32>,
            }
            %scan3A_168 = arith.constant 128 : i32
          } else {
          }
          %gt3A_133 = arith.constant 10 : i32
          %gt3A_134 = arith.cmpi sgt, %get3A_69, %gt3A_133 : i32
          %convert_element_type3A_135 = arith.extui %gt3A_134 : i1 to i32
          %cond3A_136 = arith.constant 0 : i32
          %cond3A_137 = arith.cmpi ne, %convert_element_type3A_135, %cond3A_136 : i32
          scf.if %cond3A_137 {
            %scan3A_163 = arith.constant 0 : i32
            %scan3A_164 = arith.constant 0 : i32
            %scan3A_165 = arith.constant 128 : i32
            %scan3A_166 = arith.addi %scan3A_164, %scan3A_165 : i32
            %scan3A_167 = arith.constant 1 : i32
            scf.for %scan3A_169 = %scan3A_164 to %scan3A_166 step %scan3A_167  : i32 {
              %mul3A_170 = arith.constant 16 : i32
              %mul3A_171 = arith.muli %scan3A_169, %mul3A_170 : i32
              %get3A_172 = arith.constant 3 : i32
              %get3A_173 = arith.index_cast %get3A_172 : i32 to index
              %get3A_174 = arith.index_cast %mul3A_171 : i32 to index
              %get3A_175 = tpu.vector_load %arg22[%get3A_173, %get3A_174] {strides = array<i32>} : memref<8x2048xf32, #tpu.memory_space<vmem>>, vector<16xf32>,
              %get3A_176 = arith.constant 10 : i32
              %get3A_177 = arith.index_cast %get3A_176 : i32 to index
              %get3A_178 = arith.index_cast %mul3A_171 : i32 to index
              %get3A_179 = tpu.vector_load %arg21[%get3A_177, %get3A_178] {strides = array<i32>} : memref<16x2048xf32, #tpu.memory_space<vmem>>, vector<16xf32>,
              %add3A_180 = arith.addf %get3A_175, %get3A_179 : vector<16xf32>
              %swap3A = arith.constant 3 : i32
              %swap3A_181 = arith.index_cast %swap3A : i32 to index
              %swap3A_182 = arith.index_cast %mul3A_171 : i32 to index
              %swap3A_183 = tpu.vector_load %arg22[%swap3A_181, %swap3A_182] {strides = array<i32>} : memref<8x2048xf32, #tpu.memory_space<vmem>>, vector<16xf32>,
              tpu.vector_store %arg22[%swap3A_181, %swap3A_182], %add3A_180 {strides = array<i32>} : memref<8x2048xf32, #tpu.memory_space<vmem>>, vector<16xf32>,
            }
            %scan3A_168 = arith.constant 128 : i32
          } else {
          }
          %gt3A_138 = arith.constant 11 : i32
          %gt3A_139 = arith.cmpi sgt, %get3A_69, %gt3A_138 : i32
          %convert_element_type3A_140 = arith.extui %gt3A_139 : i1 to i32
          %cond3A_141 = arith.constant 0 : i32
          %cond3A_142 = arith.cmpi ne, %convert_element_type3A_140, %cond3A_141 : i32
          scf.if %cond3A_142 {
            %scan3A_163 = arith.constant 0 : i32
            %scan3A_164 = arith.constant 0 : i32
            %scan3A_165 = arith.constant 128 : i32
            %scan3A_166 = arith.addi %scan3A_164, %scan3A_165 : i32
            %scan3A_167 = arith.constant 1 : i32
            scf.for %scan3A_169 = %scan3A_164 to %scan3A_166 step %scan3A_167  : i32 {
              %mul3A_170 = arith.constant 16 : i32
              %mul3A_171 = arith.muli %scan3A_169, %mul3A_170 : i32
              %get3A_172 = arith.constant 3 : i32
              %get3A_173 = arith.index_cast %get3A_172 : i32 to index
              %get3A_174 = arith.index_cast %mul3A_171 : i32 to index
              %get3A_175 = tpu.vector_load %arg22[%get3A_173, %get3A_174] {strides = array<i32>} : memref<8x2048xf32, #tpu.memory_space<vmem>>, vector<16xf32>,
              %get3A_176 = arith.constant 11 : i32
              %get3A_177 = arith.index_cast %get3A_176 : i32 to index
              %get3A_178 = arith.index_cast %mul3A_171 : i32 to index
              %get3A_179 = tpu.vector_load %arg21[%get3A_177, %get3A_178] {strides = array<i32>} : memref<16x2048xf32, #tpu.memory_space<vmem>>, vector<16xf32>,
              %add3A_180 = arith.addf %get3A_175, %get3A_179 : vector<16xf32>
              %swap3A = arith.constant 3 : i32
              %swap3A_181 = arith.index_cast %swap3A : i32 to index
              %swap3A_182 = arith.index_cast %mul3A_171 : i32 to index
              %swap3A_183 = tpu.vector_load %arg22[%swap3A_181, %swap3A_182] {strides = array<i32>} : memref<8x2048xf32, #tpu.memory_space<vmem>>, vector<16xf32>,
              tpu.vector_store %arg22[%swap3A_181, %swap3A_182], %add3A_180 {strides = array<i32>} : memref<8x2048xf32, #tpu.memory_space<vmem>>, vector<16xf32>,
            }
            %scan3A_168 = arith.constant 128 : i32
          } else {
          }
          %gt3A_143 = arith.constant 12 : i32
          %gt3A_144 = arith.cmpi sgt, %get3A_69, %gt3A_143 : i32
          %convert_element_type3A_145 = arith.extui %gt3A_144 : i1 to i32
          %cond3A_146 = arith.constant 0 : i32
          %cond3A_147 = arith.cmpi ne, %convert_element_type3A_145, %cond3A_146 : i32
          scf.if %cond3A_147 {
            %scan3A_163 = arith.constant 0 : i32
            %scan3A_164 = arith.constant 0 : i32
            %scan3A_165 = arith.constant 128 : i32
            %scan3A_166 = arith.addi %scan3A_164, %scan3A_165 : i32
            %scan3A_167 = arith.constant 1 : i32
            scf.for %scan3A_169 = %scan3A_164 to %scan3A_166 step %scan3A_167  : i32 {
              %mul3A_170 = arith.constant 16 : i32
              %mul3A_171 = arith.muli %scan3A_169, %mul3A_170 : i32
              %get3A_172 = arith.constant 3 : i32
              %get3A_173 = arith.index_cast %get3A_172 : i32 to index
              %get3A_174 = arith.index_cast %mul3A_171 : i32 to index
              %get3A_175 = tpu.vector_load %arg22[%get3A_173, %get3A_174] {strides = array<i32>} : memref<8x2048xf32, #tpu.memory_space<vmem>>, vector<16xf32>,
              %get3A_176 = arith.constant 12 : i32
              %get3A_177 = arith.index_cast %get3A_176 : i32 to index
              %get3A_178 = arith.index_cast %mul3A_171 : i32 to index
              %get3A_179 = tpu.vector_load %arg21[%get3A_177, %get3A_178] {strides = array<i32>} : memref<16x2048xf32, #tpu.memory_space<vmem>>, vector<16xf32>,
              %add3A_180 = arith.addf %get3A_175, %get3A_179 : vector<16xf32>
              %swap3A = arith.constant 3 : i32
              %swap3A_181 = arith.index_cast %swap3A : i32 to index
              %swap3A_182 = arith.index_cast %mul3A_171 : i32 to index
              %swap3A_183 = tpu.vector_load %arg22[%swap3A_181, %swap3A_182] {strides = array<i32>} : memref<8x2048xf32, #tpu.memory_space<vmem>>, vector<16xf32>,
              tpu.vector_store %arg22[%swap3A_181, %swap3A_182], %add3A_180 {strides = array<i32>} : memref<8x2048xf32, #tpu.memory_space<vmem>>, vector<16xf32>,
            }
            %scan3A_168 = arith.constant 128 : i32
          } else {
          }
          %gt3A_148 = arith.constant 13 : i32
          %gt3A_149 = arith.cmpi sgt, %get3A_69, %gt3A_148 : i32
          %convert_element_type3A_150 = arith.extui %gt3A_149 : i1 to i32
          %cond3A_151 = arith.constant 0 : i32
          %cond3A_152 = arith.cmpi ne, %convert_element_type3A_150, %cond3A_151 : i32
          scf.if %cond3A_152 {
            %scan3A_163 = arith.constant 0 : i32
            %scan3A_164 = arith.constant 0 : i32
            %scan3A_165 = arith.constant 128 : i32
            %scan3A_166 = arith.addi %scan3A_164, %scan3A_165 : i32
            %scan3A_167 = arith.constant 1 : i32
            scf.for %scan3A_169 = %scan3A_164 to %scan3A_166 step %scan3A_167  : i32 {
              %mul3A_170 = arith.constant 16 : i32
              %mul3A_171 = arith.muli %scan3A_169, %mul3A_170 : i32
              %get3A_172 = arith.constant 3 : i32
              %get3A_173 = arith.index_cast %get3A_172 : i32 to index
              %get3A_174 = arith.index_cast %mul3A_171 : i32 to index
              %get3A_175 = tpu.vector_load %arg22[%get3A_173, %get3A_174] {strides = array<i32>} : memref<8x2048xf32, #tpu.memory_space<vmem>>, vector<16xf32>,
              %get3A_176 = arith.constant 13 : i32
              %get3A_177 = arith.index_cast %get3A_176 : i32 to index
              %get3A_178 = arith.index_cast %mul3A_171 : i32 to index
              %get3A_179 = tpu.vector_load %arg21[%get3A_177, %get3A_178] {strides = array<i32>} : memref<16x2048xf32, #tpu.memory_space<vmem>>, vector<16xf32>,
              %add3A_180 = arith.addf %get3A_175, %get3A_179 : vector<16xf32>
              %swap3A = arith.constant 3 : i32
              %swap3A_181 = arith.index_cast %swap3A : i32 to index
              %swap3A_182 = arith.index_cast %mul3A_171 : i32 to index
              %swap3A_183 = tpu.vector_load %arg22[%swap3A_181, %swap3A_182] {strides = array<i32>} : memref<8x2048xf32, #tpu.memory_space<vmem>>, vector<16xf32>,
              tpu.vector_store %arg22[%swap3A_181, %swap3A_182], %add3A_180 {strides = array<i32>} : memref<8x2048xf32, #tpu.memory_space<vmem>>, vector<16xf32>,
            }
            %scan3A_168 = arith.constant 128 : i32
          } else {
          }
          %gt3A_153 = arith.constant 14 : i32
          %gt3A_154 = arith.cmpi sgt, %get3A_69, %gt3A_153 : i32
          %convert_element_type3A_155 = arith.extui %gt3A_154 : i1 to i32
          %cond3A_156 = arith.constant 0 : i32
          %cond3A_157 = arith.cmpi ne, %convert_element_type3A_155, %cond3A_156 : i32
          scf.if %cond3A_157 {
            %scan3A_163 = arith.constant 0 : i32
            %scan3A_164 = arith.constant 0 : i32
            %scan3A_165 = arith.constant 128 : i32
            %scan3A_166 = arith.addi %scan3A_164, %scan3A_165 : i32
            %scan3A_167 = arith.constant 1 : i32
            scf.for %scan3A_169 = %scan3A_164 to %scan3A_166 step %scan3A_167  : i32 {
              %mul3A_170 = arith.constant 16 : i32
              %mul3A_171 = arith.muli %scan3A_169, %mul3A_170 : i32
              %get3A_172 = arith.constant 3 : i32
              %get3A_173 = arith.index_cast %get3A_172 : i32 to index
              %get3A_174 = arith.index_cast %mul3A_171 : i32 to index
              %get3A_175 = tpu.vector_load %arg22[%get3A_173, %get3A_174] {strides = array<i32>} : memref<8x2048xf32, #tpu.memory_space<vmem>>, vector<16xf32>,
              %get3A_176 = arith.constant 14 : i32
              %get3A_177 = arith.index_cast %get3A_176 : i32 to index
              %get3A_178 = arith.index_cast %mul3A_171 : i32 to index
              %get3A_179 = tpu.vector_load %arg21[%get3A_177, %get3A_178] {strides = array<i32>} : memref<16x2048xf32, #tpu.memory_space<vmem>>, vector<16xf32>,
              %add3A_180 = arith.addf %get3A_175, %get3A_179 : vector<16xf32>
              %swap3A = arith.constant 3 : i32
              %swap3A_181 = arith.index_cast %swap3A : i32 to index
              %swap3A_182 = arith.index_cast %mul3A_171 : i32 to index
              %swap3A_183 = tpu.vector_load %arg22[%swap3A_181, %swap3A_182] {strides = array<i32>} : memref<8x2048xf32, #tpu.memory_space<vmem>>, vector<16xf32>,
              tpu.vector_store %arg22[%swap3A_181, %swap3A_182], %add3A_180 {strides = array<i32>} : memref<8x2048xf32, #tpu.memory_space<vmem>>, vector<16xf32>,
            }
            %scan3A_168 = arith.constant 128 : i32
          } else {
          }
          %gt3A_158 = arith.constant 15 : i32
          %gt3A_159 = arith.cmpi sgt, %get3A_69, %gt3A_158 : i32
          %convert_element_type3A_160 = arith.extui %gt3A_159 : i1 to i32
          %cond3A_161 = arith.constant 0 : i32
          %cond3A_162 = arith.cmpi ne, %convert_element_type3A_160, %cond3A_161 : i32
          scf.if %cond3A_162 {
            %scan3A_163 = arith.constant 0 : i32
            %scan3A_164 = arith.constant 0 : i32
            %scan3A_165 = arith.constant 128 : i32
            %scan3A_166 = arith.addi %scan3A_164, %scan3A_165 : i32
            %scan3A_167 = arith.constant 1 : i32
            scf.for %scan3A_169 = %scan3A_164 to %scan3A_166 step %scan3A_167  : i32 {
              %mul3A_170 = arith.constant 16 : i32
              %mul3A_171 = arith.muli %scan3A_169, %mul3A_170 : i32
              %get3A_172 = arith.constant 3 : i32
              %get3A_173 = arith.index_cast %get3A_172 : i32 to index
              %get3A_174 = arith.index_cast %mul3A_171 : i32 to index
              %get3A_175 = tpu.vector_load %arg22[%get3A_173, %get3A_174] {strides = array<i32>} : memref<8x2048xf32, #tpu.memory_space<vmem>>, vector<16xf32>,
              %get3A_176 = arith.constant 15 : i32
              %get3A_177 = arith.index_cast %get3A_176 : i32 to index
              %get3A_178 = arith.index_cast %mul3A_171 : i32 to index
              %get3A_179 = tpu.vector_load %arg21[%get3A_177, %get3A_178] {strides = array<i32>} : memref<16x2048xf32, #tpu.memory_space<vmem>>, vector<16xf32>,
              %add3A_180 = arith.addf %get3A_175, %get3A_179 : vector<16xf32>
              %swap3A = arith.constant 3 : i32
              %swap3A_181 = arith.index_cast %swap3A : i32 to index
              %swap3A_182 = arith.index_cast %mul3A_171 : i32 to index
              %swap3A_183 = tpu.vector_load %arg22[%swap3A_181, %swap3A_182] {strides = array<i32>} : memref<8x2048xf32, #tpu.memory_space<vmem>>, vector<16xf32>,
              tpu.vector_store %arg22[%swap3A_181, %swap3A_182], %add3A_180 {strides = array<i32>} : memref<8x2048xf32, #tpu.memory_space<vmem>>, vector<16xf32>,
            }
            %scan3A_168 = arith.constant 128 : i32
          } else {
          }
        } else {
        }
      }
      %scan3A_65 = arith.constant 10 : i32
    } else {
    }
    %gt3A_40 = arith.constant 0 : i32
    %gt3A_41 = arith.cmpi sgt, %scan3A_15, %gt3A_40 : i32
    %convert_element_type3A_42 = arith.extui %gt3A_41 : i1 to i32
    %cond3A_43 = arith.constant 0 : i32
    %cond3A_44 = arith.cmpi ne, %convert_element_type3A_42, %cond3A_43 : i32
    scf.if %cond3A_44 {
      %scan3A_60 = arith.constant 0 : i32
      %scan3A_61 = arith.constant 0 : i32
      %scan3A_62 = arith.constant 10 : i32
      %scan3A_63 = arith.addi %scan3A_61, %scan3A_62 : i32
      %scan3A_64 = arith.constant 1 : i32
      scf.for %scan3A_66 = %scan3A_61 to %scan3A_63 step %scan3A_64  : i32 {
        %get3A = arith.constant 4 : i32
        %get3A_67 = arith.index_cast %get3A : i32 to index
        %get3A_68 = arith.index_cast %scan3A_66 : i32 to index
        %get3A_69 = memref.load %arg23[%get3A_67, %get3A_68] : memref<8x10xi32, #tpu.memory_space<smem>>
        %gt3A_70 = arith.constant 0 : i32
        %gt3A_71 = arith.cmpi sgt, %get3A_69, %gt3A_70 : i32
        %convert_element_type3A_72 = arith.extui %gt3A_71 : i1 to i32
        %cond3A_73 = arith.constant 0 : i32
        %cond3A_74 = arith.cmpi ne, %convert_element_type3A_72, %cond3A_73 : i32
        scf.if %cond3A_74 {
          %mul3A_75 = arith.constant 16 : i32
          %mul3A_76 = arith.muli %scan3A_66, %mul3A_75 : i32
          %dma_start3A = tpu.memref_slice %arg17[%mul3A_76] : memref<160xi32, #tpu.memory_space<vmem>> -> memref<16xi32, #tpu.memory_space<vmem>>
          %dma_start3A_77 = arith.constant 0 : i32
          %dma_start3A_78 = arith.constant 0 : i32
          %dma_start3A_79 = tpu.memref_slice %arg5[%dma_start3A_77, %dma_start3A_78] : memref<5000x2048xf32, #tpu.memory_space<hbm>> -> memref<5000x2048xf32, #tpu.memory_space<hbm>>
          tpu.enqueue_indirect_dma source(%dma_start3A_79 : memref<5000x2048xf32, #tpu.memory_space<hbm>>) target(%arg21 : memref<16x2048xf32, #tpu.memory_space<vmem>>) offsets(%dma_start3A : memref<16xi32, #tpu.memory_space<vmem>>) semaphore(%arg24 : memref<!tpu.dma_semaphore, #tpu.memory_space<semaphore_mem>>)
          %dma_wait3A = tpu.memref_slice %arg17[%mul3A_76] : memref<160xi32, #tpu.memory_space<vmem>> -> memref<16xi32, #tpu.memory_space<vmem>>
          %dma_wait3A_80 = arith.constant 0 : i32
          %dma_wait3A_81 = arith.constant 0 : i32
          %dma_wait3A_82 = tpu.memref_slice %arg5[%dma_wait3A_80, %dma_wait3A_81] : memref<5000x2048xf32, #tpu.memory_space<hbm>> -> memref<5000x2048xf32, #tpu.memory_space<hbm>>
          tpu.wait_indirect_dma semaphore(%arg24 : memref<!tpu.dma_semaphore, #tpu.memory_space<semaphore_mem>>) src(%dma_wait3A_82 : memref<5000x2048xf32, #tpu.memory_space<hbm>>) dst(%arg21 : memref<16x2048xf32, #tpu.memory_space<vmem>>)
          %gt3A_83 = arith.constant 0 : i32
          %gt3A_84 = arith.cmpi sgt, %get3A_69, %gt3A_83 : i32
          %convert_element_type3A_85 = arith.extui %gt3A_84 : i1 to i32
          %cond3A_86 = arith.constant 0 : i32
          %cond3A_87 = arith.cmpi ne, %convert_element_type3A_85, %cond3A_86 : i32
          scf.if %cond3A_87 {
            %scan3A_163 = arith.constant 0 : i32
            %scan3A_164 = arith.constant 0 : i32
            %scan3A_165 = arith.constant 128 : i32
            %scan3A_166 = arith.addi %scan3A_164, %scan3A_165 : i32
            %scan3A_167 = arith.constant 1 : i32
            scf.for %scan3A_169 = %scan3A_164 to %scan3A_166 step %scan3A_167  : i32 {
              %mul3A_170 = arith.constant 16 : i32
              %mul3A_171 = arith.muli %scan3A_169, %mul3A_170 : i32
              %get3A_172 = arith.constant 4 : i32
              %get3A_173 = arith.index_cast %get3A_172 : i32 to index
              %get3A_174 = arith.index_cast %mul3A_171 : i32 to index
              %get3A_175 = tpu.vector_load %arg22[%get3A_173, %get3A_174] {strides = array<i32>} : memref<8x2048xf32, #tpu.memory_space<vmem>>, vector<16xf32>,
              %get3A_176 = arith.constant 0 : i32
              %get3A_177 = arith.index_cast %get3A_176 : i32 to index
              %get3A_178 = arith.index_cast %mul3A_171 : i32 to index
              %get3A_179 = tpu.vector_load %arg21[%get3A_177, %get3A_178] {strides = array<i32>} : memref<16x2048xf32, #tpu.memory_space<vmem>>, vector<16xf32>,
              %add3A_180 = arith.addf %get3A_175, %get3A_179 : vector<16xf32>
              %swap3A = arith.constant 4 : i32
              %swap3A_181 = arith.index_cast %swap3A : i32 to index
              %swap3A_182 = arith.index_cast %mul3A_171 : i32 to index
              %swap3A_183 = tpu.vector_load %arg22[%swap3A_181, %swap3A_182] {strides = array<i32>} : memref<8x2048xf32, #tpu.memory_space<vmem>>, vector<16xf32>,
              tpu.vector_store %arg22[%swap3A_181, %swap3A_182], %add3A_180 {strides = array<i32>} : memref<8x2048xf32, #tpu.memory_space<vmem>>, vector<16xf32>,
            }
            %scan3A_168 = arith.constant 128 : i32
          } else {
          }
          %gt3A_88 = arith.constant 1 : i32
          %gt3A_89 = arith.cmpi sgt, %get3A_69, %gt3A_88 : i32
          %convert_element_type3A_90 = arith.extui %gt3A_89 : i1 to i32
          %cond3A_91 = arith.constant 0 : i32
          %cond3A_92 = arith.cmpi ne, %convert_element_type3A_90, %cond3A_91 : i32
          scf.if %cond3A_92 {
            %scan3A_163 = arith.constant 0 : i32
            %scan3A_164 = arith.constant 0 : i32
            %scan3A_165 = arith.constant 128 : i32
            %scan3A_166 = arith.addi %scan3A_164, %scan3A_165 : i32
            %scan3A_167 = arith.constant 1 : i32
            scf.for %scan3A_169 = %scan3A_164 to %scan3A_166 step %scan3A_167  : i32 {
              %mul3A_170 = arith.constant 16 : i32
              %mul3A_171 = arith.muli %scan3A_169, %mul3A_170 : i32
              %get3A_172 = arith.constant 4 : i32
              %get3A_173 = arith.index_cast %get3A_172 : i32 to index
              %get3A_174 = arith.index_cast %mul3A_171 : i32 to index
              %get3A_175 = tpu.vector_load %arg22[%get3A_173, %get3A_174] {strides = array<i32>} : memref<8x2048xf32, #tpu.memory_space<vmem>>, vector<16xf32>,
              %get3A_176 = arith.constant 1 : i32
              %get3A_177 = arith.index_cast %get3A_176 : i32 to index
              %get3A_178 = arith.index_cast %mul3A_171 : i32 to index
              %get3A_179 = tpu.vector_load %arg21[%get3A_177, %get3A_178] {strides = array<i32>} : memref<16x2048xf32, #tpu.memory_space<vmem>>, vector<16xf32>,
              %add3A_180 = arith.addf %get3A_175, %get3A_179 : vector<16xf32>
              %swap3A = arith.constant 4 : i32
              %swap3A_181 = arith.index_cast %swap3A : i32 to index
              %swap3A_182 = arith.index_cast %mul3A_171 : i32 to index
              %swap3A_183 = tpu.vector_load %arg22[%swap3A_181, %swap3A_182] {strides = array<i32>} : memref<8x2048xf32, #tpu.memory_space<vmem>>, vector<16xf32>,
              tpu.vector_store %arg22[%swap3A_181, %swap3A_182], %add3A_180 {strides = array<i32>} : memref<8x2048xf32, #tpu.memory_space<vmem>>, vector<16xf32>,
            }
            %scan3A_168 = arith.constant 128 : i32
          } else {
          }
          %gt3A_93 = arith.constant 2 : i32
          %gt3A_94 = arith.cmpi sgt, %get3A_69, %gt3A_93 : i32
          %convert_element_type3A_95 = arith.extui %gt3A_94 : i1 to i32
          %cond3A_96 = arith.constant 0 : i32
          %cond3A_97 = arith.cmpi ne, %convert_element_type3A_95, %cond3A_96 : i32
          scf.if %cond3A_97 {
            %scan3A_163 = arith.constant 0 : i32
            %scan3A_164 = arith.constant 0 : i32
            %scan3A_165 = arith.constant 128 : i32
            %scan3A_166 = arith.addi %scan3A_164, %scan3A_165 : i32
            %scan3A_167 = arith.constant 1 : i32
            scf.for %scan3A_169 = %scan3A_164 to %scan3A_166 step %scan3A_167  : i32 {
              %mul3A_170 = arith.constant 16 : i32
              %mul3A_171 = arith.muli %scan3A_169, %mul3A_170 : i32
              %get3A_172 = arith.constant 4 : i32
              %get3A_173 = arith.index_cast %get3A_172 : i32 to index
              %get3A_174 = arith.index_cast %mul3A_171 : i32 to index
              %get3A_175 = tpu.vector_load %arg22[%get3A_173, %get3A_174] {strides = array<i32>} : memref<8x2048xf32, #tpu.memory_space<vmem>>, vector<16xf32>,
              %get3A_176 = arith.constant 2 : i32
              %get3A_177 = arith.index_cast %get3A_176 : i32 to index
              %get3A_178 = arith.index_cast %mul3A_171 : i32 to index
              %get3A_179 = tpu.vector_load %arg21[%get3A_177, %get3A_178] {strides = array<i32>} : memref<16x2048xf32, #tpu.memory_space<vmem>>, vector<16xf32>,
              %add3A_180 = arith.addf %get3A_175, %get3A_179 : vector<16xf32>
              %swap3A = arith.constant 4 : i32
              %swap3A_181 = arith.index_cast %swap3A : i32 to index
              %swap3A_182 = arith.index_cast %mul3A_171 : i32 to index
              %swap3A_183 = tpu.vector_load %arg22[%swap3A_181, %swap3A_182] {strides = array<i32>} : memref<8x2048xf32, #tpu.memory_space<vmem>>, vector<16xf32>,
              tpu.vector_store %arg22[%swap3A_181, %swap3A_182], %add3A_180 {strides = array<i32>} : memref<8x2048xf32, #tpu.memory_space<vmem>>, vector<16xf32>,
            }
            %scan3A_168 = arith.constant 128 : i32
          } else {
          }
          %gt3A_98 = arith.constant 3 : i32
          %gt3A_99 = arith.cmpi sgt, %get3A_69, %gt3A_98 : i32
          %convert_element_type3A_100 = arith.extui %gt3A_99 : i1 to i32
          %cond3A_101 = arith.constant 0 : i32
          %cond3A_102 = arith.cmpi ne, %convert_element_type3A_100, %cond3A_101 : i32
          scf.if %cond3A_102 {
            %scan3A_163 = arith.constant 0 : i32
            %scan3A_164 = arith.constant 0 : i32
            %scan3A_165 = arith.constant 128 : i32
            %scan3A_166 = arith.addi %scan3A_164, %scan3A_165 : i32
            %scan3A_167 = arith.constant 1 : i32
            scf.for %scan3A_169 = %scan3A_164 to %scan3A_166 step %scan3A_167  : i32 {
              %mul3A_170 = arith.constant 16 : i32
              %mul3A_171 = arith.muli %scan3A_169, %mul3A_170 : i32
              %get3A_172 = arith.constant 4 : i32
              %get3A_173 = arith.index_cast %get3A_172 : i32 to index
              %get3A_174 = arith.index_cast %mul3A_171 : i32 to index
              %get3A_175 = tpu.vector_load %arg22[%get3A_173, %get3A_174] {strides = array<i32>} : memref<8x2048xf32, #tpu.memory_space<vmem>>, vector<16xf32>,
              %get3A_176 = arith.constant 3 : i32
              %get3A_177 = arith.index_cast %get3A_176 : i32 to index
              %get3A_178 = arith.index_cast %mul3A_171 : i32 to index
              %get3A_179 = tpu.vector_load %arg21[%get3A_177, %get3A_178] {strides = array<i32>} : memref<16x2048xf32, #tpu.memory_space<vmem>>, vector<16xf32>,
              %add3A_180 = arith.addf %get3A_175, %get3A_179 : vector<16xf32>
              %swap3A = arith.constant 4 : i32
              %swap3A_181 = arith.index_cast %swap3A : i32 to index
              %swap3A_182 = arith.index_cast %mul3A_171 : i32 to index
              %swap3A_183 = tpu.vector_load %arg22[%swap3A_181, %swap3A_182] {strides = array<i32>} : memref<8x2048xf32, #tpu.memory_space<vmem>>, vector<16xf32>,
              tpu.vector_store %arg22[%swap3A_181, %swap3A_182], %add3A_180 {strides = array<i32>} : memref<8x2048xf32, #tpu.memory_space<vmem>>, vector<16xf32>,
            }
            %scan3A_168 = arith.constant 128 : i32
          } else {
          }
          %gt3A_103 = arith.constant 4 : i32
          %gt3A_104 = arith.cmpi sgt, %get3A_69, %gt3A_103 : i32
          %convert_element_type3A_105 = arith.extui %gt3A_104 : i1 to i32
          %cond3A_106 = arith.constant 0 : i32
          %cond3A_107 = arith.cmpi ne, %convert_element_type3A_105, %cond3A_106 : i32
          scf.if %cond3A_107 {
            %scan3A_163 = arith.constant 0 : i32
            %scan3A_164 = arith.constant 0 : i32
            %scan3A_165 = arith.constant 128 : i32
            %scan3A_166 = arith.addi %scan3A_164, %scan3A_165 : i32
            %scan3A_167 = arith.constant 1 : i32
            scf.for %scan3A_169 = %scan3A_164 to %scan3A_166 step %scan3A_167  : i32 {
              %mul3A_170 = arith.constant 16 : i32
              %mul3A_171 = arith.muli %scan3A_169, %mul3A_170 : i32
              %get3A_172 = arith.constant 4 : i32
              %get3A_173 = arith.index_cast %get3A_172 : i32 to index
              %get3A_174 = arith.index_cast %mul3A_171 : i32 to index
              %get3A_175 = tpu.vector_load %arg22[%get3A_173, %get3A_174] {strides = array<i32>} : memref<8x2048xf32, #tpu.memory_space<vmem>>, vector<16xf32>,
              %get3A_176 = arith.constant 4 : i32
              %get3A_177 = arith.index_cast %get3A_176 : i32 to index
              %get3A_178 = arith.index_cast %mul3A_171 : i32 to index
              %get3A_179 = tpu.vector_load %arg21[%get3A_177, %get3A_178] {strides = array<i32>} : memref<16x2048xf32, #tpu.memory_space<vmem>>, vector<16xf32>,
              %add3A_180 = arith.addf %get3A_175, %get3A_179 : vector<16xf32>
              %swap3A = arith.constant 4 : i32
              %swap3A_181 = arith.index_cast %swap3A : i32 to index
              %swap3A_182 = arith.index_cast %mul3A_171 : i32 to index
              %swap3A_183 = tpu.vector_load %arg22[%swap3A_181, %swap3A_182] {strides = array<i32>} : memref<8x2048xf32, #tpu.memory_space<vmem>>, vector<16xf32>,
              tpu.vector_store %arg22[%swap3A_181, %swap3A_182], %add3A_180 {strides = array<i32>} : memref<8x2048xf32, #tpu.memory_space<vmem>>, vector<16xf32>,
            }
            %scan3A_168 = arith.constant 128 : i32
          } else {
          }
          %gt3A_108 = arith.constant 5 : i32
          %gt3A_109 = arith.cmpi sgt, %get3A_69, %gt3A_108 : i32
          %convert_element_type3A_110 = arith.extui %gt3A_109 : i1 to i32
          %cond3A_111 = arith.constant 0 : i32
          %cond3A_112 = arith.cmpi ne, %convert_element_type3A_110, %cond3A_111 : i32
          scf.if %cond3A_112 {
            %scan3A_163 = arith.constant 0 : i32
            %scan3A_164 = arith.constant 0 : i32
            %scan3A_165 = arith.constant 128 : i32
            %scan3A_166 = arith.addi %scan3A_164, %scan3A_165 : i32
            %scan3A_167 = arith.constant 1 : i32
            scf.for %scan3A_169 = %scan3A_164 to %scan3A_166 step %scan3A_167  : i32 {
              %mul3A_170 = arith.constant 16 : i32
              %mul3A_171 = arith.muli %scan3A_169, %mul3A_170 : i32
              %get3A_172 = arith.constant 4 : i32
              %get3A_173 = arith.index_cast %get3A_172 : i32 to index
              %get3A_174 = arith.index_cast %mul3A_171 : i32 to index
              %get3A_175 = tpu.vector_load %arg22[%get3A_173, %get3A_174] {strides = array<i32>} : memref<8x2048xf32, #tpu.memory_space<vmem>>, vector<16xf32>,
              %get3A_176 = arith.constant 5 : i32
              %get3A_177 = arith.index_cast %get3A_176 : i32 to index
              %get3A_178 = arith.index_cast %mul3A_171 : i32 to index
              %get3A_179 = tpu.vector_load %arg21[%get3A_177, %get3A_178] {strides = array<i32>} : memref<16x2048xf32, #tpu.memory_space<vmem>>, vector<16xf32>,
              %add3A_180 = arith.addf %get3A_175, %get3A_179 : vector<16xf32>
              %swap3A = arith.constant 4 : i32
              %swap3A_181 = arith.index_cast %swap3A : i32 to index
              %swap3A_182 = arith.index_cast %mul3A_171 : i32 to index
              %swap3A_183 = tpu.vector_load %arg22[%swap3A_181, %swap3A_182] {strides = array<i32>} : memref<8x2048xf32, #tpu.memory_space<vmem>>, vector<16xf32>,
              tpu.vector_store %arg22[%swap3A_181, %swap3A_182], %add3A_180 {strides = array<i32>} : memref<8x2048xf32, #tpu.memory_space<vmem>>, vector<16xf32>,
            }
            %scan3A_168 = arith.constant 128 : i32
          } else {
          }
          %gt3A_113 = arith.constant 6 : i32
          %gt3A_114 = arith.cmpi sgt, %get3A_69, %gt3A_113 : i32
          %convert_element_type3A_115 = arith.extui %gt3A_114 : i1 to i32
          %cond3A_116 = arith.constant 0 : i32
          %cond3A_117 = arith.cmpi ne, %convert_element_type3A_115, %cond3A_116 : i32
          scf.if %cond3A_117 {
            %scan3A_163 = arith.constant 0 : i32
            %scan3A_164 = arith.constant 0 : i32
            %scan3A_165 = arith.constant 128 : i32
            %scan3A_166 = arith.addi %scan3A_164, %scan3A_165 : i32
            %scan3A_167 = arith.constant 1 : i32
            scf.for %scan3A_169 = %scan3A_164 to %scan3A_166 step %scan3A_167  : i32 {
              %mul3A_170 = arith.constant 16 : i32
              %mul3A_171 = arith.muli %scan3A_169, %mul3A_170 : i32
              %get3A_172 = arith.constant 4 : i32
              %get3A_173 = arith.index_cast %get3A_172 : i32 to index
              %get3A_174 = arith.index_cast %mul3A_171 : i32 to index
              %get3A_175 = tpu.vector_load %arg22[%get3A_173, %get3A_174] {strides = array<i32>} : memref<8x2048xf32, #tpu.memory_space<vmem>>, vector<16xf32>,
              %get3A_176 = arith.constant 6 : i32
              %get3A_177 = arith.index_cast %get3A_176 : i32 to index
              %get3A_178 = arith.index_cast %mul3A_171 : i32 to index
              %get3A_179 = tpu.vector_load %arg21[%get3A_177, %get3A_178] {strides = array<i32>} : memref<16x2048xf32, #tpu.memory_space<vmem>>, vector<16xf32>,
              %add3A_180 = arith.addf %get3A_175, %get3A_179 : vector<16xf32>
              %swap3A = arith.constant 4 : i32
              %swap3A_181 = arith.index_cast %swap3A : i32 to index
              %swap3A_182 = arith.index_cast %mul3A_171 : i32 to index
              %swap3A_183 = tpu.vector_load %arg22[%swap3A_181, %swap3A_182] {strides = array<i32>} : memref<8x2048xf32, #tpu.memory_space<vmem>>, vector<16xf32>,
              tpu.vector_store %arg22[%swap3A_181, %swap3A_182], %add3A_180 {strides = array<i32>} : memref<8x2048xf32, #tpu.memory_space<vmem>>, vector<16xf32>,
            }
            %scan3A_168 = arith.constant 128 : i32
          } else {
          }
          %gt3A_118 = arith.constant 7 : i32
          %gt3A_119 = arith.cmpi sgt, %get3A_69, %gt3A_118 : i32
          %convert_element_type3A_120 = arith.extui %gt3A_119 : i1 to i32
          %cond3A_121 = arith.constant 0 : i32
          %cond3A_122 = arith.cmpi ne, %convert_element_type3A_120, %cond3A_121 : i32
          scf.if %cond3A_122 {
            %scan3A_163 = arith.constant 0 : i32
            %scan3A_164 = arith.constant 0 : i32
            %scan3A_165 = arith.constant 128 : i32
            %scan3A_166 = arith.addi %scan3A_164, %scan3A_165 : i32
            %scan3A_167 = arith.constant 1 : i32
            scf.for %scan3A_169 = %scan3A_164 to %scan3A_166 step %scan3A_167  : i32 {
              %mul3A_170 = arith.constant 16 : i32
              %mul3A_171 = arith.muli %scan3A_169, %mul3A_170 : i32
              %get3A_172 = arith.constant 4 : i32
              %get3A_173 = arith.index_cast %get3A_172 : i32 to index
              %get3A_174 = arith.index_cast %mul3A_171 : i32 to index
              %get3A_175 = tpu.vector_load %arg22[%get3A_173, %get3A_174] {strides = array<i32>} : memref<8x2048xf32, #tpu.memory_space<vmem>>, vector<16xf32>,
              %get3A_176 = arith.constant 7 : i32
              %get3A_177 = arith.index_cast %get3A_176 : i32 to index
              %get3A_178 = arith.index_cast %mul3A_171 : i32 to index
              %get3A_179 = tpu.vector_load %arg21[%get3A_177, %get3A_178] {strides = array<i32>} : memref<16x2048xf32, #tpu.memory_space<vmem>>, vector<16xf32>,
              %add3A_180 = arith.addf %get3A_175, %get3A_179 : vector<16xf32>
              %swap3A = arith.constant 4 : i32
              %swap3A_181 = arith.index_cast %swap3A : i32 to index
              %swap3A_182 = arith.index_cast %mul3A_171 : i32 to index
              %swap3A_183 = tpu.vector_load %arg22[%swap3A_181, %swap3A_182] {strides = array<i32>} : memref<8x2048xf32, #tpu.memory_space<vmem>>, vector<16xf32>,
              tpu.vector_store %arg22[%swap3A_181, %swap3A_182], %add3A_180 {strides = array<i32>} : memref<8x2048xf32, #tpu.memory_space<vmem>>, vector<16xf32>,
            }
            %scan3A_168 = arith.constant 128 : i32
          } else {
          }
          %gt3A_123 = arith.constant 8 : i32
          %gt3A_124 = arith.cmpi sgt, %get3A_69, %gt3A_123 : i32
          %convert_element_type3A_125 = arith.extui %gt3A_124 : i1 to i32
          %cond3A_126 = arith.constant 0 : i32
          %cond3A_127 = arith.cmpi ne, %convert_element_type3A_125, %cond3A_126 : i32
          scf.if %cond3A_127 {
            %scan3A_163 = arith.constant 0 : i32
            %scan3A_164 = arith.constant 0 : i32
            %scan3A_165 = arith.constant 128 : i32
            %scan3A_166 = arith.addi %scan3A_164, %scan3A_165 : i32
            %scan3A_167 = arith.constant 1 : i32
            scf.for %scan3A_169 = %scan3A_164 to %scan3A_166 step %scan3A_167  : i32 {
              %mul3A_170 = arith.constant 16 : i32
              %mul3A_171 = arith.muli %scan3A_169, %mul3A_170 : i32
              %get3A_172 = arith.constant 4 : i32
              %get3A_173 = arith.index_cast %get3A_172 : i32 to index
              %get3A_174 = arith.index_cast %mul3A_171 : i32 to index
              %get3A_175 = tpu.vector_load %arg22[%get3A_173, %get3A_174] {strides = array<i32>} : memref<8x2048xf32, #tpu.memory_space<vmem>>, vector<16xf32>,
              %get3A_176 = arith.constant 8 : i32
              %get3A_177 = arith.index_cast %get3A_176 : i32 to index
              %get3A_178 = arith.index_cast %mul3A_171 : i32 to index
              %get3A_179 = tpu.vector_load %arg21[%get3A_177, %get3A_178] {strides = array<i32>} : memref<16x2048xf32, #tpu.memory_space<vmem>>, vector<16xf32>,
              %add3A_180 = arith.addf %get3A_175, %get3A_179 : vector<16xf32>
              %swap3A = arith.constant 4 : i32
              %swap3A_181 = arith.index_cast %swap3A : i32 to index
              %swap3A_182 = arith.index_cast %mul3A_171 : i32 to index
              %swap3A_183 = tpu.vector_load %arg22[%swap3A_181, %swap3A_182] {strides = array<i32>} : memref<8x2048xf32, #tpu.memory_space<vmem>>, vector<16xf32>,
              tpu.vector_store %arg22[%swap3A_181, %swap3A_182], %add3A_180 {strides = array<i32>} : memref<8x2048xf32, #tpu.memory_space<vmem>>, vector<16xf32>,
            }
            %scan3A_168 = arith.constant 128 : i32
          } else {
          }
          %gt3A_128 = arith.constant 9 : i32
          %gt3A_129 = arith.cmpi sgt, %get3A_69, %gt3A_128 : i32
          %convert_element_type3A_130 = arith.extui %gt3A_129 : i1 to i32
          %cond3A_131 = arith.constant 0 : i32
          %cond3A_132 = arith.cmpi ne, %convert_element_type3A_130, %cond3A_131 : i32
          scf.if %cond3A_132 {
            %scan3A_163 = arith.constant 0 : i32
            %scan3A_164 = arith.constant 0 : i32
            %scan3A_165 = arith.constant 128 : i32
            %scan3A_166 = arith.addi %scan3A_164, %scan3A_165 : i32
            %scan3A_167 = arith.constant 1 : i32
            scf.for %scan3A_169 = %scan3A_164 to %scan3A_166 step %scan3A_167  : i32 {
              %mul3A_170 = arith.constant 16 : i32
              %mul3A_171 = arith.muli %scan3A_169, %mul3A_170 : i32
              %get3A_172 = arith.constant 4 : i32
              %get3A_173 = arith.index_cast %get3A_172 : i32 to index
              %get3A_174 = arith.index_cast %mul3A_171 : i32 to index
              %get3A_175 = tpu.vector_load %arg22[%get3A_173, %get3A_174] {strides = array<i32>} : memref<8x2048xf32, #tpu.memory_space<vmem>>, vector<16xf32>,
              %get3A_176 = arith.constant 9 : i32
              %get3A_177 = arith.index_cast %get3A_176 : i32 to index
              %get3A_178 = arith.index_cast %mul3A_171 : i32 to index
              %get3A_179 = tpu.vector_load %arg21[%get3A_177, %get3A_178] {strides = array<i32>} : memref<16x2048xf32, #tpu.memory_space<vmem>>, vector<16xf32>,
              %add3A_180 = arith.addf %get3A_175, %get3A_179 : vector<16xf32>
              %swap3A = arith.constant 4 : i32
              %swap3A_181 = arith.index_cast %swap3A : i32 to index
              %swap3A_182 = arith.index_cast %mul3A_171 : i32 to index
              %swap3A_183 = tpu.vector_load %arg22[%swap3A_181, %swap3A_182] {strides = array<i32>} : memref<8x2048xf32, #tpu.memory_space<vmem>>, vector<16xf32>,
              tpu.vector_store %arg22[%swap3A_181, %swap3A_182], %add3A_180 {strides = array<i32>} : memref<8x2048xf32, #tpu.memory_space<vmem>>, vector<16xf32>,
            }
            %scan3A_168 = arith.constant 128 : i32
          } else {
          }
          %gt3A_133 = arith.constant 10 : i32
          %gt3A_134 = arith.cmpi sgt, %get3A_69, %gt3A_133 : i32
          %convert_element_type3A_135 = arith.extui %gt3A_134 : i1 to i32
          %cond3A_136 = arith.constant 0 : i32
          %cond3A_137 = arith.cmpi ne, %convert_element_type3A_135, %cond3A_136 : i32
          scf.if %cond3A_137 {
            %scan3A_163 = arith.constant 0 : i32
            %scan3A_164 = arith.constant 0 : i32
            %scan3A_165 = arith.constant 128 : i32
            %scan3A_166 = arith.addi %scan3A_164, %scan3A_165 : i32
            %scan3A_167 = arith.constant 1 : i32
            scf.for %scan3A_169 = %scan3A_164 to %scan3A_166 step %scan3A_167  : i32 {
              %mul3A_170 = arith.constant 16 : i32
              %mul3A_171 = arith.muli %scan3A_169, %mul3A_170 : i32
              %get3A_172 = arith.constant 4 : i32
              %get3A_173 = arith.index_cast %get3A_172 : i32 to index
              %get3A_174 = arith.index_cast %mul3A_171 : i32 to index
              %get3A_175 = tpu.vector_load %arg22[%get3A_173, %get3A_174] {strides = array<i32>} : memref<8x2048xf32, #tpu.memory_space<vmem>>, vector<16xf32>,
              %get3A_176 = arith.constant 10 : i32
              %get3A_177 = arith.index_cast %get3A_176 : i32 to index
              %get3A_178 = arith.index_cast %mul3A_171 : i32 to index
              %get3A_179 = tpu.vector_load %arg21[%get3A_177, %get3A_178] {strides = array<i32>} : memref<16x2048xf32, #tpu.memory_space<vmem>>, vector<16xf32>,
              %add3A_180 = arith.addf %get3A_175, %get3A_179 : vector<16xf32>
              %swap3A = arith.constant 4 : i32
              %swap3A_181 = arith.index_cast %swap3A : i32 to index
              %swap3A_182 = arith.index_cast %mul3A_171 : i32 to index
              %swap3A_183 = tpu.vector_load %arg22[%swap3A_181, %swap3A_182] {strides = array<i32>} : memref<8x2048xf32, #tpu.memory_space<vmem>>, vector<16xf32>,
              tpu.vector_store %arg22[%swap3A_181, %swap3A_182], %add3A_180 {strides = array<i32>} : memref<8x2048xf32, #tpu.memory_space<vmem>>, vector<16xf32>,
            }
            %scan3A_168 = arith.constant 128 : i32
          } else {
          }
          %gt3A_138 = arith.constant 11 : i32
          %gt3A_139 = arith.cmpi sgt, %get3A_69, %gt3A_138 : i32
          %convert_element_type3A_140 = arith.extui %gt3A_139 : i1 to i32
          %cond3A_141 = arith.constant 0 : i32
          %cond3A_142 = arith.cmpi ne, %convert_element_type3A_140, %cond3A_141 : i32
          scf.if %cond3A_142 {
            %scan3A_163 = arith.constant 0 : i32
            %scan3A_164 = arith.constant 0 : i32
            %scan3A_165 = arith.constant 128 : i32
            %scan3A_166 = arith.addi %scan3A_164, %scan3A_165 : i32
            %scan3A_167 = arith.constant 1 : i32
            scf.for %scan3A_169 = %scan3A_164 to %scan3A_166 step %scan3A_167  : i32 {
              %mul3A_170 = arith.constant 16 : i32
              %mul3A_171 = arith.muli %scan3A_169, %mul3A_170 : i32
              %get3A_172 = arith.constant 4 : i32
              %get3A_173 = arith.index_cast %get3A_172 : i32 to index
              %get3A_174 = arith.index_cast %mul3A_171 : i32 to index
              %get3A_175 = tpu.vector_load %arg22[%get3A_173, %get3A_174] {strides = array<i32>} : memref<8x2048xf32, #tpu.memory_space<vmem>>, vector<16xf32>,
              %get3A_176 = arith.constant 11 : i32
              %get3A_177 = arith.index_cast %get3A_176 : i32 to index
              %get3A_178 = arith.index_cast %mul3A_171 : i32 to index
              %get3A_179 = tpu.vector_load %arg21[%get3A_177, %get3A_178] {strides = array<i32>} : memref<16x2048xf32, #tpu.memory_space<vmem>>, vector<16xf32>,
              %add3A_180 = arith.addf %get3A_175, %get3A_179 : vector<16xf32>
              %swap3A = arith.constant 4 : i32
              %swap3A_181 = arith.index_cast %swap3A : i32 to index
              %swap3A_182 = arith.index_cast %mul3A_171 : i32 to index
              %swap3A_183 = tpu.vector_load %arg22[%swap3A_181, %swap3A_182] {strides = array<i32>} : memref<8x2048xf32, #tpu.memory_space<vmem>>, vector<16xf32>,
              tpu.vector_store %arg22[%swap3A_181, %swap3A_182], %add3A_180 {strides = array<i32>} : memref<8x2048xf32, #tpu.memory_space<vmem>>, vector<16xf32>,
            }
            %scan3A_168 = arith.constant 128 : i32
          } else {
          }
          %gt3A_143 = arith.constant 12 : i32
          %gt3A_144 = arith.cmpi sgt, %get3A_69, %gt3A_143 : i32
          %convert_element_type3A_145 = arith.extui %gt3A_144 : i1 to i32
          %cond3A_146 = arith.constant 0 : i32
          %cond3A_147 = arith.cmpi ne, %convert_element_type3A_145, %cond3A_146 : i32
          scf.if %cond3A_147 {
            %scan3A_163 = arith.constant 0 : i32
            %scan3A_164 = arith.constant 0 : i32
            %scan3A_165 = arith.constant 128 : i32
            %scan3A_166 = arith.addi %scan3A_164, %scan3A_165 : i32
            %scan3A_167 = arith.constant 1 : i32
            scf.for %scan3A_169 = %scan3A_164 to %scan3A_166 step %scan3A_167  : i32 {
              %mul3A_170 = arith.constant 16 : i32
              %mul3A_171 = arith.muli %scan3A_169, %mul3A_170 : i32
              %get3A_172 = arith.constant 4 : i32
              %get3A_173 = arith.index_cast %get3A_172 : i32 to index
              %get3A_174 = arith.index_cast %mul3A_171 : i32 to index
              %get3A_175 = tpu.vector_load %arg22[%get3A_173, %get3A_174] {strides = array<i32>} : memref<8x2048xf32, #tpu.memory_space<vmem>>, vector<16xf32>,
              %get3A_176 = arith.constant 12 : i32
              %get3A_177 = arith.index_cast %get3A_176 : i32 to index
              %get3A_178 = arith.index_cast %mul3A_171 : i32 to index
              %get3A_179 = tpu.vector_load %arg21[%get3A_177, %get3A_178] {strides = array<i32>} : memref<16x2048xf32, #tpu.memory_space<vmem>>, vector<16xf32>,
              %add3A_180 = arith.addf %get3A_175, %get3A_179 : vector<16xf32>
              %swap3A = arith.constant 4 : i32
              %swap3A_181 = arith.index_cast %swap3A : i32 to index
              %swap3A_182 = arith.index_cast %mul3A_171 : i32 to index
              %swap3A_183 = tpu.vector_load %arg22[%swap3A_181, %swap3A_182] {strides = array<i32>} : memref<8x2048xf32, #tpu.memory_space<vmem>>, vector<16xf32>,
              tpu.vector_store %arg22[%swap3A_181, %swap3A_182], %add3A_180 {strides = array<i32>} : memref<8x2048xf32, #tpu.memory_space<vmem>>, vector<16xf32>,
            }
            %scan3A_168 = arith.constant 128 : i32
          } else {
          }
          %gt3A_148 = arith.constant 13 : i32
          %gt3A_149 = arith.cmpi sgt, %get3A_69, %gt3A_148 : i32
          %convert_element_type3A_150 = arith.extui %gt3A_149 : i1 to i32
          %cond3A_151 = arith.constant 0 : i32
          %cond3A_152 = arith.cmpi ne, %convert_element_type3A_150, %cond3A_151 : i32
          scf.if %cond3A_152 {
            %scan3A_163 = arith.constant 0 : i32
            %scan3A_164 = arith.constant 0 : i32
            %scan3A_165 = arith.constant 128 : i32
            %scan3A_166 = arith.addi %scan3A_164, %scan3A_165 : i32
            %scan3A_167 = arith.constant 1 : i32
            scf.for %scan3A_169 = %scan3A_164 to %scan3A_166 step %scan3A_167  : i32 {
              %mul3A_170 = arith.constant 16 : i32
              %mul3A_171 = arith.muli %scan3A_169, %mul3A_170 : i32
              %get3A_172 = arith.constant 4 : i32
              %get3A_173 = arith.index_cast %get3A_172 : i32 to index
              %get3A_174 = arith.index_cast %mul3A_171 : i32 to index
              %get3A_175 = tpu.vector_load %arg22[%get3A_173, %get3A_174] {strides = array<i32>} : memref<8x2048xf32, #tpu.memory_space<vmem>>, vector<16xf32>,
              %get3A_176 = arith.constant 13 : i32
              %get3A_177 = arith.index_cast %get3A_176 : i32 to index
              %get3A_178 = arith.index_cast %mul3A_171 : i32 to index
              %get3A_179 = tpu.vector_load %arg21[%get3A_177, %get3A_178] {strides = array<i32>} : memref<16x2048xf32, #tpu.memory_space<vmem>>, vector<16xf32>,
              %add3A_180 = arith.addf %get3A_175, %get3A_179 : vector<16xf32>
              %swap3A = arith.constant 4 : i32
              %swap3A_181 = arith.index_cast %swap3A : i32 to index
              %swap3A_182 = arith.index_cast %mul3A_171 : i32 to index
              %swap3A_183 = tpu.vector_load %arg22[%swap3A_181, %swap3A_182] {strides = array<i32>} : memref<8x2048xf32, #tpu.memory_space<vmem>>, vector<16xf32>,
              tpu.vector_store %arg22[%swap3A_181, %swap3A_182], %add3A_180 {strides = array<i32>} : memref<8x2048xf32, #tpu.memory_space<vmem>>, vector<16xf32>,
            }
            %scan3A_168 = arith.constant 128 : i32
          } else {
          }
          %gt3A_153 = arith.constant 14 : i32
          %gt3A_154 = arith.cmpi sgt, %get3A_69, %gt3A_153 : i32
          %convert_element_type3A_155 = arith.extui %gt3A_154 : i1 to i32
          %cond3A_156 = arith.constant 0 : i32
          %cond3A_157 = arith.cmpi ne, %convert_element_type3A_155, %cond3A_156 : i32
          scf.if %cond3A_157 {
            %scan3A_163 = arith.constant 0 : i32
            %scan3A_164 = arith.constant 0 : i32
            %scan3A_165 = arith.constant 128 : i32
            %scan3A_166 = arith.addi %scan3A_164, %scan3A_165 : i32
            %scan3A_167 = arith.constant 1 : i32
            scf.for %scan3A_169 = %scan3A_164 to %scan3A_166 step %scan3A_167  : i32 {
              %mul3A_170 = arith.constant 16 : i32
              %mul3A_171 = arith.muli %scan3A_169, %mul3A_170 : i32
              %get3A_172 = arith.constant 4 : i32
              %get3A_173 = arith.index_cast %get3A_172 : i32 to index
              %get3A_174 = arith.index_cast %mul3A_171 : i32 to index
              %get3A_175 = tpu.vector_load %arg22[%get3A_173, %get3A_174] {strides = array<i32>} : memref<8x2048xf32, #tpu.memory_space<vmem>>, vector<16xf32>,
              %get3A_176 = arith.constant 14 : i32
              %get3A_177 = arith.index_cast %get3A_176 : i32 to index
              %get3A_178 = arith.index_cast %mul3A_171 : i32 to index
              %get3A_179 = tpu.vector_load %arg21[%get3A_177, %get3A_178] {strides = array<i32>} : memref<16x2048xf32, #tpu.memory_space<vmem>>, vector<16xf32>,
              %add3A_180 = arith.addf %get3A_175, %get3A_179 : vector<16xf32>
              %swap3A = arith.constant 4 : i32
              %swap3A_181 = arith.index_cast %swap3A : i32 to index
              %swap3A_182 = arith.index_cast %mul3A_171 : i32 to index
              %swap3A_183 = tpu.vector_load %arg22[%swap3A_181, %swap3A_182] {strides = array<i32>} : memref<8x2048xf32, #tpu.memory_space<vmem>>, vector<16xf32>,
              tpu.vector_store %arg22[%swap3A_181, %swap3A_182], %add3A_180 {strides = array<i32>} : memref<8x2048xf32, #tpu.memory_space<vmem>>, vector<16xf32>,
            }
            %scan3A_168 = arith.constant 128 : i32
          } else {
          }
          %gt3A_158 = arith.constant 15 : i32
          %gt3A_159 = arith.cmpi sgt, %get3A_69, %gt3A_158 : i32
          %convert_element_type3A_160 = arith.extui %gt3A_159 : i1 to i32
          %cond3A_161 = arith.constant 0 : i32
          %cond3A_162 = arith.cmpi ne, %convert_element_type3A_160, %cond3A_161 : i32
          scf.if %cond3A_162 {
            %scan3A_163 = arith.constant 0 : i32
            %scan3A_164 = arith.constant 0 : i32
            %scan3A_165 = arith.constant 128 : i32
            %scan3A_166 = arith.addi %scan3A_164, %scan3A_165 : i32
            %scan3A_167 = arith.constant 1 : i32
            scf.for %scan3A_169 = %scan3A_164 to %scan3A_166 step %scan3A_167  : i32 {
              %mul3A_170 = arith.constant 16 : i32
              %mul3A_171 = arith.muli %scan3A_169, %mul3A_170 : i32
              %get3A_172 = arith.constant 4 : i32
              %get3A_173 = arith.index_cast %get3A_172 : i32 to index
              %get3A_174 = arith.index_cast %mul3A_171 : i32 to index
              %get3A_175 = tpu.vector_load %arg22[%get3A_173, %get3A_174] {strides = array<i32>} : memref<8x2048xf32, #tpu.memory_space<vmem>>, vector<16xf32>,
              %get3A_176 = arith.constant 15 : i32
              %get3A_177 = arith.index_cast %get3A_176 : i32 to index
              %get3A_178 = arith.index_cast %mul3A_171 : i32 to index
              %get3A_179 = tpu.vector_load %arg21[%get3A_177, %get3A_178] {strides = array<i32>} : memref<16x2048xf32, #tpu.memory_space<vmem>>, vector<16xf32>,
              %add3A_180 = arith.addf %get3A_175, %get3A_179 : vector<16xf32>
              %swap3A = arith.constant 4 : i32
              %swap3A_181 = arith.index_cast %swap3A : i32 to index
              %swap3A_182 = arith.index_cast %mul3A_171 : i32 to index
              %swap3A_183 = tpu.vector_load %arg22[%swap3A_181, %swap3A_182] {strides = array<i32>} : memref<8x2048xf32, #tpu.memory_space<vmem>>, vector<16xf32>,
              tpu.vector_store %arg22[%swap3A_181, %swap3A_182], %add3A_180 {strides = array<i32>} : memref<8x2048xf32, #tpu.memory_space<vmem>>, vector<16xf32>,
            }
            %scan3A_168 = arith.constant 128 : i32
          } else {
          }
        } else {
        }
      }
      %scan3A_65 = arith.constant 10 : i32
    } else {
    }
    %gt3A_45 = arith.constant 0 : i32
    %gt3A_46 = arith.cmpi sgt, %scan3A_16, %gt3A_45 : i32
    %convert_element_type3A_47 = arith.extui %gt3A_46 : i1 to i32
    %cond3A_48 = arith.constant 0 : i32
    %cond3A_49 = arith.cmpi ne, %convert_element_type3A_47, %cond3A_48 : i32
    scf.if %cond3A_49 {
      %scan3A_60 = arith.constant 0 : i32
      %scan3A_61 = arith.constant 0 : i32
      %scan3A_62 = arith.constant 10 : i32
      %scan3A_63 = arith.addi %scan3A_61, %scan3A_62 : i32
      %scan3A_64 = arith.constant 1 : i32
      scf.for %scan3A_66 = %scan3A_61 to %scan3A_63 step %scan3A_64  : i32 {
        %get3A = arith.constant 5 : i32
        %get3A_67 = arith.index_cast %get3A : i32 to index
        %get3A_68 = arith.index_cast %scan3A_66 : i32 to index
        %get3A_69 = memref.load %arg23[%get3A_67, %get3A_68] : memref<8x10xi32, #tpu.memory_space<smem>>
        %gt3A_70 = arith.constant 0 : i32
        %gt3A_71 = arith.cmpi sgt, %get3A_69, %gt3A_70 : i32
        %convert_element_type3A_72 = arith.extui %gt3A_71 : i1 to i32
        %cond3A_73 = arith.constant 0 : i32
        %cond3A_74 = arith.cmpi ne, %convert_element_type3A_72, %cond3A_73 : i32
        scf.if %cond3A_74 {
          %mul3A_75 = arith.constant 16 : i32
          %mul3A_76 = arith.muli %scan3A_66, %mul3A_75 : i32
          %dma_start3A = tpu.memref_slice %arg18[%mul3A_76] : memref<160xi32, #tpu.memory_space<vmem>> -> memref<16xi32, #tpu.memory_space<vmem>>
          %dma_start3A_77 = arith.constant 0 : i32
          %dma_start3A_78 = arith.constant 0 : i32
          %dma_start3A_79 = tpu.memref_slice %arg5[%dma_start3A_77, %dma_start3A_78] : memref<5000x2048xf32, #tpu.memory_space<hbm>> -> memref<5000x2048xf32, #tpu.memory_space<hbm>>
          tpu.enqueue_indirect_dma source(%dma_start3A_79 : memref<5000x2048xf32, #tpu.memory_space<hbm>>) target(%arg21 : memref<16x2048xf32, #tpu.memory_space<vmem>>) offsets(%dma_start3A : memref<16xi32, #tpu.memory_space<vmem>>) semaphore(%arg24 : memref<!tpu.dma_semaphore, #tpu.memory_space<semaphore_mem>>)
          %dma_wait3A = tpu.memref_slice %arg18[%mul3A_76] : memref<160xi32, #tpu.memory_space<vmem>> -> memref<16xi32, #tpu.memory_space<vmem>>
          %dma_wait3A_80 = arith.constant 0 : i32
          %dma_wait3A_81 = arith.constant 0 : i32
          %dma_wait3A_82 = tpu.memref_slice %arg5[%dma_wait3A_80, %dma_wait3A_81] : memref<5000x2048xf32, #tpu.memory_space<hbm>> -> memref<5000x2048xf32, #tpu.memory_space<hbm>>
          tpu.wait_indirect_dma semaphore(%arg24 : memref<!tpu.dma_semaphore, #tpu.memory_space<semaphore_mem>>) src(%dma_wait3A_82 : memref<5000x2048xf32, #tpu.memory_space<hbm>>) dst(%arg21 : memref<16x2048xf32, #tpu.memory_space<vmem>>)
          %gt3A_83 = arith.constant 0 : i32
          %gt3A_84 = arith.cmpi sgt, %get3A_69, %gt3A_83 : i32
          %convert_element_type3A_85 = arith.extui %gt3A_84 : i1 to i32
          %cond3A_86 = arith.constant 0 : i32
          %cond3A_87 = arith.cmpi ne, %convert_element_type3A_85, %cond3A_86 : i32
          scf.if %cond3A_87 {
            %scan3A_163 = arith.constant 0 : i32
            %scan3A_164 = arith.constant 0 : i32
            %scan3A_165 = arith.constant 128 : i32
            %scan3A_166 = arith.addi %scan3A_164, %scan3A_165 : i32
            %scan3A_167 = arith.constant 1 : i32
            scf.for %scan3A_169 = %scan3A_164 to %scan3A_166 step %scan3A_167  : i32 {
              %mul3A_170 = arith.constant 16 : i32
              %mul3A_171 = arith.muli %scan3A_169, %mul3A_170 : i32
              %get3A_172 = arith.constant 5 : i32
              %get3A_173 = arith.index_cast %get3A_172 : i32 to index
              %get3A_174 = arith.index_cast %mul3A_171 : i32 to index
              %get3A_175 = tpu.vector_load %arg22[%get3A_173, %get3A_174] {strides = array<i32>} : memref<8x2048xf32, #tpu.memory_space<vmem>>, vector<16xf32>,
              %get3A_176 = arith.constant 0 : i32
              %get3A_177 = arith.index_cast %get3A_176 : i32 to index
              %get3A_178 = arith.index_cast %mul3A_171 : i32 to index
              %get3A_179 = tpu.vector_load %arg21[%get3A_177, %get3A_178] {strides = array<i32>} : memref<16x2048xf32, #tpu.memory_space<vmem>>, vector<16xf32>,
              %add3A_180 = arith.addf %get3A_175, %get3A_179 : vector<16xf32>
              %swap3A = arith.constant 5 : i32
              %swap3A_181 = arith.index_cast %swap3A : i32 to index
              %swap3A_182 = arith.index_cast %mul3A_171 : i32 to index
              %swap3A_183 = tpu.vector_load %arg22[%swap3A_181, %swap3A_182] {strides = array<i32>} : memref<8x2048xf32, #tpu.memory_space<vmem>>, vector<16xf32>,
              tpu.vector_store %arg22[%swap3A_181, %swap3A_182], %add3A_180 {strides = array<i32>} : memref<8x2048xf32, #tpu.memory_space<vmem>>, vector<16xf32>,
            }
            %scan3A_168 = arith.constant 128 : i32
          } else {
          }
          %gt3A_88 = arith.constant 1 : i32
          %gt3A_89 = arith.cmpi sgt, %get3A_69, %gt3A_88 : i32
          %convert_element_type3A_90 = arith.extui %gt3A_89 : i1 to i32
          %cond3A_91 = arith.constant 0 : i32
          %cond3A_92 = arith.cmpi ne, %convert_element_type3A_90, %cond3A_91 : i32
          scf.if %cond3A_92 {
            %scan3A_163 = arith.constant 0 : i32
            %scan3A_164 = arith.constant 0 : i32
            %scan3A_165 = arith.constant 128 : i32
            %scan3A_166 = arith.addi %scan3A_164, %scan3A_165 : i32
            %scan3A_167 = arith.constant 1 : i32
            scf.for %scan3A_169 = %scan3A_164 to %scan3A_166 step %scan3A_167  : i32 {
              %mul3A_170 = arith.constant 16 : i32
              %mul3A_171 = arith.muli %scan3A_169, %mul3A_170 : i32
              %get3A_172 = arith.constant 5 : i32
              %get3A_173 = arith.index_cast %get3A_172 : i32 to index
              %get3A_174 = arith.index_cast %mul3A_171 : i32 to index
              %get3A_175 = tpu.vector_load %arg22[%get3A_173, %get3A_174] {strides = array<i32>} : memref<8x2048xf32, #tpu.memory_space<vmem>>, vector<16xf32>,
              %get3A_176 = arith.constant 1 : i32
              %get3A_177 = arith.index_cast %get3A_176 : i32 to index
              %get3A_178 = arith.index_cast %mul3A_171 : i32 to index
              %get3A_179 = tpu.vector_load %arg21[%get3A_177, %get3A_178] {strides = array<i32>} : memref<16x2048xf32, #tpu.memory_space<vmem>>, vector<16xf32>,
              %add3A_180 = arith.addf %get3A_175, %get3A_179 : vector<16xf32>
              %swap3A = arith.constant 5 : i32
              %swap3A_181 = arith.index_cast %swap3A : i32 to index
              %swap3A_182 = arith.index_cast %mul3A_171 : i32 to index
              %swap3A_183 = tpu.vector_load %arg22[%swap3A_181, %swap3A_182] {strides = array<i32>} : memref<8x2048xf32, #tpu.memory_space<vmem>>, vector<16xf32>,
              tpu.vector_store %arg22[%swap3A_181, %swap3A_182], %add3A_180 {strides = array<i32>} : memref<8x2048xf32, #tpu.memory_space<vmem>>, vector<16xf32>,
            }
            %scan3A_168 = arith.constant 128 : i32
          } else {
          }
          %gt3A_93 = arith.constant 2 : i32
          %gt3A_94 = arith.cmpi sgt, %get3A_69, %gt3A_93 : i32
          %convert_element_type3A_95 = arith.extui %gt3A_94 : i1 to i32
          %cond3A_96 = arith.constant 0 : i32
          %cond3A_97 = arith.cmpi ne, %convert_element_type3A_95, %cond3A_96 : i32
          scf.if %cond3A_97 {
            %scan3A_163 = arith.constant 0 : i32
            %scan3A_164 = arith.constant 0 : i32
            %scan3A_165 = arith.constant 128 : i32
            %scan3A_166 = arith.addi %scan3A_164, %scan3A_165 : i32
            %scan3A_167 = arith.constant 1 : i32
            scf.for %scan3A_169 = %scan3A_164 to %scan3A_166 step %scan3A_167  : i32 {
              %mul3A_170 = arith.constant 16 : i32
              %mul3A_171 = arith.muli %scan3A_169, %mul3A_170 : i32
              %get3A_172 = arith.constant 5 : i32
              %get3A_173 = arith.index_cast %get3A_172 : i32 to index
              %get3A_174 = arith.index_cast %mul3A_171 : i32 to index
              %get3A_175 = tpu.vector_load %arg22[%get3A_173, %get3A_174] {strides = array<i32>} : memref<8x2048xf32, #tpu.memory_space<vmem>>, vector<16xf32>,
              %get3A_176 = arith.constant 2 : i32
              %get3A_177 = arith.index_cast %get3A_176 : i32 to index
              %get3A_178 = arith.index_cast %mul3A_171 : i32 to index
              %get3A_179 = tpu.vector_load %arg21[%get3A_177, %get3A_178] {strides = array<i32>} : memref<16x2048xf32, #tpu.memory_space<vmem>>, vector<16xf32>,
              %add3A_180 = arith.addf %get3A_175, %get3A_179 : vector<16xf32>
              %swap3A = arith.constant 5 : i32
              %swap3A_181 = arith.index_cast %swap3A : i32 to index
              %swap3A_182 = arith.index_cast %mul3A_171 : i32 to index
              %swap3A_183 = tpu.vector_load %arg22[%swap3A_181, %swap3A_182] {strides = array<i32>} : memref<8x2048xf32, #tpu.memory_space<vmem>>, vector<16xf32>,
              tpu.vector_store %arg22[%swap3A_181, %swap3A_182], %add3A_180 {strides = array<i32>} : memref<8x2048xf32, #tpu.memory_space<vmem>>, vector<16xf32>,
            }
            %scan3A_168 = arith.constant 128 : i32
          } else {
          }
          %gt3A_98 = arith.constant 3 : i32
          %gt3A_99 = arith.cmpi sgt, %get3A_69, %gt3A_98 : i32
          %convert_element_type3A_100 = arith.extui %gt3A_99 : i1 to i32
          %cond3A_101 = arith.constant 0 : i32
          %cond3A_102 = arith.cmpi ne, %convert_element_type3A_100, %cond3A_101 : i32
          scf.if %cond3A_102 {
            %scan3A_163 = arith.constant 0 : i32
            %scan3A_164 = arith.constant 0 : i32
            %scan3A_165 = arith.constant 128 : i32
            %scan3A_166 = arith.addi %scan3A_164, %scan3A_165 : i32
            %scan3A_167 = arith.constant 1 : i32
            scf.for %scan3A_169 = %scan3A_164 to %scan3A_166 step %scan3A_167  : i32 {
              %mul3A_170 = arith.constant 16 : i32
              %mul3A_171 = arith.muli %scan3A_169, %mul3A_170 : i32
              %get3A_172 = arith.constant 5 : i32
              %get3A_173 = arith.index_cast %get3A_172 : i32 to index
              %get3A_174 = arith.index_cast %mul3A_171 : i32 to index
              %get3A_175 = tpu.vector_load %arg22[%get3A_173, %get3A_174] {strides = array<i32>} : memref<8x2048xf32, #tpu.memory_space<vmem>>, vector<16xf32>,
              %get3A_176 = arith.constant 3 : i32
              %get3A_177 = arith.index_cast %get3A_176 : i32 to index
              %get3A_178 = arith.index_cast %mul3A_171 : i32 to index
              %get3A_179 = tpu.vector_load %arg21[%get3A_177, %get3A_178] {strides = array<i32>} : memref<16x2048xf32, #tpu.memory_space<vmem>>, vector<16xf32>,
              %add3A_180 = arith.addf %get3A_175, %get3A_179 : vector<16xf32>
              %swap3A = arith.constant 5 : i32
              %swap3A_181 = arith.index_cast %swap3A : i32 to index
              %swap3A_182 = arith.index_cast %mul3A_171 : i32 to index
              %swap3A_183 = tpu.vector_load %arg22[%swap3A_181, %swap3A_182] {strides = array<i32>} : memref<8x2048xf32, #tpu.memory_space<vmem>>, vector<16xf32>,
              tpu.vector_store %arg22[%swap3A_181, %swap3A_182], %add3A_180 {strides = array<i32>} : memref<8x2048xf32, #tpu.memory_space<vmem>>, vector<16xf32>,
            }
            %scan3A_168 = arith.constant 128 : i32
          } else {
          }
          %gt3A_103 = arith.constant 4 : i32
          %gt3A_104 = arith.cmpi sgt, %get3A_69, %gt3A_103 : i32
          %convert_element_type3A_105 = arith.extui %gt3A_104 : i1 to i32
          %cond3A_106 = arith.constant 0 : i32
          %cond3A_107 = arith.cmpi ne, %convert_element_type3A_105, %cond3A_106 : i32
          scf.if %cond3A_107 {
            %scan3A_163 = arith.constant 0 : i32
            %scan3A_164 = arith.constant 0 : i32
            %scan3A_165 = arith.constant 128 : i32
            %scan3A_166 = arith.addi %scan3A_164, %scan3A_165 : i32
            %scan3A_167 = arith.constant 1 : i32
            scf.for %scan3A_169 = %scan3A_164 to %scan3A_166 step %scan3A_167  : i32 {
              %mul3A_170 = arith.constant 16 : i32
              %mul3A_171 = arith.muli %scan3A_169, %mul3A_170 : i32
              %get3A_172 = arith.constant 5 : i32
              %get3A_173 = arith.index_cast %get3A_172 : i32 to index
              %get3A_174 = arith.index_cast %mul3A_171 : i32 to index
              %get3A_175 = tpu.vector_load %arg22[%get3A_173, %get3A_174] {strides = array<i32>} : memref<8x2048xf32, #tpu.memory_space<vmem>>, vector<16xf32>,
              %get3A_176 = arith.constant 4 : i32
              %get3A_177 = arith.index_cast %get3A_176 : i32 to index
              %get3A_178 = arith.index_cast %mul3A_171 : i32 to index
              %get3A_179 = tpu.vector_load %arg21[%get3A_177, %get3A_178] {strides = array<i32>} : memref<16x2048xf32, #tpu.memory_space<vmem>>, vector<16xf32>,
              %add3A_180 = arith.addf %get3A_175, %get3A_179 : vector<16xf32>
              %swap3A = arith.constant 5 : i32
              %swap3A_181 = arith.index_cast %swap3A : i32 to index
              %swap3A_182 = arith.index_cast %mul3A_171 : i32 to index
              %swap3A_183 = tpu.vector_load %arg22[%swap3A_181, %swap3A_182] {strides = array<i32>} : memref<8x2048xf32, #tpu.memory_space<vmem>>, vector<16xf32>,
              tpu.vector_store %arg22[%swap3A_181, %swap3A_182], %add3A_180 {strides = array<i32>} : memref<8x2048xf32, #tpu.memory_space<vmem>>, vector<16xf32>,
            }
            %scan3A_168 = arith.constant 128 : i32
          } else {
          }
          %gt3A_108 = arith.constant 5 : i32
          %gt3A_109 = arith.cmpi sgt, %get3A_69, %gt3A_108 : i32
          %convert_element_type3A_110 = arith.extui %gt3A_109 : i1 to i32
          %cond3A_111 = arith.constant 0 : i32
          %cond3A_112 = arith.cmpi ne, %convert_element_type3A_110, %cond3A_111 : i32
          scf.if %cond3A_112 {
            %scan3A_163 = arith.constant 0 : i32
            %scan3A_164 = arith.constant 0 : i32
            %scan3A_165 = arith.constant 128 : i32
            %scan3A_166 = arith.addi %scan3A_164, %scan3A_165 : i32
            %scan3A_167 = arith.constant 1 : i32
            scf.for %scan3A_169 = %scan3A_164 to %scan3A_166 step %scan3A_167  : i32 {
              %mul3A_170 = arith.constant 16 : i32
              %mul3A_171 = arith.muli %scan3A_169, %mul3A_170 : i32
              %get3A_172 = arith.constant 5 : i32
              %get3A_173 = arith.index_cast %get3A_172 : i32 to index
              %get3A_174 = arith.index_cast %mul3A_171 : i32 to index
              %get3A_175 = tpu.vector_load %arg22[%get3A_173, %get3A_174] {strides = array<i32>} : memref<8x2048xf32, #tpu.memory_space<vmem>>, vector<16xf32>,
              %get3A_176 = arith.constant 5 : i32
              %get3A_177 = arith.index_cast %get3A_176 : i32 to index
              %get3A_178 = arith.index_cast %mul3A_171 : i32 to index
              %get3A_179 = tpu.vector_load %arg21[%get3A_177, %get3A_178] {strides = array<i32>} : memref<16x2048xf32, #tpu.memory_space<vmem>>, vector<16xf32>,
              %add3A_180 = arith.addf %get3A_175, %get3A_179 : vector<16xf32>
              %swap3A = arith.constant 5 : i32
              %swap3A_181 = arith.index_cast %swap3A : i32 to index
              %swap3A_182 = arith.index_cast %mul3A_171 : i32 to index
              %swap3A_183 = tpu.vector_load %arg22[%swap3A_181, %swap3A_182] {strides = array<i32>} : memref<8x2048xf32, #tpu.memory_space<vmem>>, vector<16xf32>,
              tpu.vector_store %arg22[%swap3A_181, %swap3A_182], %add3A_180 {strides = array<i32>} : memref<8x2048xf32, #tpu.memory_space<vmem>>, vector<16xf32>,
            }
            %scan3A_168 = arith.constant 128 : i32
          } else {
          }
          %gt3A_113 = arith.constant 6 : i32
          %gt3A_114 = arith.cmpi sgt, %get3A_69, %gt3A_113 : i32
          %convert_element_type3A_115 = arith.extui %gt3A_114 : i1 to i32
          %cond3A_116 = arith.constant 0 : i32
          %cond3A_117 = arith.cmpi ne, %convert_element_type3A_115, %cond3A_116 : i32
          scf.if %cond3A_117 {
            %scan3A_163 = arith.constant 0 : i32
            %scan3A_164 = arith.constant 0 : i32
            %scan3A_165 = arith.constant 128 : i32
            %scan3A_166 = arith.addi %scan3A_164, %scan3A_165 : i32
            %scan3A_167 = arith.constant 1 : i32
            scf.for %scan3A_169 = %scan3A_164 to %scan3A_166 step %scan3A_167  : i32 {
              %mul3A_170 = arith.constant 16 : i32
              %mul3A_171 = arith.muli %scan3A_169, %mul3A_170 : i32
              %get3A_172 = arith.constant 5 : i32
              %get3A_173 = arith.index_cast %get3A_172 : i32 to index
              %get3A_174 = arith.index_cast %mul3A_171 : i32 to index
              %get3A_175 = tpu.vector_load %arg22[%get3A_173, %get3A_174] {strides = array<i32>} : memref<8x2048xf32, #tpu.memory_space<vmem>>, vector<16xf32>,
              %get3A_176 = arith.constant 6 : i32
              %get3A_177 = arith.index_cast %get3A_176 : i32 to index
              %get3A_178 = arith.index_cast %mul3A_171 : i32 to index
              %get3A_179 = tpu.vector_load %arg21[%get3A_177, %get3A_178] {strides = array<i32>} : memref<16x2048xf32, #tpu.memory_space<vmem>>, vector<16xf32>,
              %add3A_180 = arith.addf %get3A_175, %get3A_179 : vector<16xf32>
              %swap3A = arith.constant 5 : i32
              %swap3A_181 = arith.index_cast %swap3A : i32 to index
              %swap3A_182 = arith.index_cast %mul3A_171 : i32 to index
              %swap3A_183 = tpu.vector_load %arg22[%swap3A_181, %swap3A_182] {strides = array<i32>} : memref<8x2048xf32, #tpu.memory_space<vmem>>, vector<16xf32>,
              tpu.vector_store %arg22[%swap3A_181, %swap3A_182], %add3A_180 {strides = array<i32>} : memref<8x2048xf32, #tpu.memory_space<vmem>>, vector<16xf32>,
            }
            %scan3A_168 = arith.constant 128 : i32
          } else {
          }
          %gt3A_118 = arith.constant 7 : i32
          %gt3A_119 = arith.cmpi sgt, %get3A_69, %gt3A_118 : i32
          %convert_element_type3A_120 = arith.extui %gt3A_119 : i1 to i32
          %cond3A_121 = arith.constant 0 : i32
          %cond3A_122 = arith.cmpi ne, %convert_element_type3A_120, %cond3A_121 : i32
          scf.if %cond3A_122 {
            %scan3A_163 = arith.constant 0 : i32
            %scan3A_164 = arith.constant 0 : i32
            %scan3A_165 = arith.constant 128 : i32
            %scan3A_166 = arith.addi %scan3A_164, %scan3A_165 : i32
            %scan3A_167 = arith.constant 1 : i32
            scf.for %scan3A_169 = %scan3A_164 to %scan3A_166 step %scan3A_167  : i32 {
              %mul3A_170 = arith.constant 16 : i32
              %mul3A_171 = arith.muli %scan3A_169, %mul3A_170 : i32
              %get3A_172 = arith.constant 5 : i32
              %get3A_173 = arith.index_cast %get3A_172 : i32 to index
              %get3A_174 = arith.index_cast %mul3A_171 : i32 to index
              %get3A_175 = tpu.vector_load %arg22[%get3A_173, %get3A_174] {strides = array<i32>} : memref<8x2048xf32, #tpu.memory_space<vmem>>, vector<16xf32>,
              %get3A_176 = arith.constant 7 : i32
              %get3A_177 = arith.index_cast %get3A_176 : i32 to index
              %get3A_178 = arith.index_cast %mul3A_171 : i32 to index
              %get3A_179 = tpu.vector_load %arg21[%get3A_177, %get3A_178] {strides = array<i32>} : memref<16x2048xf32, #tpu.memory_space<vmem>>, vector<16xf32>,
              %add3A_180 = arith.addf %get3A_175, %get3A_179 : vector<16xf32>
              %swap3A = arith.constant 5 : i32
              %swap3A_181 = arith.index_cast %swap3A : i32 to index
              %swap3A_182 = arith.index_cast %mul3A_171 : i32 to index
              %swap3A_183 = tpu.vector_load %arg22[%swap3A_181, %swap3A_182] {strides = array<i32>} : memref<8x2048xf32, #tpu.memory_space<vmem>>, vector<16xf32>,
              tpu.vector_store %arg22[%swap3A_181, %swap3A_182], %add3A_180 {strides = array<i32>} : memref<8x2048xf32, #tpu.memory_space<vmem>>, vector<16xf32>,
            }
            %scan3A_168 = arith.constant 128 : i32
          } else {
          }
          %gt3A_123 = arith.constant 8 : i32
          %gt3A_124 = arith.cmpi sgt, %get3A_69, %gt3A_123 : i32
          %convert_element_type3A_125 = arith.extui %gt3A_124 : i1 to i32
          %cond3A_126 = arith.constant 0 : i32
          %cond3A_127 = arith.cmpi ne, %convert_element_type3A_125, %cond3A_126 : i32
          scf.if %cond3A_127 {
            %scan3A_163 = arith.constant 0 : i32
            %scan3A_164 = arith.constant 0 : i32
            %scan3A_165 = arith.constant 128 : i32
            %scan3A_166 = arith.addi %scan3A_164, %scan3A_165 : i32
            %scan3A_167 = arith.constant 1 : i32
            scf.for %scan3A_169 = %scan3A_164 to %scan3A_166 step %scan3A_167  : i32 {
              %mul3A_170 = arith.constant 16 : i32
              %mul3A_171 = arith.muli %scan3A_169, %mul3A_170 : i32
              %get3A_172 = arith.constant 5 : i32
              %get3A_173 = arith.index_cast %get3A_172 : i32 to index
              %get3A_174 = arith.index_cast %mul3A_171 : i32 to index
              %get3A_175 = tpu.vector_load %arg22[%get3A_173, %get3A_174] {strides = array<i32>} : memref<8x2048xf32, #tpu.memory_space<vmem>>, vector<16xf32>,
              %get3A_176 = arith.constant 8 : i32
              %get3A_177 = arith.index_cast %get3A_176 : i32 to index
              %get3A_178 = arith.index_cast %mul3A_171 : i32 to index
              %get3A_179 = tpu.vector_load %arg21[%get3A_177, %get3A_178] {strides = array<i32>} : memref<16x2048xf32, #tpu.memory_space<vmem>>, vector<16xf32>,
              %add3A_180 = arith.addf %get3A_175, %get3A_179 : vector<16xf32>
              %swap3A = arith.constant 5 : i32
              %swap3A_181 = arith.index_cast %swap3A : i32 to index
              %swap3A_182 = arith.index_cast %mul3A_171 : i32 to index
              %swap3A_183 = tpu.vector_load %arg22[%swap3A_181, %swap3A_182] {strides = array<i32>} : memref<8x2048xf32, #tpu.memory_space<vmem>>, vector<16xf32>,
              tpu.vector_store %arg22[%swap3A_181, %swap3A_182], %add3A_180 {strides = array<i32>} : memref<8x2048xf32, #tpu.memory_space<vmem>>, vector<16xf32>,
            }
            %scan3A_168 = arith.constant 128 : i32
          } else {
          }
          %gt3A_128 = arith.constant 9 : i32
          %gt3A_129 = arith.cmpi sgt, %get3A_69, %gt3A_128 : i32
          %convert_element_type3A_130 = arith.extui %gt3A_129 : i1 to i32
          %cond3A_131 = arith.constant 0 : i32
          %cond3A_132 = arith.cmpi ne, %convert_element_type3A_130, %cond3A_131 : i32
          scf.if %cond3A_132 {
            %scan3A_163 = arith.constant 0 : i32
            %scan3A_164 = arith.constant 0 : i32
            %scan3A_165 = arith.constant 128 : i32
            %scan3A_166 = arith.addi %scan3A_164, %scan3A_165 : i32
            %scan3A_167 = arith.constant 1 : i32
            scf.for %scan3A_169 = %scan3A_164 to %scan3A_166 step %scan3A_167  : i32 {
              %mul3A_170 = arith.constant 16 : i32
              %mul3A_171 = arith.muli %scan3A_169, %mul3A_170 : i32
              %get3A_172 = arith.constant 5 : i32
              %get3A_173 = arith.index_cast %get3A_172 : i32 to index
              %get3A_174 = arith.index_cast %mul3A_171 : i32 to index
              %get3A_175 = tpu.vector_load %arg22[%get3A_173, %get3A_174] {strides = array<i32>} : memref<8x2048xf32, #tpu.memory_space<vmem>>, vector<16xf32>,
              %get3A_176 = arith.constant 9 : i32
              %get3A_177 = arith.index_cast %get3A_176 : i32 to index
              %get3A_178 = arith.index_cast %mul3A_171 : i32 to index
              %get3A_179 = tpu.vector_load %arg21[%get3A_177, %get3A_178] {strides = array<i32>} : memref<16x2048xf32, #tpu.memory_space<vmem>>, vector<16xf32>,
              %add3A_180 = arith.addf %get3A_175, %get3A_179 : vector<16xf32>
              %swap3A = arith.constant 5 : i32
              %swap3A_181 = arith.index_cast %swap3A : i32 to index
              %swap3A_182 = arith.index_cast %mul3A_171 : i32 to index
              %swap3A_183 = tpu.vector_load %arg22[%swap3A_181, %swap3A_182] {strides = array<i32>} : memref<8x2048xf32, #tpu.memory_space<vmem>>, vector<16xf32>,
              tpu.vector_store %arg22[%swap3A_181, %swap3A_182], %add3A_180 {strides = array<i32>} : memref<8x2048xf32, #tpu.memory_space<vmem>>, vector<16xf32>,
            }
            %scan3A_168 = arith.constant 128 : i32
          } else {
          }
          %gt3A_133 = arith.constant 10 : i32
          %gt3A_134 = arith.cmpi sgt, %get3A_69, %gt3A_133 : i32
          %convert_element_type3A_135 = arith.extui %gt3A_134 : i1 to i32
          %cond3A_136 = arith.constant 0 : i32
          %cond3A_137 = arith.cmpi ne, %convert_element_type3A_135, %cond3A_136 : i32
          scf.if %cond3A_137 {
            %scan3A_163 = arith.constant 0 : i32
            %scan3A_164 = arith.constant 0 : i32
            %scan3A_165 = arith.constant 128 : i32
            %scan3A_166 = arith.addi %scan3A_164, %scan3A_165 : i32
            %scan3A_167 = arith.constant 1 : i32
            scf.for %scan3A_169 = %scan3A_164 to %scan3A_166 step %scan3A_167  : i32 {
              %mul3A_170 = arith.constant 16 : i32
              %mul3A_171 = arith.muli %scan3A_169, %mul3A_170 : i32
              %get3A_172 = arith.constant 5 : i32
              %get3A_173 = arith.index_cast %get3A_172 : i32 to index
              %get3A_174 = arith.index_cast %mul3A_171 : i32 to index
              %get3A_175 = tpu.vector_load %arg22[%get3A_173, %get3A_174] {strides = array<i32>} : memref<8x2048xf32, #tpu.memory_space<vmem>>, vector<16xf32>,
              %get3A_176 = arith.constant 10 : i32
              %get3A_177 = arith.index_cast %get3A_176 : i32 to index
              %get3A_178 = arith.index_cast %mul3A_171 : i32 to index
              %get3A_179 = tpu.vector_load %arg21[%get3A_177, %get3A_178] {strides = array<i32>} : memref<16x2048xf32, #tpu.memory_space<vmem>>, vector<16xf32>,
              %add3A_180 = arith.addf %get3A_175, %get3A_179 : vector<16xf32>
              %swap3A = arith.constant 5 : i32
              %swap3A_181 = arith.index_cast %swap3A : i32 to index
              %swap3A_182 = arith.index_cast %mul3A_171 : i32 to index
              %swap3A_183 = tpu.vector_load %arg22[%swap3A_181, %swap3A_182] {strides = array<i32>} : memref<8x2048xf32, #tpu.memory_space<vmem>>, vector<16xf32>,
              tpu.vector_store %arg22[%swap3A_181, %swap3A_182], %add3A_180 {strides = array<i32>} : memref<8x2048xf32, #tpu.memory_space<vmem>>, vector<16xf32>,
            }
            %scan3A_168 = arith.constant 128 : i32
          } else {
          }
          %gt3A_138 = arith.constant 11 : i32
          %gt3A_139 = arith.cmpi sgt, %get3A_69, %gt3A_138 : i32
          %convert_element_type3A_140 = arith.extui %gt3A_139 : i1 to i32
          %cond3A_141 = arith.constant 0 : i32
          %cond3A_142 = arith.cmpi ne, %convert_element_type3A_140, %cond3A_141 : i32
          scf.if %cond3A_142 {
            %scan3A_163 = arith.constant 0 : i32
            %scan3A_164 = arith.constant 0 : i32
            %scan3A_165 = arith.constant 128 : i32
            %scan3A_166 = arith.addi %scan3A_164, %scan3A_165 : i32
            %scan3A_167 = arith.constant 1 : i32
            scf.for %scan3A_169 = %scan3A_164 to %scan3A_166 step %scan3A_167  : i32 {
              %mul3A_170 = arith.constant 16 : i32
              %mul3A_171 = arith.muli %scan3A_169, %mul3A_170 : i32
              %get3A_172 = arith.constant 5 : i32
              %get3A_173 = arith.index_cast %get3A_172 : i32 to index
              %get3A_174 = arith.index_cast %mul3A_171 : i32 to index
              %get3A_175 = tpu.vector_load %arg22[%get3A_173, %get3A_174] {strides = array<i32>} : memref<8x2048xf32, #tpu.memory_space<vmem>>, vector<16xf32>,
              %get3A_176 = arith.constant 11 : i32
              %get3A_177 = arith.index_cast %get3A_176 : i32 to index
              %get3A_178 = arith.index_cast %mul3A_171 : i32 to index
              %get3A_179 = tpu.vector_load %arg21[%get3A_177, %get3A_178] {strides = array<i32>} : memref<16x2048xf32, #tpu.memory_space<vmem>>, vector<16xf32>,
              %add3A_180 = arith.addf %get3A_175, %get3A_179 : vector<16xf32>
              %swap3A = arith.constant 5 : i32
              %swap3A_181 = arith.index_cast %swap3A : i32 to index
              %swap3A_182 = arith.index_cast %mul3A_171 : i32 to index
              %swap3A_183 = tpu.vector_load %arg22[%swap3A_181, %swap3A_182] {strides = array<i32>} : memref<8x2048xf32, #tpu.memory_space<vmem>>, vector<16xf32>,
              tpu.vector_store %arg22[%swap3A_181, %swap3A_182], %add3A_180 {strides = array<i32>} : memref<8x2048xf32, #tpu.memory_space<vmem>>, vector<16xf32>,
            }
            %scan3A_168 = arith.constant 128 : i32
          } else {
          }
          %gt3A_143 = arith.constant 12 : i32
          %gt3A_144 = arith.cmpi sgt, %get3A_69, %gt3A_143 : i32
          %convert_element_type3A_145 = arith.extui %gt3A_144 : i1 to i32
          %cond3A_146 = arith.constant 0 : i32
          %cond3A_147 = arith.cmpi ne, %convert_element_type3A_145, %cond3A_146 : i32
          scf.if %cond3A_147 {
            %scan3A_163 = arith.constant 0 : i32
            %scan3A_164 = arith.constant 0 : i32
            %scan3A_165 = arith.constant 128 : i32
            %scan3A_166 = arith.addi %scan3A_164, %scan3A_165 : i32
            %scan3A_167 = arith.constant 1 : i32
            scf.for %scan3A_169 = %scan3A_164 to %scan3A_166 step %scan3A_167  : i32 {
              %mul3A_170 = arith.constant 16 : i32
              %mul3A_171 = arith.muli %scan3A_169, %mul3A_170 : i32
              %get3A_172 = arith.constant 5 : i32
              %get3A_173 = arith.index_cast %get3A_172 : i32 to index
              %get3A_174 = arith.index_cast %mul3A_171 : i32 to index
              %get3A_175 = tpu.vector_load %arg22[%get3A_173, %get3A_174] {strides = array<i32>} : memref<8x2048xf32, #tpu.memory_space<vmem>>, vector<16xf32>,
              %get3A_176 = arith.constant 12 : i32
              %get3A_177 = arith.index_cast %get3A_176 : i32 to index
              %get3A_178 = arith.index_cast %mul3A_171 : i32 to index
              %get3A_179 = tpu.vector_load %arg21[%get3A_177, %get3A_178] {strides = array<i32>} : memref<16x2048xf32, #tpu.memory_space<vmem>>, vector<16xf32>,
              %add3A_180 = arith.addf %get3A_175, %get3A_179 : vector<16xf32>
              %swap3A = arith.constant 5 : i32
              %swap3A_181 = arith.index_cast %swap3A : i32 to index
              %swap3A_182 = arith.index_cast %mul3A_171 : i32 to index
              %swap3A_183 = tpu.vector_load %arg22[%swap3A_181, %swap3A_182] {strides = array<i32>} : memref<8x2048xf32, #tpu.memory_space<vmem>>, vector<16xf32>,
              tpu.vector_store %arg22[%swap3A_181, %swap3A_182], %add3A_180 {strides = array<i32>} : memref<8x2048xf32, #tpu.memory_space<vmem>>, vector<16xf32>,
            }
            %scan3A_168 = arith.constant 128 : i32
          } else {
          }
          %gt3A_148 = arith.constant 13 : i32
          %gt3A_149 = arith.cmpi sgt, %get3A_69, %gt3A_148 : i32
          %convert_element_type3A_150 = arith.extui %gt3A_149 : i1 to i32
          %cond3A_151 = arith.constant 0 : i32
          %cond3A_152 = arith.cmpi ne, %convert_element_type3A_150, %cond3A_151 : i32
          scf.if %cond3A_152 {
            %scan3A_163 = arith.constant 0 : i32
            %scan3A_164 = arith.constant 0 : i32
            %scan3A_165 = arith.constant 128 : i32
            %scan3A_166 = arith.addi %scan3A_164, %scan3A_165 : i32
            %scan3A_167 = arith.constant 1 : i32
            scf.for %scan3A_169 = %scan3A_164 to %scan3A_166 step %scan3A_167  : i32 {
              %mul3A_170 = arith.constant 16 : i32
              %mul3A_171 = arith.muli %scan3A_169, %mul3A_170 : i32
              %get3A_172 = arith.constant 5 : i32
              %get3A_173 = arith.index_cast %get3A_172 : i32 to index
              %get3A_174 = arith.index_cast %mul3A_171 : i32 to index
              %get3A_175 = tpu.vector_load %arg22[%get3A_173, %get3A_174] {strides = array<i32>} : memref<8x2048xf32, #tpu.memory_space<vmem>>, vector<16xf32>,
              %get3A_176 = arith.constant 13 : i32
              %get3A_177 = arith.index_cast %get3A_176 : i32 to index
              %get3A_178 = arith.index_cast %mul3A_171 : i32 to index
              %get3A_179 = tpu.vector_load %arg21[%get3A_177, %get3A_178] {strides = array<i32>} : memref<16x2048xf32, #tpu.memory_space<vmem>>, vector<16xf32>,
              %add3A_180 = arith.addf %get3A_175, %get3A_179 : vector<16xf32>
              %swap3A = arith.constant 5 : i32
              %swap3A_181 = arith.index_cast %swap3A : i32 to index
              %swap3A_182 = arith.index_cast %mul3A_171 : i32 to index
              %swap3A_183 = tpu.vector_load %arg22[%swap3A_181, %swap3A_182] {strides = array<i32>} : memref<8x2048xf32, #tpu.memory_space<vmem>>, vector<16xf32>,
              tpu.vector_store %arg22[%swap3A_181, %swap3A_182], %add3A_180 {strides = array<i32>} : memref<8x2048xf32, #tpu.memory_space<vmem>>, vector<16xf32>,
            }
            %scan3A_168 = arith.constant 128 : i32
          } else {
          }
          %gt3A_153 = arith.constant 14 : i32
          %gt3A_154 = arith.cmpi sgt, %get3A_69, %gt3A_153 : i32
          %convert_element_type3A_155 = arith.extui %gt3A_154 : i1 to i32
          %cond3A_156 = arith.constant 0 : i32
          %cond3A_157 = arith.cmpi ne, %convert_element_type3A_155, %cond3A_156 : i32
          scf.if %cond3A_157 {
            %scan3A_163 = arith.constant 0 : i32
            %scan3A_164 = arith.constant 0 : i32
            %scan3A_165 = arith.constant 128 : i32
            %scan3A_166 = arith.addi %scan3A_164, %scan3A_165 : i32
            %scan3A_167 = arith.constant 1 : i32
            scf.for %scan3A_169 = %scan3A_164 to %scan3A_166 step %scan3A_167  : i32 {
              %mul3A_170 = arith.constant 16 : i32
              %mul3A_171 = arith.muli %scan3A_169, %mul3A_170 : i32
              %get3A_172 = arith.constant 5 : i32
              %get3A_173 = arith.index_cast %get3A_172 : i32 to index
              %get3A_174 = arith.index_cast %mul3A_171 : i32 to index
              %get3A_175 = tpu.vector_load %arg22[%get3A_173, %get3A_174] {strides = array<i32>} : memref<8x2048xf32, #tpu.memory_space<vmem>>, vector<16xf32>,
              %get3A_176 = arith.constant 14 : i32
              %get3A_177 = arith.index_cast %get3A_176 : i32 to index
              %get3A_178 = arith.index_cast %mul3A_171 : i32 to index
              %get3A_179 = tpu.vector_load %arg21[%get3A_177, %get3A_178] {strides = array<i32>} : memref<16x2048xf32, #tpu.memory_space<vmem>>, vector<16xf32>,
              %add3A_180 = arith.addf %get3A_175, %get3A_179 : vector<16xf32>
              %swap3A = arith.constant 5 : i32
              %swap3A_181 = arith.index_cast %swap3A : i32 to index
              %swap3A_182 = arith.index_cast %mul3A_171 : i32 to index
              %swap3A_183 = tpu.vector_load %arg22[%swap3A_181, %swap3A_182] {strides = array<i32>} : memref<8x2048xf32, #tpu.memory_space<vmem>>, vector<16xf32>,
              tpu.vector_store %arg22[%swap3A_181, %swap3A_182], %add3A_180 {strides = array<i32>} : memref<8x2048xf32, #tpu.memory_space<vmem>>, vector<16xf32>,
            }
            %scan3A_168 = arith.constant 128 : i32
          } else {
          }
          %gt3A_158 = arith.constant 15 : i32
          %gt3A_159 = arith.cmpi sgt, %get3A_69, %gt3A_158 : i32
          %convert_element_type3A_160 = arith.extui %gt3A_159 : i1 to i32
          %cond3A_161 = arith.constant 0 : i32
          %cond3A_162 = arith.cmpi ne, %convert_element_type3A_160, %cond3A_161 : i32
          scf.if %cond3A_162 {
            %scan3A_163 = arith.constant 0 : i32
            %scan3A_164 = arith.constant 0 : i32
            %scan3A_165 = arith.constant 128 : i32
            %scan3A_166 = arith.addi %scan3A_164, %scan3A_165 : i32
            %scan3A_167 = arith.constant 1 : i32
            scf.for %scan3A_169 = %scan3A_164 to %scan3A_166 step %scan3A_167  : i32 {
              %mul3A_170 = arith.constant 16 : i32
              %mul3A_171 = arith.muli %scan3A_169, %mul3A_170 : i32
              %get3A_172 = arith.constant 5 : i32
              %get3A_173 = arith.index_cast %get3A_172 : i32 to index
              %get3A_174 = arith.index_cast %mul3A_171 : i32 to index
              %get3A_175 = tpu.vector_load %arg22[%get3A_173, %get3A_174] {strides = array<i32>} : memref<8x2048xf32, #tpu.memory_space<vmem>>, vector<16xf32>,
              %get3A_176 = arith.constant 15 : i32
              %get3A_177 = arith.index_cast %get3A_176 : i32 to index
              %get3A_178 = arith.index_cast %mul3A_171 : i32 to index
              %get3A_179 = tpu.vector_load %arg21[%get3A_177, %get3A_178] {strides = array<i32>} : memref<16x2048xf32, #tpu.memory_space<vmem>>, vector<16xf32>,
              %add3A_180 = arith.addf %get3A_175, %get3A_179 : vector<16xf32>
              %swap3A = arith.constant 5 : i32
              %swap3A_181 = arith.index_cast %swap3A : i32 to index
              %swap3A_182 = arith.index_cast %mul3A_171 : i32 to index
              %swap3A_183 = tpu.vector_load %arg22[%swap3A_181, %swap3A_182] {strides = array<i32>} : memref<8x2048xf32, #tpu.memory_space<vmem>>, vector<16xf32>,
              tpu.vector_store %arg22[%swap3A_181, %swap3A_182], %add3A_180 {strides = array<i32>} : memref<8x2048xf32, #tpu.memory_space<vmem>>, vector<16xf32>,
            }
            %scan3A_168 = arith.constant 128 : i32
          } else {
          }
        } else {
        }
      }
      %scan3A_65 = arith.constant 10 : i32
    } else {
    }
    %gt3A_50 = arith.constant 0 : i32
    %gt3A_51 = arith.cmpi sgt, %scan3A_17, %gt3A_50 : i32
    %convert_element_type3A_52 = arith.extui %gt3A_51 : i1 to i32
    %cond3A_53 = arith.constant 0 : i32
    %cond3A_54 = arith.cmpi ne, %convert_element_type3A_52, %cond3A_53 : i32
    scf.if %cond3A_54 {
      %scan3A_60 = arith.constant 0 : i32
      %scan3A_61 = arith.constant 0 : i32
      %scan3A_62 = arith.constant 10 : i32
      %scan3A_63 = arith.addi %scan3A_61, %scan3A_62 : i32
      %scan3A_64 = arith.constant 1 : i32
      scf.for %scan3A_66 = %scan3A_61 to %scan3A_63 step %scan3A_64  : i32 {
        %get3A = arith.constant 6 : i32
        %get3A_67 = arith.index_cast %get3A : i32 to index
        %get3A_68 = arith.index_cast %scan3A_66 : i32 to index
        %get3A_69 = memref.load %arg23[%get3A_67, %get3A_68] : memref<8x10xi32, #tpu.memory_space<smem>>
        %gt3A_70 = arith.constant 0 : i32
        %gt3A_71 = arith.cmpi sgt, %get3A_69, %gt3A_70 : i32
        %convert_element_type3A_72 = arith.extui %gt3A_71 : i1 to i32
        %cond3A_73 = arith.constant 0 : i32
        %cond3A_74 = arith.cmpi ne, %convert_element_type3A_72, %cond3A_73 : i32
        scf.if %cond3A_74 {
          %mul3A_75 = arith.constant 16 : i32
          %mul3A_76 = arith.muli %scan3A_66, %mul3A_75 : i32
          %dma_start3A = tpu.memref_slice %arg19[%mul3A_76] : memref<160xi32, #tpu.memory_space<vmem>> -> memref<16xi32, #tpu.memory_space<vmem>>
          %dma_start3A_77 = arith.constant 0 : i32
          %dma_start3A_78 = arith.constant 0 : i32
          %dma_start3A_79 = tpu.memref_slice %arg5[%dma_start3A_77, %dma_start3A_78] : memref<5000x2048xf32, #tpu.memory_space<hbm>> -> memref<5000x2048xf32, #tpu.memory_space<hbm>>
          tpu.enqueue_indirect_dma source(%dma_start3A_79 : memref<5000x2048xf32, #tpu.memory_space<hbm>>) target(%arg21 : memref<16x2048xf32, #tpu.memory_space<vmem>>) offsets(%dma_start3A : memref<16xi32, #tpu.memory_space<vmem>>) semaphore(%arg24 : memref<!tpu.dma_semaphore, #tpu.memory_space<semaphore_mem>>)
          %dma_wait3A = tpu.memref_slice %arg19[%mul3A_76] : memref<160xi32, #tpu.memory_space<vmem>> -> memref<16xi32, #tpu.memory_space<vmem>>
          %dma_wait3A_80 = arith.constant 0 : i32
          %dma_wait3A_81 = arith.constant 0 : i32
          %dma_wait3A_82 = tpu.memref_slice %arg5[%dma_wait3A_80, %dma_wait3A_81] : memref<5000x2048xf32, #tpu.memory_space<hbm>> -> memref<5000x2048xf32, #tpu.memory_space<hbm>>
          tpu.wait_indirect_dma semaphore(%arg24 : memref<!tpu.dma_semaphore, #tpu.memory_space<semaphore_mem>>) src(%dma_wait3A_82 : memref<5000x2048xf32, #tpu.memory_space<hbm>>) dst(%arg21 : memref<16x2048xf32, #tpu.memory_space<vmem>>)
          %gt3A_83 = arith.constant 0 : i32
          %gt3A_84 = arith.cmpi sgt, %get3A_69, %gt3A_83 : i32
          %convert_element_type3A_85 = arith.extui %gt3A_84 : i1 to i32
          %cond3A_86 = arith.constant 0 : i32
          %cond3A_87 = arith.cmpi ne, %convert_element_type3A_85, %cond3A_86 : i32
          scf.if %cond3A_87 {
            %scan3A_163 = arith.constant 0 : i32
            %scan3A_164 = arith.constant 0 : i32
            %scan3A_165 = arith.constant 128 : i32
            %scan3A_166 = arith.addi %scan3A_164, %scan3A_165 : i32
            %scan3A_167 = arith.constant 1 : i32
            scf.for %scan3A_169 = %scan3A_164 to %scan3A_166 step %scan3A_167  : i32 {
              %mul3A_170 = arith.constant 16 : i32
              %mul3A_171 = arith.muli %scan3A_169, %mul3A_170 : i32
              %get3A_172 = arith.constant 6 : i32
              %get3A_173 = arith.index_cast %get3A_172 : i32 to index
              %get3A_174 = arith.index_cast %mul3A_171 : i32 to index
              %get3A_175 = tpu.vector_load %arg22[%get3A_173, %get3A_174] {strides = array<i32>} : memref<8x2048xf32, #tpu.memory_space<vmem>>, vector<16xf32>,
              %get3A_176 = arith.constant 0 : i32
              %get3A_177 = arith.index_cast %get3A_176 : i32 to index
              %get3A_178 = arith.index_cast %mul3A_171 : i32 to index
              %get3A_179 = tpu.vector_load %arg21[%get3A_177, %get3A_178] {strides = array<i32>} : memref<16x2048xf32, #tpu.memory_space<vmem>>, vector<16xf32>,
              %add3A_180 = arith.addf %get3A_175, %get3A_179 : vector<16xf32>
              %swap3A = arith.constant 6 : i32
              %swap3A_181 = arith.index_cast %swap3A : i32 to index
              %swap3A_182 = arith.index_cast %mul3A_171 : i32 to index
              %swap3A_183 = tpu.vector_load %arg22[%swap3A_181, %swap3A_182] {strides = array<i32>} : memref<8x2048xf32, #tpu.memory_space<vmem>>, vector<16xf32>,
              tpu.vector_store %arg22[%swap3A_181, %swap3A_182], %add3A_180 {strides = array<i32>} : memref<8x2048xf32, #tpu.memory_space<vmem>>, vector<16xf32>,
            }
            %scan3A_168 = arith.constant 128 : i32
          } else {
          }
          %gt3A_88 = arith.constant 1 : i32
          %gt3A_89 = arith.cmpi sgt, %get3A_69, %gt3A_88 : i32
          %convert_element_type3A_90 = arith.extui %gt3A_89 : i1 to i32
          %cond3A_91 = arith.constant 0 : i32
          %cond3A_92 = arith.cmpi ne, %convert_element_type3A_90, %cond3A_91 : i32
          scf.if %cond3A_92 {
            %scan3A_163 = arith.constant 0 : i32
            %scan3A_164 = arith.constant 0 : i32
            %scan3A_165 = arith.constant 128 : i32
            %scan3A_166 = arith.addi %scan3A_164, %scan3A_165 : i32
            %scan3A_167 = arith.constant 1 : i32
            scf.for %scan3A_169 = %scan3A_164 to %scan3A_166 step %scan3A_167  : i32 {
              %mul3A_170 = arith.constant 16 : i32
              %mul3A_171 = arith.muli %scan3A_169, %mul3A_170 : i32
              %get3A_172 = arith.constant 6 : i32
              %get3A_173 = arith.index_cast %get3A_172 : i32 to index
              %get3A_174 = arith.index_cast %mul3A_171 : i32 to index
              %get3A_175 = tpu.vector_load %arg22[%get3A_173, %get3A_174] {strides = array<i32>} : memref<8x2048xf32, #tpu.memory_space<vmem>>, vector<16xf32>,
              %get3A_176 = arith.constant 1 : i32
              %get3A_177 = arith.index_cast %get3A_176 : i32 to index
              %get3A_178 = arith.index_cast %mul3A_171 : i32 to index
              %get3A_179 = tpu.vector_load %arg21[%get3A_177, %get3A_178] {strides = array<i32>} : memref<16x2048xf32, #tpu.memory_space<vmem>>, vector<16xf32>,
              %add3A_180 = arith.addf %get3A_175, %get3A_179 : vector<16xf32>
              %swap3A = arith.constant 6 : i32
              %swap3A_181 = arith.index_cast %swap3A : i32 to index
              %swap3A_182 = arith.index_cast %mul3A_171 : i32 to index
              %swap3A_183 = tpu.vector_load %arg22[%swap3A_181, %swap3A_182] {strides = array<i32>} : memref<8x2048xf32, #tpu.memory_space<vmem>>, vector<16xf32>,
              tpu.vector_store %arg22[%swap3A_181, %swap3A_182], %add3A_180 {strides = array<i32>} : memref<8x2048xf32, #tpu.memory_space<vmem>>, vector<16xf32>,
            }
            %scan3A_168 = arith.constant 128 : i32
          } else {
          }
          %gt3A_93 = arith.constant 2 : i32
          %gt3A_94 = arith.cmpi sgt, %get3A_69, %gt3A_93 : i32
          %convert_element_type3A_95 = arith.extui %gt3A_94 : i1 to i32
          %cond3A_96 = arith.constant 0 : i32
          %cond3A_97 = arith.cmpi ne, %convert_element_type3A_95, %cond3A_96 : i32
          scf.if %cond3A_97 {
            %scan3A_163 = arith.constant 0 : i32
            %scan3A_164 = arith.constant 0 : i32
            %scan3A_165 = arith.constant 128 : i32
            %scan3A_166 = arith.addi %scan3A_164, %scan3A_165 : i32
            %scan3A_167 = arith.constant 1 : i32
            scf.for %scan3A_169 = %scan3A_164 to %scan3A_166 step %scan3A_167  : i32 {
              %mul3A_170 = arith.constant 16 : i32
              %mul3A_171 = arith.muli %scan3A_169, %mul3A_170 : i32
              %get3A_172 = arith.constant 6 : i32
              %get3A_173 = arith.index_cast %get3A_172 : i32 to index
              %get3A_174 = arith.index_cast %mul3A_171 : i32 to index
              %get3A_175 = tpu.vector_load %arg22[%get3A_173, %get3A_174] {strides = array<i32>} : memref<8x2048xf32, #tpu.memory_space<vmem>>, vector<16xf32>,
              %get3A_176 = arith.constant 2 : i32
              %get3A_177 = arith.index_cast %get3A_176 : i32 to index
              %get3A_178 = arith.index_cast %mul3A_171 : i32 to index
              %get3A_179 = tpu.vector_load %arg21[%get3A_177, %get3A_178] {strides = array<i32>} : memref<16x2048xf32, #tpu.memory_space<vmem>>, vector<16xf32>,
              %add3A_180 = arith.addf %get3A_175, %get3A_179 : vector<16xf32>
              %swap3A = arith.constant 6 : i32
              %swap3A_181 = arith.index_cast %swap3A : i32 to index
              %swap3A_182 = arith.index_cast %mul3A_171 : i32 to index
              %swap3A_183 = tpu.vector_load %arg22[%swap3A_181, %swap3A_182] {strides = array<i32>} : memref<8x2048xf32, #tpu.memory_space<vmem>>, vector<16xf32>,
              tpu.vector_store %arg22[%swap3A_181, %swap3A_182], %add3A_180 {strides = array<i32>} : memref<8x2048xf32, #tpu.memory_space<vmem>>, vector<16xf32>,
            }
            %scan3A_168 = arith.constant 128 : i32
          } else {
          }
          %gt3A_98 = arith.constant 3 : i32
          %gt3A_99 = arith.cmpi sgt, %get3A_69, %gt3A_98 : i32
          %convert_element_type3A_100 = arith.extui %gt3A_99 : i1 to i32
          %cond3A_101 = arith.constant 0 : i32
          %cond3A_102 = arith.cmpi ne, %convert_element_type3A_100, %cond3A_101 : i32
          scf.if %cond3A_102 {
            %scan3A_163 = arith.constant 0 : i32
            %scan3A_164 = arith.constant 0 : i32
            %scan3A_165 = arith.constant 128 : i32
            %scan3A_166 = arith.addi %scan3A_164, %scan3A_165 : i32
            %scan3A_167 = arith.constant 1 : i32
            scf.for %scan3A_169 = %scan3A_164 to %scan3A_166 step %scan3A_167  : i32 {
              %mul3A_170 = arith.constant 16 : i32
              %mul3A_171 = arith.muli %scan3A_169, %mul3A_170 : i32
              %get3A_172 = arith.constant 6 : i32
              %get3A_173 = arith.index_cast %get3A_172 : i32 to index
              %get3A_174 = arith.index_cast %mul3A_171 : i32 to index
              %get3A_175 = tpu.vector_load %arg22[%get3A_173, %get3A_174] {strides = array<i32>} : memref<8x2048xf32, #tpu.memory_space<vmem>>, vector<16xf32>,
              %get3A_176 = arith.constant 3 : i32
              %get3A_177 = arith.index_cast %get3A_176 : i32 to index
              %get3A_178 = arith.index_cast %mul3A_171 : i32 to index
              %get3A_179 = tpu.vector_load %arg21[%get3A_177, %get3A_178] {strides = array<i32>} : memref<16x2048xf32, #tpu.memory_space<vmem>>, vector<16xf32>,
              %add3A_180 = arith.addf %get3A_175, %get3A_179 : vector<16xf32>
              %swap3A = arith.constant 6 : i32
              %swap3A_181 = arith.index_cast %swap3A : i32 to index
              %swap3A_182 = arith.index_cast %mul3A_171 : i32 to index
              %swap3A_183 = tpu.vector_load %arg22[%swap3A_181, %swap3A_182] {strides = array<i32>} : memref<8x2048xf32, #tpu.memory_space<vmem>>, vector<16xf32>,
              tpu.vector_store %arg22[%swap3A_181, %swap3A_182], %add3A_180 {strides = array<i32>} : memref<8x2048xf32, #tpu.memory_space<vmem>>, vector<16xf32>,
            }
            %scan3A_168 = arith.constant 128 : i32
          } else {
          }
          %gt3A_103 = arith.constant 4 : i32
          %gt3A_104 = arith.cmpi sgt, %get3A_69, %gt3A_103 : i32
          %convert_element_type3A_105 = arith.extui %gt3A_104 : i1 to i32
          %cond3A_106 = arith.constant 0 : i32
          %cond3A_107 = arith.cmpi ne, %convert_element_type3A_105, %cond3A_106 : i32
          scf.if %cond3A_107 {
            %scan3A_163 = arith.constant 0 : i32
            %scan3A_164 = arith.constant 0 : i32
            %scan3A_165 = arith.constant 128 : i32
            %scan3A_166 = arith.addi %scan3A_164, %scan3A_165 : i32
            %scan3A_167 = arith.constant 1 : i32
            scf.for %scan3A_169 = %scan3A_164 to %scan3A_166 step %scan3A_167  : i32 {
              %mul3A_170 = arith.constant 16 : i32
              %mul3A_171 = arith.muli %scan3A_169, %mul3A_170 : i32
              %get3A_172 = arith.constant 6 : i32
              %get3A_173 = arith.index_cast %get3A_172 : i32 to index
              %get3A_174 = arith.index_cast %mul3A_171 : i32 to index
              %get3A_175 = tpu.vector_load %arg22[%get3A_173, %get3A_174] {strides = array<i32>} : memref<8x2048xf32, #tpu.memory_space<vmem>>, vector<16xf32>,
              %get3A_176 = arith.constant 4 : i32
              %get3A_177 = arith.index_cast %get3A_176 : i32 to index
              %get3A_178 = arith.index_cast %mul3A_171 : i32 to index
              %get3A_179 = tpu.vector_load %arg21[%get3A_177, %get3A_178] {strides = array<i32>} : memref<16x2048xf32, #tpu.memory_space<vmem>>, vector<16xf32>,
              %add3A_180 = arith.addf %get3A_175, %get3A_179 : vector<16xf32>
              %swap3A = arith.constant 6 : i32
              %swap3A_181 = arith.index_cast %swap3A : i32 to index
              %swap3A_182 = arith.index_cast %mul3A_171 : i32 to index
              %swap3A_183 = tpu.vector_load %arg22[%swap3A_181, %swap3A_182] {strides = array<i32>} : memref<8x2048xf32, #tpu.memory_space<vmem>>, vector<16xf32>,
              tpu.vector_store %arg22[%swap3A_181, %swap3A_182], %add3A_180 {strides = array<i32>} : memref<8x2048xf32, #tpu.memory_space<vmem>>, vector<16xf32>,
            }
            %scan3A_168 = arith.constant 128 : i32
          } else {
          }
          %gt3A_108 = arith.constant 5 : i32
          %gt3A_109 = arith.cmpi sgt, %get3A_69, %gt3A_108 : i32
          %convert_element_type3A_110 = arith.extui %gt3A_109 : i1 to i32
          %cond3A_111 = arith.constant 0 : i32
          %cond3A_112 = arith.cmpi ne, %convert_element_type3A_110, %cond3A_111 : i32
          scf.if %cond3A_112 {
            %scan3A_163 = arith.constant 0 : i32
            %scan3A_164 = arith.constant 0 : i32
            %scan3A_165 = arith.constant 128 : i32
            %scan3A_166 = arith.addi %scan3A_164, %scan3A_165 : i32
            %scan3A_167 = arith.constant 1 : i32
            scf.for %scan3A_169 = %scan3A_164 to %scan3A_166 step %scan3A_167  : i32 {
              %mul3A_170 = arith.constant 16 : i32
              %mul3A_171 = arith.muli %scan3A_169, %mul3A_170 : i32
              %get3A_172 = arith.constant 6 : i32
              %get3A_173 = arith.index_cast %get3A_172 : i32 to index
              %get3A_174 = arith.index_cast %mul3A_171 : i32 to index
              %get3A_175 = tpu.vector_load %arg22[%get3A_173, %get3A_174] {strides = array<i32>} : memref<8x2048xf32, #tpu.memory_space<vmem>>, vector<16xf32>,
              %get3A_176 = arith.constant 5 : i32
              %get3A_177 = arith.index_cast %get3A_176 : i32 to index
              %get3A_178 = arith.index_cast %mul3A_171 : i32 to index
              %get3A_179 = tpu.vector_load %arg21[%get3A_177, %get3A_178] {strides = array<i32>} : memref<16x2048xf32, #tpu.memory_space<vmem>>, vector<16xf32>,
              %add3A_180 = arith.addf %get3A_175, %get3A_179 : vector<16xf32>
              %swap3A = arith.constant 6 : i32
              %swap3A_181 = arith.index_cast %swap3A : i32 to index
              %swap3A_182 = arith.index_cast %mul3A_171 : i32 to index
              %swap3A_183 = tpu.vector_load %arg22[%swap3A_181, %swap3A_182] {strides = array<i32>} : memref<8x2048xf32, #tpu.memory_space<vmem>>, vector<16xf32>,
              tpu.vector_store %arg22[%swap3A_181, %swap3A_182], %add3A_180 {strides = array<i32>} : memref<8x2048xf32, #tpu.memory_space<vmem>>, vector<16xf32>,
            }
            %scan3A_168 = arith.constant 128 : i32
          } else {
          }
          %gt3A_113 = arith.constant 6 : i32
          %gt3A_114 = arith.cmpi sgt, %get3A_69, %gt3A_113 : i32
          %convert_element_type3A_115 = arith.extui %gt3A_114 : i1 to i32
          %cond3A_116 = arith.constant 0 : i32
          %cond3A_117 = arith.cmpi ne, %convert_element_type3A_115, %cond3A_116 : i32
          scf.if %cond3A_117 {
            %scan3A_163 = arith.constant 0 : i32
            %scan3A_164 = arith.constant 0 : i32
            %scan3A_165 = arith.constant 128 : i32
            %scan3A_166 = arith.addi %scan3A_164, %scan3A_165 : i32
            %scan3A_167 = arith.constant 1 : i32
            scf.for %scan3A_169 = %scan3A_164 to %scan3A_166 step %scan3A_167  : i32 {
              %mul3A_170 = arith.constant 16 : i32
              %mul3A_171 = arith.muli %scan3A_169, %mul3A_170 : i32
              %get3A_172 = arith.constant 6 : i32
              %get3A_173 = arith.index_cast %get3A_172 : i32 to index
              %get3A_174 = arith.index_cast %mul3A_171 : i32 to index
              %get3A_175 = tpu.vector_load %arg22[%get3A_173, %get3A_174] {strides = array<i32>} : memref<8x2048xf32, #tpu.memory_space<vmem>>, vector<16xf32>,
              %get3A_176 = arith.constant 6 : i32
              %get3A_177 = arith.index_cast %get3A_176 : i32 to index
              %get3A_178 = arith.index_cast %mul3A_171 : i32 to index
              %get3A_179 = tpu.vector_load %arg21[%get3A_177, %get3A_178] {strides = array<i32>} : memref<16x2048xf32, #tpu.memory_space<vmem>>, vector<16xf32>,
              %add3A_180 = arith.addf %get3A_175, %get3A_179 : vector<16xf32>
              %swap3A = arith.constant 6 : i32
              %swap3A_181 = arith.index_cast %swap3A : i32 to index
              %swap3A_182 = arith.index_cast %mul3A_171 : i32 to index
              %swap3A_183 = tpu.vector_load %arg22[%swap3A_181, %swap3A_182] {strides = array<i32>} : memref<8x2048xf32, #tpu.memory_space<vmem>>, vector<16xf32>,
              tpu.vector_store %arg22[%swap3A_181, %swap3A_182], %add3A_180 {strides = array<i32>} : memref<8x2048xf32, #tpu.memory_space<vmem>>, vector<16xf32>,
            }
            %scan3A_168 = arith.constant 128 : i32
          } else {
          }
          %gt3A_118 = arith.constant 7 : i32
          %gt3A_119 = arith.cmpi sgt, %get3A_69, %gt3A_118 : i32
          %convert_element_type3A_120 = arith.extui %gt3A_119 : i1 to i32
          %cond3A_121 = arith.constant 0 : i32
          %cond3A_122 = arith.cmpi ne, %convert_element_type3A_120, %cond3A_121 : i32
          scf.if %cond3A_122 {
            %scan3A_163 = arith.constant 0 : i32
            %scan3A_164 = arith.constant 0 : i32
            %scan3A_165 = arith.constant 128 : i32
            %scan3A_166 = arith.addi %scan3A_164, %scan3A_165 : i32
            %scan3A_167 = arith.constant 1 : i32
            scf.for %scan3A_169 = %scan3A_164 to %scan3A_166 step %scan3A_167  : i32 {
              %mul3A_170 = arith.constant 16 : i32
              %mul3A_171 = arith.muli %scan3A_169, %mul3A_170 : i32
              %get3A_172 = arith.constant 6 : i32
              %get3A_173 = arith.index_cast %get3A_172 : i32 to index
              %get3A_174 = arith.index_cast %mul3A_171 : i32 to index
              %get3A_175 = tpu.vector_load %arg22[%get3A_173, %get3A_174] {strides = array<i32>} : memref<8x2048xf32, #tpu.memory_space<vmem>>, vector<16xf32>,
              %get3A_176 = arith.constant 7 : i32
              %get3A_177 = arith.index_cast %get3A_176 : i32 to index
              %get3A_178 = arith.index_cast %mul3A_171 : i32 to index
              %get3A_179 = tpu.vector_load %arg21[%get3A_177, %get3A_178] {strides = array<i32>} : memref<16x2048xf32, #tpu.memory_space<vmem>>, vector<16xf32>,
              %add3A_180 = arith.addf %get3A_175, %get3A_179 : vector<16xf32>
              %swap3A = arith.constant 6 : i32
              %swap3A_181 = arith.index_cast %swap3A : i32 to index
              %swap3A_182 = arith.index_cast %mul3A_171 : i32 to index
              %swap3A_183 = tpu.vector_load %arg22[%swap3A_181, %swap3A_182] {strides = array<i32>} : memref<8x2048xf32, #tpu.memory_space<vmem>>, vector<16xf32>,
              tpu.vector_store %arg22[%swap3A_181, %swap3A_182], %add3A_180 {strides = array<i32>} : memref<8x2048xf32, #tpu.memory_space<vmem>>, vector<16xf32>,
            }
            %scan3A_168 = arith.constant 128 : i32
          } else {
          }
          %gt3A_123 = arith.constant 8 : i32
          %gt3A_124 = arith.cmpi sgt, %get3A_69, %gt3A_123 : i32
          %convert_element_type3A_125 = arith.extui %gt3A_124 : i1 to i32
          %cond3A_126 = arith.constant 0 : i32
          %cond3A_127 = arith.cmpi ne, %convert_element_type3A_125, %cond3A_126 : i32
          scf.if %cond3A_127 {
            %scan3A_163 = arith.constant 0 : i32
            %scan3A_164 = arith.constant 0 : i32
            %scan3A_165 = arith.constant 128 : i32
            %scan3A_166 = arith.addi %scan3A_164, %scan3A_165 : i32
            %scan3A_167 = arith.constant 1 : i32
            scf.for %scan3A_169 = %scan3A_164 to %scan3A_166 step %scan3A_167  : i32 {
              %mul3A_170 = arith.constant 16 : i32
              %mul3A_171 = arith.muli %scan3A_169, %mul3A_170 : i32
              %get3A_172 = arith.constant 6 : i32
              %get3A_173 = arith.index_cast %get3A_172 : i32 to index
              %get3A_174 = arith.index_cast %mul3A_171 : i32 to index
              %get3A_175 = tpu.vector_load %arg22[%get3A_173, %get3A_174] {strides = array<i32>} : memref<8x2048xf32, #tpu.memory_space<vmem>>, vector<16xf32>,
              %get3A_176 = arith.constant 8 : i32
              %get3A_177 = arith.index_cast %get3A_176 : i32 to index
              %get3A_178 = arith.index_cast %mul3A_171 : i32 to index
              %get3A_179 = tpu.vector_load %arg21[%get3A_177, %get3A_178] {strides = array<i32>} : memref<16x2048xf32, #tpu.memory_space<vmem>>, vector<16xf32>,
              %add3A_180 = arith.addf %get3A_175, %get3A_179 : vector<16xf32>
              %swap3A = arith.constant 6 : i32
              %swap3A_181 = arith.index_cast %swap3A : i32 to index
              %swap3A_182 = arith.index_cast %mul3A_171 : i32 to index
              %swap3A_183 = tpu.vector_load %arg22[%swap3A_181, %swap3A_182] {strides = array<i32>} : memref<8x2048xf32, #tpu.memory_space<vmem>>, vector<16xf32>,
              tpu.vector_store %arg22[%swap3A_181, %swap3A_182], %add3A_180 {strides = array<i32>} : memref<8x2048xf32, #tpu.memory_space<vmem>>, vector<16xf32>,
            }
            %scan3A_168 = arith.constant 128 : i32
          } else {
          }
          %gt3A_128 = arith.constant 9 : i32
          %gt3A_129 = arith.cmpi sgt, %get3A_69, %gt3A_128 : i32
          %convert_element_type3A_130 = arith.extui %gt3A_129 : i1 to i32
          %cond3A_131 = arith.constant 0 : i32
          %cond3A_132 = arith.cmpi ne, %convert_element_type3A_130, %cond3A_131 : i32
          scf.if %cond3A_132 {
            %scan3A_163 = arith.constant 0 : i32
            %scan3A_164 = arith.constant 0 : i32
            %scan3A_165 = arith.constant 128 : i32
            %scan3A_166 = arith.addi %scan3A_164, %scan3A_165 : i32
            %scan3A_167 = arith.constant 1 : i32
            scf.for %scan3A_169 = %scan3A_164 to %scan3A_166 step %scan3A_167  : i32 {
              %mul3A_170 = arith.constant 16 : i32
              %mul3A_171 = arith.muli %scan3A_169, %mul3A_170 : i32
              %get3A_172 = arith.constant 6 : i32
              %get3A_173 = arith.index_cast %get3A_172 : i32 to index
              %get3A_174 = arith.index_cast %mul3A_171 : i32 to index
              %get3A_175 = tpu.vector_load %arg22[%get3A_173, %get3A_174] {strides = array<i32>} : memref<8x2048xf32, #tpu.memory_space<vmem>>, vector<16xf32>,
              %get3A_176 = arith.constant 9 : i32
              %get3A_177 = arith.index_cast %get3A_176 : i32 to index
              %get3A_178 = arith.index_cast %mul3A_171 : i32 to index
              %get3A_179 = tpu.vector_load %arg21[%get3A_177, %get3A_178] {strides = array<i32>} : memref<16x2048xf32, #tpu.memory_space<vmem>>, vector<16xf32>,
              %add3A_180 = arith.addf %get3A_175, %get3A_179 : vector<16xf32>
              %swap3A = arith.constant 6 : i32
              %swap3A_181 = arith.index_cast %swap3A : i32 to index
              %swap3A_182 = arith.index_cast %mul3A_171 : i32 to index
              %swap3A_183 = tpu.vector_load %arg22[%swap3A_181, %swap3A_182] {strides = array<i32>} : memref<8x2048xf32, #tpu.memory_space<vmem>>, vector<16xf32>,
              tpu.vector_store %arg22[%swap3A_181, %swap3A_182], %add3A_180 {strides = array<i32>} : memref<8x2048xf32, #tpu.memory_space<vmem>>, vector<16xf32>,
            }
            %scan3A_168 = arith.constant 128 : i32
          } else {
          }
          %gt3A_133 = arith.constant 10 : i32
          %gt3A_134 = arith.cmpi sgt, %get3A_69, %gt3A_133 : i32
          %convert_element_type3A_135 = arith.extui %gt3A_134 : i1 to i32
          %cond3A_136 = arith.constant 0 : i32
          %cond3A_137 = arith.cmpi ne, %convert_element_type3A_135, %cond3A_136 : i32
          scf.if %cond3A_137 {
            %scan3A_163 = arith.constant 0 : i32
            %scan3A_164 = arith.constant 0 : i32
            %scan3A_165 = arith.constant 128 : i32
            %scan3A_166 = arith.addi %scan3A_164, %scan3A_165 : i32
            %scan3A_167 = arith.constant 1 : i32
            scf.for %scan3A_169 = %scan3A_164 to %scan3A_166 step %scan3A_167  : i32 {
              %mul3A_170 = arith.constant 16 : i32
              %mul3A_171 = arith.muli %scan3A_169, %mul3A_170 : i32
              %get3A_172 = arith.constant 6 : i32
              %get3A_173 = arith.index_cast %get3A_172 : i32 to index
              %get3A_174 = arith.index_cast %mul3A_171 : i32 to index
              %get3A_175 = tpu.vector_load %arg22[%get3A_173, %get3A_174] {strides = array<i32>} : memref<8x2048xf32, #tpu.memory_space<vmem>>, vector<16xf32>,
              %get3A_176 = arith.constant 10 : i32
              %get3A_177 = arith.index_cast %get3A_176 : i32 to index
              %get3A_178 = arith.index_cast %mul3A_171 : i32 to index
              %get3A_179 = tpu.vector_load %arg21[%get3A_177, %get3A_178] {strides = array<i32>} : memref<16x2048xf32, #tpu.memory_space<vmem>>, vector<16xf32>,
              %add3A_180 = arith.addf %get3A_175, %get3A_179 : vector<16xf32>
              %swap3A = arith.constant 6 : i32
              %swap3A_181 = arith.index_cast %swap3A : i32 to index
              %swap3A_182 = arith.index_cast %mul3A_171 : i32 to index
              %swap3A_183 = tpu.vector_load %arg22[%swap3A_181, %swap3A_182] {strides = array<i32>} : memref<8x2048xf32, #tpu.memory_space<vmem>>, vector<16xf32>,
              tpu.vector_store %arg22[%swap3A_181, %swap3A_182], %add3A_180 {strides = array<i32>} : memref<8x2048xf32, #tpu.memory_space<vmem>>, vector<16xf32>,
            }
            %scan3A_168 = arith.constant 128 : i32
          } else {
          }
          %gt3A_138 = arith.constant 11 : i32
          %gt3A_139 = arith.cmpi sgt, %get3A_69, %gt3A_138 : i32
          %convert_element_type3A_140 = arith.extui %gt3A_139 : i1 to i32
          %cond3A_141 = arith.constant 0 : i32
          %cond3A_142 = arith.cmpi ne, %convert_element_type3A_140, %cond3A_141 : i32
          scf.if %cond3A_142 {
            %scan3A_163 = arith.constant 0 : i32
            %scan3A_164 = arith.constant 0 : i32
            %scan3A_165 = arith.constant 128 : i32
            %scan3A_166 = arith.addi %scan3A_164, %scan3A_165 : i32
            %scan3A_167 = arith.constant 1 : i32
            scf.for %scan3A_169 = %scan3A_164 to %scan3A_166 step %scan3A_167  : i32 {
              %mul3A_170 = arith.constant 16 : i32
              %mul3A_171 = arith.muli %scan3A_169, %mul3A_170 : i32
              %get3A_172 = arith.constant 6 : i32
              %get3A_173 = arith.index_cast %get3A_172 : i32 to index
              %get3A_174 = arith.index_cast %mul3A_171 : i32 to index
              %get3A_175 = tpu.vector_load %arg22[%get3A_173, %get3A_174] {strides = array<i32>} : memref<8x2048xf32, #tpu.memory_space<vmem>>, vector<16xf32>,
              %get3A_176 = arith.constant 11 : i32
              %get3A_177 = arith.index_cast %get3A_176 : i32 to index
              %get3A_178 = arith.index_cast %mul3A_171 : i32 to index
              %get3A_179 = tpu.vector_load %arg21[%get3A_177, %get3A_178] {strides = array<i32>} : memref<16x2048xf32, #tpu.memory_space<vmem>>, vector<16xf32>,
              %add3A_180 = arith.addf %get3A_175, %get3A_179 : vector<16xf32>
              %swap3A = arith.constant 6 : i32
              %swap3A_181 = arith.index_cast %swap3A : i32 to index
              %swap3A_182 = arith.index_cast %mul3A_171 : i32 to index
              %swap3A_183 = tpu.vector_load %arg22[%swap3A_181, %swap3A_182] {strides = array<i32>} : memref<8x2048xf32, #tpu.memory_space<vmem>>, vector<16xf32>,
              tpu.vector_store %arg22[%swap3A_181, %swap3A_182], %add3A_180 {strides = array<i32>} : memref<8x2048xf32, #tpu.memory_space<vmem>>, vector<16xf32>,
            }
            %scan3A_168 = arith.constant 128 : i32
          } else {
          }
          %gt3A_143 = arith.constant 12 : i32
          %gt3A_144 = arith.cmpi sgt, %get3A_69, %gt3A_143 : i32
          %convert_element_type3A_145 = arith.extui %gt3A_144 : i1 to i32
          %cond3A_146 = arith.constant 0 : i32
          %cond3A_147 = arith.cmpi ne, %convert_element_type3A_145, %cond3A_146 : i32
          scf.if %cond3A_147 {
            %scan3A_163 = arith.constant 0 : i32
            %scan3A_164 = arith.constant 0 : i32
            %scan3A_165 = arith.constant 128 : i32
            %scan3A_166 = arith.addi %scan3A_164, %scan3A_165 : i32
            %scan3A_167 = arith.constant 1 : i32
            scf.for %scan3A_169 = %scan3A_164 to %scan3A_166 step %scan3A_167  : i32 {
              %mul3A_170 = arith.constant 16 : i32
              %mul3A_171 = arith.muli %scan3A_169, %mul3A_170 : i32
              %get3A_172 = arith.constant 6 : i32
              %get3A_173 = arith.index_cast %get3A_172 : i32 to index
              %get3A_174 = arith.index_cast %mul3A_171 : i32 to index
              %get3A_175 = tpu.vector_load %arg22[%get3A_173, %get3A_174] {strides = array<i32>} : memref<8x2048xf32, #tpu.memory_space<vmem>>, vector<16xf32>,
              %get3A_176 = arith.constant 12 : i32
              %get3A_177 = arith.index_cast %get3A_176 : i32 to index
              %get3A_178 = arith.index_cast %mul3A_171 : i32 to index
              %get3A_179 = tpu.vector_load %arg21[%get3A_177, %get3A_178] {strides = array<i32>} : memref<16x2048xf32, #tpu.memory_space<vmem>>, vector<16xf32>,
              %add3A_180 = arith.addf %get3A_175, %get3A_179 : vector<16xf32>
              %swap3A = arith.constant 6 : i32
              %swap3A_181 = arith.index_cast %swap3A : i32 to index
              %swap3A_182 = arith.index_cast %mul3A_171 : i32 to index
              %swap3A_183 = tpu.vector_load %arg22[%swap3A_181, %swap3A_182] {strides = array<i32>} : memref<8x2048xf32, #tpu.memory_space<vmem>>, vector<16xf32>,
              tpu.vector_store %arg22[%swap3A_181, %swap3A_182], %add3A_180 {strides = array<i32>} : memref<8x2048xf32, #tpu.memory_space<vmem>>, vector<16xf32>,
            }
            %scan3A_168 = arith.constant 128 : i32
          } else {
          }
          %gt3A_148 = arith.constant 13 : i32
          %gt3A_149 = arith.cmpi sgt, %get3A_69, %gt3A_148 : i32
          %convert_element_type3A_150 = arith.extui %gt3A_149 : i1 to i32
          %cond3A_151 = arith.constant 0 : i32
          %cond3A_152 = arith.cmpi ne, %convert_element_type3A_150, %cond3A_151 : i32
          scf.if %cond3A_152 {
            %scan3A_163 = arith.constant 0 : i32
            %scan3A_164 = arith.constant 0 : i32
            %scan3A_165 = arith.constant 128 : i32
            %scan3A_166 = arith.addi %scan3A_164, %scan3A_165 : i32
            %scan3A_167 = arith.constant 1 : i32
            scf.for %scan3A_169 = %scan3A_164 to %scan3A_166 step %scan3A_167  : i32 {
              %mul3A_170 = arith.constant 16 : i32
              %mul3A_171 = arith.muli %scan3A_169, %mul3A_170 : i32
              %get3A_172 = arith.constant 6 : i32
              %get3A_173 = arith.index_cast %get3A_172 : i32 to index
              %get3A_174 = arith.index_cast %mul3A_171 : i32 to index
              %get3A_175 = tpu.vector_load %arg22[%get3A_173, %get3A_174] {strides = array<i32>} : memref<8x2048xf32, #tpu.memory_space<vmem>>, vector<16xf32>,
              %get3A_176 = arith.constant 13 : i32
              %get3A_177 = arith.index_cast %get3A_176 : i32 to index
              %get3A_178 = arith.index_cast %mul3A_171 : i32 to index
              %get3A_179 = tpu.vector_load %arg21[%get3A_177, %get3A_178] {strides = array<i32>} : memref<16x2048xf32, #tpu.memory_space<vmem>>, vector<16xf32>,
              %add3A_180 = arith.addf %get3A_175, %get3A_179 : vector<16xf32>
              %swap3A = arith.constant 6 : i32
              %swap3A_181 = arith.index_cast %swap3A : i32 to index
              %swap3A_182 = arith.index_cast %mul3A_171 : i32 to index
              %swap3A_183 = tpu.vector_load %arg22[%swap3A_181, %swap3A_182] {strides = array<i32>} : memref<8x2048xf32, #tpu.memory_space<vmem>>, vector<16xf32>,
              tpu.vector_store %arg22[%swap3A_181, %swap3A_182], %add3A_180 {strides = array<i32>} : memref<8x2048xf32, #tpu.memory_space<vmem>>, vector<16xf32>,
            }
            %scan3A_168 = arith.constant 128 : i32
          } else {
          }
          %gt3A_153 = arith.constant 14 : i32
          %gt3A_154 = arith.cmpi sgt, %get3A_69, %gt3A_153 : i32
          %convert_element_type3A_155 = arith.extui %gt3A_154 : i1 to i32
          %cond3A_156 = arith.constant 0 : i32
          %cond3A_157 = arith.cmpi ne, %convert_element_type3A_155, %cond3A_156 : i32
          scf.if %cond3A_157 {
            %scan3A_163 = arith.constant 0 : i32
            %scan3A_164 = arith.constant 0 : i32
            %scan3A_165 = arith.constant 128 : i32
            %scan3A_166 = arith.addi %scan3A_164, %scan3A_165 : i32
            %scan3A_167 = arith.constant 1 : i32
            scf.for %scan3A_169 = %scan3A_164 to %scan3A_166 step %scan3A_167  : i32 {
              %mul3A_170 = arith.constant 16 : i32
              %mul3A_171 = arith.muli %scan3A_169, %mul3A_170 : i32
              %get3A_172 = arith.constant 6 : i32
              %get3A_173 = arith.index_cast %get3A_172 : i32 to index
              %get3A_174 = arith.index_cast %mul3A_171 : i32 to index
              %get3A_175 = tpu.vector_load %arg22[%get3A_173, %get3A_174] {strides = array<i32>} : memref<8x2048xf32, #tpu.memory_space<vmem>>, vector<16xf32>,
              %get3A_176 = arith.constant 14 : i32
              %get3A_177 = arith.index_cast %get3A_176 : i32 to index
              %get3A_178 = arith.index_cast %mul3A_171 : i32 to index
              %get3A_179 = tpu.vector_load %arg21[%get3A_177, %get3A_178] {strides = array<i32>} : memref<16x2048xf32, #tpu.memory_space<vmem>>, vector<16xf32>,
              %add3A_180 = arith.addf %get3A_175, %get3A_179 : vector<16xf32>
              %swap3A = arith.constant 6 : i32
              %swap3A_181 = arith.index_cast %swap3A : i32 to index
              %swap3A_182 = arith.index_cast %mul3A_171 : i32 to index
              %swap3A_183 = tpu.vector_load %arg22[%swap3A_181, %swap3A_182] {strides = array<i32>} : memref<8x2048xf32, #tpu.memory_space<vmem>>, vector<16xf32>,
              tpu.vector_store %arg22[%swap3A_181, %swap3A_182], %add3A_180 {strides = array<i32>} : memref<8x2048xf32, #tpu.memory_space<vmem>>, vector<16xf32>,
            }
            %scan3A_168 = arith.constant 128 : i32
          } else {
          }
          %gt3A_158 = arith.constant 15 : i32
          %gt3A_159 = arith.cmpi sgt, %get3A_69, %gt3A_158 : i32
          %convert_element_type3A_160 = arith.extui %gt3A_159 : i1 to i32
          %cond3A_161 = arith.constant 0 : i32
          %cond3A_162 = arith.cmpi ne, %convert_element_type3A_160, %cond3A_161 : i32
          scf.if %cond3A_162 {
            %scan3A_163 = arith.constant 0 : i32
            %scan3A_164 = arith.constant 0 : i32
            %scan3A_165 = arith.constant 128 : i32
            %scan3A_166 = arith.addi %scan3A_164, %scan3A_165 : i32
            %scan3A_167 = arith.constant 1 : i32
            scf.for %scan3A_169 = %scan3A_164 to %scan3A_166 step %scan3A_167  : i32 {
              %mul3A_170 = arith.constant 16 : i32
              %mul3A_171 = arith.muli %scan3A_169, %mul3A_170 : i32
              %get3A_172 = arith.constant 6 : i32
              %get3A_173 = arith.index_cast %get3A_172 : i32 to index
              %get3A_174 = arith.index_cast %mul3A_171 : i32 to index
              %get3A_175 = tpu.vector_load %arg22[%get3A_173, %get3A_174] {strides = array<i32>} : memref<8x2048xf32, #tpu.memory_space<vmem>>, vector<16xf32>,
              %get3A_176 = arith.constant 15 : i32
              %get3A_177 = arith.index_cast %get3A_176 : i32 to index
              %get3A_178 = arith.index_cast %mul3A_171 : i32 to index
              %get3A_179 = tpu.vector_load %arg21[%get3A_177, %get3A_178] {strides = array<i32>} : memref<16x2048xf32, #tpu.memory_space<vmem>>, vector<16xf32>,
              %add3A_180 = arith.addf %get3A_175, %get3A_179 : vector<16xf32>
              %swap3A = arith.constant 6 : i32
              %swap3A_181 = arith.index_cast %swap3A : i32 to index
              %swap3A_182 = arith.index_cast %mul3A_171 : i32 to index
              %swap3A_183 = tpu.vector_load %arg22[%swap3A_181, %swap3A_182] {strides = array<i32>} : memref<8x2048xf32, #tpu.memory_space<vmem>>, vector<16xf32>,
              tpu.vector_store %arg22[%swap3A_181, %swap3A_182], %add3A_180 {strides = array<i32>} : memref<8x2048xf32, #tpu.memory_space<vmem>>, vector<16xf32>,
            }
            %scan3A_168 = arith.constant 128 : i32
          } else {
          }
        } else {
        }
      }
      %scan3A_65 = arith.constant 10 : i32
    } else {
    }
    %gt3A_55 = arith.constant 0 : i32
    %gt3A_56 = arith.cmpi sgt, %scan3A_18, %gt3A_55 : i32
    %convert_element_type3A_57 = arith.extui %gt3A_56 : i1 to i32
    %cond3A_58 = arith.constant 0 : i32
    %cond3A_59 = arith.cmpi ne, %convert_element_type3A_57, %cond3A_58 : i32
    scf.if %cond3A_59 {
      %scan3A_60 = arith.constant 0 : i32
      %scan3A_61 = arith.constant 0 : i32
      %scan3A_62 = arith.constant 10 : i32
      %scan3A_63 = arith.addi %scan3A_61, %scan3A_62 : i32
      %scan3A_64 = arith.constant 1 : i32
      scf.for %scan3A_66 = %scan3A_61 to %scan3A_63 step %scan3A_64  : i32 {
        %get3A = arith.constant 7 : i32
        %get3A_67 = arith.index_cast %get3A : i32 to index
        %get3A_68 = arith.index_cast %scan3A_66 : i32 to index
        %get3A_69 = memref.load %arg23[%get3A_67, %get3A_68] : memref<8x10xi32, #tpu.memory_space<smem>>
        %gt3A_70 = arith.constant 0 : i32
        %gt3A_71 = arith.cmpi sgt, %get3A_69, %gt3A_70 : i32
        %convert_element_type3A_72 = arith.extui %gt3A_71 : i1 to i32
        %cond3A_73 = arith.constant 0 : i32
        %cond3A_74 = arith.cmpi ne, %convert_element_type3A_72, %cond3A_73 : i32
        scf.if %cond3A_74 {
          %mul3A_75 = arith.constant 16 : i32
          %mul3A_76 = arith.muli %scan3A_66, %mul3A_75 : i32
          %dma_start3A = tpu.memref_slice %arg20[%mul3A_76] : memref<160xi32, #tpu.memory_space<vmem>> -> memref<16xi32, #tpu.memory_space<vmem>>
          %dma_start3A_77 = arith.constant 0 : i32
          %dma_start3A_78 = arith.constant 0 : i32
          %dma_start3A_79 = tpu.memref_slice %arg5[%dma_start3A_77, %dma_start3A_78] : memref<5000x2048xf32, #tpu.memory_space<hbm>> -> memref<5000x2048xf32, #tpu.memory_space<hbm>>
          tpu.enqueue_indirect_dma source(%dma_start3A_79 : memref<5000x2048xf32, #tpu.memory_space<hbm>>) target(%arg21 : memref<16x2048xf32, #tpu.memory_space<vmem>>) offsets(%dma_start3A : memref<16xi32, #tpu.memory_space<vmem>>) semaphore(%arg24 : memref<!tpu.dma_semaphore, #tpu.memory_space<semaphore_mem>>)
          %dma_wait3A = tpu.memref_slice %arg20[%mul3A_76] : memref<160xi32, #tpu.memory_space<vmem>> -> memref<16xi32, #tpu.memory_space<vmem>>
          %dma_wait3A_80 = arith.constant 0 : i32
          %dma_wait3A_81 = arith.constant 0 : i32
          %dma_wait3A_82 = tpu.memref_slice %arg5[%dma_wait3A_80, %dma_wait3A_81] : memref<5000x2048xf32, #tpu.memory_space<hbm>> -> memref<5000x2048xf32, #tpu.memory_space<hbm>>
          tpu.wait_indirect_dma semaphore(%arg24 : memref<!tpu.dma_semaphore, #tpu.memory_space<semaphore_mem>>) src(%dma_wait3A_82 : memref<5000x2048xf32, #tpu.memory_space<hbm>>) dst(%arg21 : memref<16x2048xf32, #tpu.memory_space<vmem>>)
          %gt3A_83 = arith.constant 0 : i32
          %gt3A_84 = arith.cmpi sgt, %get3A_69, %gt3A_83 : i32
          %convert_element_type3A_85 = arith.extui %gt3A_84 : i1 to i32
          %cond3A_86 = arith.constant 0 : i32
          %cond3A_87 = arith.cmpi ne, %convert_element_type3A_85, %cond3A_86 : i32
          scf.if %cond3A_87 {
            %scan3A_163 = arith.constant 0 : i32
            %scan3A_164 = arith.constant 0 : i32
            %scan3A_165 = arith.constant 128 : i32
            %scan3A_166 = arith.addi %scan3A_164, %scan3A_165 : i32
            %scan3A_167 = arith.constant 1 : i32
            scf.for %scan3A_169 = %scan3A_164 to %scan3A_166 step %scan3A_167  : i32 {
              %mul3A_170 = arith.constant 16 : i32
              %mul3A_171 = arith.muli %scan3A_169, %mul3A_170 : i32
              %get3A_172 = arith.constant 7 : i32
              %get3A_173 = arith.index_cast %get3A_172 : i32 to index
              %get3A_174 = arith.index_cast %mul3A_171 : i32 to index
              %get3A_175 = tpu.vector_load %arg22[%get3A_173, %get3A_174] {strides = array<i32>} : memref<8x2048xf32, #tpu.memory_space<vmem>>, vector<16xf32>,
              %get3A_176 = arith.constant 0 : i32
              %get3A_177 = arith.index_cast %get3A_176 : i32 to index
              %get3A_178 = arith.index_cast %mul3A_171 : i32 to index
              %get3A_179 = tpu.vector_load %arg21[%get3A_177, %get3A_178] {strides = array<i32>} : memref<16x2048xf32, #tpu.memory_space<vmem>>, vector<16xf32>,
              %add3A_180 = arith.addf %get3A_175, %get3A_179 : vector<16xf32>
              %swap3A = arith.constant 7 : i32
              %swap3A_181 = arith.index_cast %swap3A : i32 to index
              %swap3A_182 = arith.index_cast %mul3A_171 : i32 to index
              %swap3A_183 = tpu.vector_load %arg22[%swap3A_181, %swap3A_182] {strides = array<i32>} : memref<8x2048xf32, #tpu.memory_space<vmem>>, vector<16xf32>,
              tpu.vector_store %arg22[%swap3A_181, %swap3A_182], %add3A_180 {strides = array<i32>} : memref<8x2048xf32, #tpu.memory_space<vmem>>, vector<16xf32>,
            }
            %scan3A_168 = arith.constant 128 : i32
          } else {
          }
          %gt3A_88 = arith.constant 1 : i32
          %gt3A_89 = arith.cmpi sgt, %get3A_69, %gt3A_88 : i32
          %convert_element_type3A_90 = arith.extui %gt3A_89 : i1 to i32
          %cond3A_91 = arith.constant 0 : i32
          %cond3A_92 = arith.cmpi ne, %convert_element_type3A_90, %cond3A_91 : i32
          scf.if %cond3A_92 {
            %scan3A_163 = arith.constant 0 : i32
            %scan3A_164 = arith.constant 0 : i32
            %scan3A_165 = arith.constant 128 : i32
            %scan3A_166 = arith.addi %scan3A_164, %scan3A_165 : i32
            %scan3A_167 = arith.constant 1 : i32
            scf.for %scan3A_169 = %scan3A_164 to %scan3A_166 step %scan3A_167  : i32 {
              %mul3A_170 = arith.constant 16 : i32
              %mul3A_171 = arith.muli %scan3A_169, %mul3A_170 : i32
              %get3A_172 = arith.constant 7 : i32
              %get3A_173 = arith.index_cast %get3A_172 : i32 to index
              %get3A_174 = arith.index_cast %mul3A_171 : i32 to index
              %get3A_175 = tpu.vector_load %arg22[%get3A_173, %get3A_174] {strides = array<i32>} : memref<8x2048xf32, #tpu.memory_space<vmem>>, vector<16xf32>,
              %get3A_176 = arith.constant 1 : i32
              %get3A_177 = arith.index_cast %get3A_176 : i32 to index
              %get3A_178 = arith.index_cast %mul3A_171 : i32 to index
              %get3A_179 = tpu.vector_load %arg21[%get3A_177, %get3A_178] {strides = array<i32>} : memref<16x2048xf32, #tpu.memory_space<vmem>>, vector<16xf32>,
              %add3A_180 = arith.addf %get3A_175, %get3A_179 : vector<16xf32>
              %swap3A = arith.constant 7 : i32
              %swap3A_181 = arith.index_cast %swap3A : i32 to index
              %swap3A_182 = arith.index_cast %mul3A_171 : i32 to index
              %swap3A_183 = tpu.vector_load %arg22[%swap3A_181, %swap3A_182] {strides = array<i32>} : memref<8x2048xf32, #tpu.memory_space<vmem>>, vector<16xf32>,
              tpu.vector_store %arg22[%swap3A_181, %swap3A_182], %add3A_180 {strides = array<i32>} : memref<8x2048xf32, #tpu.memory_space<vmem>>, vector<16xf32>,
            }
            %scan3A_168 = arith.constant 128 : i32
          } else {
          }
          %gt3A_93 = arith.constant 2 : i32
          %gt3A_94 = arith.cmpi sgt, %get3A_69, %gt3A_93 : i32
          %convert_element_type3A_95 = arith.extui %gt3A_94 : i1 to i32
          %cond3A_96 = arith.constant 0 : i32
          %cond3A_97 = arith.cmpi ne, %convert_element_type3A_95, %cond3A_96 : i32
          scf.if %cond3A_97 {
            %scan3A_163 = arith.constant 0 : i32
            %scan3A_164 = arith.constant 0 : i32
            %scan3A_165 = arith.constant 128 : i32
            %scan3A_166 = arith.addi %scan3A_164, %scan3A_165 : i32
            %scan3A_167 = arith.constant 1 : i32
            scf.for %scan3A_169 = %scan3A_164 to %scan3A_166 step %scan3A_167  : i32 {
              %mul3A_170 = arith.constant 16 : i32
              %mul3A_171 = arith.muli %scan3A_169, %mul3A_170 : i32
              %get3A_172 = arith.constant 7 : i32
              %get3A_173 = arith.index_cast %get3A_172 : i32 to index
              %get3A_174 = arith.index_cast %mul3A_171 : i32 to index
              %get3A_175 = tpu.vector_load %arg22[%get3A_173, %get3A_174] {strides = array<i32>} : memref<8x2048xf32, #tpu.memory_space<vmem>>, vector<16xf32>,
              %get3A_176 = arith.constant 2 : i32
              %get3A_177 = arith.index_cast %get3A_176 : i32 to index
              %get3A_178 = arith.index_cast %mul3A_171 : i32 to index
              %get3A_179 = tpu.vector_load %arg21[%get3A_177, %get3A_178] {strides = array<i32>} : memref<16x2048xf32, #tpu.memory_space<vmem>>, vector<16xf32>,
              %add3A_180 = arith.addf %get3A_175, %get3A_179 : vector<16xf32>
              %swap3A = arith.constant 7 : i32
              %swap3A_181 = arith.index_cast %swap3A : i32 to index
              %swap3A_182 = arith.index_cast %mul3A_171 : i32 to index
              %swap3A_183 = tpu.vector_load %arg22[%swap3A_181, %swap3A_182] {strides = array<i32>} : memref<8x2048xf32, #tpu.memory_space<vmem>>, vector<16xf32>,
              tpu.vector_store %arg22[%swap3A_181, %swap3A_182], %add3A_180 {strides = array<i32>} : memref<8x2048xf32, #tpu.memory_space<vmem>>, vector<16xf32>,
            }
            %scan3A_168 = arith.constant 128 : i32
          } else {
          }
          %gt3A_98 = arith.constant 3 : i32
          %gt3A_99 = arith.cmpi sgt, %get3A_69, %gt3A_98 : i32
          %convert_element_type3A_100 = arith.extui %gt3A_99 : i1 to i32
          %cond3A_101 = arith.constant 0 : i32
          %cond3A_102 = arith.cmpi ne, %convert_element_type3A_100, %cond3A_101 : i32
          scf.if %cond3A_102 {
            %scan3A_163 = arith.constant 0 : i32
            %scan3A_164 = arith.constant 0 : i32
            %scan3A_165 = arith.constant 128 : i32
            %scan3A_166 = arith.addi %scan3A_164, %scan3A_165 : i32
            %scan3A_167 = arith.constant 1 : i32
            scf.for %scan3A_169 = %scan3A_164 to %scan3A_166 step %scan3A_167  : i32 {
              %mul3A_170 = arith.constant 16 : i32
              %mul3A_171 = arith.muli %scan3A_169, %mul3A_170 : i32
              %get3A_172 = arith.constant 7 : i32
              %get3A_173 = arith.index_cast %get3A_172 : i32 to index
              %get3A_174 = arith.index_cast %mul3A_171 : i32 to index
              %get3A_175 = tpu.vector_load %arg22[%get3A_173, %get3A_174] {strides = array<i32>} : memref<8x2048xf32, #tpu.memory_space<vmem>>, vector<16xf32>,
              %get3A_176 = arith.constant 3 : i32
              %get3A_177 = arith.index_cast %get3A_176 : i32 to index
              %get3A_178 = arith.index_cast %mul3A_171 : i32 to index
              %get3A_179 = tpu.vector_load %arg21[%get3A_177, %get3A_178] {strides = array<i32>} : memref<16x2048xf32, #tpu.memory_space<vmem>>, vector<16xf32>,
              %add3A_180 = arith.addf %get3A_175, %get3A_179 : vector<16xf32>
              %swap3A = arith.constant 7 : i32
              %swap3A_181 = arith.index_cast %swap3A : i32 to index
              %swap3A_182 = arith.index_cast %mul3A_171 : i32 to index
              %swap3A_183 = tpu.vector_load %arg22[%swap3A_181, %swap3A_182] {strides = array<i32>} : memref<8x2048xf32, #tpu.memory_space<vmem>>, vector<16xf32>,
              tpu.vector_store %arg22[%swap3A_181, %swap3A_182], %add3A_180 {strides = array<i32>} : memref<8x2048xf32, #tpu.memory_space<vmem>>, vector<16xf32>,
            }
            %scan3A_168 = arith.constant 128 : i32
          } else {
          }
          %gt3A_103 = arith.constant 4 : i32
          %gt3A_104 = arith.cmpi sgt, %get3A_69, %gt3A_103 : i32
          %convert_element_type3A_105 = arith.extui %gt3A_104 : i1 to i32
          %cond3A_106 = arith.constant 0 : i32
          %cond3A_107 = arith.cmpi ne, %convert_element_type3A_105, %cond3A_106 : i32
          scf.if %cond3A_107 {
            %scan3A_163 = arith.constant 0 : i32
            %scan3A_164 = arith.constant 0 : i32
            %scan3A_165 = arith.constant 128 : i32
            %scan3A_166 = arith.addi %scan3A_164, %scan3A_165 : i32
            %scan3A_167 = arith.constant 1 : i32
            scf.for %scan3A_169 = %scan3A_164 to %scan3A_166 step %scan3A_167  : i32 {
              %mul3A_170 = arith.constant 16 : i32
              %mul3A_171 = arith.muli %scan3A_169, %mul3A_170 : i32
              %get3A_172 = arith.constant 7 : i32
              %get3A_173 = arith.index_cast %get3A_172 : i32 to index
              %get3A_174 = arith.index_cast %mul3A_171 : i32 to index
              %get3A_175 = tpu.vector_load %arg22[%get3A_173, %get3A_174] {strides = array<i32>} : memref<8x2048xf32, #tpu.memory_space<vmem>>, vector<16xf32>,
              %get3A_176 = arith.constant 4 : i32
              %get3A_177 = arith.index_cast %get3A_176 : i32 to index
              %get3A_178 = arith.index_cast %mul3A_171 : i32 to index
              %get3A_179 = tpu.vector_load %arg21[%get3A_177, %get3A_178] {strides = array<i32>} : memref<16x2048xf32, #tpu.memory_space<vmem>>, vector<16xf32>,
              %add3A_180 = arith.addf %get3A_175, %get3A_179 : vector<16xf32>
              %swap3A = arith.constant 7 : i32
              %swap3A_181 = arith.index_cast %swap3A : i32 to index
              %swap3A_182 = arith.index_cast %mul3A_171 : i32 to index
              %swap3A_183 = tpu.vector_load %arg22[%swap3A_181, %swap3A_182] {strides = array<i32>} : memref<8x2048xf32, #tpu.memory_space<vmem>>, vector<16xf32>,
              tpu.vector_store %arg22[%swap3A_181, %swap3A_182], %add3A_180 {strides = array<i32>} : memref<8x2048xf32, #tpu.memory_space<vmem>>, vector<16xf32>,
            }
            %scan3A_168 = arith.constant 128 : i32
          } else {
          }
          %gt3A_108 = arith.constant 5 : i32
          %gt3A_109 = arith.cmpi sgt, %get3A_69, %gt3A_108 : i32
          %convert_element_type3A_110 = arith.extui %gt3A_109 : i1 to i32
          %cond3A_111 = arith.constant 0 : i32
          %cond3A_112 = arith.cmpi ne, %convert_element_type3A_110, %cond3A_111 : i32
          scf.if %cond3A_112 {
            %scan3A_163 = arith.constant 0 : i32
            %scan3A_164 = arith.constant 0 : i32
            %scan3A_165 = arith.constant 128 : i32
            %scan3A_166 = arith.addi %scan3A_164, %scan3A_165 : i32
            %scan3A_167 = arith.constant 1 : i32
            scf.for %scan3A_169 = %scan3A_164 to %scan3A_166 step %scan3A_167  : i32 {
              %mul3A_170 = arith.constant 16 : i32
              %mul3A_171 = arith.muli %scan3A_169, %mul3A_170 : i32
              %get3A_172 = arith.constant 7 : i32
              %get3A_173 = arith.index_cast %get3A_172 : i32 to index
              %get3A_174 = arith.index_cast %mul3A_171 : i32 to index
              %get3A_175 = tpu.vector_load %arg22[%get3A_173, %get3A_174] {strides = array<i32>} : memref<8x2048xf32, #tpu.memory_space<vmem>>, vector<16xf32>,
              %get3A_176 = arith.constant 5 : i32
              %get3A_177 = arith.index_cast %get3A_176 : i32 to index
              %get3A_178 = arith.index_cast %mul3A_171 : i32 to index
              %get3A_179 = tpu.vector_load %arg21[%get3A_177, %get3A_178] {strides = array<i32>} : memref<16x2048xf32, #tpu.memory_space<vmem>>, vector<16xf32>,
              %add3A_180 = arith.addf %get3A_175, %get3A_179 : vector<16xf32>
              %swap3A = arith.constant 7 : i32
              %swap3A_181 = arith.index_cast %swap3A : i32 to index
              %swap3A_182 = arith.index_cast %mul3A_171 : i32 to index
              %swap3A_183 = tpu.vector_load %arg22[%swap3A_181, %swap3A_182] {strides = array<i32>} : memref<8x2048xf32, #tpu.memory_space<vmem>>, vector<16xf32>,
              tpu.vector_store %arg22[%swap3A_181, %swap3A_182], %add3A_180 {strides = array<i32>} : memref<8x2048xf32, #tpu.memory_space<vmem>>, vector<16xf32>,
            }
            %scan3A_168 = arith.constant 128 : i32
          } else {
          }
          %gt3A_113 = arith.constant 6 : i32
          %gt3A_114 = arith.cmpi sgt, %get3A_69, %gt3A_113 : i32
          %convert_element_type3A_115 = arith.extui %gt3A_114 : i1 to i32
          %cond3A_116 = arith.constant 0 : i32
          %cond3A_117 = arith.cmpi ne, %convert_element_type3A_115, %cond3A_116 : i32
          scf.if %cond3A_117 {
            %scan3A_163 = arith.constant 0 : i32
            %scan3A_164 = arith.constant 0 : i32
            %scan3A_165 = arith.constant 128 : i32
            %scan3A_166 = arith.addi %scan3A_164, %scan3A_165 : i32
            %scan3A_167 = arith.constant 1 : i32
            scf.for %scan3A_169 = %scan3A_164 to %scan3A_166 step %scan3A_167  : i32 {
              %mul3A_170 = arith.constant 16 : i32
              %mul3A_171 = arith.muli %scan3A_169, %mul3A_170 : i32
              %get3A_172 = arith.constant 7 : i32
              %get3A_173 = arith.index_cast %get3A_172 : i32 to index
              %get3A_174 = arith.index_cast %mul3A_171 : i32 to index
              %get3A_175 = tpu.vector_load %arg22[%get3A_173, %get3A_174] {strides = array<i32>} : memref<8x2048xf32, #tpu.memory_space<vmem>>, vector<16xf32>,
              %get3A_176 = arith.constant 6 : i32
              %get3A_177 = arith.index_cast %get3A_176 : i32 to index
              %get3A_178 = arith.index_cast %mul3A_171 : i32 to index
              %get3A_179 = tpu.vector_load %arg21[%get3A_177, %get3A_178] {strides = array<i32>} : memref<16x2048xf32, #tpu.memory_space<vmem>>, vector<16xf32>,
              %add3A_180 = arith.addf %get3A_175, %get3A_179 : vector<16xf32>
              %swap3A = arith.constant 7 : i32
              %swap3A_181 = arith.index_cast %swap3A : i32 to index
              %swap3A_182 = arith.index_cast %mul3A_171 : i32 to index
              %swap3A_183 = tpu.vector_load %arg22[%swap3A_181, %swap3A_182] {strides = array<i32>} : memref<8x2048xf32, #tpu.memory_space<vmem>>, vector<16xf32>,
              tpu.vector_store %arg22[%swap3A_181, %swap3A_182], %add3A_180 {strides = array<i32>} : memref<8x2048xf32, #tpu.memory_space<vmem>>, vector<16xf32>,
            }
            %scan3A_168 = arith.constant 128 : i32
          } else {
          }
          %gt3A_118 = arith.constant 7 : i32
          %gt3A_119 = arith.cmpi sgt, %get3A_69, %gt3A_118 : i32
          %convert_element_type3A_120 = arith.extui %gt3A_119 : i1 to i32
          %cond3A_121 = arith.constant 0 : i32
          %cond3A_122 = arith.cmpi ne, %convert_element_type3A_120, %cond3A_121 : i32
          scf.if %cond3A_122 {
            %scan3A_163 = arith.constant 0 : i32
            %scan3A_164 = arith.constant 0 : i32
            %scan3A_165 = arith.constant 128 : i32
            %scan3A_166 = arith.addi %scan3A_164, %scan3A_165 : i32
            %scan3A_167 = arith.constant 1 : i32
            scf.for %scan3A_169 = %scan3A_164 to %scan3A_166 step %scan3A_167  : i32 {
              %mul3A_170 = arith.constant 16 : i32
              %mul3A_171 = arith.muli %scan3A_169, %mul3A_170 : i32
              %get3A_172 = arith.constant 7 : i32
              %get3A_173 = arith.index_cast %get3A_172 : i32 to index
              %get3A_174 = arith.index_cast %mul3A_171 : i32 to index
              %get3A_175 = tpu.vector_load %arg22[%get3A_173, %get3A_174] {strides = array<i32>} : memref<8x2048xf32, #tpu.memory_space<vmem>>, vector<16xf32>,
              %get3A_176 = arith.constant 7 : i32
              %get3A_177 = arith.index_cast %get3A_176 : i32 to index
              %get3A_178 = arith.index_cast %mul3A_171 : i32 to index
              %get3A_179 = tpu.vector_load %arg21[%get3A_177, %get3A_178] {strides = array<i32>} : memref<16x2048xf32, #tpu.memory_space<vmem>>, vector<16xf32>,
              %add3A_180 = arith.addf %get3A_175, %get3A_179 : vector<16xf32>
              %swap3A = arith.constant 7 : i32
              %swap3A_181 = arith.index_cast %swap3A : i32 to index
              %swap3A_182 = arith.index_cast %mul3A_171 : i32 to index
              %swap3A_183 = tpu.vector_load %arg22[%swap3A_181, %swap3A_182] {strides = array<i32>} : memref<8x2048xf32, #tpu.memory_space<vmem>>, vector<16xf32>,
              tpu.vector_store %arg22[%swap3A_181, %swap3A_182], %add3A_180 {strides = array<i32>} : memref<8x2048xf32, #tpu.memory_space<vmem>>, vector<16xf32>,
            }
            %scan3A_168 = arith.constant 128 : i32
          } else {
          }
          %gt3A_123 = arith.constant 8 : i32
          %gt3A_124 = arith.cmpi sgt, %get3A_69, %gt3A_123 : i32
          %convert_element_type3A_125 = arith.extui %gt3A_124 : i1 to i32
          %cond3A_126 = arith.constant 0 : i32
          %cond3A_127 = arith.cmpi ne, %convert_element_type3A_125, %cond3A_126 : i32
          scf.if %cond3A_127 {
            %scan3A_163 = arith.constant 0 : i32
            %scan3A_164 = arith.constant 0 : i32
            %scan3A_165 = arith.constant 128 : i32
            %scan3A_166 = arith.addi %scan3A_164, %scan3A_165 : i32
            %scan3A_167 = arith.constant 1 : i32
            scf.for %scan3A_169 = %scan3A_164 to %scan3A_166 step %scan3A_167  : i32 {
              %mul3A_170 = arith.constant 16 : i32
              %mul3A_171 = arith.muli %scan3A_169, %mul3A_170 : i32
              %get3A_172 = arith.constant 7 : i32
              %get3A_173 = arith.index_cast %get3A_172 : i32 to index
              %get3A_174 = arith.index_cast %mul3A_171 : i32 to index
              %get3A_175 = tpu.vector_load %arg22[%get3A_173, %get3A_174] {strides = array<i32>} : memref<8x2048xf32, #tpu.memory_space<vmem>>, vector<16xf32>,
              %get3A_176 = arith.constant 8 : i32
              %get3A_177 = arith.index_cast %get3A_176 : i32 to index
              %get3A_178 = arith.index_cast %mul3A_171 : i32 to index
              %get3A_179 = tpu.vector_load %arg21[%get3A_177, %get3A_178] {strides = array<i32>} : memref<16x2048xf32, #tpu.memory_space<vmem>>, vector<16xf32>,
              %add3A_180 = arith.addf %get3A_175, %get3A_179 : vector<16xf32>
              %swap3A = arith.constant 7 : i32
              %swap3A_181 = arith.index_cast %swap3A : i32 to index
              %swap3A_182 = arith.index_cast %mul3A_171 : i32 to index
              %swap3A_183 = tpu.vector_load %arg22[%swap3A_181, %swap3A_182] {strides = array<i32>} : memref<8x2048xf32, #tpu.memory_space<vmem>>, vector<16xf32>,
              tpu.vector_store %arg22[%swap3A_181, %swap3A_182], %add3A_180 {strides = array<i32>} : memref<8x2048xf32, #tpu.memory_space<vmem>>, vector<16xf32>,
            }
            %scan3A_168 = arith.constant 128 : i32
          } else {
          }
          %gt3A_128 = arith.constant 9 : i32
          %gt3A_129 = arith.cmpi sgt, %get3A_69, %gt3A_128 : i32
          %convert_element_type3A_130 = arith.extui %gt3A_129 : i1 to i32
          %cond3A_131 = arith.constant 0 : i32
          %cond3A_132 = arith.cmpi ne, %convert_element_type3A_130, %cond3A_131 : i32
          scf.if %cond3A_132 {
            %scan3A_163 = arith.constant 0 : i32
            %scan3A_164 = arith.constant 0 : i32
            %scan3A_165 = arith.constant 128 : i32
            %scan3A_166 = arith.addi %scan3A_164, %scan3A_165 : i32
            %scan3A_167 = arith.constant 1 : i32
            scf.for %scan3A_169 = %scan3A_164 to %scan3A_166 step %scan3A_167  : i32 {
              %mul3A_170 = arith.constant 16 : i32
              %mul3A_171 = arith.muli %scan3A_169, %mul3A_170 : i32
              %get3A_172 = arith.constant 7 : i32
              %get3A_173 = arith.index_cast %get3A_172 : i32 to index
              %get3A_174 = arith.index_cast %mul3A_171 : i32 to index
              %get3A_175 = tpu.vector_load %arg22[%get3A_173, %get3A_174] {strides = array<i32>} : memref<8x2048xf32, #tpu.memory_space<vmem>>, vector<16xf32>,
              %get3A_176 = arith.constant 9 : i32
              %get3A_177 = arith.index_cast %get3A_176 : i32 to index
              %get3A_178 = arith.index_cast %mul3A_171 : i32 to index
              %get3A_179 = tpu.vector_load %arg21[%get3A_177, %get3A_178] {strides = array<i32>} : memref<16x2048xf32, #tpu.memory_space<vmem>>, vector<16xf32>,
              %add3A_180 = arith.addf %get3A_175, %get3A_179 : vector<16xf32>
              %swap3A = arith.constant 7 : i32
              %swap3A_181 = arith.index_cast %swap3A : i32 to index
              %swap3A_182 = arith.index_cast %mul3A_171 : i32 to index
              %swap3A_183 = tpu.vector_load %arg22[%swap3A_181, %swap3A_182] {strides = array<i32>} : memref<8x2048xf32, #tpu.memory_space<vmem>>, vector<16xf32>,
              tpu.vector_store %arg22[%swap3A_181, %swap3A_182], %add3A_180 {strides = array<i32>} : memref<8x2048xf32, #tpu.memory_space<vmem>>, vector<16xf32>,
            }
            %scan3A_168 = arith.constant 128 : i32
          } else {
          }
          %gt3A_133 = arith.constant 10 : i32
          %gt3A_134 = arith.cmpi sgt, %get3A_69, %gt3A_133 : i32
          %convert_element_type3A_135 = arith.extui %gt3A_134 : i1 to i32
          %cond3A_136 = arith.constant 0 : i32
          %cond3A_137 = arith.cmpi ne, %convert_element_type3A_135, %cond3A_136 : i32
          scf.if %cond3A_137 {
            %scan3A_163 = arith.constant 0 : i32
            %scan3A_164 = arith.constant 0 : i32
            %scan3A_165 = arith.constant 128 : i32
            %scan3A_166 = arith.addi %scan3A_164, %scan3A_165 : i32
            %scan3A_167 = arith.constant 1 : i32
            scf.for %scan3A_169 = %scan3A_164 to %scan3A_166 step %scan3A_167  : i32 {
              %mul3A_170 = arith.constant 16 : i32
              %mul3A_171 = arith.muli %scan3A_169, %mul3A_170 : i32
              %get3A_172 = arith.constant 7 : i32
              %get3A_173 = arith.index_cast %get3A_172 : i32 to index
              %get3A_174 = arith.index_cast %mul3A_171 : i32 to index
              %get3A_175 = tpu.vector_load %arg22[%get3A_173, %get3A_174] {strides = array<i32>} : memref<8x2048xf32, #tpu.memory_space<vmem>>, vector<16xf32>,
              %get3A_176 = arith.constant 10 : i32
              %get3A_177 = arith.index_cast %get3A_176 : i32 to index
              %get3A_178 = arith.index_cast %mul3A_171 : i32 to index
              %get3A_179 = tpu.vector_load %arg21[%get3A_177, %get3A_178] {strides = array<i32>} : memref<16x2048xf32, #tpu.memory_space<vmem>>, vector<16xf32>,
              %add3A_180 = arith.addf %get3A_175, %get3A_179 : vector<16xf32>
              %swap3A = arith.constant 7 : i32
              %swap3A_181 = arith.index_cast %swap3A : i32 to index
              %swap3A_182 = arith.index_cast %mul3A_171 : i32 to index
              %swap3A_183 = tpu.vector_load %arg22[%swap3A_181, %swap3A_182] {strides = array<i32>} : memref<8x2048xf32, #tpu.memory_space<vmem>>, vector<16xf32>,
              tpu.vector_store %arg22[%swap3A_181, %swap3A_182], %add3A_180 {strides = array<i32>} : memref<8x2048xf32, #tpu.memory_space<vmem>>, vector<16xf32>,
            }
            %scan3A_168 = arith.constant 128 : i32
          } else {
          }
          %gt3A_138 = arith.constant 11 : i32
          %gt3A_139 = arith.cmpi sgt, %get3A_69, %gt3A_138 : i32
          %convert_element_type3A_140 = arith.extui %gt3A_139 : i1 to i32
          %cond3A_141 = arith.constant 0 : i32
          %cond3A_142 = arith.cmpi ne, %convert_element_type3A_140, %cond3A_141 : i32
          scf.if %cond3A_142 {
            %scan3A_163 = arith.constant 0 : i32
            %scan3A_164 = arith.constant 0 : i32
            %scan3A_165 = arith.constant 128 : i32
            %scan3A_166 = arith.addi %scan3A_164, %scan3A_165 : i32
            %scan3A_167 = arith.constant 1 : i32
            scf.for %scan3A_169 = %scan3A_164 to %scan3A_166 step %scan3A_167  : i32 {
              %mul3A_170 = arith.constant 16 : i32
              %mul3A_171 = arith.muli %scan3A_169, %mul3A_170 : i32
              %get3A_172 = arith.constant 7 : i32
              %get3A_173 = arith.index_cast %get3A_172 : i32 to index
              %get3A_174 = arith.index_cast %mul3A_171 : i32 to index
              %get3A_175 = tpu.vector_load %arg22[%get3A_173, %get3A_174] {strides = array<i32>} : memref<8x2048xf32, #tpu.memory_space<vmem>>, vector<16xf32>,
              %get3A_176 = arith.constant 11 : i32
              %get3A_177 = arith.index_cast %get3A_176 : i32 to index
              %get3A_178 = arith.index_cast %mul3A_171 : i32 to index
              %get3A_179 = tpu.vector_load %arg21[%get3A_177, %get3A_178] {strides = array<i32>} : memref<16x2048xf32, #tpu.memory_space<vmem>>, vector<16xf32>,
              %add3A_180 = arith.addf %get3A_175, %get3A_179 : vector<16xf32>
              %swap3A = arith.constant 7 : i32
              %swap3A_181 = arith.index_cast %swap3A : i32 to index
              %swap3A_182 = arith.index_cast %mul3A_171 : i32 to index
              %swap3A_183 = tpu.vector_load %arg22[%swap3A_181, %swap3A_182] {strides = array<i32>} : memref<8x2048xf32, #tpu.memory_space<vmem>>, vector<16xf32>,
              tpu.vector_store %arg22[%swap3A_181, %swap3A_182], %add3A_180 {strides = array<i32>} : memref<8x2048xf32, #tpu.memory_space<vmem>>, vector<16xf32>,
            }
            %scan3A_168 = arith.constant 128 : i32
          } else {
          }
          %gt3A_143 = arith.constant 12 : i32
          %gt3A_144 = arith.cmpi sgt, %get3A_69, %gt3A_143 : i32
          %convert_element_type3A_145 = arith.extui %gt3A_144 : i1 to i32
          %cond3A_146 = arith.constant 0 : i32
          %cond3A_147 = arith.cmpi ne, %convert_element_type3A_145, %cond3A_146 : i32
          scf.if %cond3A_147 {
            %scan3A_163 = arith.constant 0 : i32
            %scan3A_164 = arith.constant 0 : i32
            %scan3A_165 = arith.constant 128 : i32
            %scan3A_166 = arith.addi %scan3A_164, %scan3A_165 : i32
            %scan3A_167 = arith.constant 1 : i32
            scf.for %scan3A_169 = %scan3A_164 to %scan3A_166 step %scan3A_167  : i32 {
              %mul3A_170 = arith.constant 16 : i32
              %mul3A_171 = arith.muli %scan3A_169, %mul3A_170 : i32
              %get3A_172 = arith.constant 7 : i32
              %get3A_173 = arith.index_cast %get3A_172 : i32 to index
              %get3A_174 = arith.index_cast %mul3A_171 : i32 to index
              %get3A_175 = tpu.vector_load %arg22[%get3A_173, %get3A_174] {strides = array<i32>} : memref<8x2048xf32, #tpu.memory_space<vmem>>, vector<16xf32>,
              %get3A_176 = arith.constant 12 : i32
              %get3A_177 = arith.index_cast %get3A_176 : i32 to index
              %get3A_178 = arith.index_cast %mul3A_171 : i32 to index
              %get3A_179 = tpu.vector_load %arg21[%get3A_177, %get3A_178] {strides = array<i32>} : memref<16x2048xf32, #tpu.memory_space<vmem>>, vector<16xf32>,
              %add3A_180 = arith.addf %get3A_175, %get3A_179 : vector<16xf32>
              %swap3A = arith.constant 7 : i32
              %swap3A_181 = arith.index_cast %swap3A : i32 to index
              %swap3A_182 = arith.index_cast %mul3A_171 : i32 to index
              %swap3A_183 = tpu.vector_load %arg22[%swap3A_181, %swap3A_182] {strides = array<i32>} : memref<8x2048xf32, #tpu.memory_space<vmem>>, vector<16xf32>,
              tpu.vector_store %arg22[%swap3A_181, %swap3A_182], %add3A_180 {strides = array<i32>} : memref<8x2048xf32, #tpu.memory_space<vmem>>, vector<16xf32>,
            }
            %scan3A_168 = arith.constant 128 : i32
          } else {
          }
          %gt3A_148 = arith.constant 13 : i32
          %gt3A_149 = arith.cmpi sgt, %get3A_69, %gt3A_148 : i32
          %convert_element_type3A_150 = arith.extui %gt3A_149 : i1 to i32
          %cond3A_151 = arith.constant 0 : i32
          %cond3A_152 = arith.cmpi ne, %convert_element_type3A_150, %cond3A_151 : i32
          scf.if %cond3A_152 {
            %scan3A_163 = arith.constant 0 : i32
            %scan3A_164 = arith.constant 0 : i32
            %scan3A_165 = arith.constant 128 : i32
            %scan3A_166 = arith.addi %scan3A_164, %scan3A_165 : i32
            %scan3A_167 = arith.constant 1 : i32
            scf.for %scan3A_169 = %scan3A_164 to %scan3A_166 step %scan3A_167  : i32 {
              %mul3A_170 = arith.constant 16 : i32
              %mul3A_171 = arith.muli %scan3A_169, %mul3A_170 : i32
              %get3A_172 = arith.constant 7 : i32
              %get3A_173 = arith.index_cast %get3A_172 : i32 to index
              %get3A_174 = arith.index_cast %mul3A_171 : i32 to index
              %get3A_175 = tpu.vector_load %arg22[%get3A_173, %get3A_174] {strides = array<i32>} : memref<8x2048xf32, #tpu.memory_space<vmem>>, vector<16xf32>,
              %get3A_176 = arith.constant 13 : i32
              %get3A_177 = arith.index_cast %get3A_176 : i32 to index
              %get3A_178 = arith.index_cast %mul3A_171 : i32 to index
              %get3A_179 = tpu.vector_load %arg21[%get3A_177, %get3A_178] {strides = array<i32>} : memref<16x2048xf32, #tpu.memory_space<vmem>>, vector<16xf32>,
              %add3A_180 = arith.addf %get3A_175, %get3A_179 : vector<16xf32>
              %swap3A = arith.constant 7 : i32
              %swap3A_181 = arith.index_cast %swap3A : i32 to index
              %swap3A_182 = arith.index_cast %mul3A_171 : i32 to index
              %swap3A_183 = tpu.vector_load %arg22[%swap3A_181, %swap3A_182] {strides = array<i32>} : memref<8x2048xf32, #tpu.memory_space<vmem>>, vector<16xf32>,
              tpu.vector_store %arg22[%swap3A_181, %swap3A_182], %add3A_180 {strides = array<i32>} : memref<8x2048xf32, #tpu.memory_space<vmem>>, vector<16xf32>,
            }
            %scan3A_168 = arith.constant 128 : i32
          } else {
          }
          %gt3A_153 = arith.constant 14 : i32
          %gt3A_154 = arith.cmpi sgt, %get3A_69, %gt3A_153 : i32
          %convert_element_type3A_155 = arith.extui %gt3A_154 : i1 to i32
          %cond3A_156 = arith.constant 0 : i32
          %cond3A_157 = arith.cmpi ne, %convert_element_type3A_155, %cond3A_156 : i32
          scf.if %cond3A_157 {
            %scan3A_163 = arith.constant 0 : i32
            %scan3A_164 = arith.constant 0 : i32
            %scan3A_165 = arith.constant 128 : i32
            %scan3A_166 = arith.addi %scan3A_164, %scan3A_165 : i32
            %scan3A_167 = arith.constant 1 : i32
            scf.for %scan3A_169 = %scan3A_164 to %scan3A_166 step %scan3A_167  : i32 {
              %mul3A_170 = arith.constant 16 : i32
              %mul3A_171 = arith.muli %scan3A_169, %mul3A_170 : i32
              %get3A_172 = arith.constant 7 : i32
              %get3A_173 = arith.index_cast %get3A_172 : i32 to index
              %get3A_174 = arith.index_cast %mul3A_171 : i32 to index
              %get3A_175 = tpu.vector_load %arg22[%get3A_173, %get3A_174] {strides = array<i32>} : memref<8x2048xf32, #tpu.memory_space<vmem>>, vector<16xf32>,
              %get3A_176 = arith.constant 14 : i32
              %get3A_177 = arith.index_cast %get3A_176 : i32 to index
              %get3A_178 = arith.index_cast %mul3A_171 : i32 to index
              %get3A_179 = tpu.vector_load %arg21[%get3A_177, %get3A_178] {strides = array<i32>} : memref<16x2048xf32, #tpu.memory_space<vmem>>, vector<16xf32>,
              %add3A_180 = arith.addf %get3A_175, %get3A_179 : vector<16xf32>
              %swap3A = arith.constant 7 : i32
              %swap3A_181 = arith.index_cast %swap3A : i32 to index
              %swap3A_182 = arith.index_cast %mul3A_171 : i32 to index
              %swap3A_183 = tpu.vector_load %arg22[%swap3A_181, %swap3A_182] {strides = array<i32>} : memref<8x2048xf32, #tpu.memory_space<vmem>>, vector<16xf32>,
              tpu.vector_store %arg22[%swap3A_181, %swap3A_182], %add3A_180 {strides = array<i32>} : memref<8x2048xf32, #tpu.memory_space<vmem>>, vector<16xf32>,
            }
            %scan3A_168 = arith.constant 128 : i32
          } else {
          }
          %gt3A_158 = arith.constant 15 : i32
          %gt3A_159 = arith.cmpi sgt, %get3A_69, %gt3A_158 : i32
          %convert_element_type3A_160 = arith.extui %gt3A_159 : i1 to i32
          %cond3A_161 = arith.constant 0 : i32
          %cond3A_162 = arith.cmpi ne, %convert_element_type3A_160, %cond3A_161 : i32
          scf.if %cond3A_162 {
            %scan3A_163 = arith.constant 0 : i32
            %scan3A_164 = arith.constant 0 : i32
            %scan3A_165 = arith.constant 128 : i32
            %scan3A_166 = arith.addi %scan3A_164, %scan3A_165 : i32
            %scan3A_167 = arith.constant 1 : i32
            scf.for %scan3A_169 = %scan3A_164 to %scan3A_166 step %scan3A_167  : i32 {
              %mul3A_170 = arith.constant 16 : i32
              %mul3A_171 = arith.muli %scan3A_169, %mul3A_170 : i32
              %get3A_172 = arith.constant 7 : i32
              %get3A_173 = arith.index_cast %get3A_172 : i32 to index
              %get3A_174 = arith.index_cast %mul3A_171 : i32 to index
              %get3A_175 = tpu.vector_load %arg22[%get3A_173, %get3A_174] {strides = array<i32>} : memref<8x2048xf32, #tpu.memory_space<vmem>>, vector<16xf32>,
              %get3A_176 = arith.constant 15 : i32
              %get3A_177 = arith.index_cast %get3A_176 : i32 to index
              %get3A_178 = arith.index_cast %mul3A_171 : i32 to index
              %get3A_179 = tpu.vector_load %arg21[%get3A_177, %get3A_178] {strides = array<i32>} : memref<16x2048xf32, #tpu.memory_space<vmem>>, vector<16xf32>,
              %add3A_180 = arith.addf %get3A_175, %get3A_179 : vector<16xf32>
              %swap3A = arith.constant 7 : i32
              %swap3A_181 = arith.index_cast %swap3A : i32 to index
              %swap3A_182 = arith.index_cast %mul3A_171 : i32 to index
              %swap3A_183 = tpu.vector_load %arg22[%swap3A_181, %swap3A_182] {strides = array<i32>} : memref<8x2048xf32, #tpu.memory_space<vmem>>, vector<16xf32>,
              tpu.vector_store %arg22[%swap3A_181, %swap3A_182], %add3A_180 {strides = array<i32>} : memref<8x2048xf32, #tpu.memory_space<vmem>>, vector<16xf32>,
            }
            %scan3A_168 = arith.constant 128 : i32
          } else {
          }
        } else {
        }
      }
      %scan3A_65 = arith.constant 10 : i32
    } else {
    }
    return
  }
}

module attributes {stable_mosaic.version = 14 : i64} {
  func.func @_sum_body(%arg0: i32, %arg1: memref<32x8x2048xf32, #tpu.memory_space<vmem>>, %arg2: memref<8x2048xf32, #tpu.memory_space<vmem>>) attributes {dimension_semantics = [#tpu.dimension_semantics<arbitrary>], iteration_bounds = array<i64: 1>, scalar_prefetch = 0 : i64, scratch_operands = 0 : i64, tpu.core_type = #tpu.core_type<tc>, window_params = [{pipeline_mode = #tpu.pipeline_mode<synchronous>, transform_indices = @transform_0, window_bounds = array<i64: 32, 8, 2048>}, {pipeline_mode = #tpu.pipeline_mode<synchronous>, transform_indices = @transform_1, window_bounds = array<i64: 8, 2048>}]} {
    %get3A = arith.constant 0 : index
    %get3A_0 = arith.constant 0 : index
    %get3A_1 = arith.constant 0 : index
    %get3A_2 = vector.load %arg1[%get3A, %get3A_0, %get3A_1] : memref<32x8x2048xf32, #tpu.memory_space<vmem>>, vector<32x8x2048xf32>
    %reduce_sum3A = arith.constant dense<0.000000e+00> : vector<8x2048xf32>
    %reduce_sum3A_3 = vector.multi_reduction <add>, %get3A_2, %reduce_sum3A [0] : vector<32x8x2048xf32> to vector<8x2048xf32>
    %swap3A = arith.constant 0 : index
    %swap3A_4 = arith.constant 0 : index
    %swap3A_5 = vector.load %arg2[%swap3A, %swap3A_4] : memref<8x2048xf32, #tpu.memory_space<vmem>>, vector<8x2048xf32>
    tpu.vector_store %arg2[%swap3A, %swap3A_4], %reduce_sum3A_3 {strides = array<i32>} : memref<8x2048xf32, #tpu.memory_space<vmem>>, vector<8x2048xf32>,
    return
  }
  func.func @transform_0(%arg0: i32) -> (i32, i32, i32) {
    %c0_i32 = arith.constant 0 : i32
    %c0_i32_0 = arith.constant 0 : i32
    %c0_i32_1 = arith.constant 0 : i32
    %c0_i32_2 = arith.constant 0 : i32
    return %c0_i32, %c0_i32_0, %c0_i32_1 : i32, i32, i32
  }
  func.func @transform_1(%arg0: i32) -> (i32, i32) {
    %c0_i32 = arith.constant 0 : i32
    %c0_i32_0 = arith.constant 0 : i32
    %c0_i32_1 = arith.constant 0 : i32
    return %c0_i32, %c0_i32_0 : i32, i32
  }
}

module attributes {stable_mosaic.version = 14 : i64} {
  func.func @_tc_body(%arg0: i32, %arg1: memref<4x5000xf32, #tpu.memory_space<vmem>>, %arg2: memref<8x4xf32, #tpu.memory_space<smem>>, %arg3: memref<8x4xf32, #tpu.memory_space<smem>>, %arg4: memref<8xi32, #tpu.memory_space<smem>>, %arg5: memref<32x5000xf32, #tpu.memory_space<vmem>>, %arg6: memref<32x5000xf32, #tpu.memory_space<vmem>>) attributes {dimension_semantics = [#tpu.dimension_semantics<arbitrary>], iteration_bounds = array<i64: 1>, scalar_prefetch = 0 : i64, scratch_operands = 0 : i64, tpu.core_type = #tpu.core_type<tc>, window_params = [{pipeline_mode = #tpu.pipeline_mode<synchronous>, transform_indices = @transform_0, window_bounds = array<i64: 4, 5000>}, {transform_indices = @transform_1, window_bounds = array<i64: 8, 4>}, {transform_indices = @transform_2, window_bounds = array<i64: 8, 4>}, {transform_indices = @transform_3, window_bounds = array<i64: 8>}, {pipeline_mode = #tpu.pipeline_mode<synchronous>, transform_indices = @transform_4, window_bounds = array<i64: 32, 5000>}, {pipeline_mode = #tpu.pipeline_mode<synchronous>, transform_indices = @transform_5, window_bounds = array<i64: 32, 5000>}]} {
    %get3A = arith.constant 0 : index
    %get3A_0 = arith.constant 0 : index
    %get3A_1 = vector.load %arg1[%get3A, %get3A_0] : memref<4x5000xf32, #tpu.memory_space<vmem>>, vector<1x5000xf32>
    %jit3A = arith.constant 1.000000e+00 : f32
    %jit3A_2 = arith.constant 7.990000e+02 : f32
    %max3A = vector.broadcast %jit3A : f32 to vector<1x5000xf32>
    %max3A_3 = arith.maximumf %max3A, %get3A_1 : vector<1x5000xf32>
    %min3A = vector.broadcast %jit3A_2 : f32 to vector<1x5000xf32>
    %min3A_4 = arith.minimumf %min3A, %max3A_3 : vector<1x5000xf32>
    %get3A_5 = arith.constant 1 : index
    %get3A_6 = arith.constant 0 : index
    %get3A_7 = vector.load %arg1[%get3A_5, %get3A_6] : memref<4x5000xf32, #tpu.memory_space<vmem>>, vector<1x5000xf32>
    %jit3A_8 = arith.constant 1.000000e+00 : f32
    %jit3A_9 = arith.constant 7.990000e+02 : f32
    %max3A_10 = vector.broadcast %jit3A_8 : f32 to vector<1x5000xf32>
    %max3A_11 = arith.maximumf %max3A_10, %get3A_7 : vector<1x5000xf32>
    %min3A_12 = vector.broadcast %jit3A_9 : f32 to vector<1x5000xf32>
    %min3A_13 = arith.minimumf %min3A_12, %max3A_11 : vector<1x5000xf32>
    %get3A_14 = arith.constant 2 : index
    %get3A_15 = arith.constant 0 : index
    %get3A_16 = vector.load %arg1[%get3A_14, %get3A_15] : memref<4x5000xf32, #tpu.memory_space<vmem>>, vector<1x5000xf32>
    %jit3A_17 = arith.constant 1.000000e+00 : f32
    %jit3A_18 = arith.constant 7.990000e+02 : f32
    %max3A_19 = vector.broadcast %jit3A_17 : f32 to vector<1x5000xf32>
    %max3A_20 = arith.maximumf %max3A_19, %get3A_16 : vector<1x5000xf32>
    %min3A_21 = vector.broadcast %jit3A_18 : f32 to vector<1x5000xf32>
    %min3A_22 = arith.minimumf %min3A_21, %max3A_20 : vector<1x5000xf32>
    %get3A_23 = arith.constant 3 : index
    %get3A_24 = arith.constant 0 : index
    %get3A_25 = vector.load %arg1[%get3A_23, %get3A_24] : memref<4x5000xf32, #tpu.memory_space<vmem>>, vector<1x5000xf32>
    %jit3A_26 = arith.constant 1.000000e+00 : f32
    %jit3A_27 = arith.constant 7.990000e+02 : f32
    %max3A_28 = vector.broadcast %jit3A_26 : f32 to vector<1x5000xf32>
    %max3A_29 = arith.maximumf %max3A_28, %get3A_25 : vector<1x5000xf32>
    %min3A_30 = vector.broadcast %jit3A_27 : f32 to vector<1x5000xf32>
    %min3A_31 = arith.minimumf %min3A_30, %max3A_29 : vector<1x5000xf32>
    %sub3A = arith.subf %min3A_22, %min3A_4 : vector<1x5000xf32>
    %add3A = arith.constant 1.000000e+00 : f32
    %add3A_32 = vector.broadcast %add3A : f32 to vector<1x5000xf32>
    %add3A_33 = arith.addf %sub3A, %add3A_32 : vector<1x5000xf32>
    %sub3A_34 = arith.subf %min3A_31, %min3A_13 : vector<1x5000xf32>
    %add3A_35 = arith.constant 1.000000e+00 : f32
    %add3A_36 = vector.broadcast %add3A_35 : f32 to vector<1x5000xf32>
    %add3A_37 = arith.addf %sub3A_34, %add3A_36 : vector<1x5000xf32>
    %mul3A = arith.mulf %add3A_33, %add3A_37 : vector<1x5000xf32>
    %get3A_38 = arith.constant 0 : index
    %get3A_39 = arith.constant 0 : index
    %get3A_40 = memref.load %arg2[%get3A_38, %get3A_39] : memref<8x4xf32, #tpu.memory_space<smem>>
    %jit3A_41 = arith.constant 1.000000e+00 : f32
    %jit3A_42 = arith.constant 7.990000e+02 : f32
    %max3A_43 = arith.maximumf %jit3A_41, %get3A_40 : f32
    %min3A_44 = arith.minimumf %jit3A_42, %max3A_43 : f32
    %get3A_45 = arith.constant 0 : index
    %get3A_46 = arith.constant 1 : index
    %get3A_47 = memref.load %arg2[%get3A_45, %get3A_46] : memref<8x4xf32, #tpu.memory_space<smem>>
    %jit3A_48 = arith.constant 1.000000e+00 : f32
    %jit3A_49 = arith.constant 7.990000e+02 : f32
    %max3A_50 = arith.maximumf %jit3A_48, %get3A_47 : f32
    %min3A_51 = arith.minimumf %jit3A_49, %max3A_50 : f32
    %get3A_52 = arith.constant 0 : index
    %get3A_53 = arith.constant 2 : index
    %get3A_54 = memref.load %arg2[%get3A_52, %get3A_53] : memref<8x4xf32, #tpu.memory_space<smem>>
    %jit3A_55 = arith.constant 1.000000e+00 : f32
    %jit3A_56 = arith.constant 7.990000e+02 : f32
    %max3A_57 = arith.maximumf %jit3A_55, %get3A_54 : f32
    %min3A_58 = arith.minimumf %jit3A_56, %max3A_57 : f32
    %get3A_59 = arith.constant 0 : index
    %get3A_60 = arith.constant 3 : index
    %get3A_61 = memref.load %arg2[%get3A_59, %get3A_60] : memref<8x4xf32, #tpu.memory_space<smem>>
    %jit3A_62 = arith.constant 1.000000e+00 : f32
    %jit3A_63 = arith.constant 7.990000e+02 : f32
    %max3A_64 = arith.maximumf %jit3A_62, %get3A_61 : f32
    %min3A_65 = arith.minimumf %jit3A_63, %max3A_64 : f32
    %min3A_66 = vector.broadcast %min3A_58 : f32 to vector<1x5000xf32>
    %min3A_67 = arith.minimumf %min3A_22, %min3A_66 : vector<1x5000xf32>
    %max3A_68 = vector.broadcast %min3A_44 : f32 to vector<1x5000xf32>
    %max3A_69 = arith.maximumf %min3A_4, %max3A_68 : vector<1x5000xf32>
    %sub3A_70 = arith.subf %min3A_67, %max3A_69 : vector<1x5000xf32>
    %add3A_71 = arith.constant 1.000000e+00 : f32
    %add3A_72 = vector.broadcast %add3A_71 : f32 to vector<1x5000xf32>
    %add3A_73 = arith.addf %sub3A_70, %add3A_72 : vector<1x5000xf32>
    %max3A_74 = arith.constant 0.000000e+00 : f32
    %max3A_75 = vector.broadcast %max3A_74 : f32 to vector<1x5000xf32>
    %max3A_76 = arith.maximumf %add3A_73, %max3A_75 : vector<1x5000xf32>
    %min3A_77 = vector.broadcast %min3A_65 : f32 to vector<1x5000xf32>
    %min3A_78 = arith.minimumf %min3A_31, %min3A_77 : vector<1x5000xf32>
    %max3A_79 = vector.broadcast %min3A_51 : f32 to vector<1x5000xf32>
    %max3A_80 = arith.maximumf %min3A_13, %max3A_79 : vector<1x5000xf32>
    %sub3A_81 = arith.subf %min3A_78, %max3A_80 : vector<1x5000xf32>
    %add3A_82 = arith.constant 1.000000e+00 : f32
    %add3A_83 = vector.broadcast %add3A_82 : f32 to vector<1x5000xf32>
    %add3A_84 = arith.addf %sub3A_81, %add3A_83 : vector<1x5000xf32>
    %max3A_85 = arith.constant 0.000000e+00 : f32
    %max3A_86 = vector.broadcast %max3A_85 : f32 to vector<1x5000xf32>
    %max3A_87 = arith.maximumf %add3A_84, %max3A_86 : vector<1x5000xf32>
    %mul3A_88 = arith.mulf %max3A_76, %max3A_87 : vector<1x5000xf32>
    %sub3A_89 = arith.subf %min3A_58, %min3A_44 : f32
    %add3A_90 = arith.constant 1.000000e+00 : f32
    %add3A_91 = arith.addf %sub3A_89, %add3A_90 : f32
    %sub3A_92 = arith.subf %min3A_65, %min3A_51 : f32
    %add3A_93 = arith.constant 1.000000e+00 : f32
    %add3A_94 = arith.addf %sub3A_92, %add3A_93 : f32
    %mul3A_95 = arith.mulf %add3A_91, %add3A_94 : f32
    %add3A_96 = vector.broadcast %mul3A_95 : f32 to vector<1x5000xf32>
    %add3A_97 = arith.addf %mul3A, %add3A_96 : vector<1x5000xf32>
    %sub3A_98 = arith.subf %add3A_97, %mul3A_88 : vector<1x5000xf32>
    %div3A = arith.divf %mul3A_88, %sub3A_98 : vector<1x5000xf32>
    %get3A_99 = arith.constant 1 : index
    %get3A_100 = arith.constant 0 : index
    %get3A_101 = memref.load %arg2[%get3A_99, %get3A_100] : memref<8x4xf32, #tpu.memory_space<smem>>
    %jit3A_102 = arith.constant 1.000000e+00 : f32
    %jit3A_103 = arith.constant 7.990000e+02 : f32
    %max3A_104 = arith.maximumf %jit3A_102, %get3A_101 : f32
    %min3A_105 = arith.minimumf %jit3A_103, %max3A_104 : f32
    %get3A_106 = arith.constant 1 : index
    %get3A_107 = arith.constant 1 : index
    %get3A_108 = memref.load %arg2[%get3A_106, %get3A_107] : memref<8x4xf32, #tpu.memory_space<smem>>
    %jit3A_109 = arith.constant 1.000000e+00 : f32
    %jit3A_110 = arith.constant 7.990000e+02 : f32
    %max3A_111 = arith.maximumf %jit3A_109, %get3A_108 : f32
    %min3A_112 = arith.minimumf %jit3A_110, %max3A_111 : f32
    %get3A_113 = arith.constant 1 : index
    %get3A_114 = arith.constant 2 : index
    %get3A_115 = memref.load %arg2[%get3A_113, %get3A_114] : memref<8x4xf32, #tpu.memory_space<smem>>
    %jit3A_116 = arith.constant 1.000000e+00 : f32
    %jit3A_117 = arith.constant 7.990000e+02 : f32
    %max3A_118 = arith.maximumf %jit3A_116, %get3A_115 : f32
    %min3A_119 = arith.minimumf %jit3A_117, %max3A_118 : f32
    %get3A_120 = arith.constant 1 : index
    %get3A_121 = arith.constant 3 : index
    %get3A_122 = memref.load %arg2[%get3A_120, %get3A_121] : memref<8x4xf32, #tpu.memory_space<smem>>
    %jit3A_123 = arith.constant 1.000000e+00 : f32
    %jit3A_124 = arith.constant 7.990000e+02 : f32
    %max3A_125 = arith.maximumf %jit3A_123, %get3A_122 : f32
    %min3A_126 = arith.minimumf %jit3A_124, %max3A_125 : f32
    %min3A_127 = vector.broadcast %min3A_119 : f32 to vector<1x5000xf32>
    %min3A_128 = arith.minimumf %min3A_22, %min3A_127 : vector<1x5000xf32>
    %max3A_129 = vector.broadcast %min3A_105 : f32 to vector<1x5000xf32>
    %max3A_130 = arith.maximumf %min3A_4, %max3A_129 : vector<1x5000xf32>
    %sub3A_131 = arith.subf %min3A_128, %max3A_130 : vector<1x5000xf32>
    %add3A_132 = arith.constant 1.000000e+00 : f32
    %add3A_133 = vector.broadcast %add3A_132 : f32 to vector<1x5000xf32>
    %add3A_134 = arith.addf %sub3A_131, %add3A_133 : vector<1x5000xf32>
    %max3A_135 = arith.constant 0.000000e+00 : f32
    %max3A_136 = vector.broadcast %max3A_135 : f32 to vector<1x5000xf32>
    %max3A_137 = arith.maximumf %add3A_134, %max3A_136 : vector<1x5000xf32>
    %min3A_138 = vector.broadcast %min3A_126 : f32 to vector<1x5000xf32>
    %min3A_139 = arith.minimumf %min3A_31, %min3A_138 : vector<1x5000xf32>
    %max3A_140 = vector.broadcast %min3A_112 : f32 to vector<1x5000xf32>
    %max3A_141 = arith.maximumf %min3A_13, %max3A_140 : vector<1x5000xf32>
    %sub3A_142 = arith.subf %min3A_139, %max3A_141 : vector<1x5000xf32>
    %add3A_143 = arith.constant 1.000000e+00 : f32
    %add3A_144 = vector.broadcast %add3A_143 : f32 to vector<1x5000xf32>
    %add3A_145 = arith.addf %sub3A_142, %add3A_144 : vector<1x5000xf32>
    %max3A_146 = arith.constant 0.000000e+00 : f32
    %max3A_147 = vector.broadcast %max3A_146 : f32 to vector<1x5000xf32>
    %max3A_148 = arith.maximumf %add3A_145, %max3A_147 : vector<1x5000xf32>
    %mul3A_149 = arith.mulf %max3A_137, %max3A_148 : vector<1x5000xf32>
    %sub3A_150 = arith.subf %min3A_119, %min3A_105 : f32
    %add3A_151 = arith.constant 1.000000e+00 : f32
    %add3A_152 = arith.addf %sub3A_150, %add3A_151 : f32
    %sub3A_153 = arith.subf %min3A_126, %min3A_112 : f32
    %add3A_154 = arith.constant 1.000000e+00 : f32
    %add3A_155 = arith.addf %sub3A_153, %add3A_154 : f32
    %mul3A_156 = arith.mulf %add3A_152, %add3A_155 : f32
    %add3A_157 = vector.broadcast %mul3A_156 : f32 to vector<1x5000xf32>
    %add3A_158 = arith.addf %mul3A, %add3A_157 : vector<1x5000xf32>
    %sub3A_159 = arith.subf %add3A_158, %mul3A_149 : vector<1x5000xf32>
    %div3A_160 = arith.divf %mul3A_149, %sub3A_159 : vector<1x5000xf32>
    %get3A_161 = arith.constant 2 : index
    %get3A_162 = arith.constant 0 : index
    %get3A_163 = memref.load %arg2[%get3A_161, %get3A_162] : memref<8x4xf32, #tpu.memory_space<smem>>
    %jit3A_164 = arith.constant 1.000000e+00 : f32
    %jit3A_165 = arith.constant 7.990000e+02 : f32
    %max3A_166 = arith.maximumf %jit3A_164, %get3A_163 : f32
    %min3A_167 = arith.minimumf %jit3A_165, %max3A_166 : f32
    %get3A_168 = arith.constant 2 : index
    %get3A_169 = arith.constant 1 : index
    %get3A_170 = memref.load %arg2[%get3A_168, %get3A_169] : memref<8x4xf32, #tpu.memory_space<smem>>
    %jit3A_171 = arith.constant 1.000000e+00 : f32
    %jit3A_172 = arith.constant 7.990000e+02 : f32
    %max3A_173 = arith.maximumf %jit3A_171, %get3A_170 : f32
    %min3A_174 = arith.minimumf %jit3A_172, %max3A_173 : f32
    %get3A_175 = arith.constant 2 : index
    %get3A_176 = arith.constant 2 : index
    %get3A_177 = memref.load %arg2[%get3A_175, %get3A_176] : memref<8x4xf32, #tpu.memory_space<smem>>
    %jit3A_178 = arith.constant 1.000000e+00 : f32
    %jit3A_179 = arith.constant 7.990000e+02 : f32
    %max3A_180 = arith.maximumf %jit3A_178, %get3A_177 : f32
    %min3A_181 = arith.minimumf %jit3A_179, %max3A_180 : f32
    %get3A_182 = arith.constant 2 : index
    %get3A_183 = arith.constant 3 : index
    %get3A_184 = memref.load %arg2[%get3A_182, %get3A_183] : memref<8x4xf32, #tpu.memory_space<smem>>
    %jit3A_185 = arith.constant 1.000000e+00 : f32
    %jit3A_186 = arith.constant 7.990000e+02 : f32
    %max3A_187 = arith.maximumf %jit3A_185, %get3A_184 : f32
    %min3A_188 = arith.minimumf %jit3A_186, %max3A_187 : f32
    %min3A_189 = vector.broadcast %min3A_181 : f32 to vector<1x5000xf32>
    %min3A_190 = arith.minimumf %min3A_22, %min3A_189 : vector<1x5000xf32>
    %max3A_191 = vector.broadcast %min3A_167 : f32 to vector<1x5000xf32>
    %max3A_192 = arith.maximumf %min3A_4, %max3A_191 : vector<1x5000xf32>
    %sub3A_193 = arith.subf %min3A_190, %max3A_192 : vector<1x5000xf32>
    %add3A_194 = arith.constant 1.000000e+00 : f32
    %add3A_195 = vector.broadcast %add3A_194 : f32 to vector<1x5000xf32>
    %add3A_196 = arith.addf %sub3A_193, %add3A_195 : vector<1x5000xf32>
    %max3A_197 = arith.constant 0.000000e+00 : f32
    %max3A_198 = vector.broadcast %max3A_197 : f32 to vector<1x5000xf32>
    %max3A_199 = arith.maximumf %add3A_196, %max3A_198 : vector<1x5000xf32>
    %min3A_200 = vector.broadcast %min3A_188 : f32 to vector<1x5000xf32>
    %min3A_201 = arith.minimumf %min3A_31, %min3A_200 : vector<1x5000xf32>
    %max3A_202 = vector.broadcast %min3A_174 : f32 to vector<1x5000xf32>
    %max3A_203 = arith.maximumf %min3A_13, %max3A_202 : vector<1x5000xf32>
    %sub3A_204 = arith.subf %min3A_201, %max3A_203 : vector<1x5000xf32>
    %add3A_205 = arith.constant 1.000000e+00 : f32
    %add3A_206 = vector.broadcast %add3A_205 : f32 to vector<1x5000xf32>
    %add3A_207 = arith.addf %sub3A_204, %add3A_206 : vector<1x5000xf32>
    %max3A_208 = arith.constant 0.000000e+00 : f32
    %max3A_209 = vector.broadcast %max3A_208 : f32 to vector<1x5000xf32>
    %max3A_210 = arith.maximumf %add3A_207, %max3A_209 : vector<1x5000xf32>
    %mul3A_211 = arith.mulf %max3A_199, %max3A_210 : vector<1x5000xf32>
    %sub3A_212 = arith.subf %min3A_181, %min3A_167 : f32
    %add3A_213 = arith.constant 1.000000e+00 : f32
    %add3A_214 = arith.addf %sub3A_212, %add3A_213 : f32
    %sub3A_215 = arith.subf %min3A_188, %min3A_174 : f32
    %add3A_216 = arith.constant 1.000000e+00 : f32
    %add3A_217 = arith.addf %sub3A_215, %add3A_216 : f32
    %mul3A_218 = arith.mulf %add3A_214, %add3A_217 : f32
    %add3A_219 = vector.broadcast %mul3A_218 : f32 to vector<1x5000xf32>
    %add3A_220 = arith.addf %mul3A, %add3A_219 : vector<1x5000xf32>
    %sub3A_221 = arith.subf %add3A_220, %mul3A_211 : vector<1x5000xf32>
    %div3A_222 = arith.divf %mul3A_211, %sub3A_221 : vector<1x5000xf32>
    %get3A_223 = arith.constant 3 : index
    %get3A_224 = arith.constant 0 : index
    %get3A_225 = memref.load %arg2[%get3A_223, %get3A_224] : memref<8x4xf32, #tpu.memory_space<smem>>
    %jit3A_226 = arith.constant 1.000000e+00 : f32
    %jit3A_227 = arith.constant 7.990000e+02 : f32
    %max3A_228 = arith.maximumf %jit3A_226, %get3A_225 : f32
    %min3A_229 = arith.minimumf %jit3A_227, %max3A_228 : f32
    %get3A_230 = arith.constant 3 : index
    %get3A_231 = arith.constant 1 : index
    %get3A_232 = memref.load %arg2[%get3A_230, %get3A_231] : memref<8x4xf32, #tpu.memory_space<smem>>
    %jit3A_233 = arith.constant 1.000000e+00 : f32
    %jit3A_234 = arith.constant 7.990000e+02 : f32
    %max3A_235 = arith.maximumf %jit3A_233, %get3A_232 : f32
    %min3A_236 = arith.minimumf %jit3A_234, %max3A_235 : f32
    %get3A_237 = arith.constant 3 : index
    %get3A_238 = arith.constant 2 : index
    %get3A_239 = memref.load %arg2[%get3A_237, %get3A_238] : memref<8x4xf32, #tpu.memory_space<smem>>
    %jit3A_240 = arith.constant 1.000000e+00 : f32
    %jit3A_241 = arith.constant 7.990000e+02 : f32
    %max3A_242 = arith.maximumf %jit3A_240, %get3A_239 : f32
    %min3A_243 = arith.minimumf %jit3A_241, %max3A_242 : f32
    %get3A_244 = arith.constant 3 : index
    %get3A_245 = arith.constant 3 : index
    %get3A_246 = memref.load %arg2[%get3A_244, %get3A_245] : memref<8x4xf32, #tpu.memory_space<smem>>
    %jit3A_247 = arith.constant 1.000000e+00 : f32
    %jit3A_248 = arith.constant 7.990000e+02 : f32
    %max3A_249 = arith.maximumf %jit3A_247, %get3A_246 : f32
    %min3A_250 = arith.minimumf %jit3A_248, %max3A_249 : f32
    %min3A_251 = vector.broadcast %min3A_243 : f32 to vector<1x5000xf32>
    %min3A_252 = arith.minimumf %min3A_22, %min3A_251 : vector<1x5000xf32>
    %max3A_253 = vector.broadcast %min3A_229 : f32 to vector<1x5000xf32>
    %max3A_254 = arith.maximumf %min3A_4, %max3A_253 : vector<1x5000xf32>
    %sub3A_255 = arith.subf %min3A_252, %max3A_254 : vector<1x5000xf32>
    %add3A_256 = arith.constant 1.000000e+00 : f32
    %add3A_257 = vector.broadcast %add3A_256 : f32 to vector<1x5000xf32>
    %add3A_258 = arith.addf %sub3A_255, %add3A_257 : vector<1x5000xf32>
    %max3A_259 = arith.constant 0.000000e+00 : f32
    %max3A_260 = vector.broadcast %max3A_259 : f32 to vector<1x5000xf32>
    %max3A_261 = arith.maximumf %add3A_258, %max3A_260 : vector<1x5000xf32>
    %min3A_262 = vector.broadcast %min3A_250 : f32 to vector<1x5000xf32>
    %min3A_263 = arith.minimumf %min3A_31, %min3A_262 : vector<1x5000xf32>
    %max3A_264 = vector.broadcast %min3A_236 : f32 to vector<1x5000xf32>
    %max3A_265 = arith.maximumf %min3A_13, %max3A_264 : vector<1x5000xf32>
    %sub3A_266 = arith.subf %min3A_263, %max3A_265 : vector<1x5000xf32>
    %add3A_267 = arith.constant 1.000000e+00 : f32
    %add3A_268 = vector.broadcast %add3A_267 : f32 to vector<1x5000xf32>
    %add3A_269 = arith.addf %sub3A_266, %add3A_268 : vector<1x5000xf32>
    %max3A_270 = arith.constant 0.000000e+00 : f32
    %max3A_271 = vector.broadcast %max3A_270 : f32 to vector<1x5000xf32>
    %max3A_272 = arith.maximumf %add3A_269, %max3A_271 : vector<1x5000xf32>
    %mul3A_273 = arith.mulf %max3A_261, %max3A_272 : vector<1x5000xf32>
    %sub3A_274 = arith.subf %min3A_243, %min3A_229 : f32
    %add3A_275 = arith.constant 1.000000e+00 : f32
    %add3A_276 = arith.addf %sub3A_274, %add3A_275 : f32
    %sub3A_277 = arith.subf %min3A_250, %min3A_236 : f32
    %add3A_278 = arith.constant 1.000000e+00 : f32
    %add3A_279 = arith.addf %sub3A_277, %add3A_278 : f32
    %mul3A_280 = arith.mulf %add3A_276, %add3A_279 : f32
    %add3A_281 = vector.broadcast %mul3A_280 : f32 to vector<1x5000xf32>
    %add3A_282 = arith.addf %mul3A, %add3A_281 : vector<1x5000xf32>
    %sub3A_283 = arith.subf %add3A_282, %mul3A_273 : vector<1x5000xf32>
    %div3A_284 = arith.divf %mul3A_273, %sub3A_283 : vector<1x5000xf32>
    %get3A_285 = arith.constant 4 : index
    %get3A_286 = arith.constant 0 : index
    %get3A_287 = memref.load %arg2[%get3A_285, %get3A_286] : memref<8x4xf32, #tpu.memory_space<smem>>
    %jit3A_288 = arith.constant 1.000000e+00 : f32
    %jit3A_289 = arith.constant 7.990000e+02 : f32
    %max3A_290 = arith.maximumf %jit3A_288, %get3A_287 : f32
    %min3A_291 = arith.minimumf %jit3A_289, %max3A_290 : f32
    %get3A_292 = arith.constant 4 : index
    %get3A_293 = arith.constant 1 : index
    %get3A_294 = memref.load %arg2[%get3A_292, %get3A_293] : memref<8x4xf32, #tpu.memory_space<smem>>
    %jit3A_295 = arith.constant 1.000000e+00 : f32
    %jit3A_296 = arith.constant 7.990000e+02 : f32
    %max3A_297 = arith.maximumf %jit3A_295, %get3A_294 : f32
    %min3A_298 = arith.minimumf %jit3A_296, %max3A_297 : f32
    %get3A_299 = arith.constant 4 : index
    %get3A_300 = arith.constant 2 : index
    %get3A_301 = memref.load %arg2[%get3A_299, %get3A_300] : memref<8x4xf32, #tpu.memory_space<smem>>
    %jit3A_302 = arith.constant 1.000000e+00 : f32
    %jit3A_303 = arith.constant 7.990000e+02 : f32
    %max3A_304 = arith.maximumf %jit3A_302, %get3A_301 : f32
    %min3A_305 = arith.minimumf %jit3A_303, %max3A_304 : f32
    %get3A_306 = arith.constant 4 : index
    %get3A_307 = arith.constant 3 : index
    %get3A_308 = memref.load %arg2[%get3A_306, %get3A_307] : memref<8x4xf32, #tpu.memory_space<smem>>
    %jit3A_309 = arith.constant 1.000000e+00 : f32
    %jit3A_310 = arith.constant 7.990000e+02 : f32
    %max3A_311 = arith.maximumf %jit3A_309, %get3A_308 : f32
    %min3A_312 = arith.minimumf %jit3A_310, %max3A_311 : f32
    %min3A_313 = vector.broadcast %min3A_305 : f32 to vector<1x5000xf32>
    %min3A_314 = arith.minimumf %min3A_22, %min3A_313 : vector<1x5000xf32>
    %max3A_315 = vector.broadcast %min3A_291 : f32 to vector<1x5000xf32>
    %max3A_316 = arith.maximumf %min3A_4, %max3A_315 : vector<1x5000xf32>
    %sub3A_317 = arith.subf %min3A_314, %max3A_316 : vector<1x5000xf32>
    %add3A_318 = arith.constant 1.000000e+00 : f32
    %add3A_319 = vector.broadcast %add3A_318 : f32 to vector<1x5000xf32>
    %add3A_320 = arith.addf %sub3A_317, %add3A_319 : vector<1x5000xf32>
    %max3A_321 = arith.constant 0.000000e+00 : f32
    %max3A_322 = vector.broadcast %max3A_321 : f32 to vector<1x5000xf32>
    %max3A_323 = arith.maximumf %add3A_320, %max3A_322 : vector<1x5000xf32>
    %min3A_324 = vector.broadcast %min3A_312 : f32 to vector<1x5000xf32>
    %min3A_325 = arith.minimumf %min3A_31, %min3A_324 : vector<1x5000xf32>
    %max3A_326 = vector.broadcast %min3A_298 : f32 to vector<1x5000xf32>
    %max3A_327 = arith.maximumf %min3A_13, %max3A_326 : vector<1x5000xf32>
    %sub3A_328 = arith.subf %min3A_325, %max3A_327 : vector<1x5000xf32>
    %add3A_329 = arith.constant 1.000000e+00 : f32
    %add3A_330 = vector.broadcast %add3A_329 : f32 to vector<1x5000xf32>
    %add3A_331 = arith.addf %sub3A_328, %add3A_330 : vector<1x5000xf32>
    %max3A_332 = arith.constant 0.000000e+00 : f32
    %max3A_333 = vector.broadcast %max3A_332 : f32 to vector<1x5000xf32>
    %max3A_334 = arith.maximumf %add3A_331, %max3A_333 : vector<1x5000xf32>
    %mul3A_335 = arith.mulf %max3A_323, %max3A_334 : vector<1x5000xf32>
    %sub3A_336 = arith.subf %min3A_305, %min3A_291 : f32
    %add3A_337 = arith.constant 1.000000e+00 : f32
    %add3A_338 = arith.addf %sub3A_336, %add3A_337 : f32
    %sub3A_339 = arith.subf %min3A_312, %min3A_298 : f32
    %add3A_340 = arith.constant 1.000000e+00 : f32
    %add3A_341 = arith.addf %sub3A_339, %add3A_340 : f32
    %mul3A_342 = arith.mulf %add3A_338, %add3A_341 : f32
    %add3A_343 = vector.broadcast %mul3A_342 : f32 to vector<1x5000xf32>
    %add3A_344 = arith.addf %mul3A, %add3A_343 : vector<1x5000xf32>
    %sub3A_345 = arith.subf %add3A_344, %mul3A_335 : vector<1x5000xf32>
    %div3A_346 = arith.divf %mul3A_335, %sub3A_345 : vector<1x5000xf32>
    %get3A_347 = arith.constant 5 : index
    %get3A_348 = arith.constant 0 : index
    %get3A_349 = memref.load %arg2[%get3A_347, %get3A_348] : memref<8x4xf32, #tpu.memory_space<smem>>
    %jit3A_350 = arith.constant 1.000000e+00 : f32
    %jit3A_351 = arith.constant 7.990000e+02 : f32
    %max3A_352 = arith.maximumf %jit3A_350, %get3A_349 : f32
    %min3A_353 = arith.minimumf %jit3A_351, %max3A_352 : f32
    %get3A_354 = arith.constant 5 : index
    %get3A_355 = arith.constant 1 : index
    %get3A_356 = memref.load %arg2[%get3A_354, %get3A_355] : memref<8x4xf32, #tpu.memory_space<smem>>
    %jit3A_357 = arith.constant 1.000000e+00 : f32
    %jit3A_358 = arith.constant 7.990000e+02 : f32
    %max3A_359 = arith.maximumf %jit3A_357, %get3A_356 : f32
    %min3A_360 = arith.minimumf %jit3A_358, %max3A_359 : f32
    %get3A_361 = arith.constant 5 : index
    %get3A_362 = arith.constant 2 : index
    %get3A_363 = memref.load %arg2[%get3A_361, %get3A_362] : memref<8x4xf32, #tpu.memory_space<smem>>
    %jit3A_364 = arith.constant 1.000000e+00 : f32
    %jit3A_365 = arith.constant 7.990000e+02 : f32
    %max3A_366 = arith.maximumf %jit3A_364, %get3A_363 : f32
    %min3A_367 = arith.minimumf %jit3A_365, %max3A_366 : f32
    %get3A_368 = arith.constant 5 : index
    %get3A_369 = arith.constant 3 : index
    %get3A_370 = memref.load %arg2[%get3A_368, %get3A_369] : memref<8x4xf32, #tpu.memory_space<smem>>
    %jit3A_371 = arith.constant 1.000000e+00 : f32
    %jit3A_372 = arith.constant 7.990000e+02 : f32
    %max3A_373 = arith.maximumf %jit3A_371, %get3A_370 : f32
    %min3A_374 = arith.minimumf %jit3A_372, %max3A_373 : f32
    %min3A_375 = vector.broadcast %min3A_367 : f32 to vector<1x5000xf32>
    %min3A_376 = arith.minimumf %min3A_22, %min3A_375 : vector<1x5000xf32>
    %max3A_377 = vector.broadcast %min3A_353 : f32 to vector<1x5000xf32>
    %max3A_378 = arith.maximumf %min3A_4, %max3A_377 : vector<1x5000xf32>
    %sub3A_379 = arith.subf %min3A_376, %max3A_378 : vector<1x5000xf32>
    %add3A_380 = arith.constant 1.000000e+00 : f32
    %add3A_381 = vector.broadcast %add3A_380 : f32 to vector<1x5000xf32>
    %add3A_382 = arith.addf %sub3A_379, %add3A_381 : vector<1x5000xf32>
    %max3A_383 = arith.constant 0.000000e+00 : f32
    %max3A_384 = vector.broadcast %max3A_383 : f32 to vector<1x5000xf32>
    %max3A_385 = arith.maximumf %add3A_382, %max3A_384 : vector<1x5000xf32>
    %min3A_386 = vector.broadcast %min3A_374 : f32 to vector<1x5000xf32>
    %min3A_387 = arith.minimumf %min3A_31, %min3A_386 : vector<1x5000xf32>
    %max3A_388 = vector.broadcast %min3A_360 : f32 to vector<1x5000xf32>
    %max3A_389 = arith.maximumf %min3A_13, %max3A_388 : vector<1x5000xf32>
    %sub3A_390 = arith.subf %min3A_387, %max3A_389 : vector<1x5000xf32>
    %add3A_391 = arith.constant 1.000000e+00 : f32
    %add3A_392 = vector.broadcast %add3A_391 : f32 to vector<1x5000xf32>
    %add3A_393 = arith.addf %sub3A_390, %add3A_392 : vector<1x5000xf32>
    %max3A_394 = arith.constant 0.000000e+00 : f32
    %max3A_395 = vector.broadcast %max3A_394 : f32 to vector<1x5000xf32>
    %max3A_396 = arith.maximumf %add3A_393, %max3A_395 : vector<1x5000xf32>
    %mul3A_397 = arith.mulf %max3A_385, %max3A_396 : vector<1x5000xf32>
    %sub3A_398 = arith.subf %min3A_367, %min3A_353 : f32
    %add3A_399 = arith.constant 1.000000e+00 : f32
    %add3A_400 = arith.addf %sub3A_398, %add3A_399 : f32
    %sub3A_401 = arith.subf %min3A_374, %min3A_360 : f32
    %add3A_402 = arith.constant 1.000000e+00 : f32
    %add3A_403 = arith.addf %sub3A_401, %add3A_402 : f32
    %mul3A_404 = arith.mulf %add3A_400, %add3A_403 : f32
    %add3A_405 = vector.broadcast %mul3A_404 : f32 to vector<1x5000xf32>
    %add3A_406 = arith.addf %mul3A, %add3A_405 : vector<1x5000xf32>
    %sub3A_407 = arith.subf %add3A_406, %mul3A_397 : vector<1x5000xf32>
    %div3A_408 = arith.divf %mul3A_397, %sub3A_407 : vector<1x5000xf32>
    %get3A_409 = arith.constant 6 : index
    %get3A_410 = arith.constant 0 : index
    %get3A_411 = memref.load %arg2[%get3A_409, %get3A_410] : memref<8x4xf32, #tpu.memory_space<smem>>
    %jit3A_412 = arith.constant 1.000000e+00 : f32
    %jit3A_413 = arith.constant 7.990000e+02 : f32
    %max3A_414 = arith.maximumf %jit3A_412, %get3A_411 : f32
    %min3A_415 = arith.minimumf %jit3A_413, %max3A_414 : f32
    %get3A_416 = arith.constant 6 : index
    %get3A_417 = arith.constant 1 : index
    %get3A_418 = memref.load %arg2[%get3A_416, %get3A_417] : memref<8x4xf32, #tpu.memory_space<smem>>
    %jit3A_419 = arith.constant 1.000000e+00 : f32
    %jit3A_420 = arith.constant 7.990000e+02 : f32
    %max3A_421 = arith.maximumf %jit3A_419, %get3A_418 : f32
    %min3A_422 = arith.minimumf %jit3A_420, %max3A_421 : f32
    %get3A_423 = arith.constant 6 : index
    %get3A_424 = arith.constant 2 : index
    %get3A_425 = memref.load %arg2[%get3A_423, %get3A_424] : memref<8x4xf32, #tpu.memory_space<smem>>
    %jit3A_426 = arith.constant 1.000000e+00 : f32
    %jit3A_427 = arith.constant 7.990000e+02 : f32
    %max3A_428 = arith.maximumf %jit3A_426, %get3A_425 : f32
    %min3A_429 = arith.minimumf %jit3A_427, %max3A_428 : f32
    %get3A_430 = arith.constant 6 : index
    %get3A_431 = arith.constant 3 : index
    %get3A_432 = memref.load %arg2[%get3A_430, %get3A_431] : memref<8x4xf32, #tpu.memory_space<smem>>
    %jit3A_433 = arith.constant 1.000000e+00 : f32
    %jit3A_434 = arith.constant 7.990000e+02 : f32
    %max3A_435 = arith.maximumf %jit3A_433, %get3A_432 : f32
    %min3A_436 = arith.minimumf %jit3A_434, %max3A_435 : f32
    %min3A_437 = vector.broadcast %min3A_429 : f32 to vector<1x5000xf32>
    %min3A_438 = arith.minimumf %min3A_22, %min3A_437 : vector<1x5000xf32>
    %max3A_439 = vector.broadcast %min3A_415 : f32 to vector<1x5000xf32>
    %max3A_440 = arith.maximumf %min3A_4, %max3A_439 : vector<1x5000xf32>
    %sub3A_441 = arith.subf %min3A_438, %max3A_440 : vector<1x5000xf32>
    %add3A_442 = arith.constant 1.000000e+00 : f32
    %add3A_443 = vector.broadcast %add3A_442 : f32 to vector<1x5000xf32>
    %add3A_444 = arith.addf %sub3A_441, %add3A_443 : vector<1x5000xf32>
    %max3A_445 = arith.constant 0.000000e+00 : f32
    %max3A_446 = vector.broadcast %max3A_445 : f32 to vector<1x5000xf32>
    %max3A_447 = arith.maximumf %add3A_444, %max3A_446 : vector<1x5000xf32>
    %min3A_448 = vector.broadcast %min3A_436 : f32 to vector<1x5000xf32>
    %min3A_449 = arith.minimumf %min3A_31, %min3A_448 : vector<1x5000xf32>
    %max3A_450 = vector.broadcast %min3A_422 : f32 to vector<1x5000xf32>
    %max3A_451 = arith.maximumf %min3A_13, %max3A_450 : vector<1x5000xf32>
    %sub3A_452 = arith.subf %min3A_449, %max3A_451 : vector<1x5000xf32>
    %add3A_453 = arith.constant 1.000000e+00 : f32
    %add3A_454 = vector.broadcast %add3A_453 : f32 to vector<1x5000xf32>
    %add3A_455 = arith.addf %sub3A_452, %add3A_454 : vector<1x5000xf32>
    %max3A_456 = arith.constant 0.000000e+00 : f32
    %max3A_457 = vector.broadcast %max3A_456 : f32 to vector<1x5000xf32>
    %max3A_458 = arith.maximumf %add3A_455, %max3A_457 : vector<1x5000xf32>
    %mul3A_459 = arith.mulf %max3A_447, %max3A_458 : vector<1x5000xf32>
    %sub3A_460 = arith.subf %min3A_429, %min3A_415 : f32
    %add3A_461 = arith.constant 1.000000e+00 : f32
    %add3A_462 = arith.addf %sub3A_460, %add3A_461 : f32
    %sub3A_463 = arith.subf %min3A_436, %min3A_422 : f32
    %add3A_464 = arith.constant 1.000000e+00 : f32
    %add3A_465 = arith.addf %sub3A_463, %add3A_464 : f32
    %mul3A_466 = arith.mulf %add3A_462, %add3A_465 : f32
    %add3A_467 = vector.broadcast %mul3A_466 : f32 to vector<1x5000xf32>
    %add3A_468 = arith.addf %mul3A, %add3A_467 : vector<1x5000xf32>
    %sub3A_469 = arith.subf %add3A_468, %mul3A_459 : vector<1x5000xf32>
    %div3A_470 = arith.divf %mul3A_459, %sub3A_469 : vector<1x5000xf32>
    %get3A_471 = arith.constant 7 : index
    %get3A_472 = arith.constant 0 : index
    %get3A_473 = memref.load %arg2[%get3A_471, %get3A_472] : memref<8x4xf32, #tpu.memory_space<smem>>
    %jit3A_474 = arith.constant 1.000000e+00 : f32
    %jit3A_475 = arith.constant 7.990000e+02 : f32
    %max3A_476 = arith.maximumf %jit3A_474, %get3A_473 : f32
    %min3A_477 = arith.minimumf %jit3A_475, %max3A_476 : f32
    %get3A_478 = arith.constant 7 : index
    %get3A_479 = arith.constant 1 : index
    %get3A_480 = memref.load %arg2[%get3A_478, %get3A_479] : memref<8x4xf32, #tpu.memory_space<smem>>
    %jit3A_481 = arith.constant 1.000000e+00 : f32
    %jit3A_482 = arith.constant 7.990000e+02 : f32
    %max3A_483 = arith.maximumf %jit3A_481, %get3A_480 : f32
    %min3A_484 = arith.minimumf %jit3A_482, %max3A_483 : f32
    %get3A_485 = arith.constant 7 : index
    %get3A_486 = arith.constant 2 : index
    %get3A_487 = memref.load %arg2[%get3A_485, %get3A_486] : memref<8x4xf32, #tpu.memory_space<smem>>
    %jit3A_488 = arith.constant 1.000000e+00 : f32
    %jit3A_489 = arith.constant 7.990000e+02 : f32
    %max3A_490 = arith.maximumf %jit3A_488, %get3A_487 : f32
    %min3A_491 = arith.minimumf %jit3A_489, %max3A_490 : f32
    %get3A_492 = arith.constant 7 : index
    %get3A_493 = arith.constant 3 : index
    %get3A_494 = memref.load %arg2[%get3A_492, %get3A_493] : memref<8x4xf32, #tpu.memory_space<smem>>
    %jit3A_495 = arith.constant 1.000000e+00 : f32
    %jit3A_496 = arith.constant 7.990000e+02 : f32
    %max3A_497 = arith.maximumf %jit3A_495, %get3A_494 : f32
    %min3A_498 = arith.minimumf %jit3A_496, %max3A_497 : f32
    %min3A_499 = vector.broadcast %min3A_491 : f32 to vector<1x5000xf32>
    %min3A_500 = arith.minimumf %min3A_22, %min3A_499 : vector<1x5000xf32>
    %max3A_501 = vector.broadcast %min3A_477 : f32 to vector<1x5000xf32>
    %max3A_502 = arith.maximumf %min3A_4, %max3A_501 : vector<1x5000xf32>
    %sub3A_503 = arith.subf %min3A_500, %max3A_502 : vector<1x5000xf32>
    %add3A_504 = arith.constant 1.000000e+00 : f32
    %add3A_505 = vector.broadcast %add3A_504 : f32 to vector<1x5000xf32>
    %add3A_506 = arith.addf %sub3A_503, %add3A_505 : vector<1x5000xf32>
    %max3A_507 = arith.constant 0.000000e+00 : f32
    %max3A_508 = vector.broadcast %max3A_507 : f32 to vector<1x5000xf32>
    %max3A_509 = arith.maximumf %add3A_506, %max3A_508 : vector<1x5000xf32>
    %min3A_510 = vector.broadcast %min3A_498 : f32 to vector<1x5000xf32>
    %min3A_511 = arith.minimumf %min3A_31, %min3A_510 : vector<1x5000xf32>
    %max3A_512 = vector.broadcast %min3A_484 : f32 to vector<1x5000xf32>
    %max3A_513 = arith.maximumf %min3A_13, %max3A_512 : vector<1x5000xf32>
    %sub3A_514 = arith.subf %min3A_511, %max3A_513 : vector<1x5000xf32>
    %add3A_515 = arith.constant 1.000000e+00 : f32
    %add3A_516 = vector.broadcast %add3A_515 : f32 to vector<1x5000xf32>
    %add3A_517 = arith.addf %sub3A_514, %add3A_516 : vector<1x5000xf32>
    %max3A_518 = arith.constant 0.000000e+00 : f32
    %max3A_519 = vector.broadcast %max3A_518 : f32 to vector<1x5000xf32>
    %max3A_520 = arith.maximumf %add3A_517, %max3A_519 : vector<1x5000xf32>
    %mul3A_521 = arith.mulf %max3A_509, %max3A_520 : vector<1x5000xf32>
    %sub3A_522 = arith.subf %min3A_491, %min3A_477 : f32
    %add3A_523 = arith.constant 1.000000e+00 : f32
    %add3A_524 = arith.addf %sub3A_522, %add3A_523 : f32
    %sub3A_525 = arith.subf %min3A_498, %min3A_484 : f32
    %add3A_526 = arith.constant 1.000000e+00 : f32
    %add3A_527 = arith.addf %sub3A_525, %add3A_526 : f32
    %mul3A_528 = arith.mulf %add3A_524, %add3A_527 : f32
    %add3A_529 = vector.broadcast %mul3A_528 : f32 to vector<1x5000xf32>
    %add3A_530 = arith.addf %mul3A, %add3A_529 : vector<1x5000xf32>
    %sub3A_531 = arith.subf %add3A_530, %mul3A_521 : vector<1x5000xf32>
    %div3A_532 = arith.divf %mul3A_521, %sub3A_531 : vector<1x5000xf32>
    %iota3A = tpu.iota {dimensions = array<i32: 0>} : vector<32x1xi32>
    %broadcast_in_dim3A = arith.constant 0.000000e+00 : f32
    %broadcast_in_dim3A_533 = vector.broadcast %broadcast_in_dim3A : f32 to vector<32x5000xf32>
    %get3A_534 = arith.constant 0 : index
    %get3A_535 = memref.load %arg4[%get3A_534] : memref<8xi32, #tpu.memory_space<smem>>
    %eq3A = vector.broadcast %get3A_535 : i32 to vector<32x1xi32>
    %eq3A_536 = arith.cmpi eq, %iota3A, %eq3A : vector<32x1xi32>
    %convert_element_type3A = arith.extui %eq3A_536 : vector<32x1xi1> to vector<32x1xi32>
    %convert_element_type3A_537 = arith.sitofp %convert_element_type3A : vector<32x1xi32> to vector<32x1xf32>
    %mul3A_538 = vector.broadcast %convert_element_type3A_537 : vector<32x1xf32> to vector<32x5000xf32>
    %mul3A_539 = vector.broadcast %div3A : vector<1x5000xf32> to vector<32x5000xf32>
    %mul3A_540 = arith.mulf %mul3A_538, %mul3A_539 : vector<32x5000xf32>
    %max3A_541 = arith.maximumf %broadcast_in_dim3A_533, %mul3A_540 : vector<32x5000xf32>
    %get3A_542 = arith.constant 1 : index
    %get3A_543 = memref.load %arg4[%get3A_542] : memref<8xi32, #tpu.memory_space<smem>>
    %eq3A_544 = vector.broadcast %get3A_543 : i32 to vector<32x1xi32>
    %eq3A_545 = arith.cmpi eq, %iota3A, %eq3A_544 : vector<32x1xi32>
    %convert_element_type3A_546 = arith.extui %eq3A_545 : vector<32x1xi1> to vector<32x1xi32>
    %convert_element_type3A_547 = arith.sitofp %convert_element_type3A_546 : vector<32x1xi32> to vector<32x1xf32>
    %mul3A_548 = vector.broadcast %convert_element_type3A_547 : vector<32x1xf32> to vector<32x5000xf32>
    %mul3A_549 = vector.broadcast %div3A_160 : vector<1x5000xf32> to vector<32x5000xf32>
    %mul3A_550 = arith.mulf %mul3A_548, %mul3A_549 : vector<32x5000xf32>
    %max3A_551 = arith.maximumf %max3A_541, %mul3A_550 : vector<32x5000xf32>
    %get3A_552 = arith.constant 2 : index
    %get3A_553 = memref.load %arg4[%get3A_552] : memref<8xi32, #tpu.memory_space<smem>>
    %eq3A_554 = vector.broadcast %get3A_553 : i32 to vector<32x1xi32>
    %eq3A_555 = arith.cmpi eq, %iota3A, %eq3A_554 : vector<32x1xi32>
    %convert_element_type3A_556 = arith.extui %eq3A_555 : vector<32x1xi1> to vector<32x1xi32>
    %convert_element_type3A_557 = arith.sitofp %convert_element_type3A_556 : vector<32x1xi32> to vector<32x1xf32>
    %mul3A_558 = vector.broadcast %convert_element_type3A_557 : vector<32x1xf32> to vector<32x5000xf32>
    %mul3A_559 = vector.broadcast %div3A_222 : vector<1x5000xf32> to vector<32x5000xf32>
    %mul3A_560 = arith.mulf %mul3A_558, %mul3A_559 : vector<32x5000xf32>
    %max3A_561 = arith.maximumf %max3A_551, %mul3A_560 : vector<32x5000xf32>
    %get3A_562 = arith.constant 3 : index
    %get3A_563 = memref.load %arg4[%get3A_562] : memref<8xi32, #tpu.memory_space<smem>>
    %eq3A_564 = vector.broadcast %get3A_563 : i32 to vector<32x1xi32>
    %eq3A_565 = arith.cmpi eq, %iota3A, %eq3A_564 : vector<32x1xi32>
    %convert_element_type3A_566 = arith.extui %eq3A_565 : vector<32x1xi1> to vector<32x1xi32>
    %convert_element_type3A_567 = arith.sitofp %convert_element_type3A_566 : vector<32x1xi32> to vector<32x1xf32>
    %mul3A_568 = vector.broadcast %convert_element_type3A_567 : vector<32x1xf32> to vector<32x5000xf32>
    %mul3A_569 = vector.broadcast %div3A_284 : vector<1x5000xf32> to vector<32x5000xf32>
    %mul3A_570 = arith.mulf %mul3A_568, %mul3A_569 : vector<32x5000xf32>
    %max3A_571 = arith.maximumf %max3A_561, %mul3A_570 : vector<32x5000xf32>
    %get3A_572 = arith.constant 4 : index
    %get3A_573 = memref.load %arg4[%get3A_572] : memref<8xi32, #tpu.memory_space<smem>>
    %eq3A_574 = vector.broadcast %get3A_573 : i32 to vector<32x1xi32>
    %eq3A_575 = arith.cmpi eq, %iota3A, %eq3A_574 : vector<32x1xi32>
    %convert_element_type3A_576 = arith.extui %eq3A_575 : vector<32x1xi1> to vector<32x1xi32>
    %convert_element_type3A_577 = arith.sitofp %convert_element_type3A_576 : vector<32x1xi32> to vector<32x1xf32>
    %mul3A_578 = vector.broadcast %convert_element_type3A_577 : vector<32x1xf32> to vector<32x5000xf32>
    %mul3A_579 = vector.broadcast %div3A_346 : vector<1x5000xf32> to vector<32x5000xf32>
    %mul3A_580 = arith.mulf %mul3A_578, %mul3A_579 : vector<32x5000xf32>
    %max3A_581 = arith.maximumf %max3A_571, %mul3A_580 : vector<32x5000xf32>
    %get3A_582 = arith.constant 5 : index
    %get3A_583 = memref.load %arg4[%get3A_582] : memref<8xi32, #tpu.memory_space<smem>>
    %eq3A_584 = vector.broadcast %get3A_583 : i32 to vector<32x1xi32>
    %eq3A_585 = arith.cmpi eq, %iota3A, %eq3A_584 : vector<32x1xi32>
    %convert_element_type3A_586 = arith.extui %eq3A_585 : vector<32x1xi1> to vector<32x1xi32>
    %convert_element_type3A_587 = arith.sitofp %convert_element_type3A_586 : vector<32x1xi32> to vector<32x1xf32>
    %mul3A_588 = vector.broadcast %convert_element_type3A_587 : vector<32x1xf32> to vector<32x5000xf32>
    %mul3A_589 = vector.broadcast %div3A_408 : vector<1x5000xf32> to vector<32x5000xf32>
    %mul3A_590 = arith.mulf %mul3A_588, %mul3A_589 : vector<32x5000xf32>
    %max3A_591 = arith.maximumf %max3A_581, %mul3A_590 : vector<32x5000xf32>
    %get3A_592 = arith.constant 6 : index
    %get3A_593 = memref.load %arg4[%get3A_592] : memref<8xi32, #tpu.memory_space<smem>>
    %eq3A_594 = vector.broadcast %get3A_593 : i32 to vector<32x1xi32>
    %eq3A_595 = arith.cmpi eq, %iota3A, %eq3A_594 : vector<32x1xi32>
    %convert_element_type3A_596 = arith.extui %eq3A_595 : vector<32x1xi1> to vector<32x1xi32>
    %convert_element_type3A_597 = arith.sitofp %convert_element_type3A_596 : vector<32x1xi32> to vector<32x1xf32>
    %mul3A_598 = vector.broadcast %convert_element_type3A_597 : vector<32x1xf32> to vector<32x5000xf32>
    %mul3A_599 = vector.broadcast %div3A_470 : vector<1x5000xf32> to vector<32x5000xf32>
    %mul3A_600 = arith.mulf %mul3A_598, %mul3A_599 : vector<32x5000xf32>
    %max3A_601 = arith.maximumf %max3A_591, %mul3A_600 : vector<32x5000xf32>
    %get3A_602 = arith.constant 7 : index
    %get3A_603 = memref.load %arg4[%get3A_602] : memref<8xi32, #tpu.memory_space<smem>>
    %eq3A_604 = vector.broadcast %get3A_603 : i32 to vector<32x1xi32>
    %eq3A_605 = arith.cmpi eq, %iota3A, %eq3A_604 : vector<32x1xi32>
    %convert_element_type3A_606 = arith.extui %eq3A_605 : vector<32x1xi1> to vector<32x1xi32>
    %convert_element_type3A_607 = arith.sitofp %convert_element_type3A_606 : vector<32x1xi32> to vector<32x1xf32>
    %mul3A_608 = vector.broadcast %convert_element_type3A_607 : vector<32x1xf32> to vector<32x5000xf32>
    %mul3A_609 = vector.broadcast %div3A_532 : vector<1x5000xf32> to vector<32x5000xf32>
    %mul3A_610 = arith.mulf %mul3A_608, %mul3A_609 : vector<32x5000xf32>
    %max3A_611 = arith.maximumf %max3A_601, %mul3A_610 : vector<32x5000xf32>
    %swap3A = arith.constant 0 : index
    %swap3A_612 = arith.constant 0 : index
    %swap3A_613 = vector.load %arg5[%swap3A, %swap3A_612] : memref<32x5000xf32, #tpu.memory_space<vmem>>, vector<32x5000xf32>
    tpu.vector_store %arg5[%swap3A, %swap3A_612], %max3A_611 {strides = array<i32>} : memref<32x5000xf32, #tpu.memory_space<vmem>>, vector<32x5000xf32>,
    %get3A_614 = arith.constant 0 : index
    %get3A_615 = memref.load %arg4[%get3A_614] : memref<8xi32, #tpu.memory_space<smem>>
    %get3A_616 = arith.constant 1 : index
    %get3A_617 = memref.load %arg4[%get3A_616] : memref<8xi32, #tpu.memory_space<smem>>
    %eq3A_618 = arith.cmpi eq, %get3A_615, %get3A_617 : i32
    %jit3A_619 = arith.constant 0.000000e+00 : f32
    %broadcast_in_dim3A_620 = vector.broadcast %jit3A_619 : f32 to vector<1x5000xf32>
    %select_n3A = arith.select %eq3A_618, %div3A_160, %broadcast_in_dim3A_620 : vector<1x5000xf32>
    %max3A_621 = arith.maximumf %div3A, %select_n3A : vector<1x5000xf32>
    %get3A_622 = arith.constant 0 : index
    %get3A_623 = memref.load %arg4[%get3A_622] : memref<8xi32, #tpu.memory_space<smem>>
    %get3A_624 = arith.constant 2 : index
    %get3A_625 = memref.load %arg4[%get3A_624] : memref<8xi32, #tpu.memory_space<smem>>
    %eq3A_626 = arith.cmpi eq, %get3A_623, %get3A_625 : i32
    %jit3A_627 = arith.constant 0.000000e+00 : f32
    %broadcast_in_dim3A_628 = vector.broadcast %jit3A_627 : f32 to vector<1x5000xf32>
    %select_n3A_629 = arith.select %eq3A_626, %div3A_222, %broadcast_in_dim3A_628 : vector<1x5000xf32>
    %max3A_630 = arith.maximumf %max3A_621, %select_n3A_629 : vector<1x5000xf32>
    %get3A_631 = arith.constant 0 : index
    %get3A_632 = memref.load %arg4[%get3A_631] : memref<8xi32, #tpu.memory_space<smem>>
    %get3A_633 = arith.constant 3 : index
    %get3A_634 = memref.load %arg4[%get3A_633] : memref<8xi32, #tpu.memory_space<smem>>
    %eq3A_635 = arith.cmpi eq, %get3A_632, %get3A_634 : i32
    %jit3A_636 = arith.constant 0.000000e+00 : f32
    %broadcast_in_dim3A_637 = vector.broadcast %jit3A_636 : f32 to vector<1x5000xf32>
    %select_n3A_638 = arith.select %eq3A_635, %div3A_284, %broadcast_in_dim3A_637 : vector<1x5000xf32>
    %max3A_639 = arith.maximumf %max3A_630, %select_n3A_638 : vector<1x5000xf32>
    %get3A_640 = arith.constant 0 : index
    %get3A_641 = memref.load %arg4[%get3A_640] : memref<8xi32, #tpu.memory_space<smem>>
    %get3A_642 = arith.constant 4 : index
    %get3A_643 = memref.load %arg4[%get3A_642] : memref<8xi32, #tpu.memory_space<smem>>
    %eq3A_644 = arith.cmpi eq, %get3A_641, %get3A_643 : i32
    %jit3A_645 = arith.constant 0.000000e+00 : f32
    %broadcast_in_dim3A_646 = vector.broadcast %jit3A_645 : f32 to vector<1x5000xf32>
    %select_n3A_647 = arith.select %eq3A_644, %div3A_346, %broadcast_in_dim3A_646 : vector<1x5000xf32>
    %max3A_648 = arith.maximumf %max3A_639, %select_n3A_647 : vector<1x5000xf32>
    %get3A_649 = arith.constant 0 : index
    %get3A_650 = memref.load %arg4[%get3A_649] : memref<8xi32, #tpu.memory_space<smem>>
    %get3A_651 = arith.constant 5 : index
    %get3A_652 = memref.load %arg4[%get3A_651] : memref<8xi32, #tpu.memory_space<smem>>
    %eq3A_653 = arith.cmpi eq, %get3A_650, %get3A_652 : i32
    %jit3A_654 = arith.constant 0.000000e+00 : f32
    %broadcast_in_dim3A_655 = vector.broadcast %jit3A_654 : f32 to vector<1x5000xf32>
    %select_n3A_656 = arith.select %eq3A_653, %div3A_408, %broadcast_in_dim3A_655 : vector<1x5000xf32>
    %max3A_657 = arith.maximumf %max3A_648, %select_n3A_656 : vector<1x5000xf32>
    %get3A_658 = arith.constant 0 : index
    %get3A_659 = memref.load %arg4[%get3A_658] : memref<8xi32, #tpu.memory_space<smem>>
    %get3A_660 = arith.constant 6 : index
    %get3A_661 = memref.load %arg4[%get3A_660] : memref<8xi32, #tpu.memory_space<smem>>
    %eq3A_662 = arith.cmpi eq, %get3A_659, %get3A_661 : i32
    %jit3A_663 = arith.constant 0.000000e+00 : f32
    %broadcast_in_dim3A_664 = vector.broadcast %jit3A_663 : f32 to vector<1x5000xf32>
    %select_n3A_665 = arith.select %eq3A_662, %div3A_470, %broadcast_in_dim3A_664 : vector<1x5000xf32>
    %max3A_666 = arith.maximumf %max3A_657, %select_n3A_665 : vector<1x5000xf32>
    %get3A_667 = arith.constant 0 : index
    %get3A_668 = memref.load %arg4[%get3A_667] : memref<8xi32, #tpu.memory_space<smem>>
    %get3A_669 = arith.constant 7 : index
    %get3A_670 = memref.load %arg4[%get3A_669] : memref<8xi32, #tpu.memory_space<smem>>
    %eq3A_671 = arith.cmpi eq, %get3A_668, %get3A_670 : i32
    %jit3A_672 = arith.constant 0.000000e+00 : f32
    %broadcast_in_dim3A_673 = vector.broadcast %jit3A_672 : f32 to vector<1x5000xf32>
    %select_n3A_674 = arith.select %eq3A_671, %div3A_532, %broadcast_in_dim3A_673 : vector<1x5000xf32>
    %max3A_675 = arith.maximumf %max3A_666, %select_n3A_674 : vector<1x5000xf32>
    %gt3A = arith.constant 6.000000e-01 : f32
    %gt3A_676 = vector.broadcast %gt3A : f32 to vector<1x5000xf32>
    %gt3A_677 = arith.cmpf ogt, %max3A_675, %gt3A_676 : vector<1x5000xf32>
    %convert_element_type3A_678 = arith.extui %gt3A_677 : vector<1x5000xi1> to vector<1x5000xi32>
    %convert_element_type3A_679 = arith.sitofp %convert_element_type3A_678 : vector<1x5000xi32> to vector<1x5000xf32>
    %get3A_680 = arith.constant 1 : index
    %get3A_681 = memref.load %arg4[%get3A_680] : memref<8xi32, #tpu.memory_space<smem>>
    %get3A_682 = arith.constant 0 : index
    %get3A_683 = memref.load %arg4[%get3A_682] : memref<8xi32, #tpu.memory_space<smem>>
    %eq3A_684 = arith.cmpi eq, %get3A_681, %get3A_683 : i32
    %jit3A_685 = arith.constant 0.000000e+00 : f32
    %broadcast_in_dim3A_686 = vector.broadcast %jit3A_685 : f32 to vector<1x5000xf32>
    %select_n3A_687 = arith.select %eq3A_684, %div3A, %broadcast_in_dim3A_686 : vector<1x5000xf32>
    %max3A_688 = arith.maximumf %div3A_160, %select_n3A_687 : vector<1x5000xf32>
    %get3A_689 = arith.constant 1 : index
    %get3A_690 = memref.load %arg4[%get3A_689] : memref<8xi32, #tpu.memory_space<smem>>
    %get3A_691 = arith.constant 2 : index
    %get3A_692 = memref.load %arg4[%get3A_691] : memref<8xi32, #tpu.memory_space<smem>>
    %eq3A_693 = arith.cmpi eq, %get3A_690, %get3A_692 : i32
    %jit3A_694 = arith.constant 0.000000e+00 : f32
    %broadcast_in_dim3A_695 = vector.broadcast %jit3A_694 : f32 to vector<1x5000xf32>
    %select_n3A_696 = arith.select %eq3A_693, %div3A_222, %broadcast_in_dim3A_695 : vector<1x5000xf32>
    %max3A_697 = arith.maximumf %max3A_688, %select_n3A_696 : vector<1x5000xf32>
    %get3A_698 = arith.constant 1 : index
    %get3A_699 = memref.load %arg4[%get3A_698] : memref<8xi32, #tpu.memory_space<smem>>
    %get3A_700 = arith.constant 3 : index
    %get3A_701 = memref.load %arg4[%get3A_700] : memref<8xi32, #tpu.memory_space<smem>>
    %eq3A_702 = arith.cmpi eq, %get3A_699, %get3A_701 : i32
    %jit3A_703 = arith.constant 0.000000e+00 : f32
    %broadcast_in_dim3A_704 = vector.broadcast %jit3A_703 : f32 to vector<1x5000xf32>
    %select_n3A_705 = arith.select %eq3A_702, %div3A_284, %broadcast_in_dim3A_704 : vector<1x5000xf32>
    %max3A_706 = arith.maximumf %max3A_697, %select_n3A_705 : vector<1x5000xf32>
    %get3A_707 = arith.constant 1 : index
    %get3A_708 = memref.load %arg4[%get3A_707] : memref<8xi32, #tpu.memory_space<smem>>
    %get3A_709 = arith.constant 4 : index
    %get3A_710 = memref.load %arg4[%get3A_709] : memref<8xi32, #tpu.memory_space<smem>>
    %eq3A_711 = arith.cmpi eq, %get3A_708, %get3A_710 : i32
    %jit3A_712 = arith.constant 0.000000e+00 : f32
    %broadcast_in_dim3A_713 = vector.broadcast %jit3A_712 : f32 to vector<1x5000xf32>
    %select_n3A_714 = arith.select %eq3A_711, %div3A_346, %broadcast_in_dim3A_713 : vector<1x5000xf32>
    %max3A_715 = arith.maximumf %max3A_706, %select_n3A_714 : vector<1x5000xf32>
    %get3A_716 = arith.constant 1 : index
    %get3A_717 = memref.load %arg4[%get3A_716] : memref<8xi32, #tpu.memory_space<smem>>
    %get3A_718 = arith.constant 5 : index
    %get3A_719 = memref.load %arg4[%get3A_718] : memref<8xi32, #tpu.memory_space<smem>>
    %eq3A_720 = arith.cmpi eq, %get3A_717, %get3A_719 : i32
    %jit3A_721 = arith.constant 0.000000e+00 : f32
    %broadcast_in_dim3A_722 = vector.broadcast %jit3A_721 : f32 to vector<1x5000xf32>
    %select_n3A_723 = arith.select %eq3A_720, %div3A_408, %broadcast_in_dim3A_722 : vector<1x5000xf32>
    %max3A_724 = arith.maximumf %max3A_715, %select_n3A_723 : vector<1x5000xf32>
    %get3A_725 = arith.constant 1 : index
    %get3A_726 = memref.load %arg4[%get3A_725] : memref<8xi32, #tpu.memory_space<smem>>
    %get3A_727 = arith.constant 6 : index
    %get3A_728 = memref.load %arg4[%get3A_727] : memref<8xi32, #tpu.memory_space<smem>>
    %eq3A_729 = arith.cmpi eq, %get3A_726, %get3A_728 : i32
    %jit3A_730 = arith.constant 0.000000e+00 : f32
    %broadcast_in_dim3A_731 = vector.broadcast %jit3A_730 : f32 to vector<1x5000xf32>
    %select_n3A_732 = arith.select %eq3A_729, %div3A_470, %broadcast_in_dim3A_731 : vector<1x5000xf32>
    %max3A_733 = arith.maximumf %max3A_724, %select_n3A_732 : vector<1x5000xf32>
    %get3A_734 = arith.constant 1 : index
    %get3A_735 = memref.load %arg4[%get3A_734] : memref<8xi32, #tpu.memory_space<smem>>
    %get3A_736 = arith.constant 7 : index
    %get3A_737 = memref.load %arg4[%get3A_736] : memref<8xi32, #tpu.memory_space<smem>>
    %eq3A_738 = arith.cmpi eq, %get3A_735, %get3A_737 : i32
    %jit3A_739 = arith.constant 0.000000e+00 : f32
    %broadcast_in_dim3A_740 = vector.broadcast %jit3A_739 : f32 to vector<1x5000xf32>
    %select_n3A_741 = arith.select %eq3A_738, %div3A_532, %broadcast_in_dim3A_740 : vector<1x5000xf32>
    %max3A_742 = arith.maximumf %max3A_733, %select_n3A_741 : vector<1x5000xf32>
    %gt3A_743 = arith.constant 6.000000e-01 : f32
    %gt3A_744 = vector.broadcast %gt3A_743 : f32 to vector<1x5000xf32>
    %gt3A_745 = arith.cmpf ogt, %max3A_742, %gt3A_744 : vector<1x5000xf32>
    %convert_element_type3A_746 = arith.extui %gt3A_745 : vector<1x5000xi1> to vector<1x5000xi32>
    %convert_element_type3A_747 = arith.sitofp %convert_element_type3A_746 : vector<1x5000xi32> to vector<1x5000xf32>
    %get3A_748 = arith.constant 2 : index
    %get3A_749 = memref.load %arg4[%get3A_748] : memref<8xi32, #tpu.memory_space<smem>>
    %get3A_750 = arith.constant 0 : index
    %get3A_751 = memref.load %arg4[%get3A_750] : memref<8xi32, #tpu.memory_space<smem>>
    %eq3A_752 = arith.cmpi eq, %get3A_749, %get3A_751 : i32
    %jit3A_753 = arith.constant 0.000000e+00 : f32
    %broadcast_in_dim3A_754 = vector.broadcast %jit3A_753 : f32 to vector<1x5000xf32>
    %select_n3A_755 = arith.select %eq3A_752, %div3A, %broadcast_in_dim3A_754 : vector<1x5000xf32>
    %max3A_756 = arith.maximumf %div3A_222, %select_n3A_755 : vector<1x5000xf32>
    %get3A_757 = arith.constant 2 : index
    %get3A_758 = memref.load %arg4[%get3A_757] : memref<8xi32, #tpu.memory_space<smem>>
    %get3A_759 = arith.constant 1 : index
    %get3A_760 = memref.load %arg4[%get3A_759] : memref<8xi32, #tpu.memory_space<smem>>
    %eq3A_761 = arith.cmpi eq, %get3A_758, %get3A_760 : i32
    %jit3A_762 = arith.constant 0.000000e+00 : f32
    %broadcast_in_dim3A_763 = vector.broadcast %jit3A_762 : f32 to vector<1x5000xf32>
    %select_n3A_764 = arith.select %eq3A_761, %div3A_160, %broadcast_in_dim3A_763 : vector<1x5000xf32>
    %max3A_765 = arith.maximumf %max3A_756, %select_n3A_764 : vector<1x5000xf32>
    %get3A_766 = arith.constant 2 : index
    %get3A_767 = memref.load %arg4[%get3A_766] : memref<8xi32, #tpu.memory_space<smem>>
    %get3A_768 = arith.constant 3 : index
    %get3A_769 = memref.load %arg4[%get3A_768] : memref<8xi32, #tpu.memory_space<smem>>
    %eq3A_770 = arith.cmpi eq, %get3A_767, %get3A_769 : i32
    %jit3A_771 = arith.constant 0.000000e+00 : f32
    %broadcast_in_dim3A_772 = vector.broadcast %jit3A_771 : f32 to vector<1x5000xf32>
    %select_n3A_773 = arith.select %eq3A_770, %div3A_284, %broadcast_in_dim3A_772 : vector<1x5000xf32>
    %max3A_774 = arith.maximumf %max3A_765, %select_n3A_773 : vector<1x5000xf32>
    %get3A_775 = arith.constant 2 : index
    %get3A_776 = memref.load %arg4[%get3A_775] : memref<8xi32, #tpu.memory_space<smem>>
    %get3A_777 = arith.constant 4 : index
    %get3A_778 = memref.load %arg4[%get3A_777] : memref<8xi32, #tpu.memory_space<smem>>
    %eq3A_779 = arith.cmpi eq, %get3A_776, %get3A_778 : i32
    %jit3A_780 = arith.constant 0.000000e+00 : f32
    %broadcast_in_dim3A_781 = vector.broadcast %jit3A_780 : f32 to vector<1x5000xf32>
    %select_n3A_782 = arith.select %eq3A_779, %div3A_346, %broadcast_in_dim3A_781 : vector<1x5000xf32>
    %max3A_783 = arith.maximumf %max3A_774, %select_n3A_782 : vector<1x5000xf32>
    %get3A_784 = arith.constant 2 : index
    %get3A_785 = memref.load %arg4[%get3A_784] : memref<8xi32, #tpu.memory_space<smem>>
    %get3A_786 = arith.constant 5 : index
    %get3A_787 = memref.load %arg4[%get3A_786] : memref<8xi32, #tpu.memory_space<smem>>
    %eq3A_788 = arith.cmpi eq, %get3A_785, %get3A_787 : i32
    %jit3A_789 = arith.constant 0.000000e+00 : f32
    %broadcast_in_dim3A_790 = vector.broadcast %jit3A_789 : f32 to vector<1x5000xf32>
    %select_n3A_791 = arith.select %eq3A_788, %div3A_408, %broadcast_in_dim3A_790 : vector<1x5000xf32>
    %max3A_792 = arith.maximumf %max3A_783, %select_n3A_791 : vector<1x5000xf32>
    %get3A_793 = arith.constant 2 : index
    %get3A_794 = memref.load %arg4[%get3A_793] : memref<8xi32, #tpu.memory_space<smem>>
    %get3A_795 = arith.constant 6 : index
    %get3A_796 = memref.load %arg4[%get3A_795] : memref<8xi32, #tpu.memory_space<smem>>
    %eq3A_797 = arith.cmpi eq, %get3A_794, %get3A_796 : i32
    %jit3A_798 = arith.constant 0.000000e+00 : f32
    %broadcast_in_dim3A_799 = vector.broadcast %jit3A_798 : f32 to vector<1x5000xf32>
    %select_n3A_800 = arith.select %eq3A_797, %div3A_470, %broadcast_in_dim3A_799 : vector<1x5000xf32>
    %max3A_801 = arith.maximumf %max3A_792, %select_n3A_800 : vector<1x5000xf32>
    %get3A_802 = arith.constant 2 : index
    %get3A_803 = memref.load %arg4[%get3A_802] : memref<8xi32, #tpu.memory_space<smem>>
    %get3A_804 = arith.constant 7 : index
    %get3A_805 = memref.load %arg4[%get3A_804] : memref<8xi32, #tpu.memory_space<smem>>
    %eq3A_806 = arith.cmpi eq, %get3A_803, %get3A_805 : i32
    %jit3A_807 = arith.constant 0.000000e+00 : f32
    %broadcast_in_dim3A_808 = vector.broadcast %jit3A_807 : f32 to vector<1x5000xf32>
    %select_n3A_809 = arith.select %eq3A_806, %div3A_532, %broadcast_in_dim3A_808 : vector<1x5000xf32>
    %max3A_810 = arith.maximumf %max3A_801, %select_n3A_809 : vector<1x5000xf32>
    %gt3A_811 = arith.constant 6.000000e-01 : f32
    %gt3A_812 = vector.broadcast %gt3A_811 : f32 to vector<1x5000xf32>
    %gt3A_813 = arith.cmpf ogt, %max3A_810, %gt3A_812 : vector<1x5000xf32>
    %convert_element_type3A_814 = arith.extui %gt3A_813 : vector<1x5000xi1> to vector<1x5000xi32>
    %convert_element_type3A_815 = arith.sitofp %convert_element_type3A_814 : vector<1x5000xi32> to vector<1x5000xf32>
    %get3A_816 = arith.constant 3 : index
    %get3A_817 = memref.load %arg4[%get3A_816] : memref<8xi32, #tpu.memory_space<smem>>
    %get3A_818 = arith.constant 0 : index
    %get3A_819 = memref.load %arg4[%get3A_818] : memref<8xi32, #tpu.memory_space<smem>>
    %eq3A_820 = arith.cmpi eq, %get3A_817, %get3A_819 : i32
    %jit3A_821 = arith.constant 0.000000e+00 : f32
    %broadcast_in_dim3A_822 = vector.broadcast %jit3A_821 : f32 to vector<1x5000xf32>
    %select_n3A_823 = arith.select %eq3A_820, %div3A, %broadcast_in_dim3A_822 : vector<1x5000xf32>
    %max3A_824 = arith.maximumf %div3A_284, %select_n3A_823 : vector<1x5000xf32>
    %get3A_825 = arith.constant 3 : index
    %get3A_826 = memref.load %arg4[%get3A_825] : memref<8xi32, #tpu.memory_space<smem>>
    %get3A_827 = arith.constant 1 : index
    %get3A_828 = memref.load %arg4[%get3A_827] : memref<8xi32, #tpu.memory_space<smem>>
    %eq3A_829 = arith.cmpi eq, %get3A_826, %get3A_828 : i32
    %jit3A_830 = arith.constant 0.000000e+00 : f32
    %broadcast_in_dim3A_831 = vector.broadcast %jit3A_830 : f32 to vector<1x5000xf32>
    %select_n3A_832 = arith.select %eq3A_829, %div3A_160, %broadcast_in_dim3A_831 : vector<1x5000xf32>
    %max3A_833 = arith.maximumf %max3A_824, %select_n3A_832 : vector<1x5000xf32>
    %get3A_834 = arith.constant 3 : index
    %get3A_835 = memref.load %arg4[%get3A_834] : memref<8xi32, #tpu.memory_space<smem>>
    %get3A_836 = arith.constant 2 : index
    %get3A_837 = memref.load %arg4[%get3A_836] : memref<8xi32, #tpu.memory_space<smem>>
    %eq3A_838 = arith.cmpi eq, %get3A_835, %get3A_837 : i32
    %jit3A_839 = arith.constant 0.000000e+00 : f32
    %broadcast_in_dim3A_840 = vector.broadcast %jit3A_839 : f32 to vector<1x5000xf32>
    %select_n3A_841 = arith.select %eq3A_838, %div3A_222, %broadcast_in_dim3A_840 : vector<1x5000xf32>
    %max3A_842 = arith.maximumf %max3A_833, %select_n3A_841 : vector<1x5000xf32>
    %get3A_843 = arith.constant 3 : index
    %get3A_844 = memref.load %arg4[%get3A_843] : memref<8xi32, #tpu.memory_space<smem>>
    %get3A_845 = arith.constant 4 : index
    %get3A_846 = memref.load %arg4[%get3A_845] : memref<8xi32, #tpu.memory_space<smem>>
    %eq3A_847 = arith.cmpi eq, %get3A_844, %get3A_846 : i32
    %jit3A_848 = arith.constant 0.000000e+00 : f32
    %broadcast_in_dim3A_849 = vector.broadcast %jit3A_848 : f32 to vector<1x5000xf32>
    %select_n3A_850 = arith.select %eq3A_847, %div3A_346, %broadcast_in_dim3A_849 : vector<1x5000xf32>
    %max3A_851 = arith.maximumf %max3A_842, %select_n3A_850 : vector<1x5000xf32>
    %get3A_852 = arith.constant 3 : index
    %get3A_853 = memref.load %arg4[%get3A_852] : memref<8xi32, #tpu.memory_space<smem>>
    %get3A_854 = arith.constant 5 : index
    %get3A_855 = memref.load %arg4[%get3A_854] : memref<8xi32, #tpu.memory_space<smem>>
    %eq3A_856 = arith.cmpi eq, %get3A_853, %get3A_855 : i32
    %jit3A_857 = arith.constant 0.000000e+00 : f32
    %broadcast_in_dim3A_858 = vector.broadcast %jit3A_857 : f32 to vector<1x5000xf32>
    %select_n3A_859 = arith.select %eq3A_856, %div3A_408, %broadcast_in_dim3A_858 : vector<1x5000xf32>
    %max3A_860 = arith.maximumf %max3A_851, %select_n3A_859 : vector<1x5000xf32>
    %get3A_861 = arith.constant 3 : index
    %get3A_862 = memref.load %arg4[%get3A_861] : memref<8xi32, #tpu.memory_space<smem>>
    %get3A_863 = arith.constant 6 : index
    %get3A_864 = memref.load %arg4[%get3A_863] : memref<8xi32, #tpu.memory_space<smem>>
    %eq3A_865 = arith.cmpi eq, %get3A_862, %get3A_864 : i32
    %jit3A_866 = arith.constant 0.000000e+00 : f32
    %broadcast_in_dim3A_867 = vector.broadcast %jit3A_866 : f32 to vector<1x5000xf32>
    %select_n3A_868 = arith.select %eq3A_865, %div3A_470, %broadcast_in_dim3A_867 : vector<1x5000xf32>
    %max3A_869 = arith.maximumf %max3A_860, %select_n3A_868 : vector<1x5000xf32>
    %get3A_870 = arith.constant 3 : index
    %get3A_871 = memref.load %arg4[%get3A_870] : memref<8xi32, #tpu.memory_space<smem>>
    %get3A_872 = arith.constant 7 : index
    %get3A_873 = memref.load %arg4[%get3A_872] : memref<8xi32, #tpu.memory_space<smem>>
    %eq3A_874 = arith.cmpi eq, %get3A_871, %get3A_873 : i32
    %jit3A_875 = arith.constant 0.000000e+00 : f32
    %broadcast_in_dim3A_876 = vector.broadcast %jit3A_875 : f32 to vector<1x5000xf32>
    %select_n3A_877 = arith.select %eq3A_874, %div3A_532, %broadcast_in_dim3A_876 : vector<1x5000xf32>
    %max3A_878 = arith.maximumf %max3A_869, %select_n3A_877 : vector<1x5000xf32>
    %gt3A_879 = arith.constant 6.000000e-01 : f32
    %gt3A_880 = vector.broadcast %gt3A_879 : f32 to vector<1x5000xf32>
    %gt3A_881 = arith.cmpf ogt, %max3A_878, %gt3A_880 : vector<1x5000xf32>
    %convert_element_type3A_882 = arith.extui %gt3A_881 : vector<1x5000xi1> to vector<1x5000xi32>
    %convert_element_type3A_883 = arith.sitofp %convert_element_type3A_882 : vector<1x5000xi32> to vector<1x5000xf32>
    %get3A_884 = arith.constant 4 : index
    %get3A_885 = memref.load %arg4[%get3A_884] : memref<8xi32, #tpu.memory_space<smem>>
    %get3A_886 = arith.constant 0 : index
    %get3A_887 = memref.load %arg4[%get3A_886] : memref<8xi32, #tpu.memory_space<smem>>
    %eq3A_888 = arith.cmpi eq, %get3A_885, %get3A_887 : i32
    %jit3A_889 = arith.constant 0.000000e+00 : f32
    %broadcast_in_dim3A_890 = vector.broadcast %jit3A_889 : f32 to vector<1x5000xf32>
    %select_n3A_891 = arith.select %eq3A_888, %div3A, %broadcast_in_dim3A_890 : vector<1x5000xf32>
    %max3A_892 = arith.maximumf %div3A_346, %select_n3A_891 : vector<1x5000xf32>
    %get3A_893 = arith.constant 4 : index
    %get3A_894 = memref.load %arg4[%get3A_893] : memref<8xi32, #tpu.memory_space<smem>>
    %get3A_895 = arith.constant 1 : index
    %get3A_896 = memref.load %arg4[%get3A_895] : memref<8xi32, #tpu.memory_space<smem>>
    %eq3A_897 = arith.cmpi eq, %get3A_894, %get3A_896 : i32
    %jit3A_898 = arith.constant 0.000000e+00 : f32
    %broadcast_in_dim3A_899 = vector.broadcast %jit3A_898 : f32 to vector<1x5000xf32>
    %select_n3A_900 = arith.select %eq3A_897, %div3A_160, %broadcast_in_dim3A_899 : vector<1x5000xf32>
    %max3A_901 = arith.maximumf %max3A_892, %select_n3A_900 : vector<1x5000xf32>
    %get3A_902 = arith.constant 4 : index
    %get3A_903 = memref.load %arg4[%get3A_902] : memref<8xi32, #tpu.memory_space<smem>>
    %get3A_904 = arith.constant 2 : index
    %get3A_905 = memref.load %arg4[%get3A_904] : memref<8xi32, #tpu.memory_space<smem>>
    %eq3A_906 = arith.cmpi eq, %get3A_903, %get3A_905 : i32
    %jit3A_907 = arith.constant 0.000000e+00 : f32
    %broadcast_in_dim3A_908 = vector.broadcast %jit3A_907 : f32 to vector<1x5000xf32>
    %select_n3A_909 = arith.select %eq3A_906, %div3A_222, %broadcast_in_dim3A_908 : vector<1x5000xf32>
    %max3A_910 = arith.maximumf %max3A_901, %select_n3A_909 : vector<1x5000xf32>
    %get3A_911 = arith.constant 4 : index
    %get3A_912 = memref.load %arg4[%get3A_911] : memref<8xi32, #tpu.memory_space<smem>>
    %get3A_913 = arith.constant 3 : index
    %get3A_914 = memref.load %arg4[%get3A_913] : memref<8xi32, #tpu.memory_space<smem>>
    %eq3A_915 = arith.cmpi eq, %get3A_912, %get3A_914 : i32
    %jit3A_916 = arith.constant 0.000000e+00 : f32
    %broadcast_in_dim3A_917 = vector.broadcast %jit3A_916 : f32 to vector<1x5000xf32>
    %select_n3A_918 = arith.select %eq3A_915, %div3A_284, %broadcast_in_dim3A_917 : vector<1x5000xf32>
    %max3A_919 = arith.maximumf %max3A_910, %select_n3A_918 : vector<1x5000xf32>
    %get3A_920 = arith.constant 4 : index
    %get3A_921 = memref.load %arg4[%get3A_920] : memref<8xi32, #tpu.memory_space<smem>>
    %get3A_922 = arith.constant 5 : index
    %get3A_923 = memref.load %arg4[%get3A_922] : memref<8xi32, #tpu.memory_space<smem>>
    %eq3A_924 = arith.cmpi eq, %get3A_921, %get3A_923 : i32
    %jit3A_925 = arith.constant 0.000000e+00 : f32
    %broadcast_in_dim3A_926 = vector.broadcast %jit3A_925 : f32 to vector<1x5000xf32>
    %select_n3A_927 = arith.select %eq3A_924, %div3A_408, %broadcast_in_dim3A_926 : vector<1x5000xf32>
    %max3A_928 = arith.maximumf %max3A_919, %select_n3A_927 : vector<1x5000xf32>
    %get3A_929 = arith.constant 4 : index
    %get3A_930 = memref.load %arg4[%get3A_929] : memref<8xi32, #tpu.memory_space<smem>>
    %get3A_931 = arith.constant 6 : index
    %get3A_932 = memref.load %arg4[%get3A_931] : memref<8xi32, #tpu.memory_space<smem>>
    %eq3A_933 = arith.cmpi eq, %get3A_930, %get3A_932 : i32
    %jit3A_934 = arith.constant 0.000000e+00 : f32
    %broadcast_in_dim3A_935 = vector.broadcast %jit3A_934 : f32 to vector<1x5000xf32>
    %select_n3A_936 = arith.select %eq3A_933, %div3A_470, %broadcast_in_dim3A_935 : vector<1x5000xf32>
    %max3A_937 = arith.maximumf %max3A_928, %select_n3A_936 : vector<1x5000xf32>
    %get3A_938 = arith.constant 4 : index
    %get3A_939 = memref.load %arg4[%get3A_938] : memref<8xi32, #tpu.memory_space<smem>>
    %get3A_940 = arith.constant 7 : index
    %get3A_941 = memref.load %arg4[%get3A_940] : memref<8xi32, #tpu.memory_space<smem>>
    %eq3A_942 = arith.cmpi eq, %get3A_939, %get3A_941 : i32
    %jit3A_943 = arith.constant 0.000000e+00 : f32
    %broadcast_in_dim3A_944 = vector.broadcast %jit3A_943 : f32 to vector<1x5000xf32>
    %select_n3A_945 = arith.select %eq3A_942, %div3A_532, %broadcast_in_dim3A_944 : vector<1x5000xf32>
    %max3A_946 = arith.maximumf %max3A_937, %select_n3A_945 : vector<1x5000xf32>
    %gt3A_947 = arith.constant 6.000000e-01 : f32
    %gt3A_948 = vector.broadcast %gt3A_947 : f32 to vector<1x5000xf32>
    %gt3A_949 = arith.cmpf ogt, %max3A_946, %gt3A_948 : vector<1x5000xf32>
    %convert_element_type3A_950 = arith.extui %gt3A_949 : vector<1x5000xi1> to vector<1x5000xi32>
    %convert_element_type3A_951 = arith.sitofp %convert_element_type3A_950 : vector<1x5000xi32> to vector<1x5000xf32>
    %get3A_952 = arith.constant 5 : index
    %get3A_953 = memref.load %arg4[%get3A_952] : memref<8xi32, #tpu.memory_space<smem>>
    %get3A_954 = arith.constant 0 : index
    %get3A_955 = memref.load %arg4[%get3A_954] : memref<8xi32, #tpu.memory_space<smem>>
    %eq3A_956 = arith.cmpi eq, %get3A_953, %get3A_955 : i32
    %jit3A_957 = arith.constant 0.000000e+00 : f32
    %broadcast_in_dim3A_958 = vector.broadcast %jit3A_957 : f32 to vector<1x5000xf32>
    %select_n3A_959 = arith.select %eq3A_956, %div3A, %broadcast_in_dim3A_958 : vector<1x5000xf32>
    %max3A_960 = arith.maximumf %div3A_408, %select_n3A_959 : vector<1x5000xf32>
    %get3A_961 = arith.constant 5 : index
    %get3A_962 = memref.load %arg4[%get3A_961] : memref<8xi32, #tpu.memory_space<smem>>
    %get3A_963 = arith.constant 1 : index
    %get3A_964 = memref.load %arg4[%get3A_963] : memref<8xi32, #tpu.memory_space<smem>>
    %eq3A_965 = arith.cmpi eq, %get3A_962, %get3A_964 : i32
    %jit3A_966 = arith.constant 0.000000e+00 : f32
    %broadcast_in_dim3A_967 = vector.broadcast %jit3A_966 : f32 to vector<1x5000xf32>
    %select_n3A_968 = arith.select %eq3A_965, %div3A_160, %broadcast_in_dim3A_967 : vector<1x5000xf32>
    %max3A_969 = arith.maximumf %max3A_960, %select_n3A_968 : vector<1x5000xf32>
    %get3A_970 = arith.constant 5 : index
    %get3A_971 = memref.load %arg4[%get3A_970] : memref<8xi32, #tpu.memory_space<smem>>
    %get3A_972 = arith.constant 2 : index
    %get3A_973 = memref.load %arg4[%get3A_972] : memref<8xi32, #tpu.memory_space<smem>>
    %eq3A_974 = arith.cmpi eq, %get3A_971, %get3A_973 : i32
    %jit3A_975 = arith.constant 0.000000e+00 : f32
    %broadcast_in_dim3A_976 = vector.broadcast %jit3A_975 : f32 to vector<1x5000xf32>
    %select_n3A_977 = arith.select %eq3A_974, %div3A_222, %broadcast_in_dim3A_976 : vector<1x5000xf32>
    %max3A_978 = arith.maximumf %max3A_969, %select_n3A_977 : vector<1x5000xf32>
    %get3A_979 = arith.constant 5 : index
    %get3A_980 = memref.load %arg4[%get3A_979] : memref<8xi32, #tpu.memory_space<smem>>
    %get3A_981 = arith.constant 3 : index
    %get3A_982 = memref.load %arg4[%get3A_981] : memref<8xi32, #tpu.memory_space<smem>>
    %eq3A_983 = arith.cmpi eq, %get3A_980, %get3A_982 : i32
    %jit3A_984 = arith.constant 0.000000e+00 : f32
    %broadcast_in_dim3A_985 = vector.broadcast %jit3A_984 : f32 to vector<1x5000xf32>
    %select_n3A_986 = arith.select %eq3A_983, %div3A_284, %broadcast_in_dim3A_985 : vector<1x5000xf32>
    %max3A_987 = arith.maximumf %max3A_978, %select_n3A_986 : vector<1x5000xf32>
    %get3A_988 = arith.constant 5 : index
    %get3A_989 = memref.load %arg4[%get3A_988] : memref<8xi32, #tpu.memory_space<smem>>
    %get3A_990 = arith.constant 4 : index
    %get3A_991 = memref.load %arg4[%get3A_990] : memref<8xi32, #tpu.memory_space<smem>>
    %eq3A_992 = arith.cmpi eq, %get3A_989, %get3A_991 : i32
    %jit3A_993 = arith.constant 0.000000e+00 : f32
    %broadcast_in_dim3A_994 = vector.broadcast %jit3A_993 : f32 to vector<1x5000xf32>
    %select_n3A_995 = arith.select %eq3A_992, %div3A_346, %broadcast_in_dim3A_994 : vector<1x5000xf32>
    %max3A_996 = arith.maximumf %max3A_987, %select_n3A_995 : vector<1x5000xf32>
    %get3A_997 = arith.constant 5 : index
    %get3A_998 = memref.load %arg4[%get3A_997] : memref<8xi32, #tpu.memory_space<smem>>
    %get3A_999 = arith.constant 6 : index
    %get3A_1000 = memref.load %arg4[%get3A_999] : memref<8xi32, #tpu.memory_space<smem>>
    %eq3A_1001 = arith.cmpi eq, %get3A_998, %get3A_1000 : i32
    %jit3A_1002 = arith.constant 0.000000e+00 : f32
    %broadcast_in_dim3A_1003 = vector.broadcast %jit3A_1002 : f32 to vector<1x5000xf32>
    %select_n3A_1004 = arith.select %eq3A_1001, %div3A_470, %broadcast_in_dim3A_1003 : vector<1x5000xf32>
    %max3A_1005 = arith.maximumf %max3A_996, %select_n3A_1004 : vector<1x5000xf32>
    %get3A_1006 = arith.constant 5 : index
    %get3A_1007 = memref.load %arg4[%get3A_1006] : memref<8xi32, #tpu.memory_space<smem>>
    %get3A_1008 = arith.constant 7 : index
    %get3A_1009 = memref.load %arg4[%get3A_1008] : memref<8xi32, #tpu.memory_space<smem>>
    %eq3A_1010 = arith.cmpi eq, %get3A_1007, %get3A_1009 : i32
    %jit3A_1011 = arith.constant 0.000000e+00 : f32
    %broadcast_in_dim3A_1012 = vector.broadcast %jit3A_1011 : f32 to vector<1x5000xf32>
    %select_n3A_1013 = arith.select %eq3A_1010, %div3A_532, %broadcast_in_dim3A_1012 : vector<1x5000xf32>
    %max3A_1014 = arith.maximumf %max3A_1005, %select_n3A_1013 : vector<1x5000xf32>
    %gt3A_1015 = arith.constant 6.000000e-01 : f32
    %gt3A_1016 = vector.broadcast %gt3A_1015 : f32 to vector<1x5000xf32>
    %gt3A_1017 = arith.cmpf ogt, %max3A_1014, %gt3A_1016 : vector<1x5000xf32>
    %convert_element_type3A_1018 = arith.extui %gt3A_1017 : vector<1x5000xi1> to vector<1x5000xi32>
    %convert_element_type3A_1019 = arith.sitofp %convert_element_type3A_1018 : vector<1x5000xi32> to vector<1x5000xf32>
    %get3A_1020 = arith.constant 6 : index
    %get3A_1021 = memref.load %arg4[%get3A_1020] : memref<8xi32, #tpu.memory_space<smem>>
    %get3A_1022 = arith.constant 0 : index
    %get3A_1023 = memref.load %arg4[%get3A_1022] : memref<8xi32, #tpu.memory_space<smem>>
    %eq3A_1024 = arith.cmpi eq, %get3A_1021, %get3A_1023 : i32
    %jit3A_1025 = arith.constant 0.000000e+00 : f32
    %broadcast_in_dim3A_1026 = vector.broadcast %jit3A_1025 : f32 to vector<1x5000xf32>
    %select_n3A_1027 = arith.select %eq3A_1024, %div3A, %broadcast_in_dim3A_1026 : vector<1x5000xf32>
    %max3A_1028 = arith.maximumf %div3A_470, %select_n3A_1027 : vector<1x5000xf32>
    %get3A_1029 = arith.constant 6 : index
    %get3A_1030 = memref.load %arg4[%get3A_1029] : memref<8xi32, #tpu.memory_space<smem>>
    %get3A_1031 = arith.constant 1 : index
    %get3A_1032 = memref.load %arg4[%get3A_1031] : memref<8xi32, #tpu.memory_space<smem>>
    %eq3A_1033 = arith.cmpi eq, %get3A_1030, %get3A_1032 : i32
    %jit3A_1034 = arith.constant 0.000000e+00 : f32
    %broadcast_in_dim3A_1035 = vector.broadcast %jit3A_1034 : f32 to vector<1x5000xf32>
    %select_n3A_1036 = arith.select %eq3A_1033, %div3A_160, %broadcast_in_dim3A_1035 : vector<1x5000xf32>
    %max3A_1037 = arith.maximumf %max3A_1028, %select_n3A_1036 : vector<1x5000xf32>
    %get3A_1038 = arith.constant 6 : index
    %get3A_1039 = memref.load %arg4[%get3A_1038] : memref<8xi32, #tpu.memory_space<smem>>
    %get3A_1040 = arith.constant 2 : index
    %get3A_1041 = memref.load %arg4[%get3A_1040] : memref<8xi32, #tpu.memory_space<smem>>
    %eq3A_1042 = arith.cmpi eq, %get3A_1039, %get3A_1041 : i32
    %jit3A_1043 = arith.constant 0.000000e+00 : f32
    %broadcast_in_dim3A_1044 = vector.broadcast %jit3A_1043 : f32 to vector<1x5000xf32>
    %select_n3A_1045 = arith.select %eq3A_1042, %div3A_222, %broadcast_in_dim3A_1044 : vector<1x5000xf32>
    %max3A_1046 = arith.maximumf %max3A_1037, %select_n3A_1045 : vector<1x5000xf32>
    %get3A_1047 = arith.constant 6 : index
    %get3A_1048 = memref.load %arg4[%get3A_1047] : memref<8xi32, #tpu.memory_space<smem>>
    %get3A_1049 = arith.constant 3 : index
    %get3A_1050 = memref.load %arg4[%get3A_1049] : memref<8xi32, #tpu.memory_space<smem>>
    %eq3A_1051 = arith.cmpi eq, %get3A_1048, %get3A_1050 : i32
    %jit3A_1052 = arith.constant 0.000000e+00 : f32
    %broadcast_in_dim3A_1053 = vector.broadcast %jit3A_1052 : f32 to vector<1x5000xf32>
    %select_n3A_1054 = arith.select %eq3A_1051, %div3A_284, %broadcast_in_dim3A_1053 : vector<1x5000xf32>
    %max3A_1055 = arith.maximumf %max3A_1046, %select_n3A_1054 : vector<1x5000xf32>
    %get3A_1056 = arith.constant 6 : index
    %get3A_1057 = memref.load %arg4[%get3A_1056] : memref<8xi32, #tpu.memory_space<smem>>
    %get3A_1058 = arith.constant 4 : index
    %get3A_1059 = memref.load %arg4[%get3A_1058] : memref<8xi32, #tpu.memory_space<smem>>
    %eq3A_1060 = arith.cmpi eq, %get3A_1057, %get3A_1059 : i32
    %jit3A_1061 = arith.constant 0.000000e+00 : f32
    %broadcast_in_dim3A_1062 = vector.broadcast %jit3A_1061 : f32 to vector<1x5000xf32>
    %select_n3A_1063 = arith.select %eq3A_1060, %div3A_346, %broadcast_in_dim3A_1062 : vector<1x5000xf32>
    %max3A_1064 = arith.maximumf %max3A_1055, %select_n3A_1063 : vector<1x5000xf32>
    %get3A_1065 = arith.constant 6 : index
    %get3A_1066 = memref.load %arg4[%get3A_1065] : memref<8xi32, #tpu.memory_space<smem>>
    %get3A_1067 = arith.constant 5 : index
    %get3A_1068 = memref.load %arg4[%get3A_1067] : memref<8xi32, #tpu.memory_space<smem>>
    %eq3A_1069 = arith.cmpi eq, %get3A_1066, %get3A_1068 : i32
    %jit3A_1070 = arith.constant 0.000000e+00 : f32
    %broadcast_in_dim3A_1071 = vector.broadcast %jit3A_1070 : f32 to vector<1x5000xf32>
    %select_n3A_1072 = arith.select %eq3A_1069, %div3A_408, %broadcast_in_dim3A_1071 : vector<1x5000xf32>
    %max3A_1073 = arith.maximumf %max3A_1064, %select_n3A_1072 : vector<1x5000xf32>
    %get3A_1074 = arith.constant 6 : index
    %get3A_1075 = memref.load %arg4[%get3A_1074] : memref<8xi32, #tpu.memory_space<smem>>
    %get3A_1076 = arith.constant 7 : index
    %get3A_1077 = memref.load %arg4[%get3A_1076] : memref<8xi32, #tpu.memory_space<smem>>
    %eq3A_1078 = arith.cmpi eq, %get3A_1075, %get3A_1077 : i32
    %jit3A_1079 = arith.constant 0.000000e+00 : f32
    %broadcast_in_dim3A_1080 = vector.broadcast %jit3A_1079 : f32 to vector<1x5000xf32>
    %select_n3A_1081 = arith.select %eq3A_1078, %div3A_532, %broadcast_in_dim3A_1080 : vector<1x5000xf32>
    %max3A_1082 = arith.maximumf %max3A_1073, %select_n3A_1081 : vector<1x5000xf32>
    %gt3A_1083 = arith.constant 6.000000e-01 : f32
    %gt3A_1084 = vector.broadcast %gt3A_1083 : f32 to vector<1x5000xf32>
    %gt3A_1085 = arith.cmpf ogt, %max3A_1082, %gt3A_1084 : vector<1x5000xf32>
    %convert_element_type3A_1086 = arith.extui %gt3A_1085 : vector<1x5000xi1> to vector<1x5000xi32>
    %convert_element_type3A_1087 = arith.sitofp %convert_element_type3A_1086 : vector<1x5000xi32> to vector<1x5000xf32>
    %get3A_1088 = arith.constant 7 : index
    %get3A_1089 = memref.load %arg4[%get3A_1088] : memref<8xi32, #tpu.memory_space<smem>>
    %get3A_1090 = arith.constant 0 : index
    %get3A_1091 = memref.load %arg4[%get3A_1090] : memref<8xi32, #tpu.memory_space<smem>>
    %eq3A_1092 = arith.cmpi eq, %get3A_1089, %get3A_1091 : i32
    %jit3A_1093 = arith.constant 0.000000e+00 : f32
    %broadcast_in_dim3A_1094 = vector.broadcast %jit3A_1093 : f32 to vector<1x5000xf32>
    %select_n3A_1095 = arith.select %eq3A_1092, %div3A, %broadcast_in_dim3A_1094 : vector<1x5000xf32>
    %max3A_1096 = arith.maximumf %div3A_532, %select_n3A_1095 : vector<1x5000xf32>
    %get3A_1097 = arith.constant 7 : index
    %get3A_1098 = memref.load %arg4[%get3A_1097] : memref<8xi32, #tpu.memory_space<smem>>
    %get3A_1099 = arith.constant 1 : index
    %get3A_1100 = memref.load %arg4[%get3A_1099] : memref<8xi32, #tpu.memory_space<smem>>
    %eq3A_1101 = arith.cmpi eq, %get3A_1098, %get3A_1100 : i32
    %jit3A_1102 = arith.constant 0.000000e+00 : f32
    %broadcast_in_dim3A_1103 = vector.broadcast %jit3A_1102 : f32 to vector<1x5000xf32>
    %select_n3A_1104 = arith.select %eq3A_1101, %div3A_160, %broadcast_in_dim3A_1103 : vector<1x5000xf32>
    %max3A_1105 = arith.maximumf %max3A_1096, %select_n3A_1104 : vector<1x5000xf32>
    %get3A_1106 = arith.constant 7 : index
    %get3A_1107 = memref.load %arg4[%get3A_1106] : memref<8xi32, #tpu.memory_space<smem>>
    %get3A_1108 = arith.constant 2 : index
    %get3A_1109 = memref.load %arg4[%get3A_1108] : memref<8xi32, #tpu.memory_space<smem>>
    %eq3A_1110 = arith.cmpi eq, %get3A_1107, %get3A_1109 : i32
    %jit3A_1111 = arith.constant 0.000000e+00 : f32
    %broadcast_in_dim3A_1112 = vector.broadcast %jit3A_1111 : f32 to vector<1x5000xf32>
    %select_n3A_1113 = arith.select %eq3A_1110, %div3A_222, %broadcast_in_dim3A_1112 : vector<1x5000xf32>
    %max3A_1114 = arith.maximumf %max3A_1105, %select_n3A_1113 : vector<1x5000xf32>
    %get3A_1115 = arith.constant 7 : index
    %get3A_1116 = memref.load %arg4[%get3A_1115] : memref<8xi32, #tpu.memory_space<smem>>
    %get3A_1117 = arith.constant 3 : index
    %get3A_1118 = memref.load %arg4[%get3A_1117] : memref<8xi32, #tpu.memory_space<smem>>
    %eq3A_1119 = arith.cmpi eq, %get3A_1116, %get3A_1118 : i32
    %jit3A_1120 = arith.constant 0.000000e+00 : f32
    %broadcast_in_dim3A_1121 = vector.broadcast %jit3A_1120 : f32 to vector<1x5000xf32>
    %select_n3A_1122 = arith.select %eq3A_1119, %div3A_284, %broadcast_in_dim3A_1121 : vector<1x5000xf32>
    %max3A_1123 = arith.maximumf %max3A_1114, %select_n3A_1122 : vector<1x5000xf32>
    %get3A_1124 = arith.constant 7 : index
    %get3A_1125 = memref.load %arg4[%get3A_1124] : memref<8xi32, #tpu.memory_space<smem>>
    %get3A_1126 = arith.constant 4 : index
    %get3A_1127 = memref.load %arg4[%get3A_1126] : memref<8xi32, #tpu.memory_space<smem>>
    %eq3A_1128 = arith.cmpi eq, %get3A_1125, %get3A_1127 : i32
    %jit3A_1129 = arith.constant 0.000000e+00 : f32
    %broadcast_in_dim3A_1130 = vector.broadcast %jit3A_1129 : f32 to vector<1x5000xf32>
    %select_n3A_1131 = arith.select %eq3A_1128, %div3A_346, %broadcast_in_dim3A_1130 : vector<1x5000xf32>
    %max3A_1132 = arith.maximumf %max3A_1123, %select_n3A_1131 : vector<1x5000xf32>
    %get3A_1133 = arith.constant 7 : index
    %get3A_1134 = memref.load %arg4[%get3A_1133] : memref<8xi32, #tpu.memory_space<smem>>
    %get3A_1135 = arith.constant 5 : index
    %get3A_1136 = memref.load %arg4[%get3A_1135] : memref<8xi32, #tpu.memory_space<smem>>
    %eq3A_1137 = arith.cmpi eq, %get3A_1134, %get3A_1136 : i32
    %jit3A_1138 = arith.constant 0.000000e+00 : f32
    %broadcast_in_dim3A_1139 = vector.broadcast %jit3A_1138 : f32 to vector<1x5000xf32>
    %select_n3A_1140 = arith.select %eq3A_1137, %div3A_408, %broadcast_in_dim3A_1139 : vector<1x5000xf32>
    %max3A_1141 = arith.maximumf %max3A_1132, %select_n3A_1140 : vector<1x5000xf32>
    %get3A_1142 = arith.constant 7 : index
    %get3A_1143 = memref.load %arg4[%get3A_1142] : memref<8xi32, #tpu.memory_space<smem>>
    %get3A_1144 = arith.constant 6 : index
    %get3A_1145 = memref.load %arg4[%get3A_1144] : memref<8xi32, #tpu.memory_space<smem>>
    %eq3A_1146 = arith.cmpi eq, %get3A_1143, %get3A_1145 : i32
    %jit3A_1147 = arith.constant 0.000000e+00 : f32
    %broadcast_in_dim3A_1148 = vector.broadcast %jit3A_1147 : f32 to vector<1x5000xf32>
    %select_n3A_1149 = arith.select %eq3A_1146, %div3A_470, %broadcast_in_dim3A_1148 : vector<1x5000xf32>
    %max3A_1150 = arith.maximumf %max3A_1141, %select_n3A_1149 : vector<1x5000xf32>
    %gt3A_1151 = arith.constant 6.000000e-01 : f32
    %gt3A_1152 = vector.broadcast %gt3A_1151 : f32 to vector<1x5000xf32>
    %gt3A_1153 = arith.cmpf ogt, %max3A_1150, %gt3A_1152 : vector<1x5000xf32>
    %convert_element_type3A_1154 = arith.extui %gt3A_1153 : vector<1x5000xi1> to vector<1x5000xi32>
    %convert_element_type3A_1155 = arith.sitofp %convert_element_type3A_1154 : vector<1x5000xi32> to vector<1x5000xf32>
    %sub3A_1156 = arith.subf %min3A_22, %min3A_4 : vector<1x5000xf32>
    %sub3A_1157 = arith.subf %min3A_31, %min3A_13 : vector<1x5000xf32>
    %mul3A_1158 = arith.constant 5.000000e-01 : f32
    %mul3A_1159 = vector.broadcast %mul3A_1158 : f32 to vector<1x5000xf32>
    %mul3A_1160 = arith.mulf %mul3A_1159, %sub3A_1156 : vector<1x5000xf32>
    %add3A_1161 = arith.addf %min3A_4, %mul3A_1160 : vector<1x5000xf32>
    %mul3A_1162 = arith.constant 5.000000e-01 : f32
    %mul3A_1163 = vector.broadcast %mul3A_1162 : f32 to vector<1x5000xf32>
    %mul3A_1164 = arith.mulf %mul3A_1163, %sub3A_1157 : vector<1x5000xf32>
    %add3A_1165 = arith.addf %min3A_13, %mul3A_1164 : vector<1x5000xf32>
    %get3A_1166 = arith.constant 0 : index
    %get3A_1167 = arith.constant 0 : index
    %get3A_1168 = memref.load %arg3[%get3A_1166, %get3A_1167] : memref<8x4xf32, #tpu.memory_space<smem>>
    %jit3A_1169 = arith.constant 1.000000e+00 : f32
    %jit3A_1170 = arith.constant 7.990000e+02 : f32
    %max3A_1171 = arith.maximumf %jit3A_1169, %get3A_1168 : f32
    %min3A_1172 = arith.minimumf %jit3A_1170, %max3A_1171 : f32
    %get3A_1173 = arith.constant 0 : index
    %get3A_1174 = arith.constant 1 : index
    %get3A_1175 = memref.load %arg3[%get3A_1173, %get3A_1174] : memref<8x4xf32, #tpu.memory_space<smem>>
    %jit3A_1176 = arith.constant 1.000000e+00 : f32
    %jit3A_1177 = arith.constant 7.990000e+02 : f32
    %max3A_1178 = arith.maximumf %jit3A_1176, %get3A_1175 : f32
    %min3A_1179 = arith.minimumf %jit3A_1177, %max3A_1178 : f32
    %get3A_1180 = arith.constant 0 : index
    %get3A_1181 = arith.constant 2 : index
    %get3A_1182 = memref.load %arg3[%get3A_1180, %get3A_1181] : memref<8x4xf32, #tpu.memory_space<smem>>
    %jit3A_1183 = arith.constant 1.000000e+00 : f32
    %jit3A_1184 = arith.constant 7.990000e+02 : f32
    %max3A_1185 = arith.maximumf %jit3A_1183, %get3A_1182 : f32
    %min3A_1186 = arith.minimumf %jit3A_1184, %max3A_1185 : f32
    %get3A_1187 = arith.constant 0 : index
    %get3A_1188 = arith.constant 3 : index
    %get3A_1189 = memref.load %arg3[%get3A_1187, %get3A_1188] : memref<8x4xf32, #tpu.memory_space<smem>>
    %jit3A_1190 = arith.constant 1.000000e+00 : f32
    %jit3A_1191 = arith.constant 7.990000e+02 : f32
    %max3A_1192 = arith.maximumf %jit3A_1190, %get3A_1189 : f32
    %min3A_1193 = arith.minimumf %jit3A_1191, %max3A_1192 : f32
    %sub3A_1194 = arith.subf %min3A_1186, %min3A_1172 : f32
    %sub3A_1195 = arith.subf %min3A_1193, %min3A_1179 : f32
    %mul3A_1196 = arith.constant 5.000000e-01 : f32
    %mul3A_1197 = arith.mulf %mul3A_1196, %sub3A_1194 : f32
    %add3A_1198 = arith.addf %min3A_1172, %mul3A_1197 : f32
    %mul3A_1199 = arith.constant 5.000000e-01 : f32
    %mul3A_1200 = arith.mulf %mul3A_1199, %sub3A_1195 : f32
    %add3A_1201 = arith.addf %min3A_1179, %mul3A_1200 : f32
    %sub3A_1202 = vector.broadcast %add3A_1198 : f32 to vector<1x5000xf32>
    %sub3A_1203 = arith.subf %sub3A_1202, %add3A_1161 : vector<1x5000xf32>
    %div3A_1204 = arith.divf %sub3A_1203, %sub3A_1156 : vector<1x5000xf32>
    %mul3A_1205 = arith.mulf %div3A_1204, %convert_element_type3A_679 : vector<1x5000xf32>
    %sub3A_1206 = vector.broadcast %add3A_1201 : f32 to vector<1x5000xf32>
    %sub3A_1207 = arith.subf %sub3A_1206, %add3A_1165 : vector<1x5000xf32>
    %div3A_1208 = arith.divf %sub3A_1207, %sub3A_1157 : vector<1x5000xf32>
    %mul3A_1209 = arith.mulf %div3A_1208, %convert_element_type3A_679 : vector<1x5000xf32>
    %div3A_1210 = vector.broadcast %sub3A_1194 : f32 to vector<1x5000xf32>
    %div3A_1211 = arith.divf %div3A_1210, %sub3A_1156 : vector<1x5000xf32>
    %log3A = math.log %div3A_1211 : vector<1x5000xf32>
    %mul3A_1212 = arith.mulf %log3A, %convert_element_type3A_679 : vector<1x5000xf32>
    %div3A_1213 = vector.broadcast %sub3A_1195 : f32 to vector<1x5000xf32>
    %div3A_1214 = arith.divf %div3A_1213, %sub3A_1157 : vector<1x5000xf32>
    %log3A_1215 = math.log %div3A_1214 : vector<1x5000xf32>
    %mul3A_1216 = arith.mulf %log3A_1215, %convert_element_type3A_679 : vector<1x5000xf32>
    %get3A_1217 = arith.constant 1 : index
    %get3A_1218 = arith.constant 0 : index
    %get3A_1219 = memref.load %arg3[%get3A_1217, %get3A_1218] : memref<8x4xf32, #tpu.memory_space<smem>>
    %jit3A_1220 = arith.constant 1.000000e+00 : f32
    %jit3A_1221 = arith.constant 7.990000e+02 : f32
    %max3A_1222 = arith.maximumf %jit3A_1220, %get3A_1219 : f32
    %min3A_1223 = arith.minimumf %jit3A_1221, %max3A_1222 : f32
    %get3A_1224 = arith.constant 1 : index
    %get3A_1225 = arith.constant 1 : index
    %get3A_1226 = memref.load %arg3[%get3A_1224, %get3A_1225] : memref<8x4xf32, #tpu.memory_space<smem>>
    %jit3A_1227 = arith.constant 1.000000e+00 : f32
    %jit3A_1228 = arith.constant 7.990000e+02 : f32
    %max3A_1229 = arith.maximumf %jit3A_1227, %get3A_1226 : f32
    %min3A_1230 = arith.minimumf %jit3A_1228, %max3A_1229 : f32
    %get3A_1231 = arith.constant 1 : index
    %get3A_1232 = arith.constant 2 : index
    %get3A_1233 = memref.load %arg3[%get3A_1231, %get3A_1232] : memref<8x4xf32, #tpu.memory_space<smem>>
    %jit3A_1234 = arith.constant 1.000000e+00 : f32
    %jit3A_1235 = arith.constant 7.990000e+02 : f32
    %max3A_1236 = arith.maximumf %jit3A_1234, %get3A_1233 : f32
    %min3A_1237 = arith.minimumf %jit3A_1235, %max3A_1236 : f32
    %get3A_1238 = arith.constant 1 : index
    %get3A_1239 = arith.constant 3 : index
    %get3A_1240 = memref.load %arg3[%get3A_1238, %get3A_1239] : memref<8x4xf32, #tpu.memory_space<smem>>
    %jit3A_1241 = arith.constant 1.000000e+00 : f32
    %jit3A_1242 = arith.constant 7.990000e+02 : f32
    %max3A_1243 = arith.maximumf %jit3A_1241, %get3A_1240 : f32
    %min3A_1244 = arith.minimumf %jit3A_1242, %max3A_1243 : f32
    %sub3A_1245 = arith.subf %min3A_1237, %min3A_1223 : f32
    %sub3A_1246 = arith.subf %min3A_1244, %min3A_1230 : f32
    %mul3A_1247 = arith.constant 5.000000e-01 : f32
    %mul3A_1248 = arith.mulf %mul3A_1247, %sub3A_1245 : f32
    %add3A_1249 = arith.addf %min3A_1223, %mul3A_1248 : f32
    %mul3A_1250 = arith.constant 5.000000e-01 : f32
    %mul3A_1251 = arith.mulf %mul3A_1250, %sub3A_1246 : f32
    %add3A_1252 = arith.addf %min3A_1230, %mul3A_1251 : f32
    %sub3A_1253 = vector.broadcast %add3A_1249 : f32 to vector<1x5000xf32>
    %sub3A_1254 = arith.subf %sub3A_1253, %add3A_1161 : vector<1x5000xf32>
    %div3A_1255 = arith.divf %sub3A_1254, %sub3A_1156 : vector<1x5000xf32>
    %mul3A_1256 = arith.mulf %div3A_1255, %convert_element_type3A_747 : vector<1x5000xf32>
    %sub3A_1257 = vector.broadcast %add3A_1252 : f32 to vector<1x5000xf32>
    %sub3A_1258 = arith.subf %sub3A_1257, %add3A_1165 : vector<1x5000xf32>
    %div3A_1259 = arith.divf %sub3A_1258, %sub3A_1157 : vector<1x5000xf32>
    %mul3A_1260 = arith.mulf %div3A_1259, %convert_element_type3A_747 : vector<1x5000xf32>
    %div3A_1261 = vector.broadcast %sub3A_1245 : f32 to vector<1x5000xf32>
    %div3A_1262 = arith.divf %div3A_1261, %sub3A_1156 : vector<1x5000xf32>
    %log3A_1263 = math.log %div3A_1262 : vector<1x5000xf32>
    %mul3A_1264 = arith.mulf %log3A_1263, %convert_element_type3A_747 : vector<1x5000xf32>
    %div3A_1265 = vector.broadcast %sub3A_1246 : f32 to vector<1x5000xf32>
    %div3A_1266 = arith.divf %div3A_1265, %sub3A_1157 : vector<1x5000xf32>
    %log3A_1267 = math.log %div3A_1266 : vector<1x5000xf32>
    %mul3A_1268 = arith.mulf %log3A_1267, %convert_element_type3A_747 : vector<1x5000xf32>
    %get3A_1269 = arith.constant 2 : index
    %get3A_1270 = arith.constant 0 : index
    %get3A_1271 = memref.load %arg3[%get3A_1269, %get3A_1270] : memref<8x4xf32, #tpu.memory_space<smem>>
    %jit3A_1272 = arith.constant 1.000000e+00 : f32
    %jit3A_1273 = arith.constant 7.990000e+02 : f32
    %max3A_1274 = arith.maximumf %jit3A_1272, %get3A_1271 : f32
    %min3A_1275 = arith.minimumf %jit3A_1273, %max3A_1274 : f32
    %get3A_1276 = arith.constant 2 : index
    %get3A_1277 = arith.constant 1 : index
    %get3A_1278 = memref.load %arg3[%get3A_1276, %get3A_1277] : memref<8x4xf32, #tpu.memory_space<smem>>
    %jit3A_1279 = arith.constant 1.000000e+00 : f32
    %jit3A_1280 = arith.constant 7.990000e+02 : f32
    %max3A_1281 = arith.maximumf %jit3A_1279, %get3A_1278 : f32
    %min3A_1282 = arith.minimumf %jit3A_1280, %max3A_1281 : f32
    %get3A_1283 = arith.constant 2 : index
    %get3A_1284 = arith.constant 2 : index
    %get3A_1285 = memref.load %arg3[%get3A_1283, %get3A_1284] : memref<8x4xf32, #tpu.memory_space<smem>>
    %jit3A_1286 = arith.constant 1.000000e+00 : f32
    %jit3A_1287 = arith.constant 7.990000e+02 : f32
    %max3A_1288 = arith.maximumf %jit3A_1286, %get3A_1285 : f32
    %min3A_1289 = arith.minimumf %jit3A_1287, %max3A_1288 : f32
    %get3A_1290 = arith.constant 2 : index
    %get3A_1291 = arith.constant 3 : index
    %get3A_1292 = memref.load %arg3[%get3A_1290, %get3A_1291] : memref<8x4xf32, #tpu.memory_space<smem>>
    %jit3A_1293 = arith.constant 1.000000e+00 : f32
    %jit3A_1294 = arith.constant 7.990000e+02 : f32
    %max3A_1295 = arith.maximumf %jit3A_1293, %get3A_1292 : f32
    %min3A_1296 = arith.minimumf %jit3A_1294, %max3A_1295 : f32
    %sub3A_1297 = arith.subf %min3A_1289, %min3A_1275 : f32
    %sub3A_1298 = arith.subf %min3A_1296, %min3A_1282 : f32
    %mul3A_1299 = arith.constant 5.000000e-01 : f32
    %mul3A_1300 = arith.mulf %mul3A_1299, %sub3A_1297 : f32
    %add3A_1301 = arith.addf %min3A_1275, %mul3A_1300 : f32
    %mul3A_1302 = arith.constant 5.000000e-01 : f32
    %mul3A_1303 = arith.mulf %mul3A_1302, %sub3A_1298 : f32
    %add3A_1304 = arith.addf %min3A_1282, %mul3A_1303 : f32
    %sub3A_1305 = vector.broadcast %add3A_1301 : f32 to vector<1x5000xf32>
    %sub3A_1306 = arith.subf %sub3A_1305, %add3A_1161 : vector<1x5000xf32>
    %div3A_1307 = arith.divf %sub3A_1306, %sub3A_1156 : vector<1x5000xf32>
    %mul3A_1308 = arith.mulf %div3A_1307, %convert_element_type3A_815 : vector<1x5000xf32>
    %sub3A_1309 = vector.broadcast %add3A_1304 : f32 to vector<1x5000xf32>
    %sub3A_1310 = arith.subf %sub3A_1309, %add3A_1165 : vector<1x5000xf32>
    %div3A_1311 = arith.divf %sub3A_1310, %sub3A_1157 : vector<1x5000xf32>
    %mul3A_1312 = arith.mulf %div3A_1311, %convert_element_type3A_815 : vector<1x5000xf32>
    %div3A_1313 = vector.broadcast %sub3A_1297 : f32 to vector<1x5000xf32>
    %div3A_1314 = arith.divf %div3A_1313, %sub3A_1156 : vector<1x5000xf32>
    %log3A_1315 = math.log %div3A_1314 : vector<1x5000xf32>
    %mul3A_1316 = arith.mulf %log3A_1315, %convert_element_type3A_815 : vector<1x5000xf32>
    %div3A_1317 = vector.broadcast %sub3A_1298 : f32 to vector<1x5000xf32>
    %div3A_1318 = arith.divf %div3A_1317, %sub3A_1157 : vector<1x5000xf32>
    %log3A_1319 = math.log %div3A_1318 : vector<1x5000xf32>
    %mul3A_1320 = arith.mulf %log3A_1319, %convert_element_type3A_815 : vector<1x5000xf32>
    %get3A_1321 = arith.constant 3 : index
    %get3A_1322 = arith.constant 0 : index
    %get3A_1323 = memref.load %arg3[%get3A_1321, %get3A_1322] : memref<8x4xf32, #tpu.memory_space<smem>>
    %jit3A_1324 = arith.constant 1.000000e+00 : f32
    %jit3A_1325 = arith.constant 7.990000e+02 : f32
    %max3A_1326 = arith.maximumf %jit3A_1324, %get3A_1323 : f32
    %min3A_1327 = arith.minimumf %jit3A_1325, %max3A_1326 : f32
    %get3A_1328 = arith.constant 3 : index
    %get3A_1329 = arith.constant 1 : index
    %get3A_1330 = memref.load %arg3[%get3A_1328, %get3A_1329] : memref<8x4xf32, #tpu.memory_space<smem>>
    %jit3A_1331 = arith.constant 1.000000e+00 : f32
    %jit3A_1332 = arith.constant 7.990000e+02 : f32
    %max3A_1333 = arith.maximumf %jit3A_1331, %get3A_1330 : f32
    %min3A_1334 = arith.minimumf %jit3A_1332, %max3A_1333 : f32
    %get3A_1335 = arith.constant 3 : index
    %get3A_1336 = arith.constant 2 : index
    %get3A_1337 = memref.load %arg3[%get3A_1335, %get3A_1336] : memref<8x4xf32, #tpu.memory_space<smem>>
    %jit3A_1338 = arith.constant 1.000000e+00 : f32
    %jit3A_1339 = arith.constant 7.990000e+02 : f32
    %max3A_1340 = arith.maximumf %jit3A_1338, %get3A_1337 : f32
    %min3A_1341 = arith.minimumf %jit3A_1339, %max3A_1340 : f32
    %get3A_1342 = arith.constant 3 : index
    %get3A_1343 = arith.constant 3 : index
    %get3A_1344 = memref.load %arg3[%get3A_1342, %get3A_1343] : memref<8x4xf32, #tpu.memory_space<smem>>
    %jit3A_1345 = arith.constant 1.000000e+00 : f32
    %jit3A_1346 = arith.constant 7.990000e+02 : f32
    %max3A_1347 = arith.maximumf %jit3A_1345, %get3A_1344 : f32
    %min3A_1348 = arith.minimumf %jit3A_1346, %max3A_1347 : f32
    %sub3A_1349 = arith.subf %min3A_1341, %min3A_1327 : f32
    %sub3A_1350 = arith.subf %min3A_1348, %min3A_1334 : f32
    %mul3A_1351 = arith.constant 5.000000e-01 : f32
    %mul3A_1352 = arith.mulf %mul3A_1351, %sub3A_1349 : f32
    %add3A_1353 = arith.addf %min3A_1327, %mul3A_1352 : f32
    %mul3A_1354 = arith.constant 5.000000e-01 : f32
    %mul3A_1355 = arith.mulf %mul3A_1354, %sub3A_1350 : f32
    %add3A_1356 = arith.addf %min3A_1334, %mul3A_1355 : f32
    %sub3A_1357 = vector.broadcast %add3A_1353 : f32 to vector<1x5000xf32>
    %sub3A_1358 = arith.subf %sub3A_1357, %add3A_1161 : vector<1x5000xf32>
    %div3A_1359 = arith.divf %sub3A_1358, %sub3A_1156 : vector<1x5000xf32>
    %mul3A_1360 = arith.mulf %div3A_1359, %convert_element_type3A_883 : vector<1x5000xf32>
    %sub3A_1361 = vector.broadcast %add3A_1356 : f32 to vector<1x5000xf32>
    %sub3A_1362 = arith.subf %sub3A_1361, %add3A_1165 : vector<1x5000xf32>
    %div3A_1363 = arith.divf %sub3A_1362, %sub3A_1157 : vector<1x5000xf32>
    %mul3A_1364 = arith.mulf %div3A_1363, %convert_element_type3A_883 : vector<1x5000xf32>
    %div3A_1365 = vector.broadcast %sub3A_1349 : f32 to vector<1x5000xf32>
    %div3A_1366 = arith.divf %div3A_1365, %sub3A_1156 : vector<1x5000xf32>
    %log3A_1367 = math.log %div3A_1366 : vector<1x5000xf32>
    %mul3A_1368 = arith.mulf %log3A_1367, %convert_element_type3A_883 : vector<1x5000xf32>
    %div3A_1369 = vector.broadcast %sub3A_1350 : f32 to vector<1x5000xf32>
    %div3A_1370 = arith.divf %div3A_1369, %sub3A_1157 : vector<1x5000xf32>
    %log3A_1371 = math.log %div3A_1370 : vector<1x5000xf32>
    %mul3A_1372 = arith.mulf %log3A_1371, %convert_element_type3A_883 : vector<1x5000xf32>
    %get3A_1373 = arith.constant 4 : index
    %get3A_1374 = arith.constant 0 : index
    %get3A_1375 = memref.load %arg3[%get3A_1373, %get3A_1374] : memref<8x4xf32, #tpu.memory_space<smem>>
    %jit3A_1376 = arith.constant 1.000000e+00 : f32
    %jit3A_1377 = arith.constant 7.990000e+02 : f32
    %max3A_1378 = arith.maximumf %jit3A_1376, %get3A_1375 : f32
    %min3A_1379 = arith.minimumf %jit3A_1377, %max3A_1378 : f32
    %get3A_1380 = arith.constant 4 : index
    %get3A_1381 = arith.constant 1 : index
    %get3A_1382 = memref.load %arg3[%get3A_1380, %get3A_1381] : memref<8x4xf32, #tpu.memory_space<smem>>
    %jit3A_1383 = arith.constant 1.000000e+00 : f32
    %jit3A_1384 = arith.constant 7.990000e+02 : f32
    %max3A_1385 = arith.maximumf %jit3A_1383, %get3A_1382 : f32
    %min3A_1386 = arith.minimumf %jit3A_1384, %max3A_1385 : f32
    %get3A_1387 = arith.constant 4 : index
    %get3A_1388 = arith.constant 2 : index
    %get3A_1389 = memref.load %arg3[%get3A_1387, %get3A_1388] : memref<8x4xf32, #tpu.memory_space<smem>>
    %jit3A_1390 = arith.constant 1.000000e+00 : f32
    %jit3A_1391 = arith.constant 7.990000e+02 : f32
    %max3A_1392 = arith.maximumf %jit3A_1390, %get3A_1389 : f32
    %min3A_1393 = arith.minimumf %jit3A_1391, %max3A_1392 : f32
    %get3A_1394 = arith.constant 4 : index
    %get3A_1395 = arith.constant 3 : index
    %get3A_1396 = memref.load %arg3[%get3A_1394, %get3A_1395] : memref<8x4xf32, #tpu.memory_space<smem>>
    %jit3A_1397 = arith.constant 1.000000e+00 : f32
    %jit3A_1398 = arith.constant 7.990000e+02 : f32
    %max3A_1399 = arith.maximumf %jit3A_1397, %get3A_1396 : f32
    %min3A_1400 = arith.minimumf %jit3A_1398, %max3A_1399 : f32
    %sub3A_1401 = arith.subf %min3A_1393, %min3A_1379 : f32
    %sub3A_1402 = arith.subf %min3A_1400, %min3A_1386 : f32
    %mul3A_1403 = arith.constant 5.000000e-01 : f32
    %mul3A_1404 = arith.mulf %mul3A_1403, %sub3A_1401 : f32
    %add3A_1405 = arith.addf %min3A_1379, %mul3A_1404 : f32
    %mul3A_1406 = arith.constant 5.000000e-01 : f32
    %mul3A_1407 = arith.mulf %mul3A_1406, %sub3A_1402 : f32
    %add3A_1408 = arith.addf %min3A_1386, %mul3A_1407 : f32
    %sub3A_1409 = vector.broadcast %add3A_1405 : f32 to vector<1x5000xf32>
    %sub3A_1410 = arith.subf %sub3A_1409, %add3A_1161 : vector<1x5000xf32>
    %div3A_1411 = arith.divf %sub3A_1410, %sub3A_1156 : vector<1x5000xf32>
    %mul3A_1412 = arith.mulf %div3A_1411, %convert_element_type3A_951 : vector<1x5000xf32>
    %sub3A_1413 = vector.broadcast %add3A_1408 : f32 to vector<1x5000xf32>
    %sub3A_1414 = arith.subf %sub3A_1413, %add3A_1165 : vector<1x5000xf32>
    %div3A_1415 = arith.divf %sub3A_1414, %sub3A_1157 : vector<1x5000xf32>
    %mul3A_1416 = arith.mulf %div3A_1415, %convert_element_type3A_951 : vector<1x5000xf32>
    %div3A_1417 = vector.broadcast %sub3A_1401 : f32 to vector<1x5000xf32>
    %div3A_1418 = arith.divf %div3A_1417, %sub3A_1156 : vector<1x5000xf32>
    %log3A_1419 = math.log %div3A_1418 : vector<1x5000xf32>
    %mul3A_1420 = arith.mulf %log3A_1419, %convert_element_type3A_951 : vector<1x5000xf32>
    %div3A_1421 = vector.broadcast %sub3A_1402 : f32 to vector<1x5000xf32>
    %div3A_1422 = arith.divf %div3A_1421, %sub3A_1157 : vector<1x5000xf32>
    %log3A_1423 = math.log %div3A_1422 : vector<1x5000xf32>
    %mul3A_1424 = arith.mulf %log3A_1423, %convert_element_type3A_951 : vector<1x5000xf32>
    %get3A_1425 = arith.constant 5 : index
    %get3A_1426 = arith.constant 0 : index
    %get3A_1427 = memref.load %arg3[%get3A_1425, %get3A_1426] : memref<8x4xf32, #tpu.memory_space<smem>>
    %jit3A_1428 = arith.constant 1.000000e+00 : f32
    %jit3A_1429 = arith.constant 7.990000e+02 : f32
    %max3A_1430 = arith.maximumf %jit3A_1428, %get3A_1427 : f32
    %min3A_1431 = arith.minimumf %jit3A_1429, %max3A_1430 : f32
    %get3A_1432 = arith.constant 5 : index
    %get3A_1433 = arith.constant 1 : index
    %get3A_1434 = memref.load %arg3[%get3A_1432, %get3A_1433] : memref<8x4xf32, #tpu.memory_space<smem>>
    %jit3A_1435 = arith.constant 1.000000e+00 : f32
    %jit3A_1436 = arith.constant 7.990000e+02 : f32
    %max3A_1437 = arith.maximumf %jit3A_1435, %get3A_1434 : f32
    %min3A_1438 = arith.minimumf %jit3A_1436, %max3A_1437 : f32
    %get3A_1439 = arith.constant 5 : index
    %get3A_1440 = arith.constant 2 : index
    %get3A_1441 = memref.load %arg3[%get3A_1439, %get3A_1440] : memref<8x4xf32, #tpu.memory_space<smem>>
    %jit3A_1442 = arith.constant 1.000000e+00 : f32
    %jit3A_1443 = arith.constant 7.990000e+02 : f32
    %max3A_1444 = arith.maximumf %jit3A_1442, %get3A_1441 : f32
    %min3A_1445 = arith.minimumf %jit3A_1443, %max3A_1444 : f32
    %get3A_1446 = arith.constant 5 : index
    %get3A_1447 = arith.constant 3 : index
    %get3A_1448 = memref.load %arg3[%get3A_1446, %get3A_1447] : memref<8x4xf32, #tpu.memory_space<smem>>
    %jit3A_1449 = arith.constant 1.000000e+00 : f32
    %jit3A_1450 = arith.constant 7.990000e+02 : f32
    %max3A_1451 = arith.maximumf %jit3A_1449, %get3A_1448 : f32
    %min3A_1452 = arith.minimumf %jit3A_1450, %max3A_1451 : f32
    %sub3A_1453 = arith.subf %min3A_1445, %min3A_1431 : f32
    %sub3A_1454 = arith.subf %min3A_1452, %min3A_1438 : f32
    %mul3A_1455 = arith.constant 5.000000e-01 : f32
    %mul3A_1456 = arith.mulf %mul3A_1455, %sub3A_1453 : f32
    %add3A_1457 = arith.addf %min3A_1431, %mul3A_1456 : f32
    %mul3A_1458 = arith.constant 5.000000e-01 : f32
    %mul3A_1459 = arith.mulf %mul3A_1458, %sub3A_1454 : f32
    %add3A_1460 = arith.addf %min3A_1438, %mul3A_1459 : f32
    %sub3A_1461 = vector.broadcast %add3A_1457 : f32 to vector<1x5000xf32>
    %sub3A_1462 = arith.subf %sub3A_1461, %add3A_1161 : vector<1x5000xf32>
    %div3A_1463 = arith.divf %sub3A_1462, %sub3A_1156 : vector<1x5000xf32>
    %mul3A_1464 = arith.mulf %div3A_1463, %convert_element_type3A_1019 : vector<1x5000xf32>
    %sub3A_1465 = vector.broadcast %add3A_1460 : f32 to vector<1x5000xf32>
    %sub3A_1466 = arith.subf %sub3A_1465, %add3A_1165 : vector<1x5000xf32>
    %div3A_1467 = arith.divf %sub3A_1466, %sub3A_1157 : vector<1x5000xf32>
    %mul3A_1468 = arith.mulf %div3A_1467, %convert_element_type3A_1019 : vector<1x5000xf32>
    %div3A_1469 = vector.broadcast %sub3A_1453 : f32 to vector<1x5000xf32>
    %div3A_1470 = arith.divf %div3A_1469, %sub3A_1156 : vector<1x5000xf32>
    %log3A_1471 = math.log %div3A_1470 : vector<1x5000xf32>
    %mul3A_1472 = arith.mulf %log3A_1471, %convert_element_type3A_1019 : vector<1x5000xf32>
    %div3A_1473 = vector.broadcast %sub3A_1454 : f32 to vector<1x5000xf32>
    %div3A_1474 = arith.divf %div3A_1473, %sub3A_1157 : vector<1x5000xf32>
    %log3A_1475 = math.log %div3A_1474 : vector<1x5000xf32>
    %mul3A_1476 = arith.mulf %log3A_1475, %convert_element_type3A_1019 : vector<1x5000xf32>
    %get3A_1477 = arith.constant 6 : index
    %get3A_1478 = arith.constant 0 : index
    %get3A_1479 = memref.load %arg3[%get3A_1477, %get3A_1478] : memref<8x4xf32, #tpu.memory_space<smem>>
    %jit3A_1480 = arith.constant 1.000000e+00 : f32
    %jit3A_1481 = arith.constant 7.990000e+02 : f32
    %max3A_1482 = arith.maximumf %jit3A_1480, %get3A_1479 : f32
    %min3A_1483 = arith.minimumf %jit3A_1481, %max3A_1482 : f32
    %get3A_1484 = arith.constant 6 : index
    %get3A_1485 = arith.constant 1 : index
    %get3A_1486 = memref.load %arg3[%get3A_1484, %get3A_1485] : memref<8x4xf32, #tpu.memory_space<smem>>
    %jit3A_1487 = arith.constant 1.000000e+00 : f32
    %jit3A_1488 = arith.constant 7.990000e+02 : f32
    %max3A_1489 = arith.maximumf %jit3A_1487, %get3A_1486 : f32
    %min3A_1490 = arith.minimumf %jit3A_1488, %max3A_1489 : f32
    %get3A_1491 = arith.constant 6 : index
    %get3A_1492 = arith.constant 2 : index
    %get3A_1493 = memref.load %arg3[%get3A_1491, %get3A_1492] : memref<8x4xf32, #tpu.memory_space<smem>>
    %jit3A_1494 = arith.constant 1.000000e+00 : f32
    %jit3A_1495 = arith.constant 7.990000e+02 : f32
    %max3A_1496 = arith.maximumf %jit3A_1494, %get3A_1493 : f32
    %min3A_1497 = arith.minimumf %jit3A_1495, %max3A_1496 : f32
    %get3A_1498 = arith.constant 6 : index
    %get3A_1499 = arith.constant 3 : index
    %get3A_1500 = memref.load %arg3[%get3A_1498, %get3A_1499] : memref<8x4xf32, #tpu.memory_space<smem>>
    %jit3A_1501 = arith.constant 1.000000e+00 : f32
    %jit3A_1502 = arith.constant 7.990000e+02 : f32
    %max3A_1503 = arith.maximumf %jit3A_1501, %get3A_1500 : f32
    %min3A_1504 = arith.minimumf %jit3A_1502, %max3A_1503 : f32
    %sub3A_1505 = arith.subf %min3A_1497, %min3A_1483 : f32
    %sub3A_1506 = arith.subf %min3A_1504, %min3A_1490 : f32
    %mul3A_1507 = arith.constant 5.000000e-01 : f32
    %mul3A_1508 = arith.mulf %mul3A_1507, %sub3A_1505 : f32
    %add3A_1509 = arith.addf %min3A_1483, %mul3A_1508 : f32
    %mul3A_1510 = arith.constant 5.000000e-01 : f32
    %mul3A_1511 = arith.mulf %mul3A_1510, %sub3A_1506 : f32
    %add3A_1512 = arith.addf %min3A_1490, %mul3A_1511 : f32
    %sub3A_1513 = vector.broadcast %add3A_1509 : f32 to vector<1x5000xf32>
    %sub3A_1514 = arith.subf %sub3A_1513, %add3A_1161 : vector<1x5000xf32>
    %div3A_1515 = arith.divf %sub3A_1514, %sub3A_1156 : vector<1x5000xf32>
    %mul3A_1516 = arith.mulf %div3A_1515, %convert_element_type3A_1087 : vector<1x5000xf32>
    %sub3A_1517 = vector.broadcast %add3A_1512 : f32 to vector<1x5000xf32>
    %sub3A_1518 = arith.subf %sub3A_1517, %add3A_1165 : vector<1x5000xf32>
    %div3A_1519 = arith.divf %sub3A_1518, %sub3A_1157 : vector<1x5000xf32>
    %mul3A_1520 = arith.mulf %div3A_1519, %convert_element_type3A_1087 : vector<1x5000xf32>
    %div3A_1521 = vector.broadcast %sub3A_1505 : f32 to vector<1x5000xf32>
    %div3A_1522 = arith.divf %div3A_1521, %sub3A_1156 : vector<1x5000xf32>
    %log3A_1523 = math.log %div3A_1522 : vector<1x5000xf32>
    %mul3A_1524 = arith.mulf %log3A_1523, %convert_element_type3A_1087 : vector<1x5000xf32>
    %div3A_1525 = vector.broadcast %sub3A_1506 : f32 to vector<1x5000xf32>
    %div3A_1526 = arith.divf %div3A_1525, %sub3A_1157 : vector<1x5000xf32>
    %log3A_1527 = math.log %div3A_1526 : vector<1x5000xf32>
    %mul3A_1528 = arith.mulf %log3A_1527, %convert_element_type3A_1087 : vector<1x5000xf32>
    %get3A_1529 = arith.constant 7 : index
    %get3A_1530 = arith.constant 0 : index
    %get3A_1531 = memref.load %arg3[%get3A_1529, %get3A_1530] : memref<8x4xf32, #tpu.memory_space<smem>>
    %jit3A_1532 = arith.constant 1.000000e+00 : f32
    %jit3A_1533 = arith.constant 7.990000e+02 : f32
    %max3A_1534 = arith.maximumf %jit3A_1532, %get3A_1531 : f32
    %min3A_1535 = arith.minimumf %jit3A_1533, %max3A_1534 : f32
    %get3A_1536 = arith.constant 7 : index
    %get3A_1537 = arith.constant 1 : index
    %get3A_1538 = memref.load %arg3[%get3A_1536, %get3A_1537] : memref<8x4xf32, #tpu.memory_space<smem>>
    %jit3A_1539 = arith.constant 1.000000e+00 : f32
    %jit3A_1540 = arith.constant 7.990000e+02 : f32
    %max3A_1541 = arith.maximumf %jit3A_1539, %get3A_1538 : f32
    %min3A_1542 = arith.minimumf %jit3A_1540, %max3A_1541 : f32
    %get3A_1543 = arith.constant 7 : index
    %get3A_1544 = arith.constant 2 : index
    %get3A_1545 = memref.load %arg3[%get3A_1543, %get3A_1544] : memref<8x4xf32, #tpu.memory_space<smem>>
    %jit3A_1546 = arith.constant 1.000000e+00 : f32
    %jit3A_1547 = arith.constant 7.990000e+02 : f32
    %max3A_1548 = arith.maximumf %jit3A_1546, %get3A_1545 : f32
    %min3A_1549 = arith.minimumf %jit3A_1547, %max3A_1548 : f32
    %get3A_1550 = arith.constant 7 : index
    %get3A_1551 = arith.constant 3 : index
    %get3A_1552 = memref.load %arg3[%get3A_1550, %get3A_1551] : memref<8x4xf32, #tpu.memory_space<smem>>
    %jit3A_1553 = arith.constant 1.000000e+00 : f32
    %jit3A_1554 = arith.constant 7.990000e+02 : f32
    %max3A_1555 = arith.maximumf %jit3A_1553, %get3A_1552 : f32
    %min3A_1556 = arith.minimumf %jit3A_1554, %max3A_1555 : f32
    %sub3A_1557 = arith.subf %min3A_1549, %min3A_1535 : f32
    %sub3A_1558 = arith.subf %min3A_1556, %min3A_1542 : f32
    %mul3A_1559 = arith.constant 5.000000e-01 : f32
    %mul3A_1560 = arith.mulf %mul3A_1559, %sub3A_1557 : f32
    %add3A_1561 = arith.addf %min3A_1535, %mul3A_1560 : f32
    %mul3A_1562 = arith.constant 5.000000e-01 : f32
    %mul3A_1563 = arith.mulf %mul3A_1562, %sub3A_1558 : f32
    %add3A_1564 = arith.addf %min3A_1542, %mul3A_1563 : f32
    %sub3A_1565 = vector.broadcast %add3A_1561 : f32 to vector<1x5000xf32>
    %sub3A_1566 = arith.subf %sub3A_1565, %add3A_1161 : vector<1x5000xf32>
    %div3A_1567 = arith.divf %sub3A_1566, %sub3A_1156 : vector<1x5000xf32>
    %mul3A_1568 = arith.mulf %div3A_1567, %convert_element_type3A_1155 : vector<1x5000xf32>
    %sub3A_1569 = vector.broadcast %add3A_1564 : f32 to vector<1x5000xf32>
    %sub3A_1570 = arith.subf %sub3A_1569, %add3A_1165 : vector<1x5000xf32>
    %div3A_1571 = arith.divf %sub3A_1570, %sub3A_1157 : vector<1x5000xf32>
    %mul3A_1572 = arith.mulf %div3A_1571, %convert_element_type3A_1155 : vector<1x5000xf32>
    %div3A_1573 = vector.broadcast %sub3A_1557 : f32 to vector<1x5000xf32>
    %div3A_1574 = arith.divf %div3A_1573, %sub3A_1156 : vector<1x5000xf32>
    %log3A_1575 = math.log %div3A_1574 : vector<1x5000xf32>
    %mul3A_1576 = arith.mulf %log3A_1575, %convert_element_type3A_1155 : vector<1x5000xf32>
    %div3A_1577 = vector.broadcast %sub3A_1558 : f32 to vector<1x5000xf32>
    %div3A_1578 = arith.divf %div3A_1577, %sub3A_1157 : vector<1x5000xf32>
    %log3A_1579 = math.log %div3A_1578 : vector<1x5000xf32>
    %mul3A_1580 = arith.mulf %log3A_1579, %convert_element_type3A_1155 : vector<1x5000xf32>
    %concatenate3A = tpu.concatenate %mul3A_1205, %mul3A_1209, %mul3A_1212, %mul3A_1216, %mul3A_1256, %mul3A_1260, %mul3A_1264, %mul3A_1268, %mul3A_1308, %mul3A_1312, %mul3A_1316, %mul3A_1320, %mul3A_1360, %mul3A_1364, %mul3A_1368, %mul3A_1372, %mul3A_1412, %mul3A_1416, %mul3A_1420, %mul3A_1424, %mul3A_1464, %mul3A_1468, %mul3A_1472, %mul3A_1476, %mul3A_1516, %mul3A_1520, %mul3A_1524, %mul3A_1528, %mul3A_1568, %mul3A_1572, %mul3A_1576, %mul3A_1580 in 0 : vector<1x5000xf32>, vector<1x5000xf32>, vector<1x5000xf32>, vector<1x5000xf32>, vector<1x5000xf32>, vector<1x5000xf32>, vector<1x5000xf32>, vector<1x5000xf32>, vector<1x5000xf32>, vector<1x5000xf32>, vector<1x5000xf32>, vector<1x5000xf32>, vector<1x5000xf32>, vector<1x5000xf32>, vector<1x5000xf32>, vector<1x5000xf32>, vector<1x5000xf32>, vector<1x5000xf32>, vector<1x5000xf32>, vector<1x5000xf32>, vector<1x5000xf32>, vector<1x5000xf32>, vector<1x5000xf32>, vector<1x5000xf32>, vector<1x5000xf32>, vector<1x5000xf32>, vector<1x5000xf32>, vector<1x5000xf32>, vector<1x5000xf32>, vector<1x5000xf32>, vector<1x5000xf32>, vector<1x5000xf32> -> vector<32x5000xf32>
    %swap3A_1581 = arith.constant 0 : index
    %swap3A_1582 = arith.constant 0 : index
    %swap3A_1583 = vector.load %arg6[%swap3A_1581, %swap3A_1582] : memref<32x5000xf32, #tpu.memory_space<vmem>>, vector<32x5000xf32>
    tpu.vector_store %arg6[%swap3A_1581, %swap3A_1582], %concatenate3A {strides = array<i32>} : memref<32x5000xf32, #tpu.memory_space<vmem>>, vector<32x5000xf32>,
    return
  }
  func.func @transform_0(%arg0: i32) -> (i32, i32) {
    %c0_i32 = arith.constant 0 : i32
    %c0_i32_0 = arith.constant 0 : i32
    %c0_i32_1 = arith.constant 0 : i32
    return %c0_i32, %c0_i32_0 : i32, i32
  }
  func.func @transform_1(%arg0: i32) -> (i32, i32) {
    %c0_i32 = arith.constant 0 : i32
    %c0_i32_0 = arith.constant 0 : i32
    %c0_i32_1 = arith.constant 0 : i32
    return %c0_i32, %c0_i32_0 : i32, i32
  }
  func.func @transform_2(%arg0: i32) -> (i32, i32) {
    %c0_i32 = arith.constant 0 : i32
    %c0_i32_0 = arith.constant 0 : i32
    %c0_i32_1 = arith.constant 0 : i32
    return %c0_i32, %c0_i32_0 : i32, i32
  }
  func.func @transform_3(%arg0: i32) -> i32 {
    %c0_i32 = arith.constant 0 : i32
    %c0_i32_0 = arith.constant 0 : i32
    return %c0_i32 : i32
  }
  func.func @transform_4(%arg0: i32) -> (i32, i32) {
    %c0_i32 = arith.constant 0 : i32
    %c0_i32_0 = arith.constant 0 : i32
    %c0_i32_1 = arith.constant 0 : i32
    return %c0_i32, %c0_i32_0 : i32, i32
  }
  func.func @transform_5(%arg0: i32) -> (i32, i32) {
    %c0_i32 = arith.constant 0 : i32
    %c0_i32_0 = arith.constant 0 : i32
    %c0_i32_1 = arith.constant 0 : i32
    return %c0_i32, %c0_i32_0 : i32, i32
  }
}

</mosaic_0001>

<sc_bundles>
// kernel: kernel.5.cloned.1.call-start
scs
__scs_entry_jumppad:
0x0: {  	(pc) =	sbr.rel $0x88, $3  }
0x1: {  	(tag) =	ssettag $0x0;
	lr =	simm.s32 $0x1  }
0x2: {  	[smem:$0x3F9D] =	sst lr;
	_ =	strace $0xD0000000  }
0x3: {  	_ = 	snop  }
0x4: {  	_ = 	snop  }
0x5: {  	_ = 	snop  }
0x6: {  	_ = 	snop  }
0x7: {  	_ = 	snop  }
__scs_overlays_trampoline_lowered:
0x8: {  	[smem:$0x3FAC] =	sst s0  }
0x9: {  	[smem:$0x3FAD] =	sst s1  }
0xa: {  	[smem:$0x3FAE] =	sst s2  }
0xb: {  	[smem:$0x3FAF] =	sst s3  }
0xc: {  	[smem:$0x3FB0] =	sst s4  }
0xd: {  	[smem:$0x3FB1] =	sst s5  }
0xe: {  	[smem:$0x3FB2] =	sst s6  }
0xf: {  	[smem:$0x3FB3] =	sst s7  }
0x10: {  	[smem:$0x3FB4] =	sst s8  }
0x11: {  	[smem:$0x3FB5] =	sst s9;
	s0 =	simm.s32 @!p0 $0x0  }
0x12: {  	s1 =	sld [smem:$0x3F9B];
	s0 =	simm.s32 @p0 $0x1  }
0x13: {  	[smem:$0x3FB6] =	sst s0;
	s0 =	simm.s32 @!p1 $0x0  }
0x14: {  	s2 =	sld [smem:$0x3F9A];
	s0 =	simm.s32 @p1 $0x1  }
0x15: {  	[smem:$0x3FB7] =	sst s0;
	s0 =	simm.s32 @!p2 $0x0  }
0x16: {  	s3 =	sld [smem:$0x3FDB];
	s0 =	simm.s32 @p2 $0x1  }
0x17: {  	s4 =	simm.s32 $0x1BF5;
	[smem:$0x3FB9] =	sst s0  }
0x18: {  	s0 =	sld [smem:$0x3F9C];
	_ =	swait.ge [sflag:s4], $0x0  }
0x19: {  	s7 =	sld [smem:$0x3F9D]  }
0x1a: {  	s8 =	sadd.s32 $0xFFFFE003, lr  }
0x1b: {  	s9 =	sadd.s32 $0xFFFFFEF7, lr;
	s5 =	simm.s32 $0xFFFFFFFF;
	p2 =	slt.u32 s8, $0xFFFFF086  }
0x1c: {  	p1 =	slt.u32 s9, $0xF7A;
	s5 =	simm.s32 @!p2 $0x0  }
0x1d: {  	s5 =	simm.s32 @p1 $0x1;
	p0 =	seq.s32 s7, s2  }
0x1e: {  	s7 =	smul.u32 @!p0 $0xF7A, s2;
	p2 =	seq.s32 @!p0 s5, $0x0  }
0x1f: {  	s9 =	smul.u32 $0xF7A, s1;
	s8 =	simm.s32 @!p0 $0x1BF5;
	p2 =	por !p2, p0  }
0x20: {  	[sflag:s8] =	ssyncset.s32 @!p0 $0xFFFFF086;
	s6 =	sadd.s32 @!p0 s3, s7;
	s7 =	simm.s32 @!p0 $0x108  }
0x21: {  	s3 =	sadd.s32 s3, s9;
	s6 =	sadd.s32 @!p0 $0x88, s6;
	s7 =	simm.s32 @p2 $0x1082  }
0x22: {  	[simem:s7], [sflag:s8] =	dma.local @!p0 [hbm:s6], $0xF7A  }
0x23: {  	s9 =	sor.u32 $0xD0000000, s2;
	s6 =	simm.s32 $0x108;
	_ =	swait.ge @!p0 [sflag:s8], $0x0  }
0x24: {  	s3 =	sadd.s32 $0x88, s3;
	s6 =	simm.s32 @!p1 $0x1082;
	[sflag:s4] =	ssyncset.s32 $0xFFFFF086  }
0x25: {  	[simem:s6], [sflag:s4] =	dma.local [hbm:s3], $0xF7A  }
0x26: {  	[smem:$0x3F9D] =	sst s1;
	(tag) =	ssettag s2;
	_ =	strace s9  }
0x27: {  	s1 =	sld [smem:$0x3FAD]  }
0x28: {  	s2 =	sld [smem:$0x3FAE]  }
0x29: {  	s4 =	sld [smem:$0x3FB0]  }
0x2a: {  	p0 =	seq.s32 s5, $0x0;
	s5 =	sld [smem:$0x3FB1]  }
0x2b: {  	s6 =	sld [smem:$0x3FB2]  }
0x2c: {  	s7 =	sld [smem:$0x3FB3]  }
0x2d: {  	s3 =	simm.s32 $0x108;
	s8 =	sld [smem:$0x3FB4]  }
0x2e: {  	s3 =	simm.s32 @!p0 $0x1082;
	s9 =	sld [smem:$0x3FB5]  }
0x2f: {  	lr =	sadd.s32 s0, s3;
	s0 =	sld [smem:$0x3FAC]  }
0x30: {  	s3 =	sld [smem:$0x3FAF]  }
0x31: {  	[smem:$0x3FB8] =	sst s10  }
0x32: {  	s10 =	sld [smem:$0x3FB6];
	_ =	sdelay $0x3  }
0x33: {  	p0 =	seq.s32 s10, $0x1;
	s10 =	sld [smem:$0x3FB8];
	_ =	sdelay $0x3  }
0x34: {  	[smem:$0x3FB8] =	sst s10  }
0x35: {  	s10 =	sld [smem:$0x3FB7];
	_ =	sdelay $0x3  }
0x36: {  	p1 =	seq.s32 s10, $0x1;
	s10 =	sld [smem:$0x3FB8];
	_ =	sdelay $0x3  }
0x37: {  	[smem:$0x3FB8] =	sst s10  }
0x38: {  	s10 =	sld [smem:$0x3FB9]  }
0x39: {  	_ = 	snop;
	(pc) =	sbr.ind lr, $3  }
0x3a: {  	_ = 	snop  }
0x3b: {  	_ = 	snop  }
0x3c: {  	p2 =	seq.s32 s10, $0x1;
	s10 =	sld [smem:$0x3FB8]  }
0x3d: {  	_ =	shalt  }
0x3e: {  	_ =	shalt  }
0x3f: {  	_ =	shalt  }
0x40: {  	_ =	shalt  }
0x41: {  	_ =	shalt  }
0x42: {  	_ =	shalt  }
0x43: {  	_ =	shalt  }
0x44: {  	_ =	shalt  }
0x45: {  	_ =	shalt  }
0x46: {  	_ =	shalt  }
0x47: {  	_ =	shalt  }
0x48: {  	_ =	shalt  }
0x49: {  	_ =	shalt  }
0x4a: {  	_ =	shalt  }
0x4b: {  	_ =	shalt  }
0x4c: {  	_ =	shalt  }
0x4d: {  	_ =	shalt  }
0x4e: {  	_ =	shalt  }
0x4f: {  	_ =	shalt  }
0x50: {  	_ =	shalt  }
0x51: {  	_ =	shalt  }
0x52: {  	_ =	shalt  }
0x53: {  	_ =	shalt  }
0x54: {  	_ =	shalt  }
0x55: {  	_ =	shalt  }
0x56: {  	_ =	shalt  }
0x57: {  	_ =	shalt  }
0x58: {  	_ =	shalt  }
0x59: {  	_ =	shalt  }
0x5a: {  	_ =	shalt  }
0x5b: {  	_ =	shalt  }
0x5c: {  	_ =	shalt  }
0x5d: {  	_ =	shalt  }
0x5e: {  	_ =	shalt  }
0x5f: {  	_ =	shalt  }
0x60: {  	_ =	shalt  }
0x61: {  	_ =	shalt  }
0x62: {  	_ =	shalt  }
0x63: {  	_ =	shalt  }
0x64: {  	_ =	shalt  }
0x65: {  	_ =	shalt  }
0x66: {  	_ =	shalt  }
0x67: {  	_ =	shalt  }
0x68: {  	_ =	shalt  }
0x69: {  	_ =	shalt  }
0x6a: {  	_ =	shalt  }
0x6b: {  	_ =	shalt  }
0x6c: {  	_ =	shalt  }
0x6d: {  	_ =	shalt  }
0x6e: {  	_ =	shalt  }
0x6f: {  	_ =	shalt  }
0x70: {  	_ =	shalt  }
0x71: {  	_ =	shalt  }
0x72: {  	_ =	shalt  }
0x73: {  	_ =	shalt  }
0x74: {  	_ =	shalt  }
0x75: {  	_ =	shalt  }
0x76: {  	_ =	shalt  }
0x77: {  	_ =	shalt  }
0x78: {  	_ =	shalt  }
0x79: {  	_ =	shalt  }
0x7a: {  	_ =	shalt  }
0x7b: {  	_ =	shalt  }
0x7c: {  	_ =	shalt  }
0x7d: {  	_ =	shalt  }
0x7e: {  	_ =	shalt  }
0x7f: {  	_ =	shalt  }
0x80: {  	_ =	shalt  }
0x81: {  	_ =	shalt  }
0x82: {  	_ =	shalt  }
0x83: {  	_ =	shalt  }
0x84: {  	_ =	shalt  }
0x85: {  	_ =	shalt  }
0x86: {  	_ =	shalt  }
0x87: {  	_ =	shalt  }
.Lfunc_end0:
.L_simem_size_0:
called_computation_lowered:
.L_overlay_start_0:
0x88: {  	s1 =	sld [smem:$0x3FD9]  }
0x89: {  	s2 =	sld [smem:$0x3FFE];
	_ =	sdelay $0x1  }
0x8a: {  	s3 =	srdreg.scid  }
0x8b: {  	s0 =	sand.u32 $0x1, s3  }
0x8c: {  	s17 =	sshll.u32 s0, $0xA;
	s1 =	sadd.s32 s2, s1  }
0x8d: {  	s1 =	sadd.s32 s1, s17  }
0x8e: {  	[smem:$0x3FC4] =	sst s1  }
0x8f: {  	_ = 	snop  }
0x90: {  	(tm) =	ssettm $0x1  }
0x91: {  	s18 =	sld [smem:$0x3FFB];
	_ =	sdelay $0x3  }
0x92: {  	_ =	strace s18  }
0x93: {  	s1 =	sld [smem:$0x3FFC];
	_ =	sdelay $0x3  }
0x94: {  	_ =	strace s1  }
0x95: {  	s1 =	sld [smem:$0x3FFD];
	_ =	sdelay $0x3  }
0x96: {  	_ =	strace s1  }
0x97: {  	_ =	strace $0x8FFFFFFF  }
0x98: {  	s19 =	sld [smem:$0x3FDB];
	_ =	sdelay $0x1  }
0x99: {  	s20 =	simm.s32 $_scs_section_size  }
0x9a: {  	s4 =	simm.s32 $_size__tile_overlayer_lowered;
	s5 =	simm.s32 $_tile_overlayer_lowered  }
0x9b: {  	s23 =	simm.s32 $0x1BFF;
	s22 =	sshll.u32 s5, $0x1;
	s1 =	sadd.s32 s20, s19  }
0x9c: {  	s6 =	simm.s32 $0x0;
	s21 =	sshll.u32 s4, $0x1;
	s4 =	sadd.s32 s22, s1  }
0x9d: {  	[timem:s6], [sflag:s23] =	dma.local [hbm:s4], s21  }
0x9e: {  	_ =	swait.ge [sflag:s23], s21  }
0x9f: {  	s2 =	ssub.s32 $0x0, s21;
	[sflag:s23] =	ssyncset.done $0x0  }
0xa0: {  	[sflag:s23] =	ssyncadd.s32 s2;
	_ =	sdelay $0x1  }
0xa1: {  	s24 =	simm.s32 $0x1B8B  }
0xa2: {  	_ =	swait.ge [sflag:s24], $0x1  }
0xa3: {  	[sflag:s24] =	ssyncset.done $0x0  }
0xa4: {  	s25 =	simm.s32 $0x1B8E;
	[sflag:s24] =	ssyncadd.s32 $0xFFFFFFFF  }
0xa5: {  	s26 =	simm.s32 $execute0_lowered;
	[smem:$0x3FD2] =	sst s25  }
0xa6: {  	s2 =	sshll.u32 s26, $0x1;
	_ =	strace $0x80000046;
	[dreg:$0x1] =	wrdreg $0xFFFFFFFF  }
0xa7: {  	s28 =	simm.s32 $_size_execute0_lowered;
	s1 =	sadd.s32 s1, s2;
	[dreg:$0x0] =	wrdreg $0x0  }
0xa8: {  	s2 =	sshll.u32 s28, $0x1;
	[dreg:$0x2] =	wrdreg s1  }
0xa9: {  	[dreg:$0x3] =	wrdreg s2  }
0xaa: {  	[dreg:$0x4] =	wrdreg $0xC0  }
0xab: {  	_ =	task [dreg:s6], $0x5FFFF  }
0xac: {  	[dreg:$0x1] =	wrdreg $0xFFFFFFFF  }
0xad: {  	[dreg:$0x0] =	wrdreg $0x60  }
0xae: {  	[dreg:$0x2] =	wrdreg $0x9  }
0xaf: {  	_ =	task.clear_ibuf [dreg:s6], $0x3FFFF;
	_ =	strace $0x90000046  }
0xb0: {  	s29 =	simm.s32 $0x9;
	_ =	strace $0x80000048  }
0xb1: {  	_ =	swait.ge [sflag:s29], $0x1  }
0xb2: {  	[sflag:s29] =	ssyncadd.s32 $0xFFFFFFFF  }
0xb3: {  	_ =	strace $0x90000048  }
0xb4: {  	_ =	sfence  }
0xb5: {  	s30 =	sld [smem:$0x0];
	_ =	sdelay $0x2  }
0xb6: {  	s31 =	sshll.u32 s3, $0xD;
	s3 =	sshrl.u32 s3, $0x2  }
0xb7: {  	s2 =	sand.u32 $0x4000, s31;
	s1 =	sadd.s32 s3, s30  }
0xb8: {  	s0 =	sor.u32 s2, s0;
	s1 =	sshll.u32 s1, $0x11  }
0xb9: {  	s0 =	sor.u32 s1, s0  }
0xba: {  	s0 =	sadd.s32 $0x8F2B, s0  }
0xbb: {  	[sflag:s0] =	ssyncadd.remote.s32 $0x1  }
0xbc: {  	_ =	sfence.sel $0xFFFF  }
0xbd: {  	[dreg:$0x0] =	wrdreg $0xFFFFFFFF;
	(pc) =	sbr.abs _section_cstart, $3  }
0xbe: {  	[dreg:$0x1] =	wrdreg $0xFFFFFFFF  }
0xbf: {  	_ =	task.clear_ibuf [dreg:s6], $0x2FFFF;
	_ =	strace $0x9FFFFFFF  }
0xc0: {  	(tm) =	ssettm $0x7FFFFFFF  }
0xc1: {  	_ =	shalt  }
tec
execute0_lowered:
.L_overlay_start_1:
0x0: {  	(tag) =	ssettag $0x1  }
0x1: {  	s0 =	rddreg [dreg:$0x0];
	_ =	strace $0x80000047  }
0x2: {  	_ =	sfence.sel $0x180000  }
0x3: {  	s1 =	stileid.u32;
	[bflag:$0x0] =	sbarrier.arrive $0xFFFF  }
0x4: {  	p0 =	sne.s32 s1, $0x0;
	_ =	strace $0x90000047  }
0x5: {  	s0 =	sadd.s32 @!p0 $0x100000, s0;
	[bflag:$0x2] =	sbarrier.arrive $0xFFFF  }
0x6: {  	[sflag:s0] =	ssyncadd.tile.s32 @!p0 $0x1;
	_ =	shalt  }
.Lfunc_end2:
_tile_overlayer_lowered:
.L_overlay_start_2:
0x7: {  	(tag) =	ssettag $0x2  }
0x8: {  	s0 =	rddreg [dreg:$0x0];
	s2 =	stileid.u32  }
0x9: {  	s1 =	rddreg [dreg:$0x1];
	p0 =	sne.s32 s2, $0x0  }
0xa: {  	s3 =	rddreg [dreg:$0x2];
	[bflag:$0x3] =	sbarrier.arrive $0xFFFF;
	s2 =	simm.s32 @!p0 $0x1C01  }
0xb: {  	[timem:s3], [sflag:s2] =	dma.local @!p0 [hbm:s0], s1  }
0xc: {  	s0 =	simm.s32 @!p0 $0x1  }
0xd: {  	_ =	swait.ge @!p0 [sflag:s0], s1  }
0xe: {  	s1 =	ssub.s32 @!p0 $0x0, s1;
	[sflag:s0] =	ssyncset.done @!p0 $0x0  }
0xf: {  	[sflag:s0] =	ssyncadd.s32 @!p0 s1  }
0x10: {  	[bflag:$0x3] =	sbarrier.arrive $0xFFFF  }
0x11: {  	_ =	shalt  }

</sc_bundles>
